<compile_context>
chip_gen: v7x
topology: tpu7x:2x2x1
jax: 0.10.2.dev20260603
libtpu: 0.0.44.dev20260713+nightly
codegen_flags: <defaults>
</compile_context>

<pallas_src>
import functools

import jax
import jax.numpy as jnp
from jax import lax
from jax.experimental import pallas as pl
from jax.experimental.pallas import tpu as pltpu
from jax.experimental.pallas import tpu_sc as plsc

N_TOKENS = 32768
D_MODEL = 1024
N_EXP = 64
K = 2

ROUTE_BLK = 2048


def _routing_body(g_ref, ep_ref, rp_ref, loads_ref, run_ref, u_ref):
    i = pl.program_id(0)
    b = ROUTE_BLK

    @pl.when(i == 0)
    def _init():
        run_ref[...] = jnp.zeros_like(run_ref)
        ia = lax.broadcasted_iota(jnp.int32, (b, b), 0)
        ib = lax.broadcasted_iota(jnp.int32, (b, b), 1)
        u_ref[...] = (ia < ib).astype(jnp.bfloat16)

    gt = g_ref[...]
    iota0 = lax.broadcasted_iota(jnp.int32, (N_EXP, b), 0)

    m1 = jnp.max(gt, axis=0, keepdims=True)
    e0 = jnp.min(jnp.where(gt == m1, iota0, N_EXP), axis=0, keepdims=True)
    oh0 = iota0 == e0
    g2 = jnp.where(oh0, -1e30, gt)
    m2 = jnp.max(g2, axis=0, keepdims=True)
    e1 = jnp.min(jnp.where(g2 == m2, iota0, N_EXP), axis=0, keepdims=True)
    oh1 = iota0 == e1

    cnt = (oh0 | oh1).astype(jnp.bfloat16)
    excl = lax.dot_general(cnt, u_ref[...], (((1,), (0,)), ((), ())),
                           preferred_element_type=jnp.float32)
    excl = excl + run_ref[...]

    ei = excl.astype(jnp.int32)
    rp_ref[...] = jnp.sum(
        jnp.where(oh0, ei, 0) + jnp.where(oh1, ei << 15, 0), axis=0)

    new_run = run_ref[...] + jnp.sum(cnt.astype(jnp.float32), axis=1,
                                     keepdims=True)
    run_ref[...] = new_run

    ep_ref[...] = e0[0] | (e1[0] << 8)
    loads_ref[...] = new_run[:, 0].astype(jnp.int32)


def _routing(gates, interpret=False):
    n = gates.shape[0]
    gt = gates.T
    grid = n // ROUTE_BLK
    out_shapes = (
        jax.ShapeDtypeStruct((n,), jnp.int32),
        jax.ShapeDtypeStruct((n,), jnp.int32),
        jax.ShapeDtypeStruct((N_EXP,), jnp.int32),
    )
    tok_spec = pl.BlockSpec((ROUTE_BLK,), lambda i: (i,))
    return pl.pallas_call(
        _routing_body,
        grid=(grid,),
        in_specs=[pl.BlockSpec((N_EXP, ROUTE_BLK), lambda i: (0, i))],
        out_specs=(tok_spec, tok_spec,
                   pl.BlockSpec((N_EXP,), lambda i: (0,))),
        out_shape=out_shapes,
        scratch_shapes=[pltpu.VMEM((N_EXP, 1), jnp.float32),
                        pltpu.VMEM((ROUTE_BLK, ROUTE_BLK), jnp.bfloat16)],
        interpret=interpret,
    )(gt)


def _make_dispatch():
    info = plsc.get_sparse_core_info()
    nw = info.num_cores * info.num_subcores
    tpw = N_TOKENS // nw
    C = 16
    NBUF = 6
    nch = tpw // C
    nrounds = nch // NBUF
    mesh = plsc.VectorSubcoreMesh(core_axis_name="c", subcore_axis_name="s")

    @functools.partial(
        pl.kernel,
        out_type=jax.ShapeDtypeStruct((N_TOKENS * K, D_MODEL), jnp.float32),
        mesh=mesh,
        compiler_params=pltpu.CompilerParams(needs_layout_passes=False),
        scratch_types=[
            pltpu.VMEM((NBUF, C, D_MODEL), jnp.float32),
            pltpu.VMEM((tpw,), jnp.int32),
            pltpu.VMEM((tpw,), jnp.int32),
            pltpu.VMEM((N_EXP,), jnp.int32),
            pltpu.VMEM((N_EXP,), jnp.int32),
            pltpu.VMEM((2, tpw // C, C), jnp.int32),
            pltpu.SemaphoreType.DMA,
            [pltpu.SemaphoreType.DMA] * NBUF,
            [pltpu.SemaphoreType.DMA] * NBUF,
        ],
    )
    def dispatch(in_hbm, ep_hbm, rp_hbm, loads_hbm, out_hbm,
                 buf, ep_v, rp_v, loads_v, cum_v, dst_tbl,
                 msem, lsems, osems):
        wid = lax.axis_index("s") * info.num_cores + lax.axis_index("c")
        base = wid * tpw

        def load(k, p):
            pltpu.async_copy(
                in_hbm.at[pl.ds(base + k * C, C)], buf.at[p], lsems[p])

        for p in range(NBUF):
            load(p, p)

        c0 = pltpu.async_copy(loads_hbm, loads_v, msem)
        c1 = pltpu.async_copy(ep_hbm.at[pl.ds(base, tpw)], ep_v, msem)
        c2 = pltpu.async_copy(rp_hbm.at[pl.ds(base, tpw)], rp_v, msem)
        c0.wait()
        c1.wait()
        c2.wait()

        carry = jnp.float32(0)
        for j in range(N_EXP // 16):
            x = loads_v[pl.ds(j * 16, 16)].astype(jnp.float32)
            inc = plsc.cumsum(x)
            cum_v[pl.ds(j * 16, 16)] = (inc - x + carry).astype(jnp.int32)
            carry = carry + jnp.sum(x)

        for k in range(nch):
            for j in range(C // 16):
                sl = pl.ds(k * C + j * 16, 16)
                jj = pl.ds(j * 16, 16)
                ep = ep_v[sl]
                rp = rp_v[sl]
                dst_tbl[0, k, jj] = (
                    plsc.load_gather(cum_v, [ep & 0xFF]) + (rp & 0x7FFF))
                dst_tbl[1, k, jj] = (
                    plsc.load_gather(cum_v, [ep >> 8]) + (rp >> 15))

        def wait_scatter(p):
            for _ in range(2):
                pltpu.make_async_copy(
                    buf.at[p], out_hbm.at[dst_tbl.at[0, 0]], osems[p]).wait()

        def process(k, p):
            pltpu.make_async_copy(
                in_hbm.at[pl.ds(base, C)], buf.at[p], lsems[p]).wait()
            pltpu.async_copy(buf.at[p], out_hbm.at[dst_tbl.at[0, k]],
                             osems[p])
            pltpu.async_copy(buf.at[p], out_hbm.at[dst_tbl.at[1, k]],
                             osems[p])

        def body(r, _):
            for p in range(NBUF):
                k = r * NBUF + p

                @pl.when(r > 0)
                def _():
                    wait_scatter(p)
                    load(k, p)

            for p in range(NBUF):
                process(r * NBUF + p, p)
            return 0

        lax.fori_loop(0, nrounds, body, 0)
        for t, p in enumerate(range(nch - nrounds * NBUF)):
            k = nrounds * NBUF + t
            wait_scatter(p)
            load(k, p)
        for t, p in enumerate(range(nch - nrounds * NBUF)):
            process(nrounds * NBUF + t, p)
        for p in range(NBUF):
            wait_scatter(p)

    return dispatch


_dispatch = None


def kernel(in_flow, gates):
    global _dispatch
    if _dispatch is None:
        _dispatch = _make_dispatch()
    ep, rp, loads = _routing(gates)
    out = _dispatch(in_flow, ep, rp, loads)
    return out, loads

# --- scband reference (transcript-rebuilt; emitter-appended) ---
"""Pipeline reference for scband-scatter-router-38809324487112 (READ-ONLY COPY).

The authoritative reference and input builder live on the scoring server;
editing this copy changes nothing except your own understanding.
"""

import jax, jax.numpy as jnp
import numpy as np

DST_NUM = 64
K = 2
N_TOKENS = 32768
D_MODEL = 1024


def setup_inputs(seed: int = 0) -> dict:
    key = jax.random.key(seed)
    k1, k2 = jax.random.split(key)
    in_flow = jax.random.normal(k1, (N_TOKENS, D_MODEL), dtype=jnp.float32)
    gates = jax.random.normal(k2, (N_TOKENS, DST_NUM), dtype=jnp.float32)
    return {"in_flow": in_flow, "gates": gates}


def _gen_route(gates):
    # topk route method: select top-k experts per token, build one-hot mask
    n = gates.shape[0]
    _, topk_idx = jax.lax.top_k(gates, K)  # [N, K] distinct expert ids per token
    mask = jnp.zeros((n, DST_NUM), dtype=jnp.int32)
    mask = mask.at[jnp.arange(n)[:, None], topk_idx].set(1)  # torch scatter_(1, idx, 1)
    # per-expert nonzero in expert-major, token-ascending order
    # (matches torch.nonzero(route_hot_mask_T[i]) concatenated over i)
    flat = mask.T.reshape(-1)              # [DST_NUM * N]
    pos = jnp.nonzero(flat, size=n * K)[0]  # size = N * K exactly
    token_ids = pos % n                    # token index within each expert block
    loads = mask.sum(axis=0)               # tokens routed to each expert [DST_NUM]
    return token_ids, loads


def reference(in_flow, gates):
    # Faithful ScatterRouter.route with route_method='topk', routing_gates=False.
    # The list of per-expert out_flow tensors is returned concatenated in expert
    # order (expert 0 rows first, then expert 1, ...), plus per-expert loads so
    # the list can be reconstructed by splitting at cumsum(loads).
    assert gates.shape[0] == in_flow.shape[0]
    assert gates.shape[1] == DST_NUM
    token_ids, loads = _gen_route(gates)
    dispatched = jnp.take(in_flow, token_ids, axis=0)  # gather rows [N*K, D]
    return dispatched, loads

if __name__ == "__main__":
    import jax
    _d = setup_inputs()
    print(jax.jit(kernel)(*tuple(_d.values())))

</pallas_src>

<mosaic_0001>
#map = affine_map<(d0, d1) -> (0, 0)>
#map1 = affine_map<(d0, d1) -> (0)>
module attributes {stable_mosaic.version = 14 : i64} {
  func.func @dispatch(%arg0: i32, %arg1: i32, %arg2: memref<32768x1024xf32, #tpu.memory_space<hbm>>, %arg3: memref<32768xi32, #tpu.memory_space<hbm>>, %arg4: memref<32768xi32, #tpu.memory_space<hbm>>, %arg5: memref<64xi32, #tpu.memory_space<hbm>>, %arg6: memref<65536x1024xf32, #tpu.memory_space<hbm>>, %arg7: memref<6x16x1024xf32, #tpu.memory_space<vmem>>, %arg8: memref<1024xi32, #tpu.memory_space<vmem>>, %arg9: memref<1024xi32, #tpu.memory_space<vmem>>, %arg10: memref<64xi32, #tpu.memory_space<vmem>>, %arg11: memref<64xi32, #tpu.memory_space<vmem>>, %arg12: memref<2x64x16xi32, #tpu.memory_space<vmem>>, %arg13: memref<!tpu.dma_semaphore, #tpu.memory_space<semaphore_mem>>, %arg14: memref<!tpu.dma_semaphore, #tpu.memory_space<semaphore_mem>>, %arg15: memref<!tpu.dma_semaphore, #tpu.memory_space<semaphore_mem>>, %arg16: memref<!tpu.dma_semaphore, #tpu.memory_space<semaphore_mem>>, %arg17: memref<!tpu.dma_semaphore, #tpu.memory_space<semaphore_mem>>, %arg18: memref<!tpu.dma_semaphore, #tpu.memory_space<semaphore_mem>>, %arg19: memref<!tpu.dma_semaphore, #tpu.memory_space<semaphore_mem>>, %arg20: memref<!tpu.dma_semaphore, #tpu.memory_space<semaphore_mem>>, %arg21: memref<!tpu.dma_semaphore, #tpu.memory_space<semaphore_mem>>, %arg22: memref<!tpu.dma_semaphore, #tpu.memory_space<semaphore_mem>>, %arg23: memref<!tpu.dma_semaphore, #tpu.memory_space<semaphore_mem>>, %arg24: memref<!tpu.dma_semaphore, #tpu.memory_space<semaphore_mem>>, %arg25: memref<!tpu.dma_semaphore, #tpu.memory_space<semaphore_mem>>) attributes {dimension_semantics = [#tpu.dimension_semantics<core_parallel>, #tpu.dimension_semantics<subcore_parallel>], iteration_bounds = array<i64: 2, 16>, scalar_prefetch = 0 : i64, scratch_operands = 19 : i64, tpu.core_type = #tpu.core_type<sc_vector_subcore>, window_params = [{transform_indices = #map}, {transform_indices = #map1}, {transform_indices = #map1}, {transform_indices = #map1}, {transform_indices = #map}]} {
    %mul3A = arith.constant 2 : i32
    %mul3A_0 = arith.muli %arg1, %mul3A : i32
    %add3A = arith.addi %mul3A_0, %arg0 : i32
    %mul3A_1 = arith.constant 1024 : i32
    %mul3A_2 = arith.muli %add3A, %mul3A_1 : i32
    %add3A_3 = arith.constant 0 : i32
    %add3A_4 = arith.addi %mul3A_2, %add3A_3 : i32
    %dma_start3A = arith.constant 0 : i32
    %dma_start3A_5 = arith.constant 0 : i32
    %dma_start3A_6 = arith.constant 0 : i32
    %dma_start3A_7 = tpu.memref_slice %arg7[%dma_start3A, %dma_start3A_5, %dma_start3A_6] : memref<6x16x1024xf32, #tpu.memory_space<vmem>> -> memref<1x16x1024xf32, #tpu.memory_space<vmem>>
    %dma_start3A_8 = tpu.memref_squeeze %dma_start3A_7 : memref<1x16x1024xf32, #tpu.memory_space<vmem>> -> memref<16x1024xf32, #tpu.memory_space<vmem>>
    %dma_start3A_9 = arith.constant 0 : i32
    %dma_start3A_10 = tpu.memref_slice %arg2[%add3A_4, %dma_start3A_9] : memref<32768x1024xf32, #tpu.memory_space<hbm>> -> memref<16x1024xf32, #tpu.memory_space<hbm>>
    %dma_start3A_11 = arith.constant 0 : i32
    %dma_start3A_12 = arith.constant 0 : i32
    %dma_start3A_13 = tpu.memref_slice %arg7[%dma_start3A, %dma_start3A_11, %dma_start3A_12] : memref<6x16x1024xf32, #tpu.memory_space<vmem>> -> memref<1x16x1024xf32, #tpu.memory_space<vmem>>
    %dma_start3A_14 = tpu.memref_squeeze %dma_start3A_13 : memref<1x16x1024xf32, #tpu.memory_space<vmem>> -> memref<16x1024xf32, #tpu.memory_space<vmem>>
    %dma_start3A_15 = arith.constant 0 : i32
    %dma_start3A_16 = tpu.memref_slice %arg2[%add3A_4, %dma_start3A_15] : memref<32768x1024xf32, #tpu.memory_space<hbm>> -> memref<16x1024xf32, #tpu.memory_space<hbm>>
    tpu.enqueue_dma source(%dma_start3A_16 : memref<16x1024xf32, #tpu.memory_space<hbm>>) target(%dma_start3A_14 : memref<16x1024xf32, #tpu.memory_space<vmem>>) target_semaphore(%arg14 : memref<!tpu.dma_semaphore, #tpu.memory_space<semaphore_mem>>)
    %add3A_17 = arith.constant 16 : i32
    %add3A_18 = arith.addi %mul3A_2, %add3A_17 : i32
    %dma_start3A_19 = arith.constant 1 : i32
    %dma_start3A_20 = arith.constant 0 : i32
    %dma_start3A_21 = arith.constant 0 : i32
    %dma_start3A_22 = tpu.memref_slice %arg7[%dma_start3A_19, %dma_start3A_20, %dma_start3A_21] : memref<6x16x1024xf32, #tpu.memory_space<vmem>> -> memref<1x16x1024xf32, #tpu.memory_space<vmem>>
    %dma_start3A_23 = tpu.memref_squeeze %dma_start3A_22 : memref<1x16x1024xf32, #tpu.memory_space<vmem>> -> memref<16x1024xf32, #tpu.memory_space<vmem>>
    %dma_start3A_24 = arith.constant 0 : i32
    %dma_start3A_25 = tpu.memref_slice %arg2[%add3A_18, %dma_start3A_24] : memref<32768x1024xf32, #tpu.memory_space<hbm>> -> memref<16x1024xf32, #tpu.memory_space<hbm>>
    %dma_start3A_26 = arith.constant 0 : i32
    %dma_start3A_27 = arith.constant 0 : i32
    %dma_start3A_28 = tpu.memref_slice %arg7[%dma_start3A_19, %dma_start3A_26, %dma_start3A_27] : memref<6x16x1024xf32, #tpu.memory_space<vmem>> -> memref<1x16x1024xf32, #tpu.memory_space<vmem>>
    %dma_start3A_29 = tpu.memref_squeeze %dma_start3A_28 : memref<1x16x1024xf32, #tpu.memory_space<vmem>> -> memref<16x1024xf32, #tpu.memory_space<vmem>>
    %dma_start3A_30 = arith.constant 0 : i32
    %dma_start3A_31 = tpu.memref_slice %arg2[%add3A_18, %dma_start3A_30] : memref<32768x1024xf32, #tpu.memory_space<hbm>> -> memref<16x1024xf32, #tpu.memory_space<hbm>>
    tpu.enqueue_dma source(%dma_start3A_31 : memref<16x1024xf32, #tpu.memory_space<hbm>>) target(%dma_start3A_29 : memref<16x1024xf32, #tpu.memory_space<vmem>>) target_semaphore(%arg15 : memref<!tpu.dma_semaphore, #tpu.memory_space<semaphore_mem>>)
    %add3A_32 = arith.constant 32 : i32
    %add3A_33 = arith.addi %mul3A_2, %add3A_32 : i32
    %dma_start3A_34 = arith.constant 2 : i32
    %dma_start3A_35 = arith.constant 0 : i32
    %dma_start3A_36 = arith.constant 0 : i32
    %dma_start3A_37 = tpu.memref_slice %arg7[%dma_start3A_34, %dma_start3A_35, %dma_start3A_36] : memref<6x16x1024xf32, #tpu.memory_space<vmem>> -> memref<1x16x1024xf32, #tpu.memory_space<vmem>>
    %dma_start3A_38 = tpu.memref_squeeze %dma_start3A_37 : memref<1x16x1024xf32, #tpu.memory_space<vmem>> -> memref<16x1024xf32, #tpu.memory_space<vmem>>
    %dma_start3A_39 = arith.constant 0 : i32
    %dma_start3A_40 = tpu.memref_slice %arg2[%add3A_33, %dma_start3A_39] : memref<32768x1024xf32, #tpu.memory_space<hbm>> -> memref<16x1024xf32, #tpu.memory_space<hbm>>
    %dma_start3A_41 = arith.constant 0 : i32
    %dma_start3A_42 = arith.constant 0 : i32
    %dma_start3A_43 = tpu.memref_slice %arg7[%dma_start3A_34, %dma_start3A_41, %dma_start3A_42] : memref<6x16x1024xf32, #tpu.memory_space<vmem>> -> memref<1x16x1024xf32, #tpu.memory_space<vmem>>
    %dma_start3A_44 = tpu.memref_squeeze %dma_start3A_43 : memref<1x16x1024xf32, #tpu.memory_space<vmem>> -> memref<16x1024xf32, #tpu.memory_space<vmem>>
    %dma_start3A_45 = arith.constant 0 : i32
    %dma_start3A_46 = tpu.memref_slice %arg2[%add3A_33, %dma_start3A_45] : memref<32768x1024xf32, #tpu.memory_space<hbm>> -> memref<16x1024xf32, #tpu.memory_space<hbm>>
    tpu.enqueue_dma source(%dma_start3A_46 : memref<16x1024xf32, #tpu.memory_space<hbm>>) target(%dma_start3A_44 : memref<16x1024xf32, #tpu.memory_space<vmem>>) target_semaphore(%arg16 : memref<!tpu.dma_semaphore, #tpu.memory_space<semaphore_mem>>)
    %add3A_47 = arith.constant 48 : i32
    %add3A_48 = arith.addi %mul3A_2, %add3A_47 : i32
    %dma_start3A_49 = arith.constant 3 : i32
    %dma_start3A_50 = arith.constant 0 : i32
    %dma_start3A_51 = arith.constant 0 : i32
    %dma_start3A_52 = tpu.memref_slice %arg7[%dma_start3A_49, %dma_start3A_50, %dma_start3A_51] : memref<6x16x1024xf32, #tpu.memory_space<vmem>> -> memref<1x16x1024xf32, #tpu.memory_space<vmem>>
    %dma_start3A_53 = tpu.memref_squeeze %dma_start3A_52 : memref<1x16x1024xf32, #tpu.memory_space<vmem>> -> memref<16x1024xf32, #tpu.memory_space<vmem>>
    %dma_start3A_54 = arith.constant 0 : i32
    %dma_start3A_55 = tpu.memref_slice %arg2[%add3A_48, %dma_start3A_54] : memref<32768x1024xf32, #tpu.memory_space<hbm>> -> memref<16x1024xf32, #tpu.memory_space<hbm>>
    %dma_start3A_56 = arith.constant 0 : i32
    %dma_start3A_57 = arith.constant 0 : i32
    %dma_start3A_58 = tpu.memref_slice %arg7[%dma_start3A_49, %dma_start3A_56, %dma_start3A_57] : memref<6x16x1024xf32, #tpu.memory_space<vmem>> -> memref<1x16x1024xf32, #tpu.memory_space<vmem>>
    %dma_start3A_59 = tpu.memref_squeeze %dma_start3A_58 : memref<1x16x1024xf32, #tpu.memory_space<vmem>> -> memref<16x1024xf32, #tpu.memory_space<vmem>>
    %dma_start3A_60 = arith.constant 0 : i32
    %dma_start3A_61 = tpu.memref_slice %arg2[%add3A_48, %dma_start3A_60] : memref<32768x1024xf32, #tpu.memory_space<hbm>> -> memref<16x1024xf32, #tpu.memory_space<hbm>>
    tpu.enqueue_dma source(%dma_start3A_61 : memref<16x1024xf32, #tpu.memory_space<hbm>>) target(%dma_start3A_59 : memref<16x1024xf32, #tpu.memory_space<vmem>>) target_semaphore(%arg17 : memref<!tpu.dma_semaphore, #tpu.memory_space<semaphore_mem>>)
    %add3A_62 = arith.constant 64 : i32
    %add3A_63 = arith.addi %mul3A_2, %add3A_62 : i32
    %dma_start3A_64 = arith.constant 4 : i32
    %dma_start3A_65 = arith.constant 0 : i32
    %dma_start3A_66 = arith.constant 0 : i32
    %dma_start3A_67 = tpu.memref_slice %arg7[%dma_start3A_64, %dma_start3A_65, %dma_start3A_66] : memref<6x16x1024xf32, #tpu.memory_space<vmem>> -> memref<1x16x1024xf32, #tpu.memory_space<vmem>>
    %dma_start3A_68 = tpu.memref_squeeze %dma_start3A_67 : memref<1x16x1024xf32, #tpu.memory_space<vmem>> -> memref<16x1024xf32, #tpu.memory_space<vmem>>
    %dma_start3A_69 = arith.constant 0 : i32
    %dma_start3A_70 = tpu.memref_slice %arg2[%add3A_63, %dma_start3A_69] : memref<32768x1024xf32, #tpu.memory_space<hbm>> -> memref<16x1024xf32, #tpu.memory_space<hbm>>
    %dma_start3A_71 = arith.constant 0 : i32
    %dma_start3A_72 = arith.constant 0 : i32
    %dma_start3A_73 = tpu.memref_slice %arg7[%dma_start3A_64, %dma_start3A_71, %dma_start3A_72] : memref<6x16x1024xf32, #tpu.memory_space<vmem>> -> memref<1x16x1024xf32, #tpu.memory_space<vmem>>
    %dma_start3A_74 = tpu.memref_squeeze %dma_start3A_73 : memref<1x16x1024xf32, #tpu.memory_space<vmem>> -> memref<16x1024xf32, #tpu.memory_space<vmem>>
    %dma_start3A_75 = arith.constant 0 : i32
    %dma_start3A_76 = tpu.memref_slice %arg2[%add3A_63, %dma_start3A_75] : memref<32768x1024xf32, #tpu.memory_space<hbm>> -> memref<16x1024xf32, #tpu.memory_space<hbm>>
    tpu.enqueue_dma source(%dma_start3A_76 : memref<16x1024xf32, #tpu.memory_space<hbm>>) target(%dma_start3A_74 : memref<16x1024xf32, #tpu.memory_space<vmem>>) target_semaphore(%arg18 : memref<!tpu.dma_semaphore, #tpu.memory_space<semaphore_mem>>)
    %add3A_77 = arith.constant 80 : i32
    %add3A_78 = arith.addi %mul3A_2, %add3A_77 : i32
    %dma_start3A_79 = arith.constant 5 : i32
    %dma_start3A_80 = arith.constant 0 : i32
    %dma_start3A_81 = arith.constant 0 : i32
    %dma_start3A_82 = tpu.memref_slice %arg7[%dma_start3A_79, %dma_start3A_80, %dma_start3A_81] : memref<6x16x1024xf32, #tpu.memory_space<vmem>> -> memref<1x16x1024xf32, #tpu.memory_space<vmem>>
    %dma_start3A_83 = tpu.memref_squeeze %dma_start3A_82 : memref<1x16x1024xf32, #tpu.memory_space<vmem>> -> memref<16x1024xf32, #tpu.memory_space<vmem>>
    %dma_start3A_84 = arith.constant 0 : i32
    %dma_start3A_85 = tpu.memref_slice %arg2[%add3A_78, %dma_start3A_84] : memref<32768x1024xf32, #tpu.memory_space<hbm>> -> memref<16x1024xf32, #tpu.memory_space<hbm>>
    %dma_start3A_86 = arith.constant 0 : i32
    %dma_start3A_87 = arith.constant 0 : i32
    %dma_start3A_88 = tpu.memref_slice %arg7[%dma_start3A_79, %dma_start3A_86, %dma_start3A_87] : memref<6x16x1024xf32, #tpu.memory_space<vmem>> -> memref<1x16x1024xf32, #tpu.memory_space<vmem>>
    %dma_start3A_89 = tpu.memref_squeeze %dma_start3A_88 : memref<1x16x1024xf32, #tpu.memory_space<vmem>> -> memref<16x1024xf32, #tpu.memory_space<vmem>>
    %dma_start3A_90 = arith.constant 0 : i32
    %dma_start3A_91 = tpu.memref_slice %arg2[%add3A_78, %dma_start3A_90] : memref<32768x1024xf32, #tpu.memory_space<hbm>> -> memref<16x1024xf32, #tpu.memory_space<hbm>>
    tpu.enqueue_dma source(%dma_start3A_91 : memref<16x1024xf32, #tpu.memory_space<hbm>>) target(%dma_start3A_89 : memref<16x1024xf32, #tpu.memory_space<vmem>>) target_semaphore(%arg19 : memref<!tpu.dma_semaphore, #tpu.memory_space<semaphore_mem>>)
    tpu.enqueue_dma source(%arg5 : memref<64xi32, #tpu.memory_space<hbm>>) target(%arg10 : memref<64xi32, #tpu.memory_space<vmem>>) target_semaphore(%arg13 : memref<!tpu.dma_semaphore, #tpu.memory_space<semaphore_mem>>)
    %dma_start3A_92 = tpu.memref_slice %arg3[%mul3A_2] : memref<32768xi32, #tpu.memory_space<hbm>> -> memref<1024xi32, #tpu.memory_space<hbm>>
    %dma_start3A_93 = tpu.memref_slice %arg3[%mul3A_2] : memref<32768xi32, #tpu.memory_space<hbm>> -> memref<1024xi32, #tpu.memory_space<hbm>>
    tpu.enqueue_dma source(%dma_start3A_93 : memref<1024xi32, #tpu.memory_space<hbm>>) target(%arg8 : memref<1024xi32, #tpu.memory_space<vmem>>) target_semaphore(%arg13 : memref<!tpu.dma_semaphore, #tpu.memory_space<semaphore_mem>>)
    %dma_start3A_94 = tpu.memref_slice %arg4[%mul3A_2] : memref<32768xi32, #tpu.memory_space<hbm>> -> memref<1024xi32, #tpu.memory_space<hbm>>
    %dma_start3A_95 = tpu.memref_slice %arg4[%mul3A_2] : memref<32768xi32, #tpu.memory_space<hbm>> -> memref<1024xi32, #tpu.memory_space<hbm>>
    tpu.enqueue_dma source(%dma_start3A_95 : memref<1024xi32, #tpu.memory_space<hbm>>) target(%arg9 : memref<1024xi32, #tpu.memory_space<vmem>>) target_semaphore(%arg13 : memref<!tpu.dma_semaphore, #tpu.memory_space<semaphore_mem>>)
    tpu.wait_dma2 semaphore(%arg13 : memref<!tpu.dma_semaphore, #tpu.memory_space<semaphore_mem>>) src(%arg5 : memref<64xi32, #tpu.memory_space<hbm>>) dst(%arg10 : memref<64xi32, #tpu.memory_space<vmem>>)
    %dma_wait3A = tpu.memref_slice %arg3[%mul3A_2] : memref<32768xi32, #tpu.memory_space<hbm>> -> memref<1024xi32, #tpu.memory_space<hbm>>
    %dma_wait3A_96 = tpu.memref_slice %arg3[%mul3A_2] : memref<32768xi32, #tpu.memory_space<hbm>> -> memref<1024xi32, #tpu.memory_space<hbm>>
    tpu.wait_dma2 semaphore(%arg13 : memref<!tpu.dma_semaphore, #tpu.memory_space<semaphore_mem>>) src(%dma_wait3A_96 : memref<1024xi32, #tpu.memory_space<hbm>>) dst(%arg8 : memref<1024xi32, #tpu.memory_space<vmem>>)
    %dma_wait3A_97 = tpu.memref_slice %arg4[%mul3A_2] : memref<32768xi32, #tpu.memory_space<hbm>> -> memref<1024xi32, #tpu.memory_space<hbm>>
    %dma_wait3A_98 = tpu.memref_slice %arg4[%mul3A_2] : memref<32768xi32, #tpu.memory_space<hbm>> -> memref<1024xi32, #tpu.memory_space<hbm>>
    tpu.wait_dma2 semaphore(%arg13 : memref<!tpu.dma_semaphore, #tpu.memory_space<semaphore_mem>>) src(%dma_wait3A_98 : memref<1024xi32, #tpu.memory_space<hbm>>) dst(%arg9 : memref<1024xi32, #tpu.memory_space<vmem>>)
    %get3A = arith.constant 0 : index
    %get3A_99 = tpu.vector_load %arg10[%get3A] {strides = array<i32>} : memref<64xi32, #tpu.memory_space<vmem>>, vector<16xi32>,
    %convert_element_type3A = arith.sitofp %get3A_99 : vector<16xi32> to vector<16xf32>
    %broadcast_in_dim3A = arith.constant true
    %broadcast_in_dim3A_100 = vector.broadcast %broadcast_in_dim3A : i1 to vector<16xi1>
    %masked_cumsum3A = tpu.scan <sum>, %convert_element_type3A masked %broadcast_in_dim3A_100 : vector<16xf32>, vector<16xi1> -> vector<16xf32>
    %sub3A = arith.subf %masked_cumsum3A, %convert_element_type3A : vector<16xf32>
    %add3A_101 = arith.constant 0.000000e+00 : f32
    %add3A_102 = vector.broadcast %add3A_101 : f32 to vector<16xf32>
    %add3A_103 = arith.addf %sub3A, %add3A_102 : vector<16xf32>
    %convert_element_type3A_104 = arith.fptosi %add3A_103 : vector<16xf32> to vector<16xi32>
    %swap3A = arith.constant 0 : index
    %swap3A_105 = tpu.vector_load %arg11[%swap3A] {strides = array<i32>} : memref<64xi32, #tpu.memory_space<vmem>>, vector<16xi32>,
    tpu.vector_store %arg11[%swap3A], %convert_element_type3A_104 {strides = array<i32>} : memref<64xi32, #tpu.memory_space<vmem>>, vector<16xi32>,
    %reduce_sum3A = arith.constant true
    %reduce_sum3A_106 = vector.broadcast %reduce_sum3A : i1 to vector<16xi1>
    %reduce_sum3A_107 = tpu.scan <sum>, %convert_element_type3A masked %reduce_sum3A_106 : vector<16xf32>, vector<16xi1> -> vector<16xf32>
    %reduce_sum3A_108 = vector.extract %reduce_sum3A_107[15] : f32 from vector<16xf32>
    %add3A_109 = arith.constant 0.000000e+00 : f32
    %add3A_110 = arith.addf %add3A_109, %reduce_sum3A_108 : f32
    %get3A_111 = arith.constant 16 : index
    %get3A_112 = tpu.vector_load %arg10[%get3A_111] {strides = array<i32>} : memref<64xi32, #tpu.memory_space<vmem>>, vector<16xi32>,
    %convert_element_type3A_113 = arith.sitofp %get3A_112 : vector<16xi32> to vector<16xf32>
    %broadcast_in_dim3A_114 = arith.constant true
    %broadcast_in_dim3A_115 = vector.broadcast %broadcast_in_dim3A_114 : i1 to vector<16xi1>
    %masked_cumsum3A_116 = tpu.scan <sum>, %convert_element_type3A_113 masked %broadcast_in_dim3A_115 : vector<16xf32>, vector<16xi1> -> vector<16xf32>
    %sub3A_117 = arith.subf %masked_cumsum3A_116, %convert_element_type3A_113 : vector<16xf32>
    %add3A_118 = vector.broadcast %add3A_110 : f32 to vector<16xf32>
    %add3A_119 = arith.addf %sub3A_117, %add3A_118 : vector<16xf32>
    %convert_element_type3A_120 = arith.fptosi %add3A_119 : vector<16xf32> to vector<16xi32>
    %swap3A_121 = arith.constant 16 : index
    %swap3A_122 = tpu.vector_load %arg11[%swap3A_121] {strides = array<i32>} : memref<64xi32, #tpu.memory_space<vmem>>, vector<16xi32>,
    tpu.vector_store %arg11[%swap3A_121], %convert_element_type3A_120 {strides = array<i32>} : memref<64xi32, #tpu.memory_space<vmem>>, vector<16xi32>,
    %reduce_sum3A_123 = arith.constant true
    %reduce_sum3A_124 = vector.broadcast %reduce_sum3A_123 : i1 to vector<16xi1>
    %reduce_sum3A_125 = tpu.scan <sum>, %convert_element_type3A_113 masked %reduce_sum3A_124 : vector<16xf32>, vector<16xi1> -> vector<16xf32>
    %reduce_sum3A_126 = vector.extract %reduce_sum3A_125[15] : f32 from vector<16xf32>
    %add3A_127 = arith.addf %add3A_110, %reduce_sum3A_126 : f32
    %get3A_128 = arith.constant 32 : index
    %get3A_129 = tpu.vector_load %arg10[%get3A_128] {strides = array<i32>} : memref<64xi32, #tpu.memory_space<vmem>>, vector<16xi32>,
    %convert_element_type3A_130 = arith.sitofp %get3A_129 : vector<16xi32> to vector<16xf32>
    %broadcast_in_dim3A_131 = arith.constant true
    %broadcast_in_dim3A_132 = vector.broadcast %broadcast_in_dim3A_131 : i1 to vector<16xi1>
    %masked_cumsum3A_133 = tpu.scan <sum>, %convert_element_type3A_130 masked %broadcast_in_dim3A_132 : vector<16xf32>, vector<16xi1> -> vector<16xf32>
    %sub3A_134 = arith.subf %masked_cumsum3A_133, %convert_element_type3A_130 : vector<16xf32>
    %add3A_135 = vector.broadcast %add3A_127 : f32 to vector<16xf32>
    %add3A_136 = arith.addf %sub3A_134, %add3A_135 : vector<16xf32>
    %convert_element_type3A_137 = arith.fptosi %add3A_136 : vector<16xf32> to vector<16xi32>
    %swap3A_138 = arith.constant 32 : index
    %swap3A_139 = tpu.vector_load %arg11[%swap3A_138] {strides = array<i32>} : memref<64xi32, #tpu.memory_space<vmem>>, vector<16xi32>,
    tpu.vector_store %arg11[%swap3A_138], %convert_element_type3A_137 {strides = array<i32>} : memref<64xi32, #tpu.memory_space<vmem>>, vector<16xi32>,
    %reduce_sum3A_140 = arith.constant true
    %reduce_sum3A_141 = vector.broadcast %reduce_sum3A_140 : i1 to vector<16xi1>
    %reduce_sum3A_142 = tpu.scan <sum>, %convert_element_type3A_130 masked %reduce_sum3A_141 : vector<16xf32>, vector<16xi1> -> vector<16xf32>
    %reduce_sum3A_143 = vector.extract %reduce_sum3A_142[15] : f32 from vector<16xf32>
    %add3A_144 = arith.addf %add3A_127, %reduce_sum3A_143 : f32
    %get3A_145 = arith.constant 48 : index
    %get3A_146 = tpu.vector_load %arg10[%get3A_145] {strides = array<i32>} : memref<64xi32, #tpu.memory_space<vmem>>, vector<16xi32>,
    %convert_element_type3A_147 = arith.sitofp %get3A_146 : vector<16xi32> to vector<16xf32>
    %broadcast_in_dim3A_148 = arith.constant true
    %broadcast_in_dim3A_149 = vector.broadcast %broadcast_in_dim3A_148 : i1 to vector<16xi1>
    %masked_cumsum3A_150 = tpu.scan <sum>, %convert_element_type3A_147 masked %broadcast_in_dim3A_149 : vector<16xf32>, vector<16xi1> -> vector<16xf32>
    %sub3A_151 = arith.subf %masked_cumsum3A_150, %convert_element_type3A_147 : vector<16xf32>
    %add3A_152 = vector.broadcast %add3A_144 : f32 to vector<16xf32>
    %add3A_153 = arith.addf %sub3A_151, %add3A_152 : vector<16xf32>
    %convert_element_type3A_154 = arith.fptosi %add3A_153 : vector<16xf32> to vector<16xi32>
    %swap3A_155 = arith.constant 48 : index
    %swap3A_156 = tpu.vector_load %arg11[%swap3A_155] {strides = array<i32>} : memref<64xi32, #tpu.memory_space<vmem>>, vector<16xi32>,
    tpu.vector_store %arg11[%swap3A_155], %convert_element_type3A_154 {strides = array<i32>} : memref<64xi32, #tpu.memory_space<vmem>>, vector<16xi32>,
    %reduce_sum3A_157 = arith.constant true
    %reduce_sum3A_158 = vector.broadcast %reduce_sum3A_157 : i1 to vector<16xi1>
    %reduce_sum3A_159 = tpu.scan <sum>, %convert_element_type3A_147 masked %reduce_sum3A_158 : vector<16xf32>, vector<16xi1> -> vector<16xf32>
    %reduce_sum3A_160 = vector.extract %reduce_sum3A_159[15] : f32 from vector<16xf32>
    %add3A_161 = arith.addf %add3A_144, %reduce_sum3A_160 : f32
    %get3A_162 = arith.constant 0 : index
    %get3A_163 = tpu.vector_load %arg8[%get3A_162] {strides = array<i32>} : memref<1024xi32, #tpu.memory_space<vmem>>, vector<16xi32>,
    %get3A_164 = arith.constant 0 : index
    %get3A_165 = tpu.vector_load %arg9[%get3A_164] {strides = array<i32>} : memref<1024xi32, #tpu.memory_space<vmem>>, vector<16xi32>,
    %and3A = arith.constant 255 : i32
    %and3A_166 = vector.broadcast %and3A : i32 to vector<16xi32>
    %and3A_167 = arith.andi %get3A_163, %and3A_166 : vector<16xi32>
    %gather3A = tpu.vector_load_idx %arg11[%and3A_167] : memref<64xi32, #tpu.memory_space<vmem>>[vector<16xi32>], vector<16xi32>,
    %and3A_168 = arith.constant 32767 : i32
    %and3A_169 = vector.broadcast %and3A_168 : i32 to vector<16xi32>
    %and3A_170 = arith.andi %get3A_165, %and3A_169 : vector<16xi32>
    %add3A_171 = arith.addi %gather3A, %and3A_170 : vector<16xi32>
    %swap3A_172 = arith.constant 0 : i32
    %swap3A_173 = arith.constant 0 : i32
    %swap3A_174 = arith.index_cast %swap3A_172 : i32 to index
    %swap3A_175 = arith.index_cast %swap3A_173 : i32 to index
    %swap3A_176 = arith.constant 0 : index
    %swap3A_177 = tpu.vector_load %arg12[%swap3A_174, %swap3A_175, %swap3A_176] {strides = array<i32>} : memref<2x64x16xi32, #tpu.memory_space<vmem>>, vector<16xi32>,
    tpu.vector_store %arg12[%swap3A_174, %swap3A_175, %swap3A_176], %add3A_171 {strides = array<i32>} : memref<2x64x16xi32, #tpu.memory_space<vmem>>, vector<16xi32>,
    %shift_right_arithmetic3A = arith.constant 8 : i32
    %shift_right_arithmetic3A_178 = vector.broadcast %shift_right_arithmetic3A : i32 to vector<16xi32>
    %shift_right_arithmetic3A_179 = arith.shrsi %get3A_163, %shift_right_arithmetic3A_178 : vector<16xi32>
    %gather3A_180 = tpu.vector_load_idx %arg11[%shift_right_arithmetic3A_179] : memref<64xi32, #tpu.memory_space<vmem>>[vector<16xi32>], vector<16xi32>,
    %shift_right_arithmetic3A_181 = arith.constant 15 : i32
    %shift_right_arithmetic3A_182 = vector.broadcast %shift_right_arithmetic3A_181 : i32 to vector<16xi32>
    %shift_right_arithmetic3A_183 = arith.shrsi %get3A_165, %shift_right_arithmetic3A_182 : vector<16xi32>
    %add3A_184 = arith.addi %gather3A_180, %shift_right_arithmetic3A_183 : vector<16xi32>
    %swap3A_185 = arith.constant 1 : i32
    %swap3A_186 = arith.constant 0 : i32
    %swap3A_187 = arith.index_cast %swap3A_185 : i32 to index
    %swap3A_188 = arith.index_cast %swap3A_186 : i32 to index
    %swap3A_189 = arith.constant 0 : index
    %swap3A_190 = tpu.vector_load %arg12[%swap3A_187, %swap3A_188, %swap3A_189] {strides = array<i32>} : memref<2x64x16xi32, #tpu.memory_space<vmem>>, vector<16xi32>,
    tpu.vector_store %arg12[%swap3A_187, %swap3A_188, %swap3A_189], %add3A_184 {strides = array<i32>} : memref<2x64x16xi32, #tpu.memory_space<vmem>>, vector<16xi32>,
    %get3A_191 = arith.constant 16 : index
    %get3A_192 = tpu.vector_load %arg8[%get3A_191] {strides = array<i32>} : memref<1024xi32, #tpu.memory_space<vmem>>, vector<16xi32>,
    %get3A_193 = arith.constant 16 : index
    %get3A_194 = tpu.vector_load %arg9[%get3A_193] {strides = array<i32>} : memref<1024xi32, #tpu.memory_space<vmem>>, vector<16xi32>,
    %and3A_195 = arith.constant 255 : i32
    %and3A_196 = vector.broadcast %and3A_195 : i32 to vector<16xi32>
    %and3A_197 = arith.andi %get3A_192, %and3A_196 : vector<16xi32>
    %gather3A_198 = tpu.vector_load_idx %arg11[%and3A_197] : memref<64xi32, #tpu.memory_space<vmem>>[vector<16xi32>], vector<16xi32>,
    %and3A_199 = arith.constant 32767 : i32
    %and3A_200 = vector.broadcast %and3A_199 : i32 to vector<16xi32>
    %and3A_201 = arith.andi %get3A_194, %and3A_200 : vector<16xi32>
    %add3A_202 = arith.addi %gather3A_198, %and3A_201 : vector<16xi32>
    %swap3A_203 = arith.constant 0 : i32
    %swap3A_204 = arith.constant 1 : i32
    %swap3A_205 = arith.index_cast %swap3A_203 : i32 to index
    %swap3A_206 = arith.index_cast %swap3A_204 : i32 to index
    %swap3A_207 = arith.constant 0 : index
    %swap3A_208 = tpu.vector_load %arg12[%swap3A_205, %swap3A_206, %swap3A_207] {strides = array<i32>} : memref<2x64x16xi32, #tpu.memory_space<vmem>>, vector<16xi32>,
    tpu.vector_store %arg12[%swap3A_205, %swap3A_206, %swap3A_207], %add3A_202 {strides = array<i32>} : memref<2x64x16xi32, #tpu.memory_space<vmem>>, vector<16xi32>,
    %shift_right_arithmetic3A_209 = arith.constant 8 : i32
    %shift_right_arithmetic3A_210 = vector.broadcast %shift_right_arithmetic3A_209 : i32 to vector<16xi32>
    %shift_right_arithmetic3A_211 = arith.shrsi %get3A_192, %shift_right_arithmetic3A_210 : vector<16xi32>
    %gather3A_212 = tpu.vector_load_idx %arg11[%shift_right_arithmetic3A_211] : memref<64xi32, #tpu.memory_space<vmem>>[vector<16xi32>], vector<16xi32>,
    %shift_right_arithmetic3A_213 = arith.constant 15 : i32
    %shift_right_arithmetic3A_214 = vector.broadcast %shift_right_arithmetic3A_213 : i32 to vector<16xi32>
    %shift_right_arithmetic3A_215 = arith.shrsi %get3A_194, %shift_right_arithmetic3A_214 : vector<16xi32>
    %add3A_216 = arith.addi %gather3A_212, %shift_right_arithmetic3A_215 : vector<16xi32>
    %swap3A_217 = arith.constant 1 : i32
    %swap3A_218 = arith.constant 1 : i32
    %swap3A_219 = arith.index_cast %swap3A_217 : i32 to index
    %swap3A_220 = arith.index_cast %swap3A_218 : i32 to index
    %swap3A_221 = arith.constant 0 : index
    %swap3A_222 = tpu.vector_load %arg12[%swap3A_219, %swap3A_220, %swap3A_221] {strides = array<i32>} : memref<2x64x16xi32, #tpu.memory_space<vmem>>, vector<16xi32>,
    tpu.vector_store %arg12[%swap3A_219, %swap3A_220, %swap3A_221], %add3A_216 {strides = array<i32>} : memref<2x64x16xi32, #tpu.memory_space<vmem>>, vector<16xi32>,
    %get3A_223 = arith.constant 32 : index
    %get3A_224 = tpu.vector_load %arg8[%get3A_223] {strides = array<i32>} : memref<1024xi32, #tpu.memory_space<vmem>>, vector<16xi32>,
    %get3A_225 = arith.constant 32 : index
    %get3A_226 = tpu.vector_load %arg9[%get3A_225] {strides = array<i32>} : memref<1024xi32, #tpu.memory_space<vmem>>, vector<16xi32>,
    %and3A_227 = arith.constant 255 : i32
    %and3A_228 = vector.broadcast %and3A_227 : i32 to vector<16xi32>
    %and3A_229 = arith.andi %get3A_224, %and3A_228 : vector<16xi32>
    %gather3A_230 = tpu.vector_load_idx %arg11[%and3A_229] : memref<64xi32, #tpu.memory_space<vmem>>[vector<16xi32>], vector<16xi32>,
    %and3A_231 = arith.constant 32767 : i32
    %and3A_232 = vector.broadcast %and3A_231 : i32 to vector<16xi32>
    %and3A_233 = arith.andi %get3A_226, %and3A_232 : vector<16xi32>
    %add3A_234 = arith.addi %gather3A_230, %and3A_233 : vector<16xi32>
    %swap3A_235 = arith.constant 0 : i32
    %swap3A_236 = arith.constant 2 : i32
    %swap3A_237 = arith.index_cast %swap3A_235 : i32 to index
    %swap3A_238 = arith.index_cast %swap3A_236 : i32 to index
    %swap3A_239 = arith.constant 0 : index
    %swap3A_240 = tpu.vector_load %arg12[%swap3A_237, %swap3A_238, %swap3A_239] {strides = array<i32>} : memref<2x64x16xi32, #tpu.memory_space<vmem>>, vector<16xi32>,
    tpu.vector_store %arg12[%swap3A_237, %swap3A_238, %swap3A_239], %add3A_234 {strides = array<i32>} : memref<2x64x16xi32, #tpu.memory_space<vmem>>, vector<16xi32>,
    %shift_right_arithmetic3A_241 = arith.constant 8 : i32
    %shift_right_arithmetic3A_242 = vector.broadcast %shift_right_arithmetic3A_241 : i32 to vector<16xi32>
    %shift_right_arithmetic3A_243 = arith.shrsi %get3A_224, %shift_right_arithmetic3A_242 : vector<16xi32>
    %gather3A_244 = tpu.vector_load_idx %arg11[%shift_right_arithmetic3A_243] : memref<64xi32, #tpu.memory_space<vmem>>[vector<16xi32>], vector<16xi32>,
    %shift_right_arithmetic3A_245 = arith.constant 15 : i32
    %shift_right_arithmetic3A_246 = vector.broadcast %shift_right_arithmetic3A_245 : i32 to vector<16xi32>
    %shift_right_arithmetic3A_247 = arith.shrsi %get3A_226, %shift_right_arithmetic3A_246 : vector<16xi32>
    %add3A_248 = arith.addi %gather3A_244, %shift_right_arithmetic3A_247 : vector<16xi32>
    %swap3A_249 = arith.constant 1 : i32
    %swap3A_250 = arith.constant 2 : i32
    %swap3A_251 = arith.index_cast %swap3A_249 : i32 to index
    %swap3A_252 = arith.index_cast %swap3A_250 : i32 to index
    %swap3A_253 = arith.constant 0 : index
    %swap3A_254 = tpu.vector_load %arg12[%swap3A_251, %swap3A_252, %swap3A_253] {strides = array<i32>} : memref<2x64x16xi32, #tpu.memory_space<vmem>>, vector<16xi32>,
    tpu.vector_store %arg12[%swap3A_251, %swap3A_252, %swap3A_253], %add3A_248 {strides = array<i32>} : memref<2x64x16xi32, #tpu.memory_space<vmem>>, vector<16xi32>,
    %get3A_255 = arith.constant 48 : index
    %get3A_256 = tpu.vector_load %arg8[%get3A_255] {strides = array<i32>} : memref<1024xi32, #tpu.memory_space<vmem>>, vector<16xi32>,
    %get3A_257 = arith.constant 48 : index
    %get3A_258 = tpu.vector_load %arg9[%get3A_257] {strides = array<i32>} : memref<1024xi32, #tpu.memory_space<vmem>>, vector<16xi32>,
    %and3A_259 = arith.constant 255 : i32
    %and3A_260 = vector.broadcast %and3A_259 : i32 to vector<16xi32>
    %and3A_261 = arith.andi %get3A_256, %and3A_260 : vector<16xi32>
    %gather3A_262 = tpu.vector_load_idx %arg11[%and3A_261] : memref<64xi32, #tpu.memory_space<vmem>>[vector<16xi32>], vector<16xi32>,
    %and3A_263 = arith.constant 32767 : i32
    %and3A_264 = vector.broadcast %and3A_263 : i32 to vector<16xi32>
    %and3A_265 = arith.andi %get3A_258, %and3A_264 : vector<16xi32>
    %add3A_266 = arith.addi %gather3A_262, %and3A_265 : vector<16xi32>
    %swap3A_267 = arith.constant 0 : i32
    %swap3A_268 = arith.constant 3 : i32
    %swap3A_269 = arith.index_cast %swap3A_267 : i32 to index
    %swap3A_270 = arith.index_cast %swap3A_268 : i32 to index
    %swap3A_271 = arith.constant 0 : index
    %swap3A_272 = tpu.vector_load %arg12[%swap3A_269, %swap3A_270, %swap3A_271] {strides = array<i32>} : memref<2x64x16xi32, #tpu.memory_space<vmem>>, vector<16xi32>,
    tpu.vector_store %arg12[%swap3A_269, %swap3A_270, %swap3A_271], %add3A_266 {strides = array<i32>} : memref<2x64x16xi32, #tpu.memory_space<vmem>>, vector<16xi32>,
    %shift_right_arithmetic3A_273 = arith.constant 8 : i32
    %shift_right_arithmetic3A_274 = vector.broadcast %shift_right_arithmetic3A_273 : i32 to vector<16xi32>
    %shift_right_arithmetic3A_275 = arith.shrsi %get3A_256, %shift_right_arithmetic3A_274 : vector<16xi32>
    %gather3A_276 = tpu.vector_load_idx %arg11[%shift_right_arithmetic3A_275] : memref<64xi32, #tpu.memory_space<vmem>>[vector<16xi32>], vector<16xi32>,
    %shift_right_arithmetic3A_277 = arith.constant 15 : i32
    %shift_right_arithmetic3A_278 = vector.broadcast %shift_right_arithmetic3A_277 : i32 to vector<16xi32>
    %shift_right_arithmetic3A_279 = arith.shrsi %get3A_258, %shift_right_arithmetic3A_278 : vector<16xi32>
    %add3A_280 = arith.addi %gather3A_276, %shift_right_arithmetic3A_279 : vector<16xi32>
    %swap3A_281 = arith.constant 1 : i32
    %swap3A_282 = arith.constant 3 : i32
    %swap3A_283 = arith.index_cast %swap3A_281 : i32 to index
    %swap3A_284 = arith.index_cast %swap3A_282 : i32 to index
    %swap3A_285 = arith.constant 0 : index
    %swap3A_286 = tpu.vector_load %arg12[%swap3A_283, %swap3A_284, %swap3A_285] {strides = array<i32>} : memref<2x64x16xi32, #tpu.memory_space<vmem>>, vector<16xi32>,
    tpu.vector_store %arg12[%swap3A_283, %swap3A_284, %swap3A_285], %add3A_280 {strides = array<i32>} : memref<2x64x16xi32, #tpu.memory_space<vmem>>, vector<16xi32>,
    %get3A_287 = arith.constant 64 : index
    %get3A_288 = tpu.vector_load %arg8[%get3A_287] {strides = array<i32>} : memref<1024xi32, #tpu.memory_space<vmem>>, vector<16xi32>,
    %get3A_289 = arith.constant 64 : index
    %get3A_290 = tpu.vector_load %arg9[%get3A_289] {strides = array<i32>} : memref<1024xi32, #tpu.memory_space<vmem>>, vector<16xi32>,
    %and3A_291 = arith.constant 255 : i32
    %and3A_292 = vector.broadcast %and3A_291 : i32 to vector<16xi32>
    %and3A_293 = arith.andi %get3A_288, %and3A_292 : vector<16xi32>
    %gather3A_294 = tpu.vector_load_idx %arg11[%and3A_293] : memref<64xi32, #tpu.memory_space<vmem>>[vector<16xi32>], vector<16xi32>,
    %and3A_295 = arith.constant 32767 : i32
    %and3A_296 = vector.broadcast %and3A_295 : i32 to vector<16xi32>
    %and3A_297 = arith.andi %get3A_290, %and3A_296 : vector<16xi32>
    %add3A_298 = arith.addi %gather3A_294, %and3A_297 : vector<16xi32>
    %swap3A_299 = arith.constant 0 : i32
    %swap3A_300 = arith.constant 4 : i32
    %swap3A_301 = arith.index_cast %swap3A_299 : i32 to index
    %swap3A_302 = arith.index_cast %swap3A_300 : i32 to index
    %swap3A_303 = arith.constant 0 : index
    %swap3A_304 = tpu.vector_load %arg12[%swap3A_301, %swap3A_302, %swap3A_303] {strides = array<i32>} : memref<2x64x16xi32, #tpu.memory_space<vmem>>, vector<16xi32>,
    tpu.vector_store %arg12[%swap3A_301, %swap3A_302, %swap3A_303], %add3A_298 {strides = array<i32>} : memref<2x64x16xi32, #tpu.memory_space<vmem>>, vector<16xi32>,
    %shift_right_arithmetic3A_305 = arith.constant 8 : i32
    %shift_right_arithmetic3A_306 = vector.broadcast %shift_right_arithmetic3A_305 : i32 to vector<16xi32>
    %shift_right_arithmetic3A_307 = arith.shrsi %get3A_288, %shift_right_arithmetic3A_306 : vector<16xi32>
    %gather3A_308 = tpu.vector_load_idx %arg11[%shift_right_arithmetic3A_307] : memref<64xi32, #tpu.memory_space<vmem>>[vector<16xi32>], vector<16xi32>,
    %shift_right_arithmetic3A_309 = arith.constant 15 : i32
    %shift_right_arithmetic3A_310 = vector.broadcast %shift_right_arithmetic3A_309 : i32 to vector<16xi32>
    %shift_right_arithmetic3A_311 = arith.shrsi %get3A_290, %shift_right_arithmetic3A_310 : vector<16xi32>
    %add3A_312 = arith.addi %gather3A_308, %shift_right_arithmetic3A_311 : vector<16xi32>
    %swap3A_313 = arith.constant 1 : i32
    %swap3A_314 = arith.constant 4 : i32
    %swap3A_315 = arith.index_cast %swap3A_313 : i32 to index
    %swap3A_316 = arith.index_cast %swap3A_314 : i32 to index
    %swap3A_317 = arith.constant 0 : index
    %swap3A_318 = tpu.vector_load %arg12[%swap3A_315, %swap3A_316, %swap3A_317] {strides = array<i32>} : memref<2x64x16xi32, #tpu.memory_space<vmem>>, vector<16xi32>,
    tpu.vector_store %arg12[%swap3A_315, %swap3A_316, %swap3A_317], %add3A_312 {strides = array<i32>} : memref<2x64x16xi32, #tpu.memory_space<vmem>>, vector<16xi32>,
    %get3A_319 = arith.constant 80 : index
    %get3A_320 = tpu.vector_load %arg8[%get3A_319] {strides = array<i32>} : memref<1024xi32, #tpu.memory_space<vmem>>, vector<16xi32>,
    %get3A_321 = arith.constant 80 : index
    %get3A_322 = tpu.vector_load %arg9[%get3A_321] {strides = array<i32>} : memref<1024xi32, #tpu.memory_space<vmem>>, vector<16xi32>,
    %and3A_323 = arith.constant 255 : i32
    %and3A_324 = vector.broadcast %and3A_323 : i32 to vector<16xi32>
    %and3A_325 = arith.andi %get3A_320, %and3A_324 : vector<16xi32>
    %gather3A_326 = tpu.vector_load_idx %arg11[%and3A_325] : memref<64xi32, #tpu.memory_space<vmem>>[vector<16xi32>], vector<16xi32>,
    %and3A_327 = arith.constant 32767 : i32
    %and3A_328 = vector.broadcast %and3A_327 : i32 to vector<16xi32>
    %and3A_329 = arith.andi %get3A_322, %and3A_328 : vector<16xi32>
    %add3A_330 = arith.addi %gather3A_326, %and3A_329 : vector<16xi32>
    %swap3A_331 = arith.constant 0 : i32
    %swap3A_332 = arith.constant 5 : i32
    %swap3A_333 = arith.index_cast %swap3A_331 : i32 to index
    %swap3A_334 = arith.index_cast %swap3A_332 : i32 to index
    %swap3A_335 = arith.constant 0 : index
    %swap3A_336 = tpu.vector_load %arg12[%swap3A_333, %swap3A_334, %swap3A_335] {strides = array<i32>} : memref<2x64x16xi32, #tpu.memory_space<vmem>>, vector<16xi32>,
    tpu.vector_store %arg12[%swap3A_333, %swap3A_334, %swap3A_335], %add3A_330 {strides = array<i32>} : memref<2x64x16xi32, #tpu.memory_space<vmem>>, vector<16xi32>,
    %shift_right_arithmetic3A_337 = arith.constant 8 : i32
    %shift_right_arithmetic3A_338 = vector.broadcast %shift_right_arithmetic3A_337 : i32 to vector<16xi32>
    %shift_right_arithmetic3A_339 = arith.shrsi %get3A_320, %shift_right_arithmetic3A_338 : vector<16xi32>
    %gather3A_340 = tpu.vector_load_idx %arg11[%shift_right_arithmetic3A_339] : memref<64xi32, #tpu.memory_space<vmem>>[vector<16xi32>], vector<16xi32>,
    %shift_right_arithmetic3A_341 = arith.constant 15 : i32
    %shift_right_arithmetic3A_342 = vector.broadcast %shift_right_arithmetic3A_341 : i32 to vector<16xi32>
    %shift_right_arithmetic3A_343 = arith.shrsi %get3A_322, %shift_right_arithmetic3A_342 : vector<16xi32>
    %add3A_344 = arith.addi %gather3A_340, %shift_right_arithmetic3A_343 : vector<16xi32>
    %swap3A_345 = arith.constant 1 : i32
    %swap3A_346 = arith.constant 5 : i32
    %swap3A_347 = arith.index_cast %swap3A_345 : i32 to index
    %swap3A_348 = arith.index_cast %swap3A_346 : i32 to index
    %swap3A_349 = arith.constant 0 : index
    %swap3A_350 = tpu.vector_load %arg12[%swap3A_347, %swap3A_348, %swap3A_349] {strides = array<i32>} : memref<2x64x16xi32, #tpu.memory_space<vmem>>, vector<16xi32>,
    tpu.vector_store %arg12[%swap3A_347, %swap3A_348, %swap3A_349], %add3A_344 {strides = array<i32>} : memref<2x64x16xi32, #tpu.memory_space<vmem>>, vector<16xi32>,
    %get3A_351 = arith.constant 96 : index
    %get3A_352 = tpu.vector_load %arg8[%get3A_351] {strides = array<i32>} : memref<1024xi32, #tpu.memory_space<vmem>>, vector<16xi32>,
    %get3A_353 = arith.constant 96 : index
    %get3A_354 = tpu.vector_load %arg9[%get3A_353] {strides = array<i32>} : memref<1024xi32, #tpu.memory_space<vmem>>, vector<16xi32>,
    %and3A_355 = arith.constant 255 : i32
    %and3A_356 = vector.broadcast %and3A_355 : i32 to vector<16xi32>
    %and3A_357 = arith.andi %get3A_352, %and3A_356 : vector<16xi32>
    %gather3A_358 = tpu.vector_load_idx %arg11[%and3A_357] : memref<64xi32, #tpu.memory_space<vmem>>[vector<16xi32>], vector<16xi32>,
    %and3A_359 = arith.constant 32767 : i32
    %and3A_360 = vector.broadcast %and3A_359 : i32 to vector<16xi32>
    %and3A_361 = arith.andi %get3A_354, %and3A_360 : vector<16xi32>
    %add3A_362 = arith.addi %gather3A_358, %and3A_361 : vector<16xi32>
    %swap3A_363 = arith.constant 0 : i32
    %swap3A_364 = arith.constant 6 : i32
    %swap3A_365 = arith.index_cast %swap3A_363 : i32 to index
    %swap3A_366 = arith.index_cast %swap3A_364 : i32 to index
    %swap3A_367 = arith.constant 0 : index
    %swap3A_368 = tpu.vector_load %arg12[%swap3A_365, %swap3A_366, %swap3A_367] {strides = array<i32>} : memref<2x64x16xi32, #tpu.memory_space<vmem>>, vector<16xi32>,
    tpu.vector_store %arg12[%swap3A_365, %swap3A_366, %swap3A_367], %add3A_362 {strides = array<i32>} : memref<2x64x16xi32, #tpu.memory_space<vmem>>, vector<16xi32>,
    %shift_right_arithmetic3A_369 = arith.constant 8 : i32
    %shift_right_arithmetic3A_370 = vector.broadcast %shift_right_arithmetic3A_369 : i32 to vector<16xi32>
    %shift_right_arithmetic3A_371 = arith.shrsi %get3A_352, %shift_right_arithmetic3A_370 : vector<16xi32>
    %gather3A_372 = tpu.vector_load_idx %arg11[%shift_right_arithmetic3A_371] : memref<64xi32, #tpu.memory_space<vmem>>[vector<16xi32>], vector<16xi32>,
    %shift_right_arithmetic3A_373 = arith.constant 15 : i32
    %shift_right_arithmetic3A_374 = vector.broadcast %shift_right_arithmetic3A_373 : i32 to vector<16xi32>
    %shift_right_arithmetic3A_375 = arith.shrsi %get3A_354, %shift_right_arithmetic3A_374 : vector<16xi32>
    %add3A_376 = arith.addi %gather3A_372, %shift_right_arithmetic3A_375 : vector<16xi32>
    %swap3A_377 = arith.constant 1 : i32
    %swap3A_378 = arith.constant 6 : i32
    %swap3A_379 = arith.index_cast %swap3A_377 : i32 to index
    %swap3A_380 = arith.index_cast %swap3A_378 : i32 to index
    %swap3A_381 = arith.constant 0 : index
    %swap3A_382 = tpu.vector_load %arg12[%swap3A_379, %swap3A_380, %swap3A_381] {strides = array<i32>} : memref<2x64x16xi32, #tpu.memory_space<vmem>>, vector<16xi32>,
    tpu.vector_store %arg12[%swap3A_379, %swap3A_380, %swap3A_381], %add3A_376 {strides = array<i32>} : memref<2x64x16xi32, #tpu.memory_space<vmem>>, vector<16xi32>,
    %get3A_383 = arith.constant 112 : index
    %get3A_384 = tpu.vector_load %arg8[%get3A_383] {strides = array<i32>} : memref<1024xi32, #tpu.memory_space<vmem>>, vector<16xi32>,
    %get3A_385 = arith.constant 112 : index
    %get3A_386 = tpu.vector_load %arg9[%get3A_385] {strides = array<i32>} : memref<1024xi32, #tpu.memory_space<vmem>>, vector<16xi32>,
    %and3A_387 = arith.constant 255 : i32
    %and3A_388 = vector.broadcast %and3A_387 : i32 to vector<16xi32>
    %and3A_389 = arith.andi %get3A_384, %and3A_388 : vector<16xi32>
    %gather3A_390 = tpu.vector_load_idx %arg11[%and3A_389] : memref<64xi32, #tpu.memory_space<vmem>>[vector<16xi32>], vector<16xi32>,
    %and3A_391 = arith.constant 32767 : i32
    %and3A_392 = vector.broadcast %and3A_391 : i32 to vector<16xi32>
    %and3A_393 = arith.andi %get3A_386, %and3A_392 : vector<16xi32>
    %add3A_394 = arith.addi %gather3A_390, %and3A_393 : vector<16xi32>
    %swap3A_395 = arith.constant 0 : i32
    %swap3A_396 = arith.constant 7 : i32
    %swap3A_397 = arith.index_cast %swap3A_395 : i32 to index
    %swap3A_398 = arith.index_cast %swap3A_396 : i32 to index
    %swap3A_399 = arith.constant 0 : index
    %swap3A_400 = tpu.vector_load %arg12[%swap3A_397, %swap3A_398, %swap3A_399] {strides = array<i32>} : memref<2x64x16xi32, #tpu.memory_space<vmem>>, vector<16xi32>,
    tpu.vector_store %arg12[%swap3A_397, %swap3A_398, %swap3A_399], %add3A_394 {strides = array<i32>} : memref<2x64x16xi32, #tpu.memory_space<vmem>>, vector<16xi32>,
    %shift_right_arithmetic3A_401 = arith.constant 8 : i32
    %shift_right_arithmetic3A_402 = vector.broadcast %shift_right_arithmetic3A_401 : i32 to vector<16xi32>
    %shift_right_arithmetic3A_403 = arith.shrsi %get3A_384, %shift_right_arithmetic3A_402 : vector<16xi32>
    %gather3A_404 = tpu.vector_load_idx %arg11[%shift_right_arithmetic3A_403] : memref<64xi32, #tpu.memory_space<vmem>>[vector<16xi32>], vector<16xi32>,
    %shift_right_arithmetic3A_405 = arith.constant 15 : i32
    %shift_right_arithmetic3A_406 = vector.broadcast %shift_right_arithmetic3A_405 : i32 to vector<16xi32>
    %shift_right_arithmetic3A_407 = arith.shrsi %get3A_386, %shift_right_arithmetic3A_406 : vector<16xi32>
    %add3A_408 = arith.addi %gather3A_404, %shift_right_arithmetic3A_407 : vector<16xi32>
    %swap3A_409 = arith.constant 1 : i32
    %swap3A_410 = arith.constant 7 : i32
    %swap3A_411 = arith.index_cast %swap3A_409 : i32 to index
    %swap3A_412 = arith.index_cast %swap3A_410 : i32 to index
    %swap3A_413 = arith.constant 0 : index
    %swap3A_414 = tpu.vector_load %arg12[%swap3A_411, %swap3A_412, %swap3A_413] {strides = array<i32>} : memref<2x64x16xi32, #tpu.memory_space<vmem>>, vector<16xi32>,
    tpu.vector_store %arg12[%swap3A_411, %swap3A_412, %swap3A_413], %add3A_408 {strides = array<i32>} : memref<2x64x16xi32, #tpu.memory_space<vmem>>, vector<16xi32>,
    %get3A_415 = arith.constant 128 : index
    %get3A_416 = tpu.vector_load %arg8[%get3A_415] {strides = array<i32>} : memref<1024xi32, #tpu.memory_space<vmem>>, vector<16xi32>,
    %get3A_417 = arith.constant 128 : index
    %get3A_418 = tpu.vector_load %arg9[%get3A_417] {strides = array<i32>} : memref<1024xi32, #tpu.memory_space<vmem>>, vector<16xi32>,
    %and3A_419 = arith.constant 255 : i32
    %and3A_420 = vector.broadcast %and3A_419 : i32 to vector<16xi32>
    %and3A_421 = arith.andi %get3A_416, %and3A_420 : vector<16xi32>
    %gather3A_422 = tpu.vector_load_idx %arg11[%and3A_421] : memref<64xi32, #tpu.memory_space<vmem>>[vector<16xi32>], vector<16xi32>,
    %and3A_423 = arith.constant 32767 : i32
    %and3A_424 = vector.broadcast %and3A_423 : i32 to vector<16xi32>
    %and3A_425 = arith.andi %get3A_418, %and3A_424 : vector<16xi32>
    %add3A_426 = arith.addi %gather3A_422, %and3A_425 : vector<16xi32>
    %swap3A_427 = arith.constant 0 : i32
    %swap3A_428 = arith.constant 8 : i32
    %swap3A_429 = arith.index_cast %swap3A_427 : i32 to index
    %swap3A_430 = arith.index_cast %swap3A_428 : i32 to index
    %swap3A_431 = arith.constant 0 : index
    %swap3A_432 = tpu.vector_load %arg12[%swap3A_429, %swap3A_430, %swap3A_431] {strides = array<i32>} : memref<2x64x16xi32, #tpu.memory_space<vmem>>, vector<16xi32>,
    tpu.vector_store %arg12[%swap3A_429, %swap3A_430, %swap3A_431], %add3A_426 {strides = array<i32>} : memref<2x64x16xi32, #tpu.memory_space<vmem>>, vector<16xi32>,
    %shift_right_arithmetic3A_433 = arith.constant 8 : i32
    %shift_right_arithmetic3A_434 = vector.broadcast %shift_right_arithmetic3A_433 : i32 to vector<16xi32>
    %shift_right_arithmetic3A_435 = arith.shrsi %get3A_416, %shift_right_arithmetic3A_434 : vector<16xi32>
    %gather3A_436 = tpu.vector_load_idx %arg11[%shift_right_arithmetic3A_435] : memref<64xi32, #tpu.memory_space<vmem>>[vector<16xi32>], vector<16xi32>,
    %shift_right_arithmetic3A_437 = arith.constant 15 : i32
    %shift_right_arithmetic3A_438 = vector.broadcast %shift_right_arithmetic3A_437 : i32 to vector<16xi32>
    %shift_right_arithmetic3A_439 = arith.shrsi %get3A_418, %shift_right_arithmetic3A_438 : vector<16xi32>
    %add3A_440 = arith.addi %gather3A_436, %shift_right_arithmetic3A_439 : vector<16xi32>
    %swap3A_441 = arith.constant 1 : i32
    %swap3A_442 = arith.constant 8 : i32
    %swap3A_443 = arith.index_cast %swap3A_441 : i32 to index
    %swap3A_444 = arith.index_cast %swap3A_442 : i32 to index
    %swap3A_445 = arith.constant 0 : index
    %swap3A_446 = tpu.vector_load %arg12[%swap3A_443, %swap3A_444, %swap3A_445] {strides = array<i32>} : memref<2x64x16xi32, #tpu.memory_space<vmem>>, vector<16xi32>,
    tpu.vector_store %arg12[%swap3A_443, %swap3A_444, %swap3A_445], %add3A_440 {strides = array<i32>} : memref<2x64x16xi32, #tpu.memory_space<vmem>>, vector<16xi32>,
    %get3A_447 = arith.constant 144 : index
    %get3A_448 = tpu.vector_load %arg8[%get3A_447] {strides = array<i32>} : memref<1024xi32, #tpu.memory_space<vmem>>, vector<16xi32>,
    %get3A_449 = arith.constant 144 : index
    %get3A_450 = tpu.vector_load %arg9[%get3A_449] {strides = array<i32>} : memref<1024xi32, #tpu.memory_space<vmem>>, vector<16xi32>,
    %and3A_451 = arith.constant 255 : i32
    %and3A_452 = vector.broadcast %and3A_451 : i32 to vector<16xi32>
    %and3A_453 = arith.andi %get3A_448, %and3A_452 : vector<16xi32>
    %gather3A_454 = tpu.vector_load_idx %arg11[%and3A_453] : memref<64xi32, #tpu.memory_space<vmem>>[vector<16xi32>], vector<16xi32>,
    %and3A_455 = arith.constant 32767 : i32
    %and3A_456 = vector.broadcast %and3A_455 : i32 to vector<16xi32>
    %and3A_457 = arith.andi %get3A_450, %and3A_456 : vector<16xi32>
    %add3A_458 = arith.addi %gather3A_454, %and3A_457 : vector<16xi32>
    %swap3A_459 = arith.constant 0 : i32
    %swap3A_460 = arith.constant 9 : i32
    %swap3A_461 = arith.index_cast %swap3A_459 : i32 to index
    %swap3A_462 = arith.index_cast %swap3A_460 : i32 to index
    %swap3A_463 = arith.constant 0 : index
    %swap3A_464 = tpu.vector_load %arg12[%swap3A_461, %swap3A_462, %swap3A_463] {strides = array<i32>} : memref<2x64x16xi32, #tpu.memory_space<vmem>>, vector<16xi32>,
    tpu.vector_store %arg12[%swap3A_461, %swap3A_462, %swap3A_463], %add3A_458 {strides = array<i32>} : memref<2x64x16xi32, #tpu.memory_space<vmem>>, vector<16xi32>,
    %shift_right_arithmetic3A_465 = arith.constant 8 : i32
    %shift_right_arithmetic3A_466 = vector.broadcast %shift_right_arithmetic3A_465 : i32 to vector<16xi32>
    %shift_right_arithmetic3A_467 = arith.shrsi %get3A_448, %shift_right_arithmetic3A_466 : vector<16xi32>
    %gather3A_468 = tpu.vector_load_idx %arg11[%shift_right_arithmetic3A_467] : memref<64xi32, #tpu.memory_space<vmem>>[vector<16xi32>], vector<16xi32>,
    %shift_right_arithmetic3A_469 = arith.constant 15 : i32
    %shift_right_arithmetic3A_470 = vector.broadcast %shift_right_arithmetic3A_469 : i32 to vector<16xi32>
    %shift_right_arithmetic3A_471 = arith.shrsi %get3A_450, %shift_right_arithmetic3A_470 : vector<16xi32>
    %add3A_472 = arith.addi %gather3A_468, %shift_right_arithmetic3A_471 : vector<16xi32>
    %swap3A_473 = arith.constant 1 : i32
    %swap3A_474 = arith.constant 9 : i32
    %swap3A_475 = arith.index_cast %swap3A_473 : i32 to index
    %swap3A_476 = arith.index_cast %swap3A_474 : i32 to index
    %swap3A_477 = arith.constant 0 : index
    %swap3A_478 = tpu.vector_load %arg12[%swap3A_475, %swap3A_476, %swap3A_477] {strides = array<i32>} : memref<2x64x16xi32, #tpu.memory_space<vmem>>, vector<16xi32>,
    tpu.vector_store %arg12[%swap3A_475, %swap3A_476, %swap3A_477], %add3A_472 {strides = array<i32>} : memref<2x64x16xi32, #tpu.memory_space<vmem>>, vector<16xi32>,
    %get3A_479 = arith.constant 160 : index
    %get3A_480 = tpu.vector_load %arg8[%get3A_479] {strides = array<i32>} : memref<1024xi32, #tpu.memory_space<vmem>>, vector<16xi32>,
    %get3A_481 = arith.constant 160 : index
    %get3A_482 = tpu.vector_load %arg9[%get3A_481] {strides = array<i32>} : memref<1024xi32, #tpu.memory_space<vmem>>, vector<16xi32>,
    %and3A_483 = arith.constant 255 : i32
    %and3A_484 = vector.broadcast %and3A_483 : i32 to vector<16xi32>
    %and3A_485 = arith.andi %get3A_480, %and3A_484 : vector<16xi32>
    %gather3A_486 = tpu.vector_load_idx %arg11[%and3A_485] : memref<64xi32, #tpu.memory_space<vmem>>[vector<16xi32>], vector<16xi32>,
    %and3A_487 = arith.constant 32767 : i32
    %and3A_488 = vector.broadcast %and3A_487 : i32 to vector<16xi32>
    %and3A_489 = arith.andi %get3A_482, %and3A_488 : vector<16xi32>
    %add3A_490 = arith.addi %gather3A_486, %and3A_489 : vector<16xi32>
    %swap3A_491 = arith.constant 0 : i32
    %swap3A_492 = arith.constant 10 : i32
    %swap3A_493 = arith.index_cast %swap3A_491 : i32 to index
    %swap3A_494 = arith.index_cast %swap3A_492 : i32 to index
    %swap3A_495 = arith.constant 0 : index
    %swap3A_496 = tpu.vector_load %arg12[%swap3A_493, %swap3A_494, %swap3A_495] {strides = array<i32>} : memref<2x64x16xi32, #tpu.memory_space<vmem>>, vector<16xi32>,
    tpu.vector_store %arg12[%swap3A_493, %swap3A_494, %swap3A_495], %add3A_490 {strides = array<i32>} : memref<2x64x16xi32, #tpu.memory_space<vmem>>, vector<16xi32>,
    %shift_right_arithmetic3A_497 = arith.constant 8 : i32
    %shift_right_arithmetic3A_498 = vector.broadcast %shift_right_arithmetic3A_497 : i32 to vector<16xi32>
    %shift_right_arithmetic3A_499 = arith.shrsi %get3A_480, %shift_right_arithmetic3A_498 : vector<16xi32>
    %gather3A_500 = tpu.vector_load_idx %arg11[%shift_right_arithmetic3A_499] : memref<64xi32, #tpu.memory_space<vmem>>[vector<16xi32>], vector<16xi32>,
    %shift_right_arithmetic3A_501 = arith.constant 15 : i32
    %shift_right_arithmetic3A_502 = vector.broadcast %shift_right_arithmetic3A_501 : i32 to vector<16xi32>
    %shift_right_arithmetic3A_503 = arith.shrsi %get3A_482, %shift_right_arithmetic3A_502 : vector<16xi32>
    %add3A_504 = arith.addi %gather3A_500, %shift_right_arithmetic3A_503 : vector<16xi32>
    %swap3A_505 = arith.constant 1 : i32
    %swap3A_506 = arith.constant 10 : i32
    %swap3A_507 = arith.index_cast %swap3A_505 : i32 to index
    %swap3A_508 = arith.index_cast %swap3A_506 : i32 to index
    %swap3A_509 = arith.constant 0 : index
    %swap3A_510 = tpu.vector_load %arg12[%swap3A_507, %swap3A_508, %swap3A_509] {strides = array<i32>} : memref<2x64x16xi32, #tpu.memory_space<vmem>>, vector<16xi32>,
    tpu.vector_store %arg12[%swap3A_507, %swap3A_508, %swap3A_509], %add3A_504 {strides = array<i32>} : memref<2x64x16xi32, #tpu.memory_space<vmem>>, vector<16xi32>,
    %get3A_511 = arith.constant 176 : index
    %get3A_512 = tpu.vector_load %arg8[%get3A_511] {strides = array<i32>} : memref<1024xi32, #tpu.memory_space<vmem>>, vector<16xi32>,
    %get3A_513 = arith.constant 176 : index
    %get3A_514 = tpu.vector_load %arg9[%get3A_513] {strides = array<i32>} : memref<1024xi32, #tpu.memory_space<vmem>>, vector<16xi32>,
    %and3A_515 = arith.constant 255 : i32
    %and3A_516 = vector.broadcast %and3A_515 : i32 to vector<16xi32>
    %and3A_517 = arith.andi %get3A_512, %and3A_516 : vector<16xi32>
    %gather3A_518 = tpu.vector_load_idx %arg11[%and3A_517] : memref<64xi32, #tpu.memory_space<vmem>>[vector<16xi32>], vector<16xi32>,
    %and3A_519 = arith.constant 32767 : i32
    %and3A_520 = vector.broadcast %and3A_519 : i32 to vector<16xi32>
    %and3A_521 = arith.andi %get3A_514, %and3A_520 : vector<16xi32>
    %add3A_522 = arith.addi %gather3A_518, %and3A_521 : vector<16xi32>
    %swap3A_523 = arith.constant 0 : i32
    %swap3A_524 = arith.constant 11 : i32
    %swap3A_525 = arith.index_cast %swap3A_523 : i32 to index
    %swap3A_526 = arith.index_cast %swap3A_524 : i32 to index
    %swap3A_527 = arith.constant 0 : index
    %swap3A_528 = tpu.vector_load %arg12[%swap3A_525, %swap3A_526, %swap3A_527] {strides = array<i32>} : memref<2x64x16xi32, #tpu.memory_space<vmem>>, vector<16xi32>,
    tpu.vector_store %arg12[%swap3A_525, %swap3A_526, %swap3A_527], %add3A_522 {strides = array<i32>} : memref<2x64x16xi32, #tpu.memory_space<vmem>>, vector<16xi32>,
    %shift_right_arithmetic3A_529 = arith.constant 8 : i32
    %shift_right_arithmetic3A_530 = vector.broadcast %shift_right_arithmetic3A_529 : i32 to vector<16xi32>
    %shift_right_arithmetic3A_531 = arith.shrsi %get3A_512, %shift_right_arithmetic3A_530 : vector<16xi32>
    %gather3A_532 = tpu.vector_load_idx %arg11[%shift_right_arithmetic3A_531] : memref<64xi32, #tpu.memory_space<vmem>>[vector<16xi32>], vector<16xi32>,
    %shift_right_arithmetic3A_533 = arith.constant 15 : i32
    %shift_right_arithmetic3A_534 = vector.broadcast %shift_right_arithmetic3A_533 : i32 to vector<16xi32>
    %shift_right_arithmetic3A_535 = arith.shrsi %get3A_514, %shift_right_arithmetic3A_534 : vector<16xi32>
    %add3A_536 = arith.addi %gather3A_532, %shift_right_arithmetic3A_535 : vector<16xi32>
    %swap3A_537 = arith.constant 1 : i32
    %swap3A_538 = arith.constant 11 : i32
    %swap3A_539 = arith.index_cast %swap3A_537 : i32 to index
    %swap3A_540 = arith.index_cast %swap3A_538 : i32 to index
    %swap3A_541 = arith.constant 0 : index
    %swap3A_542 = tpu.vector_load %arg12[%swap3A_539, %swap3A_540, %swap3A_541] {strides = array<i32>} : memref<2x64x16xi32, #tpu.memory_space<vmem>>, vector<16xi32>,
    tpu.vector_store %arg12[%swap3A_539, %swap3A_540, %swap3A_541], %add3A_536 {strides = array<i32>} : memref<2x64x16xi32, #tpu.memory_space<vmem>>, vector<16xi32>,
    %get3A_543 = arith.constant 192 : index
    %get3A_544 = tpu.vector_load %arg8[%get3A_543] {strides = array<i32>} : memref<1024xi32, #tpu.memory_space<vmem>>, vector<16xi32>,
    %get3A_545 = arith.constant 192 : index
    %get3A_546 = tpu.vector_load %arg9[%get3A_545] {strides = array<i32>} : memref<1024xi32, #tpu.memory_space<vmem>>, vector<16xi32>,
    %and3A_547 = arith.constant 255 : i32
    %and3A_548 = vector.broadcast %and3A_547 : i32 to vector<16xi32>
    %and3A_549 = arith.andi %get3A_544, %and3A_548 : vector<16xi32>
    %gather3A_550 = tpu.vector_load_idx %arg11[%and3A_549] : memref<64xi32, #tpu.memory_space<vmem>>[vector<16xi32>], vector<16xi32>,
    %and3A_551 = arith.constant 32767 : i32
    %and3A_552 = vector.broadcast %and3A_551 : i32 to vector<16xi32>
    %and3A_553 = arith.andi %get3A_546, %and3A_552 : vector<16xi32>
    %add3A_554 = arith.addi %gather3A_550, %and3A_553 : vector<16xi32>
    %swap3A_555 = arith.constant 0 : i32
    %swap3A_556 = arith.constant 12 : i32
    %swap3A_557 = arith.index_cast %swap3A_555 : i32 to index
    %swap3A_558 = arith.index_cast %swap3A_556 : i32 to index
    %swap3A_559 = arith.constant 0 : index
    %swap3A_560 = tpu.vector_load %arg12[%swap3A_557, %swap3A_558, %swap3A_559] {strides = array<i32>} : memref<2x64x16xi32, #tpu.memory_space<vmem>>, vector<16xi32>,
    tpu.vector_store %arg12[%swap3A_557, %swap3A_558, %swap3A_559], %add3A_554 {strides = array<i32>} : memref<2x64x16xi32, #tpu.memory_space<vmem>>, vector<16xi32>,
    %shift_right_arithmetic3A_561 = arith.constant 8 : i32
    %shift_right_arithmetic3A_562 = vector.broadcast %shift_right_arithmetic3A_561 : i32 to vector<16xi32>
    %shift_right_arithmetic3A_563 = arith.shrsi %get3A_544, %shift_right_arithmetic3A_562 : vector<16xi32>
    %gather3A_564 = tpu.vector_load_idx %arg11[%shift_right_arithmetic3A_563] : memref<64xi32, #tpu.memory_space<vmem>>[vector<16xi32>], vector<16xi32>,
    %shift_right_arithmetic3A_565 = arith.constant 15 : i32
    %shift_right_arithmetic3A_566 = vector.broadcast %shift_right_arithmetic3A_565 : i32 to vector<16xi32>
    %shift_right_arithmetic3A_567 = arith.shrsi %get3A_546, %shift_right_arithmetic3A_566 : vector<16xi32>
    %add3A_568 = arith.addi %gather3A_564, %shift_right_arithmetic3A_567 : vector<16xi32>
    %swap3A_569 = arith.constant 1 : i32
    %swap3A_570 = arith.constant 12 : i32
    %swap3A_571 = arith.index_cast %swap3A_569 : i32 to index
    %swap3A_572 = arith.index_cast %swap3A_570 : i32 to index
    %swap3A_573 = arith.constant 0 : index
    %swap3A_574 = tpu.vector_load %arg12[%swap3A_571, %swap3A_572, %swap3A_573] {strides = array<i32>} : memref<2x64x16xi32, #tpu.memory_space<vmem>>, vector<16xi32>,
    tpu.vector_store %arg12[%swap3A_571, %swap3A_572, %swap3A_573], %add3A_568 {strides = array<i32>} : memref<2x64x16xi32, #tpu.memory_space<vmem>>, vector<16xi32>,
    %get3A_575 = arith.constant 208 : index
    %get3A_576 = tpu.vector_load %arg8[%get3A_575] {strides = array<i32>} : memref<1024xi32, #tpu.memory_space<vmem>>, vector<16xi32>,
    %get3A_577 = arith.constant 208 : index
    %get3A_578 = tpu.vector_load %arg9[%get3A_577] {strides = array<i32>} : memref<1024xi32, #tpu.memory_space<vmem>>, vector<16xi32>,
    %and3A_579 = arith.constant 255 : i32
    %and3A_580 = vector.broadcast %and3A_579 : i32 to vector<16xi32>
    %and3A_581 = arith.andi %get3A_576, %and3A_580 : vector<16xi32>
    %gather3A_582 = tpu.vector_load_idx %arg11[%and3A_581] : memref<64xi32, #tpu.memory_space<vmem>>[vector<16xi32>], vector<16xi32>,
    %and3A_583 = arith.constant 32767 : i32
    %and3A_584 = vector.broadcast %and3A_583 : i32 to vector<16xi32>
    %and3A_585 = arith.andi %get3A_578, %and3A_584 : vector<16xi32>
    %add3A_586 = arith.addi %gather3A_582, %and3A_585 : vector<16xi32>
    %swap3A_587 = arith.constant 0 : i32
    %swap3A_588 = arith.constant 13 : i32
    %swap3A_589 = arith.index_cast %swap3A_587 : i32 to index
    %swap3A_590 = arith.index_cast %swap3A_588 : i32 to index
    %swap3A_591 = arith.constant 0 : index
    %swap3A_592 = tpu.vector_load %arg12[%swap3A_589, %swap3A_590, %swap3A_591] {strides = array<i32>} : memref<2x64x16xi32, #tpu.memory_space<vmem>>, vector<16xi32>,
    tpu.vector_store %arg12[%swap3A_589, %swap3A_590, %swap3A_591], %add3A_586 {strides = array<i32>} : memref<2x64x16xi32, #tpu.memory_space<vmem>>, vector<16xi32>,
    %shift_right_arithmetic3A_593 = arith.constant 8 : i32
    %shift_right_arithmetic3A_594 = vector.broadcast %shift_right_arithmetic3A_593 : i32 to vector<16xi32>
    %shift_right_arithmetic3A_595 = arith.shrsi %get3A_576, %shift_right_arithmetic3A_594 : vector<16xi32>
    %gather3A_596 = tpu.vector_load_idx %arg11[%shift_right_arithmetic3A_595] : memref<64xi32, #tpu.memory_space<vmem>>[vector<16xi32>], vector<16xi32>,
    %shift_right_arithmetic3A_597 = arith.constant 15 : i32
    %shift_right_arithmetic3A_598 = vector.broadcast %shift_right_arithmetic3A_597 : i32 to vector<16xi32>
    %shift_right_arithmetic3A_599 = arith.shrsi %get3A_578, %shift_right_arithmetic3A_598 : vector<16xi32>
    %add3A_600 = arith.addi %gather3A_596, %shift_right_arithmetic3A_599 : vector<16xi32>
    %swap3A_601 = arith.constant 1 : i32
    %swap3A_602 = arith.constant 13 : i32
    %swap3A_603 = arith.index_cast %swap3A_601 : i32 to index
    %swap3A_604 = arith.index_cast %swap3A_602 : i32 to index
    %swap3A_605 = arith.constant 0 : index
    %swap3A_606 = tpu.vector_load %arg12[%swap3A_603, %swap3A_604, %swap3A_605] {strides = array<i32>} : memref<2x64x16xi32, #tpu.memory_space<vmem>>, vector<16xi32>,
    tpu.vector_store %arg12[%swap3A_603, %swap3A_604, %swap3A_605], %add3A_600 {strides = array<i32>} : memref<2x64x16xi32, #tpu.memory_space<vmem>>, vector<16xi32>,
    %get3A_607 = arith.constant 224 : index
    %get3A_608 = tpu.vector_load %arg8[%get3A_607] {strides = array<i32>} : memref<1024xi32, #tpu.memory_space<vmem>>, vector<16xi32>,
    %get3A_609 = arith.constant 224 : index
    %get3A_610 = tpu.vector_load %arg9[%get3A_609] {strides = array<i32>} : memref<1024xi32, #tpu.memory_space<vmem>>, vector<16xi32>,
    %and3A_611 = arith.constant 255 : i32
    %and3A_612 = vector.broadcast %and3A_611 : i32 to vector<16xi32>
    %and3A_613 = arith.andi %get3A_608, %and3A_612 : vector<16xi32>
    %gather3A_614 = tpu.vector_load_idx %arg11[%and3A_613] : memref<64xi32, #tpu.memory_space<vmem>>[vector<16xi32>], vector<16xi32>,
    %and3A_615 = arith.constant 32767 : i32
    %and3A_616 = vector.broadcast %and3A_615 : i32 to vector<16xi32>
    %and3A_617 = arith.andi %get3A_610, %and3A_616 : vector<16xi32>
    %add3A_618 = arith.addi %gather3A_614, %and3A_617 : vector<16xi32>
    %swap3A_619 = arith.constant 0 : i32
    %swap3A_620 = arith.constant 14 : i32
    %swap3A_621 = arith.index_cast %swap3A_619 : i32 to index
    %swap3A_622 = arith.index_cast %swap3A_620 : i32 to index
    %swap3A_623 = arith.constant 0 : index
    %swap3A_624 = tpu.vector_load %arg12[%swap3A_621, %swap3A_622, %swap3A_623] {strides = array<i32>} : memref<2x64x16xi32, #tpu.memory_space<vmem>>, vector<16xi32>,
    tpu.vector_store %arg12[%swap3A_621, %swap3A_622, %swap3A_623], %add3A_618 {strides = array<i32>} : memref<2x64x16xi32, #tpu.memory_space<vmem>>, vector<16xi32>,
    %shift_right_arithmetic3A_625 = arith.constant 8 : i32
    %shift_right_arithmetic3A_626 = vector.broadcast %shift_right_arithmetic3A_625 : i32 to vector<16xi32>
    %shift_right_arithmetic3A_627 = arith.shrsi %get3A_608, %shift_right_arithmetic3A_626 : vector<16xi32>
    %gather3A_628 = tpu.vector_load_idx %arg11[%shift_right_arithmetic3A_627] : memref<64xi32, #tpu.memory_space<vmem>>[vector<16xi32>], vector<16xi32>,
    %shift_right_arithmetic3A_629 = arith.constant 15 : i32
    %shift_right_arithmetic3A_630 = vector.broadcast %shift_right_arithmetic3A_629 : i32 to vector<16xi32>
    %shift_right_arithmetic3A_631 = arith.shrsi %get3A_610, %shift_right_arithmetic3A_630 : vector<16xi32>
    %add3A_632 = arith.addi %gather3A_628, %shift_right_arithmetic3A_631 : vector<16xi32>
    %swap3A_633 = arith.constant 1 : i32
    %swap3A_634 = arith.constant 14 : i32
    %swap3A_635 = arith.index_cast %swap3A_633 : i32 to index
    %swap3A_636 = arith.index_cast %swap3A_634 : i32 to index
    %swap3A_637 = arith.constant 0 : index
    %swap3A_638 = tpu.vector_load %arg12[%swap3A_635, %swap3A_636, %swap3A_637] {strides = array<i32>} : memref<2x64x16xi32, #tpu.memory_space<vmem>>, vector<16xi32>,
    tpu.vector_store %arg12[%swap3A_635, %swap3A_636, %swap3A_637], %add3A_632 {strides = array<i32>} : memref<2x64x16xi32, #tpu.memory_space<vmem>>, vector<16xi32>,
    %get3A_639 = arith.constant 240 : index
    %get3A_640 = tpu.vector_load %arg8[%get3A_639] {strides = array<i32>} : memref<1024xi32, #tpu.memory_space<vmem>>, vector<16xi32>,
    %get3A_641 = arith.constant 240 : index
    %get3A_642 = tpu.vector_load %arg9[%get3A_641] {strides = array<i32>} : memref<1024xi32, #tpu.memory_space<vmem>>, vector<16xi32>,
    %and3A_643 = arith.constant 255 : i32
    %and3A_644 = vector.broadcast %and3A_643 : i32 to vector<16xi32>
    %and3A_645 = arith.andi %get3A_640, %and3A_644 : vector<16xi32>
    %gather3A_646 = tpu.vector_load_idx %arg11[%and3A_645] : memref<64xi32, #tpu.memory_space<vmem>>[vector<16xi32>], vector<16xi32>,
    %and3A_647 = arith.constant 32767 : i32
    %and3A_648 = vector.broadcast %and3A_647 : i32 to vector<16xi32>
    %and3A_649 = arith.andi %get3A_642, %and3A_648 : vector<16xi32>
    %add3A_650 = arith.addi %gather3A_646, %and3A_649 : vector<16xi32>
    %swap3A_651 = arith.constant 0 : i32
    %swap3A_652 = arith.constant 15 : i32
    %swap3A_653 = arith.index_cast %swap3A_651 : i32 to index
    %swap3A_654 = arith.index_cast %swap3A_652 : i32 to index
    %swap3A_655 = arith.constant 0 : index
    %swap3A_656 = tpu.vector_load %arg12[%swap3A_653, %swap3A_654, %swap3A_655] {strides = array<i32>} : memref<2x64x16xi32, #tpu.memory_space<vmem>>, vector<16xi32>,
    tpu.vector_store %arg12[%swap3A_653, %swap3A_654, %swap3A_655], %add3A_650 {strides = array<i32>} : memref<2x64x16xi32, #tpu.memory_space<vmem>>, vector<16xi32>,
    %shift_right_arithmetic3A_657 = arith.constant 8 : i32
    %shift_right_arithmetic3A_658 = vector.broadcast %shift_right_arithmetic3A_657 : i32 to vector<16xi32>
    %shift_right_arithmetic3A_659 = arith.shrsi %get3A_640, %shift_right_arithmetic3A_658 : vector<16xi32>
    %gather3A_660 = tpu.vector_load_idx %arg11[%shift_right_arithmetic3A_659] : memref<64xi32, #tpu.memory_space<vmem>>[vector<16xi32>], vector<16xi32>,
    %shift_right_arithmetic3A_661 = arith.constant 15 : i32
    %shift_right_arithmetic3A_662 = vector.broadcast %shift_right_arithmetic3A_661 : i32 to vector<16xi32>
    %shift_right_arithmetic3A_663 = arith.shrsi %get3A_642, %shift_right_arithmetic3A_662 : vector<16xi32>
    %add3A_664 = arith.addi %gather3A_660, %shift_right_arithmetic3A_663 : vector<16xi32>
    %swap3A_665 = arith.constant 1 : i32
    %swap3A_666 = arith.constant 15 : i32
    %swap3A_667 = arith.index_cast %swap3A_665 : i32 to index
    %swap3A_668 = arith.index_cast %swap3A_666 : i32 to index
    %swap3A_669 = arith.constant 0 : index
    %swap3A_670 = tpu.vector_load %arg12[%swap3A_667, %swap3A_668, %swap3A_669] {strides = array<i32>} : memref<2x64x16xi32, #tpu.memory_space<vmem>>, vector<16xi32>,
    tpu.vector_store %arg12[%swap3A_667, %swap3A_668, %swap3A_669], %add3A_664 {strides = array<i32>} : memref<2x64x16xi32, #tpu.memory_space<vmem>>, vector<16xi32>,
    %get3A_671 = arith.constant 256 : index
    %get3A_672 = tpu.vector_load %arg8[%get3A_671] {strides = array<i32>} : memref<1024xi32, #tpu.memory_space<vmem>>, vector<16xi32>,
    %get3A_673 = arith.constant 256 : index
    %get3A_674 = tpu.vector_load %arg9[%get3A_673] {strides = array<i32>} : memref<1024xi32, #tpu.memory_space<vmem>>, vector<16xi32>,
    %and3A_675 = arith.constant 255 : i32
    %and3A_676 = vector.broadcast %and3A_675 : i32 to vector<16xi32>
    %and3A_677 = arith.andi %get3A_672, %and3A_676 : vector<16xi32>
    %gather3A_678 = tpu.vector_load_idx %arg11[%and3A_677] : memref<64xi32, #tpu.memory_space<vmem>>[vector<16xi32>], vector<16xi32>,
    %and3A_679 = arith.constant 32767 : i32
    %and3A_680 = vector.broadcast %and3A_679 : i32 to vector<16xi32>
    %and3A_681 = arith.andi %get3A_674, %and3A_680 : vector<16xi32>
    %add3A_682 = arith.addi %gather3A_678, %and3A_681 : vector<16xi32>
    %swap3A_683 = arith.constant 0 : i32
    %swap3A_684 = arith.constant 16 : i32
    %swap3A_685 = arith.index_cast %swap3A_683 : i32 to index
    %swap3A_686 = arith.index_cast %swap3A_684 : i32 to index
    %swap3A_687 = arith.constant 0 : index
    %swap3A_688 = tpu.vector_load %arg12[%swap3A_685, %swap3A_686, %swap3A_687] {strides = array<i32>} : memref<2x64x16xi32, #tpu.memory_space<vmem>>, vector<16xi32>,
    tpu.vector_store %arg12[%swap3A_685, %swap3A_686, %swap3A_687], %add3A_682 {strides = array<i32>} : memref<2x64x16xi32, #tpu.memory_space<vmem>>, vector<16xi32>,
    %shift_right_arithmetic3A_689 = arith.constant 8 : i32
    %shift_right_arithmetic3A_690 = vector.broadcast %shift_right_arithmetic3A_689 : i32 to vector<16xi32>
    %shift_right_arithmetic3A_691 = arith.shrsi %get3A_672, %shift_right_arithmetic3A_690 : vector<16xi32>
    %gather3A_692 = tpu.vector_load_idx %arg11[%shift_right_arithmetic3A_691] : memref<64xi32, #tpu.memory_space<vmem>>[vector<16xi32>], vector<16xi32>,
    %shift_right_arithmetic3A_693 = arith.constant 15 : i32
    %shift_right_arithmetic3A_694 = vector.broadcast %shift_right_arithmetic3A_693 : i32 to vector<16xi32>
    %shift_right_arithmetic3A_695 = arith.shrsi %get3A_674, %shift_right_arithmetic3A_694 : vector<16xi32>
    %add3A_696 = arith.addi %gather3A_692, %shift_right_arithmetic3A_695 : vector<16xi32>
    %swap3A_697 = arith.constant 1 : i32
    %swap3A_698 = arith.constant 16 : i32
    %swap3A_699 = arith.index_cast %swap3A_697 : i32 to index
    %swap3A_700 = arith.index_cast %swap3A_698 : i32 to index
    %swap3A_701 = arith.constant 0 : index
    %swap3A_702 = tpu.vector_load %arg12[%swap3A_699, %swap3A_700, %swap3A_701] {strides = array<i32>} : memref<2x64x16xi32, #tpu.memory_space<vmem>>, vector<16xi32>,
    tpu.vector_store %arg12[%swap3A_699, %swap3A_700, %swap3A_701], %add3A_696 {strides = array<i32>} : memref<2x64x16xi32, #tpu.memory_space<vmem>>, vector<16xi32>,
    %get3A_703 = arith.constant 272 : index
    %get3A_704 = tpu.vector_load %arg8[%get3A_703] {strides = array<i32>} : memref<1024xi32, #tpu.memory_space<vmem>>, vector<16xi32>,
    %get3A_705 = arith.constant 272 : index
    %get3A_706 = tpu.vector_load %arg9[%get3A_705] {strides = array<i32>} : memref<1024xi32, #tpu.memory_space<vmem>>, vector<16xi32>,
    %and3A_707 = arith.constant 255 : i32
    %and3A_708 = vector.broadcast %and3A_707 : i32 to vector<16xi32>
    %and3A_709 = arith.andi %get3A_704, %and3A_708 : vector<16xi32>
    %gather3A_710 = tpu.vector_load_idx %arg11[%and3A_709] : memref<64xi32, #tpu.memory_space<vmem>>[vector<16xi32>], vector<16xi32>,
    %and3A_711 = arith.constant 32767 : i32
    %and3A_712 = vector.broadcast %and3A_711 : i32 to vector<16xi32>
    %and3A_713 = arith.andi %get3A_706, %and3A_712 : vector<16xi32>
    %add3A_714 = arith.addi %gather3A_710, %and3A_713 : vector<16xi32>
    %swap3A_715 = arith.constant 0 : i32
    %swap3A_716 = arith.constant 17 : i32
    %swap3A_717 = arith.index_cast %swap3A_715 : i32 to index
    %swap3A_718 = arith.index_cast %swap3A_716 : i32 to index
    %swap3A_719 = arith.constant 0 : index
    %swap3A_720 = tpu.vector_load %arg12[%swap3A_717, %swap3A_718, %swap3A_719] {strides = array<i32>} : memref<2x64x16xi32, #tpu.memory_space<vmem>>, vector<16xi32>,
    tpu.vector_store %arg12[%swap3A_717, %swap3A_718, %swap3A_719], %add3A_714 {strides = array<i32>} : memref<2x64x16xi32, #tpu.memory_space<vmem>>, vector<16xi32>,
    %shift_right_arithmetic3A_721 = arith.constant 8 : i32
    %shift_right_arithmetic3A_722 = vector.broadcast %shift_right_arithmetic3A_721 : i32 to vector<16xi32>
    %shift_right_arithmetic3A_723 = arith.shrsi %get3A_704, %shift_right_arithmetic3A_722 : vector<16xi32>
    %gather3A_724 = tpu.vector_load_idx %arg11[%shift_right_arithmetic3A_723] : memref<64xi32, #tpu.memory_space<vmem>>[vector<16xi32>], vector<16xi32>,
    %shift_right_arithmetic3A_725 = arith.constant 15 : i32
    %shift_right_arithmetic3A_726 = vector.broadcast %shift_right_arithmetic3A_725 : i32 to vector<16xi32>
    %shift_right_arithmetic3A_727 = arith.shrsi %get3A_706, %shift_right_arithmetic3A_726 : vector<16xi32>
    %add3A_728 = arith.addi %gather3A_724, %shift_right_arithmetic3A_727 : vector<16xi32>
    %swap3A_729 = arith.constant 1 : i32
    %swap3A_730 = arith.constant 17 : i32
    %swap3A_731 = arith.index_cast %swap3A_729 : i32 to index
    %swap3A_732 = arith.index_cast %swap3A_730 : i32 to index
    %swap3A_733 = arith.constant 0 : index
    %swap3A_734 = tpu.vector_load %arg12[%swap3A_731, %swap3A_732, %swap3A_733] {strides = array<i32>} : memref<2x64x16xi32, #tpu.memory_space<vmem>>, vector<16xi32>,
    tpu.vector_store %arg12[%swap3A_731, %swap3A_732, %swap3A_733], %add3A_728 {strides = array<i32>} : memref<2x64x16xi32, #tpu.memory_space<vmem>>, vector<16xi32>,
    %get3A_735 = arith.constant 288 : index
    %get3A_736 = tpu.vector_load %arg8[%get3A_735] {strides = array<i32>} : memref<1024xi32, #tpu.memory_space<vmem>>, vector<16xi32>,
    %get3A_737 = arith.constant 288 : index
    %get3A_738 = tpu.vector_load %arg9[%get3A_737] {strides = array<i32>} : memref<1024xi32, #tpu.memory_space<vmem>>, vector<16xi32>,
    %and3A_739 = arith.constant 255 : i32
    %and3A_740 = vector.broadcast %and3A_739 : i32 to vector<16xi32>
    %and3A_741 = arith.andi %get3A_736, %and3A_740 : vector<16xi32>
    %gather3A_742 = tpu.vector_load_idx %arg11[%and3A_741] : memref<64xi32, #tpu.memory_space<vmem>>[vector<16xi32>], vector<16xi32>,
    %and3A_743 = arith.constant 32767 : i32
    %and3A_744 = vector.broadcast %and3A_743 : i32 to vector<16xi32>
    %and3A_745 = arith.andi %get3A_738, %and3A_744 : vector<16xi32>
    %add3A_746 = arith.addi %gather3A_742, %and3A_745 : vector<16xi32>
    %swap3A_747 = arith.constant 0 : i32
    %swap3A_748 = arith.constant 18 : i32
    %swap3A_749 = arith.index_cast %swap3A_747 : i32 to index
    %swap3A_750 = arith.index_cast %swap3A_748 : i32 to index
    %swap3A_751 = arith.constant 0 : index
    %swap3A_752 = tpu.vector_load %arg12[%swap3A_749, %swap3A_750, %swap3A_751] {strides = array<i32>} : memref<2x64x16xi32, #tpu.memory_space<vmem>>, vector<16xi32>,
    tpu.vector_store %arg12[%swap3A_749, %swap3A_750, %swap3A_751], %add3A_746 {strides = array<i32>} : memref<2x64x16xi32, #tpu.memory_space<vmem>>, vector<16xi32>,
    %shift_right_arithmetic3A_753 = arith.constant 8 : i32
    %shift_right_arithmetic3A_754 = vector.broadcast %shift_right_arithmetic3A_753 : i32 to vector<16xi32>
    %shift_right_arithmetic3A_755 = arith.shrsi %get3A_736, %shift_right_arithmetic3A_754 : vector<16xi32>
    %gather3A_756 = tpu.vector_load_idx %arg11[%shift_right_arithmetic3A_755] : memref<64xi32, #tpu.memory_space<vmem>>[vector<16xi32>], vector<16xi32>,
    %shift_right_arithmetic3A_757 = arith.constant 15 : i32
    %shift_right_arithmetic3A_758 = vector.broadcast %shift_right_arithmetic3A_757 : i32 to vector<16xi32>
    %shift_right_arithmetic3A_759 = arith.shrsi %get3A_738, %shift_right_arithmetic3A_758 : vector<16xi32>
    %add3A_760 = arith.addi %gather3A_756, %shift_right_arithmetic3A_759 : vector<16xi32>
    %swap3A_761 = arith.constant 1 : i32
    %swap3A_762 = arith.constant 18 : i32
    %swap3A_763 = arith.index_cast %swap3A_761 : i32 to index
    %swap3A_764 = arith.index_cast %swap3A_762 : i32 to index
    %swap3A_765 = arith.constant 0 : index
    %swap3A_766 = tpu.vector_load %arg12[%swap3A_763, %swap3A_764, %swap3A_765] {strides = array<i32>} : memref<2x64x16xi32, #tpu.memory_space<vmem>>, vector<16xi32>,
    tpu.vector_store %arg12[%swap3A_763, %swap3A_764, %swap3A_765], %add3A_760 {strides = array<i32>} : memref<2x64x16xi32, #tpu.memory_space<vmem>>, vector<16xi32>,
    %get3A_767 = arith.constant 304 : index
    %get3A_768 = tpu.vector_load %arg8[%get3A_767] {strides = array<i32>} : memref<1024xi32, #tpu.memory_space<vmem>>, vector<16xi32>,
    %get3A_769 = arith.constant 304 : index
    %get3A_770 = tpu.vector_load %arg9[%get3A_769] {strides = array<i32>} : memref<1024xi32, #tpu.memory_space<vmem>>, vector<16xi32>,
    %and3A_771 = arith.constant 255 : i32
    %and3A_772 = vector.broadcast %and3A_771 : i32 to vector<16xi32>
    %and3A_773 = arith.andi %get3A_768, %and3A_772 : vector<16xi32>
    %gather3A_774 = tpu.vector_load_idx %arg11[%and3A_773] : memref<64xi32, #tpu.memory_space<vmem>>[vector<16xi32>], vector<16xi32>,
    %and3A_775 = arith.constant 32767 : i32
    %and3A_776 = vector.broadcast %and3A_775 : i32 to vector<16xi32>
    %and3A_777 = arith.andi %get3A_770, %and3A_776 : vector<16xi32>
    %add3A_778 = arith.addi %gather3A_774, %and3A_777 : vector<16xi32>
    %swap3A_779 = arith.constant 0 : i32
    %swap3A_780 = arith.constant 19 : i32
    %swap3A_781 = arith.index_cast %swap3A_779 : i32 to index
    %swap3A_782 = arith.index_cast %swap3A_780 : i32 to index
    %swap3A_783 = arith.constant 0 : index
    %swap3A_784 = tpu.vector_load %arg12[%swap3A_781, %swap3A_782, %swap3A_783] {strides = array<i32>} : memref<2x64x16xi32, #tpu.memory_space<vmem>>, vector<16xi32>,
    tpu.vector_store %arg12[%swap3A_781, %swap3A_782, %swap3A_783], %add3A_778 {strides = array<i32>} : memref<2x64x16xi32, #tpu.memory_space<vmem>>, vector<16xi32>,
    %shift_right_arithmetic3A_785 = arith.constant 8 : i32
    %shift_right_arithmetic3A_786 = vector.broadcast %shift_right_arithmetic3A_785 : i32 to vector<16xi32>
    %shift_right_arithmetic3A_787 = arith.shrsi %get3A_768, %shift_right_arithmetic3A_786 : vector<16xi32>
    %gather3A_788 = tpu.vector_load_idx %arg11[%shift_right_arithmetic3A_787] : memref<64xi32, #tpu.memory_space<vmem>>[vector<16xi32>], vector<16xi32>,
    %shift_right_arithmetic3A_789 = arith.constant 15 : i32
    %shift_right_arithmetic3A_790 = vector.broadcast %shift_right_arithmetic3A_789 : i32 to vector<16xi32>
    %shift_right_arithmetic3A_791 = arith.shrsi %get3A_770, %shift_right_arithmetic3A_790 : vector<16xi32>
    %add3A_792 = arith.addi %gather3A_788, %shift_right_arithmetic3A_791 : vector<16xi32>
    %swap3A_793 = arith.constant 1 : i32
    %swap3A_794 = arith.constant 19 : i32
    %swap3A_795 = arith.index_cast %swap3A_793 : i32 to index
    %swap3A_796 = arith.index_cast %swap3A_794 : i32 to index
    %swap3A_797 = arith.constant 0 : index
    %swap3A_798 = tpu.vector_load %arg12[%swap3A_795, %swap3A_796, %swap3A_797] {strides = array<i32>} : memref<2x64x16xi32, #tpu.memory_space<vmem>>, vector<16xi32>,
    tpu.vector_store %arg12[%swap3A_795, %swap3A_796, %swap3A_797], %add3A_792 {strides = array<i32>} : memref<2x64x16xi32, #tpu.memory_space<vmem>>, vector<16xi32>,
    %get3A_799 = arith.constant 320 : index
    %get3A_800 = tpu.vector_load %arg8[%get3A_799] {strides = array<i32>} : memref<1024xi32, #tpu.memory_space<vmem>>, vector<16xi32>,
    %get3A_801 = arith.constant 320 : index
    %get3A_802 = tpu.vector_load %arg9[%get3A_801] {strides = array<i32>} : memref<1024xi32, #tpu.memory_space<vmem>>, vector<16xi32>,
    %and3A_803 = arith.constant 255 : i32
    %and3A_804 = vector.broadcast %and3A_803 : i32 to vector<16xi32>
    %and3A_805 = arith.andi %get3A_800, %and3A_804 : vector<16xi32>
    %gather3A_806 = tpu.vector_load_idx %arg11[%and3A_805] : memref<64xi32, #tpu.memory_space<vmem>>[vector<16xi32>], vector<16xi32>,
    %and3A_807 = arith.constant 32767 : i32
    %and3A_808 = vector.broadcast %and3A_807 : i32 to vector<16xi32>
    %and3A_809 = arith.andi %get3A_802, %and3A_808 : vector<16xi32>
    %add3A_810 = arith.addi %gather3A_806, %and3A_809 : vector<16xi32>
    %swap3A_811 = arith.constant 0 : i32
    %swap3A_812 = arith.constant 20 : i32
    %swap3A_813 = arith.index_cast %swap3A_811 : i32 to index
    %swap3A_814 = arith.index_cast %swap3A_812 : i32 to index
    %swap3A_815 = arith.constant 0 : index
    %swap3A_816 = tpu.vector_load %arg12[%swap3A_813, %swap3A_814, %swap3A_815] {strides = array<i32>} : memref<2x64x16xi32, #tpu.memory_space<vmem>>, vector<16xi32>,
    tpu.vector_store %arg12[%swap3A_813, %swap3A_814, %swap3A_815], %add3A_810 {strides = array<i32>} : memref<2x64x16xi32, #tpu.memory_space<vmem>>, vector<16xi32>,
    %shift_right_arithmetic3A_817 = arith.constant 8 : i32
    %shift_right_arithmetic3A_818 = vector.broadcast %shift_right_arithmetic3A_817 : i32 to vector<16xi32>
    %shift_right_arithmetic3A_819 = arith.shrsi %get3A_800, %shift_right_arithmetic3A_818 : vector<16xi32>
    %gather3A_820 = tpu.vector_load_idx %arg11[%shift_right_arithmetic3A_819] : memref<64xi32, #tpu.memory_space<vmem>>[vector<16xi32>], vector<16xi32>,
    %shift_right_arithmetic3A_821 = arith.constant 15 : i32
    %shift_right_arithmetic3A_822 = vector.broadcast %shift_right_arithmetic3A_821 : i32 to vector<16xi32>
    %shift_right_arithmetic3A_823 = arith.shrsi %get3A_802, %shift_right_arithmetic3A_822 : vector<16xi32>
    %add3A_824 = arith.addi %gather3A_820, %shift_right_arithmetic3A_823 : vector<16xi32>
    %swap3A_825 = arith.constant 1 : i32
    %swap3A_826 = arith.constant 20 : i32
    %swap3A_827 = arith.index_cast %swap3A_825 : i32 to index
    %swap3A_828 = arith.index_cast %swap3A_826 : i32 to index
    %swap3A_829 = arith.constant 0 : index
    %swap3A_830 = tpu.vector_load %arg12[%swap3A_827, %swap3A_828, %swap3A_829] {strides = array<i32>} : memref<2x64x16xi32, #tpu.memory_space<vmem>>, vector<16xi32>,
    tpu.vector_store %arg12[%swap3A_827, %swap3A_828, %swap3A_829], %add3A_824 {strides = array<i32>} : memref<2x64x16xi32, #tpu.memory_space<vmem>>, vector<16xi32>,
    %get3A_831 = arith.constant 336 : index
    %get3A_832 = tpu.vector_load %arg8[%get3A_831] {strides = array<i32>} : memref<1024xi32, #tpu.memory_space<vmem>>, vector<16xi32>,
    %get3A_833 = arith.constant 336 : index
    %get3A_834 = tpu.vector_load %arg9[%get3A_833] {strides = array<i32>} : memref<1024xi32, #tpu.memory_space<vmem>>, vector<16xi32>,
    %and3A_835 = arith.constant 255 : i32
    %and3A_836 = vector.broadcast %and3A_835 : i32 to vector<16xi32>
    %and3A_837 = arith.andi %get3A_832, %and3A_836 : vector<16xi32>
    %gather3A_838 = tpu.vector_load_idx %arg11[%and3A_837] : memref<64xi32, #tpu.memory_space<vmem>>[vector<16xi32>], vector<16xi32>,
    %and3A_839 = arith.constant 32767 : i32
    %and3A_840 = vector.broadcast %and3A_839 : i32 to vector<16xi32>
    %and3A_841 = arith.andi %get3A_834, %and3A_840 : vector<16xi32>
    %add3A_842 = arith.addi %gather3A_838, %and3A_841 : vector<16xi32>
    %swap3A_843 = arith.constant 0 : i32
    %swap3A_844 = arith.constant 21 : i32
    %swap3A_845 = arith.index_cast %swap3A_843 : i32 to index
    %swap3A_846 = arith.index_cast %swap3A_844 : i32 to index
    %swap3A_847 = arith.constant 0 : index
    %swap3A_848 = tpu.vector_load %arg12[%swap3A_845, %swap3A_846, %swap3A_847] {strides = array<i32>} : memref<2x64x16xi32, #tpu.memory_space<vmem>>, vector<16xi32>,
    tpu.vector_store %arg12[%swap3A_845, %swap3A_846, %swap3A_847], %add3A_842 {strides = array<i32>} : memref<2x64x16xi32, #tpu.memory_space<vmem>>, vector<16xi32>,
    %shift_right_arithmetic3A_849 = arith.constant 8 : i32
    %shift_right_arithmetic3A_850 = vector.broadcast %shift_right_arithmetic3A_849 : i32 to vector<16xi32>
    %shift_right_arithmetic3A_851 = arith.shrsi %get3A_832, %shift_right_arithmetic3A_850 : vector<16xi32>
    %gather3A_852 = tpu.vector_load_idx %arg11[%shift_right_arithmetic3A_851] : memref<64xi32, #tpu.memory_space<vmem>>[vector<16xi32>], vector<16xi32>,
    %shift_right_arithmetic3A_853 = arith.constant 15 : i32
    %shift_right_arithmetic3A_854 = vector.broadcast %shift_right_arithmetic3A_853 : i32 to vector<16xi32>
    %shift_right_arithmetic3A_855 = arith.shrsi %get3A_834, %shift_right_arithmetic3A_854 : vector<16xi32>
    %add3A_856 = arith.addi %gather3A_852, %shift_right_arithmetic3A_855 : vector<16xi32>
    %swap3A_857 = arith.constant 1 : i32
    %swap3A_858 = arith.constant 21 : i32
    %swap3A_859 = arith.index_cast %swap3A_857 : i32 to index
    %swap3A_860 = arith.index_cast %swap3A_858 : i32 to index
    %swap3A_861 = arith.constant 0 : index
    %swap3A_862 = tpu.vector_load %arg12[%swap3A_859, %swap3A_860, %swap3A_861] {strides = array<i32>} : memref<2x64x16xi32, #tpu.memory_space<vmem>>, vector<16xi32>,
    tpu.vector_store %arg12[%swap3A_859, %swap3A_860, %swap3A_861], %add3A_856 {strides = array<i32>} : memref<2x64x16xi32, #tpu.memory_space<vmem>>, vector<16xi32>,
    %get3A_863 = arith.constant 352 : index
    %get3A_864 = tpu.vector_load %arg8[%get3A_863] {strides = array<i32>} : memref<1024xi32, #tpu.memory_space<vmem>>, vector<16xi32>,
    %get3A_865 = arith.constant 352 : index
    %get3A_866 = tpu.vector_load %arg9[%get3A_865] {strides = array<i32>} : memref<1024xi32, #tpu.memory_space<vmem>>, vector<16xi32>,
    %and3A_867 = arith.constant 255 : i32
    %and3A_868 = vector.broadcast %and3A_867 : i32 to vector<16xi32>
    %and3A_869 = arith.andi %get3A_864, %and3A_868 : vector<16xi32>
    %gather3A_870 = tpu.vector_load_idx %arg11[%and3A_869] : memref<64xi32, #tpu.memory_space<vmem>>[vector<16xi32>], vector<16xi32>,
    %and3A_871 = arith.constant 32767 : i32
    %and3A_872 = vector.broadcast %and3A_871 : i32 to vector<16xi32>
    %and3A_873 = arith.andi %get3A_866, %and3A_872 : vector<16xi32>
    %add3A_874 = arith.addi %gather3A_870, %and3A_873 : vector<16xi32>
    %swap3A_875 = arith.constant 0 : i32
    %swap3A_876 = arith.constant 22 : i32
    %swap3A_877 = arith.index_cast %swap3A_875 : i32 to index
    %swap3A_878 = arith.index_cast %swap3A_876 : i32 to index
    %swap3A_879 = arith.constant 0 : index
    %swap3A_880 = tpu.vector_load %arg12[%swap3A_877, %swap3A_878, %swap3A_879] {strides = array<i32>} : memref<2x64x16xi32, #tpu.memory_space<vmem>>, vector<16xi32>,
    tpu.vector_store %arg12[%swap3A_877, %swap3A_878, %swap3A_879], %add3A_874 {strides = array<i32>} : memref<2x64x16xi32, #tpu.memory_space<vmem>>, vector<16xi32>,
    %shift_right_arithmetic3A_881 = arith.constant 8 : i32
    %shift_right_arithmetic3A_882 = vector.broadcast %shift_right_arithmetic3A_881 : i32 to vector<16xi32>
    %shift_right_arithmetic3A_883 = arith.shrsi %get3A_864, %shift_right_arithmetic3A_882 : vector<16xi32>
    %gather3A_884 = tpu.vector_load_idx %arg11[%shift_right_arithmetic3A_883] : memref<64xi32, #tpu.memory_space<vmem>>[vector<16xi32>], vector<16xi32>,
    %shift_right_arithmetic3A_885 = arith.constant 15 : i32
    %shift_right_arithmetic3A_886 = vector.broadcast %shift_right_arithmetic3A_885 : i32 to vector<16xi32>
    %shift_right_arithmetic3A_887 = arith.shrsi %get3A_866, %shift_right_arithmetic3A_886 : vector<16xi32>
    %add3A_888 = arith.addi %gather3A_884, %shift_right_arithmetic3A_887 : vector<16xi32>
    %swap3A_889 = arith.constant 1 : i32
    %swap3A_890 = arith.constant 22 : i32
    %swap3A_891 = arith.index_cast %swap3A_889 : i32 to index
    %swap3A_892 = arith.index_cast %swap3A_890 : i32 to index
    %swap3A_893 = arith.constant 0 : index
    %swap3A_894 = tpu.vector_load %arg12[%swap3A_891, %swap3A_892, %swap3A_893] {strides = array<i32>} : memref<2x64x16xi32, #tpu.memory_space<vmem>>, vector<16xi32>,
    tpu.vector_store %arg12[%swap3A_891, %swap3A_892, %swap3A_893], %add3A_888 {strides = array<i32>} : memref<2x64x16xi32, #tpu.memory_space<vmem>>, vector<16xi32>,
    %get3A_895 = arith.constant 368 : index
    %get3A_896 = tpu.vector_load %arg8[%get3A_895] {strides = array<i32>} : memref<1024xi32, #tpu.memory_space<vmem>>, vector<16xi32>,
    %get3A_897 = arith.constant 368 : index
    %get3A_898 = tpu.vector_load %arg9[%get3A_897] {strides = array<i32>} : memref<1024xi32, #tpu.memory_space<vmem>>, vector<16xi32>,
    %and3A_899 = arith.constant 255 : i32
    %and3A_900 = vector.broadcast %and3A_899 : i32 to vector<16xi32>
    %and3A_901 = arith.andi %get3A_896, %and3A_900 : vector<16xi32>
    %gather3A_902 = tpu.vector_load_idx %arg11[%and3A_901] : memref<64xi32, #tpu.memory_space<vmem>>[vector<16xi32>], vector<16xi32>,
    %and3A_903 = arith.constant 32767 : i32
    %and3A_904 = vector.broadcast %and3A_903 : i32 to vector<16xi32>
    %and3A_905 = arith.andi %get3A_898, %and3A_904 : vector<16xi32>
    %add3A_906 = arith.addi %gather3A_902, %and3A_905 : vector<16xi32>
    %swap3A_907 = arith.constant 0 : i32
    %swap3A_908 = arith.constant 23 : i32
    %swap3A_909 = arith.index_cast %swap3A_907 : i32 to index
    %swap3A_910 = arith.index_cast %swap3A_908 : i32 to index
    %swap3A_911 = arith.constant 0 : index
    %swap3A_912 = tpu.vector_load %arg12[%swap3A_909, %swap3A_910, %swap3A_911] {strides = array<i32>} : memref<2x64x16xi32, #tpu.memory_space<vmem>>, vector<16xi32>,
    tpu.vector_store %arg12[%swap3A_909, %swap3A_910, %swap3A_911], %add3A_906 {strides = array<i32>} : memref<2x64x16xi32, #tpu.memory_space<vmem>>, vector<16xi32>,
    %shift_right_arithmetic3A_913 = arith.constant 8 : i32
    %shift_right_arithmetic3A_914 = vector.broadcast %shift_right_arithmetic3A_913 : i32 to vector<16xi32>
    %shift_right_arithmetic3A_915 = arith.shrsi %get3A_896, %shift_right_arithmetic3A_914 : vector<16xi32>
    %gather3A_916 = tpu.vector_load_idx %arg11[%shift_right_arithmetic3A_915] : memref<64xi32, #tpu.memory_space<vmem>>[vector<16xi32>], vector<16xi32>,
    %shift_right_arithmetic3A_917 = arith.constant 15 : i32
    %shift_right_arithmetic3A_918 = vector.broadcast %shift_right_arithmetic3A_917 : i32 to vector<16xi32>
    %shift_right_arithmetic3A_919 = arith.shrsi %get3A_898, %shift_right_arithmetic3A_918 : vector<16xi32>
    %add3A_920 = arith.addi %gather3A_916, %shift_right_arithmetic3A_919 : vector<16xi32>
    %swap3A_921 = arith.constant 1 : i32
    %swap3A_922 = arith.constant 23 : i32
    %swap3A_923 = arith.index_cast %swap3A_921 : i32 to index
    %swap3A_924 = arith.index_cast %swap3A_922 : i32 to index
    %swap3A_925 = arith.constant 0 : index
    %swap3A_926 = tpu.vector_load %arg12[%swap3A_923, %swap3A_924, %swap3A_925] {strides = array<i32>} : memref<2x64x16xi32, #tpu.memory_space<vmem>>, vector<16xi32>,
    tpu.vector_store %arg12[%swap3A_923, %swap3A_924, %swap3A_925], %add3A_920 {strides = array<i32>} : memref<2x64x16xi32, #tpu.memory_space<vmem>>, vector<16xi32>,
    %get3A_927 = arith.constant 384 : index
    %get3A_928 = tpu.vector_load %arg8[%get3A_927] {strides = array<i32>} : memref<1024xi32, #tpu.memory_space<vmem>>, vector<16xi32>,
    %get3A_929 = arith.constant 384 : index
    %get3A_930 = tpu.vector_load %arg9[%get3A_929] {strides = array<i32>} : memref<1024xi32, #tpu.memory_space<vmem>>, vector<16xi32>,
    %and3A_931 = arith.constant 255 : i32
    %and3A_932 = vector.broadcast %and3A_931 : i32 to vector<16xi32>
    %and3A_933 = arith.andi %get3A_928, %and3A_932 : vector<16xi32>
    %gather3A_934 = tpu.vector_load_idx %arg11[%and3A_933] : memref<64xi32, #tpu.memory_space<vmem>>[vector<16xi32>], vector<16xi32>,
    %and3A_935 = arith.constant 32767 : i32
    %and3A_936 = vector.broadcast %and3A_935 : i32 to vector<16xi32>
    %and3A_937 = arith.andi %get3A_930, %and3A_936 : vector<16xi32>
    %add3A_938 = arith.addi %gather3A_934, %and3A_937 : vector<16xi32>
    %swap3A_939 = arith.constant 0 : i32
    %swap3A_940 = arith.constant 24 : i32
    %swap3A_941 = arith.index_cast %swap3A_939 : i32 to index
    %swap3A_942 = arith.index_cast %swap3A_940 : i32 to index
    %swap3A_943 = arith.constant 0 : index
    %swap3A_944 = tpu.vector_load %arg12[%swap3A_941, %swap3A_942, %swap3A_943] {strides = array<i32>} : memref<2x64x16xi32, #tpu.memory_space<vmem>>, vector<16xi32>,
    tpu.vector_store %arg12[%swap3A_941, %swap3A_942, %swap3A_943], %add3A_938 {strides = array<i32>} : memref<2x64x16xi32, #tpu.memory_space<vmem>>, vector<16xi32>,
    %shift_right_arithmetic3A_945 = arith.constant 8 : i32
    %shift_right_arithmetic3A_946 = vector.broadcast %shift_right_arithmetic3A_945 : i32 to vector<16xi32>
    %shift_right_arithmetic3A_947 = arith.shrsi %get3A_928, %shift_right_arithmetic3A_946 : vector<16xi32>
    %gather3A_948 = tpu.vector_load_idx %arg11[%shift_right_arithmetic3A_947] : memref<64xi32, #tpu.memory_space<vmem>>[vector<16xi32>], vector<16xi32>,
    %shift_right_arithmetic3A_949 = arith.constant 15 : i32
    %shift_right_arithmetic3A_950 = vector.broadcast %shift_right_arithmetic3A_949 : i32 to vector<16xi32>
    %shift_right_arithmetic3A_951 = arith.shrsi %get3A_930, %shift_right_arithmetic3A_950 : vector<16xi32>
    %add3A_952 = arith.addi %gather3A_948, %shift_right_arithmetic3A_951 : vector<16xi32>
    %swap3A_953 = arith.constant 1 : i32
    %swap3A_954 = arith.constant 24 : i32
    %swap3A_955 = arith.index_cast %swap3A_953 : i32 to index
    %swap3A_956 = arith.index_cast %swap3A_954 : i32 to index
    %swap3A_957 = arith.constant 0 : index
    %swap3A_958 = tpu.vector_load %arg12[%swap3A_955, %swap3A_956, %swap3A_957] {strides = array<i32>} : memref<2x64x16xi32, #tpu.memory_space<vmem>>, vector<16xi32>,
    tpu.vector_store %arg12[%swap3A_955, %swap3A_956, %swap3A_957], %add3A_952 {strides = array<i32>} : memref<2x64x16xi32, #tpu.memory_space<vmem>>, vector<16xi32>,
    %get3A_959 = arith.constant 400 : index
    %get3A_960 = tpu.vector_load %arg8[%get3A_959] {strides = array<i32>} : memref<1024xi32, #tpu.memory_space<vmem>>, vector<16xi32>,
    %get3A_961 = arith.constant 400 : index
    %get3A_962 = tpu.vector_load %arg9[%get3A_961] {strides = array<i32>} : memref<1024xi32, #tpu.memory_space<vmem>>, vector<16xi32>,
    %and3A_963 = arith.constant 255 : i32
    %and3A_964 = vector.broadcast %and3A_963 : i32 to vector<16xi32>
    %and3A_965 = arith.andi %get3A_960, %and3A_964 : vector<16xi32>
    %gather3A_966 = tpu.vector_load_idx %arg11[%and3A_965] : memref<64xi32, #tpu.memory_space<vmem>>[vector<16xi32>], vector<16xi32>,
    %and3A_967 = arith.constant 32767 : i32
    %and3A_968 = vector.broadcast %and3A_967 : i32 to vector<16xi32>
    %and3A_969 = arith.andi %get3A_962, %and3A_968 : vector<16xi32>
    %add3A_970 = arith.addi %gather3A_966, %and3A_969 : vector<16xi32>
    %swap3A_971 = arith.constant 0 : i32
    %swap3A_972 = arith.constant 25 : i32
    %swap3A_973 = arith.index_cast %swap3A_971 : i32 to index
    %swap3A_974 = arith.index_cast %swap3A_972 : i32 to index
    %swap3A_975 = arith.constant 0 : index
    %swap3A_976 = tpu.vector_load %arg12[%swap3A_973, %swap3A_974, %swap3A_975] {strides = array<i32>} : memref<2x64x16xi32, #tpu.memory_space<vmem>>, vector<16xi32>,
    tpu.vector_store %arg12[%swap3A_973, %swap3A_974, %swap3A_975], %add3A_970 {strides = array<i32>} : memref<2x64x16xi32, #tpu.memory_space<vmem>>, vector<16xi32>,
    %shift_right_arithmetic3A_977 = arith.constant 8 : i32
    %shift_right_arithmetic3A_978 = vector.broadcast %shift_right_arithmetic3A_977 : i32 to vector<16xi32>
    %shift_right_arithmetic3A_979 = arith.shrsi %get3A_960, %shift_right_arithmetic3A_978 : vector<16xi32>
    %gather3A_980 = tpu.vector_load_idx %arg11[%shift_right_arithmetic3A_979] : memref<64xi32, #tpu.memory_space<vmem>>[vector<16xi32>], vector<16xi32>,
    %shift_right_arithmetic3A_981 = arith.constant 15 : i32
    %shift_right_arithmetic3A_982 = vector.broadcast %shift_right_arithmetic3A_981 : i32 to vector<16xi32>
    %shift_right_arithmetic3A_983 = arith.shrsi %get3A_962, %shift_right_arithmetic3A_982 : vector<16xi32>
    %add3A_984 = arith.addi %gather3A_980, %shift_right_arithmetic3A_983 : vector<16xi32>
    %swap3A_985 = arith.constant 1 : i32
    %swap3A_986 = arith.constant 25 : i32
    %swap3A_987 = arith.index_cast %swap3A_985 : i32 to index
    %swap3A_988 = arith.index_cast %swap3A_986 : i32 to index
    %swap3A_989 = arith.constant 0 : index
    %swap3A_990 = tpu.vector_load %arg12[%swap3A_987, %swap3A_988, %swap3A_989] {strides = array<i32>} : memref<2x64x16xi32, #tpu.memory_space<vmem>>, vector<16xi32>,
    tpu.vector_store %arg12[%swap3A_987, %swap3A_988, %swap3A_989], %add3A_984 {strides = array<i32>} : memref<2x64x16xi32, #tpu.memory_space<vmem>>, vector<16xi32>,
    %get3A_991 = arith.constant 416 : index
    %get3A_992 = tpu.vector_load %arg8[%get3A_991] {strides = array<i32>} : memref<1024xi32, #tpu.memory_space<vmem>>, vector<16xi32>,
    %get3A_993 = arith.constant 416 : index
    %get3A_994 = tpu.vector_load %arg9[%get3A_993] {strides = array<i32>} : memref<1024xi32, #tpu.memory_space<vmem>>, vector<16xi32>,
    %and3A_995 = arith.constant 255 : i32
    %and3A_996 = vector.broadcast %and3A_995 : i32 to vector<16xi32>
    %and3A_997 = arith.andi %get3A_992, %and3A_996 : vector<16xi32>
    %gather3A_998 = tpu.vector_load_idx %arg11[%and3A_997] : memref<64xi32, #tpu.memory_space<vmem>>[vector<16xi32>], vector<16xi32>,
    %and3A_999 = arith.constant 32767 : i32
    %and3A_1000 = vector.broadcast %and3A_999 : i32 to vector<16xi32>
    %and3A_1001 = arith.andi %get3A_994, %and3A_1000 : vector<16xi32>
    %add3A_1002 = arith.addi %gather3A_998, %and3A_1001 : vector<16xi32>
    %swap3A_1003 = arith.constant 0 : i32
    %swap3A_1004 = arith.constant 26 : i32
    %swap3A_1005 = arith.index_cast %swap3A_1003 : i32 to index
    %swap3A_1006 = arith.index_cast %swap3A_1004 : i32 to index
    %swap3A_1007 = arith.constant 0 : index
    %swap3A_1008 = tpu.vector_load %arg12[%swap3A_1005, %swap3A_1006, %swap3A_1007] {strides = array<i32>} : memref<2x64x16xi32, #tpu.memory_space<vmem>>, vector<16xi32>,
    tpu.vector_store %arg12[%swap3A_1005, %swap3A_1006, %swap3A_1007], %add3A_1002 {strides = array<i32>} : memref<2x64x16xi32, #tpu.memory_space<vmem>>, vector<16xi32>,
    %shift_right_arithmetic3A_1009 = arith.constant 8 : i32
    %shift_right_arithmetic3A_1010 = vector.broadcast %shift_right_arithmetic3A_1009 : i32 to vector<16xi32>
    %shift_right_arithmetic3A_1011 = arith.shrsi %get3A_992, %shift_right_arithmetic3A_1010 : vector<16xi32>
    %gather3A_1012 = tpu.vector_load_idx %arg11[%shift_right_arithmetic3A_1011] : memref<64xi32, #tpu.memory_space<vmem>>[vector<16xi32>], vector<16xi32>,
    %shift_right_arithmetic3A_1013 = arith.constant 15 : i32
    %shift_right_arithmetic3A_1014 = vector.broadcast %shift_right_arithmetic3A_1013 : i32 to vector<16xi32>
    %shift_right_arithmetic3A_1015 = arith.shrsi %get3A_994, %shift_right_arithmetic3A_1014 : vector<16xi32>
    %add3A_1016 = arith.addi %gather3A_1012, %shift_right_arithmetic3A_1015 : vector<16xi32>
    %swap3A_1017 = arith.constant 1 : i32
    %swap3A_1018 = arith.constant 26 : i32
    %swap3A_1019 = arith.index_cast %swap3A_1017 : i32 to index
    %swap3A_1020 = arith.index_cast %swap3A_1018 : i32 to index
    %swap3A_1021 = arith.constant 0 : index
    %swap3A_1022 = tpu.vector_load %arg12[%swap3A_1019, %swap3A_1020, %swap3A_1021] {strides = array<i32>} : memref<2x64x16xi32, #tpu.memory_space<vmem>>, vector<16xi32>,
    tpu.vector_store %arg12[%swap3A_1019, %swap3A_1020, %swap3A_1021], %add3A_1016 {strides = array<i32>} : memref<2x64x16xi32, #tpu.memory_space<vmem>>, vector<16xi32>,
    %get3A_1023 = arith.constant 432 : index
    %get3A_1024 = tpu.vector_load %arg8[%get3A_1023] {strides = array<i32>} : memref<1024xi32, #tpu.memory_space<vmem>>, vector<16xi32>,
    %get3A_1025 = arith.constant 432 : index
    %get3A_1026 = tpu.vector_load %arg9[%get3A_1025] {strides = array<i32>} : memref<1024xi32, #tpu.memory_space<vmem>>, vector<16xi32>,
    %and3A_1027 = arith.constant 255 : i32
    %and3A_1028 = vector.broadcast %and3A_1027 : i32 to vector<16xi32>
    %and3A_1029 = arith.andi %get3A_1024, %and3A_1028 : vector<16xi32>
    %gather3A_1030 = tpu.vector_load_idx %arg11[%and3A_1029] : memref<64xi32, #tpu.memory_space<vmem>>[vector<16xi32>], vector<16xi32>,
    %and3A_1031 = arith.constant 32767 : i32
    %and3A_1032 = vector.broadcast %and3A_1031 : i32 to vector<16xi32>
    %and3A_1033 = arith.andi %get3A_1026, %and3A_1032 : vector<16xi32>
    %add3A_1034 = arith.addi %gather3A_1030, %and3A_1033 : vector<16xi32>
    %swap3A_1035 = arith.constant 0 : i32
    %swap3A_1036 = arith.constant 27 : i32
    %swap3A_1037 = arith.index_cast %swap3A_1035 : i32 to index
    %swap3A_1038 = arith.index_cast %swap3A_1036 : i32 to index
    %swap3A_1039 = arith.constant 0 : index
    %swap3A_1040 = tpu.vector_load %arg12[%swap3A_1037, %swap3A_1038, %swap3A_1039] {strides = array<i32>} : memref<2x64x16xi32, #tpu.memory_space<vmem>>, vector<16xi32>,
    tpu.vector_store %arg12[%swap3A_1037, %swap3A_1038, %swap3A_1039], %add3A_1034 {strides = array<i32>} : memref<2x64x16xi32, #tpu.memory_space<vmem>>, vector<16xi32>,
    %shift_right_arithmetic3A_1041 = arith.constant 8 : i32
    %shift_right_arithmetic3A_1042 = vector.broadcast %shift_right_arithmetic3A_1041 : i32 to vector<16xi32>
    %shift_right_arithmetic3A_1043 = arith.shrsi %get3A_1024, %shift_right_arithmetic3A_1042 : vector<16xi32>
    %gather3A_1044 = tpu.vector_load_idx %arg11[%shift_right_arithmetic3A_1043] : memref<64xi32, #tpu.memory_space<vmem>>[vector<16xi32>], vector<16xi32>,
    %shift_right_arithmetic3A_1045 = arith.constant 15 : i32
    %shift_right_arithmetic3A_1046 = vector.broadcast %shift_right_arithmetic3A_1045 : i32 to vector<16xi32>
    %shift_right_arithmetic3A_1047 = arith.shrsi %get3A_1026, %shift_right_arithmetic3A_1046 : vector<16xi32>
    %add3A_1048 = arith.addi %gather3A_1044, %shift_right_arithmetic3A_1047 : vector<16xi32>
    %swap3A_1049 = arith.constant 1 : i32
    %swap3A_1050 = arith.constant 27 : i32
    %swap3A_1051 = arith.index_cast %swap3A_1049 : i32 to index
    %swap3A_1052 = arith.index_cast %swap3A_1050 : i32 to index
    %swap3A_1053 = arith.constant 0 : index
    %swap3A_1054 = tpu.vector_load %arg12[%swap3A_1051, %swap3A_1052, %swap3A_1053] {strides = array<i32>} : memref<2x64x16xi32, #tpu.memory_space<vmem>>, vector<16xi32>,
    tpu.vector_store %arg12[%swap3A_1051, %swap3A_1052, %swap3A_1053], %add3A_1048 {strides = array<i32>} : memref<2x64x16xi32, #tpu.memory_space<vmem>>, vector<16xi32>,
    %get3A_1055 = arith.constant 448 : index
    %get3A_1056 = tpu.vector_load %arg8[%get3A_1055] {strides = array<i32>} : memref<1024xi32, #tpu.memory_space<vmem>>, vector<16xi32>,
    %get3A_1057 = arith.constant 448 : index
    %get3A_1058 = tpu.vector_load %arg9[%get3A_1057] {strides = array<i32>} : memref<1024xi32, #tpu.memory_space<vmem>>, vector<16xi32>,
    %and3A_1059 = arith.constant 255 : i32
    %and3A_1060 = vector.broadcast %and3A_1059 : i32 to vector<16xi32>
    %and3A_1061 = arith.andi %get3A_1056, %and3A_1060 : vector<16xi32>
    %gather3A_1062 = tpu.vector_load_idx %arg11[%and3A_1061] : memref<64xi32, #tpu.memory_space<vmem>>[vector<16xi32>], vector<16xi32>,
    %and3A_1063 = arith.constant 32767 : i32
    %and3A_1064 = vector.broadcast %and3A_1063 : i32 to vector<16xi32>
    %and3A_1065 = arith.andi %get3A_1058, %and3A_1064 : vector<16xi32>
    %add3A_1066 = arith.addi %gather3A_1062, %and3A_1065 : vector<16xi32>
    %swap3A_1067 = arith.constant 0 : i32
    %swap3A_1068 = arith.constant 28 : i32
    %swap3A_1069 = arith.index_cast %swap3A_1067 : i32 to index
    %swap3A_1070 = arith.index_cast %swap3A_1068 : i32 to index
    %swap3A_1071 = arith.constant 0 : index
    %swap3A_1072 = tpu.vector_load %arg12[%swap3A_1069, %swap3A_1070, %swap3A_1071] {strides = array<i32>} : memref<2x64x16xi32, #tpu.memory_space<vmem>>, vector<16xi32>,
    tpu.vector_store %arg12[%swap3A_1069, %swap3A_1070, %swap3A_1071], %add3A_1066 {strides = array<i32>} : memref<2x64x16xi32, #tpu.memory_space<vmem>>, vector<16xi32>,
    %shift_right_arithmetic3A_1073 = arith.constant 8 : i32
    %shift_right_arithmetic3A_1074 = vector.broadcast %shift_right_arithmetic3A_1073 : i32 to vector<16xi32>
    %shift_right_arithmetic3A_1075 = arith.shrsi %get3A_1056, %shift_right_arithmetic3A_1074 : vector<16xi32>
    %gather3A_1076 = tpu.vector_load_idx %arg11[%shift_right_arithmetic3A_1075] : memref<64xi32, #tpu.memory_space<vmem>>[vector<16xi32>], vector<16xi32>,
    %shift_right_arithmetic3A_1077 = arith.constant 15 : i32
    %shift_right_arithmetic3A_1078 = vector.broadcast %shift_right_arithmetic3A_1077 : i32 to vector<16xi32>
    %shift_right_arithmetic3A_1079 = arith.shrsi %get3A_1058, %shift_right_arithmetic3A_1078 : vector<16xi32>
    %add3A_1080 = arith.addi %gather3A_1076, %shift_right_arithmetic3A_1079 : vector<16xi32>
    %swap3A_1081 = arith.constant 1 : i32
    %swap3A_1082 = arith.constant 28 : i32
    %swap3A_1083 = arith.index_cast %swap3A_1081 : i32 to index
    %swap3A_1084 = arith.index_cast %swap3A_1082 : i32 to index
    %swap3A_1085 = arith.constant 0 : index
    %swap3A_1086 = tpu.vector_load %arg12[%swap3A_1083, %swap3A_1084, %swap3A_1085] {strides = array<i32>} : memref<2x64x16xi32, #tpu.memory_space<vmem>>, vector<16xi32>,
    tpu.vector_store %arg12[%swap3A_1083, %swap3A_1084, %swap3A_1085], %add3A_1080 {strides = array<i32>} : memref<2x64x16xi32, #tpu.memory_space<vmem>>, vector<16xi32>,
    %get3A_1087 = arith.constant 464 : index
    %get3A_1088 = tpu.vector_load %arg8[%get3A_1087] {strides = array<i32>} : memref<1024xi32, #tpu.memory_space<vmem>>, vector<16xi32>,
    %get3A_1089 = arith.constant 464 : index
    %get3A_1090 = tpu.vector_load %arg9[%get3A_1089] {strides = array<i32>} : memref<1024xi32, #tpu.memory_space<vmem>>, vector<16xi32>,
    %and3A_1091 = arith.constant 255 : i32
    %and3A_1092 = vector.broadcast %and3A_1091 : i32 to vector<16xi32>
    %and3A_1093 = arith.andi %get3A_1088, %and3A_1092 : vector<16xi32>
    %gather3A_1094 = tpu.vector_load_idx %arg11[%and3A_1093] : memref<64xi32, #tpu.memory_space<vmem>>[vector<16xi32>], vector<16xi32>,
    %and3A_1095 = arith.constant 32767 : i32
    %and3A_1096 = vector.broadcast %and3A_1095 : i32 to vector<16xi32>
    %and3A_1097 = arith.andi %get3A_1090, %and3A_1096 : vector<16xi32>
    %add3A_1098 = arith.addi %gather3A_1094, %and3A_1097 : vector<16xi32>
    %swap3A_1099 = arith.constant 0 : i32
    %swap3A_1100 = arith.constant 29 : i32
    %swap3A_1101 = arith.index_cast %swap3A_1099 : i32 to index
    %swap3A_1102 = arith.index_cast %swap3A_1100 : i32 to index
    %swap3A_1103 = arith.constant 0 : index
    %swap3A_1104 = tpu.vector_load %arg12[%swap3A_1101, %swap3A_1102, %swap3A_1103] {strides = array<i32>} : memref<2x64x16xi32, #tpu.memory_space<vmem>>, vector<16xi32>,
    tpu.vector_store %arg12[%swap3A_1101, %swap3A_1102, %swap3A_1103], %add3A_1098 {strides = array<i32>} : memref<2x64x16xi32, #tpu.memory_space<vmem>>, vector<16xi32>,
    %shift_right_arithmetic3A_1105 = arith.constant 8 : i32
    %shift_right_arithmetic3A_1106 = vector.broadcast %shift_right_arithmetic3A_1105 : i32 to vector<16xi32>
    %shift_right_arithmetic3A_1107 = arith.shrsi %get3A_1088, %shift_right_arithmetic3A_1106 : vector<16xi32>
    %gather3A_1108 = tpu.vector_load_idx %arg11[%shift_right_arithmetic3A_1107] : memref<64xi32, #tpu.memory_space<vmem>>[vector<16xi32>], vector<16xi32>,
    %shift_right_arithmetic3A_1109 = arith.constant 15 : i32
    %shift_right_arithmetic3A_1110 = vector.broadcast %shift_right_arithmetic3A_1109 : i32 to vector<16xi32>
    %shift_right_arithmetic3A_1111 = arith.shrsi %get3A_1090, %shift_right_arithmetic3A_1110 : vector<16xi32>
    %add3A_1112 = arith.addi %gather3A_1108, %shift_right_arithmetic3A_1111 : vector<16xi32>
    %swap3A_1113 = arith.constant 1 : i32
    %swap3A_1114 = arith.constant 29 : i32
    %swap3A_1115 = arith.index_cast %swap3A_1113 : i32 to index
    %swap3A_1116 = arith.index_cast %swap3A_1114 : i32 to index
    %swap3A_1117 = arith.constant 0 : index
    %swap3A_1118 = tpu.vector_load %arg12[%swap3A_1115, %swap3A_1116, %swap3A_1117] {strides = array<i32>} : memref<2x64x16xi32, #tpu.memory_space<vmem>>, vector<16xi32>,
    tpu.vector_store %arg12[%swap3A_1115, %swap3A_1116, %swap3A_1117], %add3A_1112 {strides = array<i32>} : memref<2x64x16xi32, #tpu.memory_space<vmem>>, vector<16xi32>,
    %get3A_1119 = arith.constant 480 : index
    %get3A_1120 = tpu.vector_load %arg8[%get3A_1119] {strides = array<i32>} : memref<1024xi32, #tpu.memory_space<vmem>>, vector<16xi32>,
    %get3A_1121 = arith.constant 480 : index
    %get3A_1122 = tpu.vector_load %arg9[%get3A_1121] {strides = array<i32>} : memref<1024xi32, #tpu.memory_space<vmem>>, vector<16xi32>,
    %and3A_1123 = arith.constant 255 : i32
    %and3A_1124 = vector.broadcast %and3A_1123 : i32 to vector<16xi32>
    %and3A_1125 = arith.andi %get3A_1120, %and3A_1124 : vector<16xi32>
    %gather3A_1126 = tpu.vector_load_idx %arg11[%and3A_1125] : memref<64xi32, #tpu.memory_space<vmem>>[vector<16xi32>], vector<16xi32>,
    %and3A_1127 = arith.constant 32767 : i32
    %and3A_1128 = vector.broadcast %and3A_1127 : i32 to vector<16xi32>
    %and3A_1129 = arith.andi %get3A_1122, %and3A_1128 : vector<16xi32>
    %add3A_1130 = arith.addi %gather3A_1126, %and3A_1129 : vector<16xi32>
    %swap3A_1131 = arith.constant 0 : i32
    %swap3A_1132 = arith.constant 30 : i32
    %swap3A_1133 = arith.index_cast %swap3A_1131 : i32 to index
    %swap3A_1134 = arith.index_cast %swap3A_1132 : i32 to index
    %swap3A_1135 = arith.constant 0 : index
    %swap3A_1136 = tpu.vector_load %arg12[%swap3A_1133, %swap3A_1134, %swap3A_1135] {strides = array<i32>} : memref<2x64x16xi32, #tpu.memory_space<vmem>>, vector<16xi32>,
    tpu.vector_store %arg12[%swap3A_1133, %swap3A_1134, %swap3A_1135], %add3A_1130 {strides = array<i32>} : memref<2x64x16xi32, #tpu.memory_space<vmem>>, vector<16xi32>,
    %shift_right_arithmetic3A_1137 = arith.constant 8 : i32
    %shift_right_arithmetic3A_1138 = vector.broadcast %shift_right_arithmetic3A_1137 : i32 to vector<16xi32>
    %shift_right_arithmetic3A_1139 = arith.shrsi %get3A_1120, %shift_right_arithmetic3A_1138 : vector<16xi32>
    %gather3A_1140 = tpu.vector_load_idx %arg11[%shift_right_arithmetic3A_1139] : memref<64xi32, #tpu.memory_space<vmem>>[vector<16xi32>], vector<16xi32>,
    %shift_right_arithmetic3A_1141 = arith.constant 15 : i32
    %shift_right_arithmetic3A_1142 = vector.broadcast %shift_right_arithmetic3A_1141 : i32 to vector<16xi32>
    %shift_right_arithmetic3A_1143 = arith.shrsi %get3A_1122, %shift_right_arithmetic3A_1142 : vector<16xi32>
    %add3A_1144 = arith.addi %gather3A_1140, %shift_right_arithmetic3A_1143 : vector<16xi32>
    %swap3A_1145 = arith.constant 1 : i32
    %swap3A_1146 = arith.constant 30 : i32
    %swap3A_1147 = arith.index_cast %swap3A_1145 : i32 to index
    %swap3A_1148 = arith.index_cast %swap3A_1146 : i32 to index
    %swap3A_1149 = arith.constant 0 : index
    %swap3A_1150 = tpu.vector_load %arg12[%swap3A_1147, %swap3A_1148, %swap3A_1149] {strides = array<i32>} : memref<2x64x16xi32, #tpu.memory_space<vmem>>, vector<16xi32>,
    tpu.vector_store %arg12[%swap3A_1147, %swap3A_1148, %swap3A_1149], %add3A_1144 {strides = array<i32>} : memref<2x64x16xi32, #tpu.memory_space<vmem>>, vector<16xi32>,
    %get3A_1151 = arith.constant 496 : index
    %get3A_1152 = tpu.vector_load %arg8[%get3A_1151] {strides = array<i32>} : memref<1024xi32, #tpu.memory_space<vmem>>, vector<16xi32>,
    %get3A_1153 = arith.constant 496 : index
    %get3A_1154 = tpu.vector_load %arg9[%get3A_1153] {strides = array<i32>} : memref<1024xi32, #tpu.memory_space<vmem>>, vector<16xi32>,
    %and3A_1155 = arith.constant 255 : i32
    %and3A_1156 = vector.broadcast %and3A_1155 : i32 to vector<16xi32>
    %and3A_1157 = arith.andi %get3A_1152, %and3A_1156 : vector<16xi32>
    %gather3A_1158 = tpu.vector_load_idx %arg11[%and3A_1157] : memref<64xi32, #tpu.memory_space<vmem>>[vector<16xi32>], vector<16xi32>,
    %and3A_1159 = arith.constant 32767 : i32
    %and3A_1160 = vector.broadcast %and3A_1159 : i32 to vector<16xi32>
    %and3A_1161 = arith.andi %get3A_1154, %and3A_1160 : vector<16xi32>
    %add3A_1162 = arith.addi %gather3A_1158, %and3A_1161 : vector<16xi32>
    %swap3A_1163 = arith.constant 0 : i32
    %swap3A_1164 = arith.constant 31 : i32
    %swap3A_1165 = arith.index_cast %swap3A_1163 : i32 to index
    %swap3A_1166 = arith.index_cast %swap3A_1164 : i32 to index
    %swap3A_1167 = arith.constant 0 : index
    %swap3A_1168 = tpu.vector_load %arg12[%swap3A_1165, %swap3A_1166, %swap3A_1167] {strides = array<i32>} : memref<2x64x16xi32, #tpu.memory_space<vmem>>, vector<16xi32>,
    tpu.vector_store %arg12[%swap3A_1165, %swap3A_1166, %swap3A_1167], %add3A_1162 {strides = array<i32>} : memref<2x64x16xi32, #tpu.memory_space<vmem>>, vector<16xi32>,
    %shift_right_arithmetic3A_1169 = arith.constant 8 : i32
    %shift_right_arithmetic3A_1170 = vector.broadcast %shift_right_arithmetic3A_1169 : i32 to vector<16xi32>
    %shift_right_arithmetic3A_1171 = arith.shrsi %get3A_1152, %shift_right_arithmetic3A_1170 : vector<16xi32>
    %gather3A_1172 = tpu.vector_load_idx %arg11[%shift_right_arithmetic3A_1171] : memref<64xi32, #tpu.memory_space<vmem>>[vector<16xi32>], vector<16xi32>,
    %shift_right_arithmetic3A_1173 = arith.constant 15 : i32
    %shift_right_arithmetic3A_1174 = vector.broadcast %shift_right_arithmetic3A_1173 : i32 to vector<16xi32>
    %shift_right_arithmetic3A_1175 = arith.shrsi %get3A_1154, %shift_right_arithmetic3A_1174 : vector<16xi32>
    %add3A_1176 = arith.addi %gather3A_1172, %shift_right_arithmetic3A_1175 : vector<16xi32>
    %swap3A_1177 = arith.constant 1 : i32
    %swap3A_1178 = arith.constant 31 : i32
    %swap3A_1179 = arith.index_cast %swap3A_1177 : i32 to index
    %swap3A_1180 = arith.index_cast %swap3A_1178 : i32 to index
    %swap3A_1181 = arith.constant 0 : index
    %swap3A_1182 = tpu.vector_load %arg12[%swap3A_1179, %swap3A_1180, %swap3A_1181] {strides = array<i32>} : memref<2x64x16xi32, #tpu.memory_space<vmem>>, vector<16xi32>,
    tpu.vector_store %arg12[%swap3A_1179, %swap3A_1180, %swap3A_1181], %add3A_1176 {strides = array<i32>} : memref<2x64x16xi32, #tpu.memory_space<vmem>>, vector<16xi32>,
    %get3A_1183 = arith.constant 512 : index
    %get3A_1184 = tpu.vector_load %arg8[%get3A_1183] {strides = array<i32>} : memref<1024xi32, #tpu.memory_space<vmem>>, vector<16xi32>,
    %get3A_1185 = arith.constant 512 : index
    %get3A_1186 = tpu.vector_load %arg9[%get3A_1185] {strides = array<i32>} : memref<1024xi32, #tpu.memory_space<vmem>>, vector<16xi32>,
    %and3A_1187 = arith.constant 255 : i32
    %and3A_1188 = vector.broadcast %and3A_1187 : i32 to vector<16xi32>
    %and3A_1189 = arith.andi %get3A_1184, %and3A_1188 : vector<16xi32>
    %gather3A_1190 = tpu.vector_load_idx %arg11[%and3A_1189] : memref<64xi32, #tpu.memory_space<vmem>>[vector<16xi32>], vector<16xi32>,
    %and3A_1191 = arith.constant 32767 : i32
    %and3A_1192 = vector.broadcast %and3A_1191 : i32 to vector<16xi32>
    %and3A_1193 = arith.andi %get3A_1186, %and3A_1192 : vector<16xi32>
    %add3A_1194 = arith.addi %gather3A_1190, %and3A_1193 : vector<16xi32>
    %swap3A_1195 = arith.constant 0 : i32
    %swap3A_1196 = arith.constant 32 : i32
    %swap3A_1197 = arith.index_cast %swap3A_1195 : i32 to index
    %swap3A_1198 = arith.index_cast %swap3A_1196 : i32 to index
    %swap3A_1199 = arith.constant 0 : index
    %swap3A_1200 = tpu.vector_load %arg12[%swap3A_1197, %swap3A_1198, %swap3A_1199] {strides = array<i32>} : memref<2x64x16xi32, #tpu.memory_space<vmem>>, vector<16xi32>,
    tpu.vector_store %arg12[%swap3A_1197, %swap3A_1198, %swap3A_1199], %add3A_1194 {strides = array<i32>} : memref<2x64x16xi32, #tpu.memory_space<vmem>>, vector<16xi32>,
    %shift_right_arithmetic3A_1201 = arith.constant 8 : i32
    %shift_right_arithmetic3A_1202 = vector.broadcast %shift_right_arithmetic3A_1201 : i32 to vector<16xi32>
    %shift_right_arithmetic3A_1203 = arith.shrsi %get3A_1184, %shift_right_arithmetic3A_1202 : vector<16xi32>
    %gather3A_1204 = tpu.vector_load_idx %arg11[%shift_right_arithmetic3A_1203] : memref<64xi32, #tpu.memory_space<vmem>>[vector<16xi32>], vector<16xi32>,
    %shift_right_arithmetic3A_1205 = arith.constant 15 : i32
    %shift_right_arithmetic3A_1206 = vector.broadcast %shift_right_arithmetic3A_1205 : i32 to vector<16xi32>
    %shift_right_arithmetic3A_1207 = arith.shrsi %get3A_1186, %shift_right_arithmetic3A_1206 : vector<16xi32>
    %add3A_1208 = arith.addi %gather3A_1204, %shift_right_arithmetic3A_1207 : vector<16xi32>
    %swap3A_1209 = arith.constant 1 : i32
    %swap3A_1210 = arith.constant 32 : i32
    %swap3A_1211 = arith.index_cast %swap3A_1209 : i32 to index
    %swap3A_1212 = arith.index_cast %swap3A_1210 : i32 to index
    %swap3A_1213 = arith.constant 0 : index
    %swap3A_1214 = tpu.vector_load %arg12[%swap3A_1211, %swap3A_1212, %swap3A_1213] {strides = array<i32>} : memref<2x64x16xi32, #tpu.memory_space<vmem>>, vector<16xi32>,
    tpu.vector_store %arg12[%swap3A_1211, %swap3A_1212, %swap3A_1213], %add3A_1208 {strides = array<i32>} : memref<2x64x16xi32, #tpu.memory_space<vmem>>, vector<16xi32>,
    %get3A_1215 = arith.constant 528 : index
    %get3A_1216 = tpu.vector_load %arg8[%get3A_1215] {strides = array<i32>} : memref<1024xi32, #tpu.memory_space<vmem>>, vector<16xi32>,
    %get3A_1217 = arith.constant 528 : index
    %get3A_1218 = tpu.vector_load %arg9[%get3A_1217] {strides = array<i32>} : memref<1024xi32, #tpu.memory_space<vmem>>, vector<16xi32>,
    %and3A_1219 = arith.constant 255 : i32
    %and3A_1220 = vector.broadcast %and3A_1219 : i32 to vector<16xi32>
    %and3A_1221 = arith.andi %get3A_1216, %and3A_1220 : vector<16xi32>
    %gather3A_1222 = tpu.vector_load_idx %arg11[%and3A_1221] : memref<64xi32, #tpu.memory_space<vmem>>[vector<16xi32>], vector<16xi32>,
    %and3A_1223 = arith.constant 32767 : i32
    %and3A_1224 = vector.broadcast %and3A_1223 : i32 to vector<16xi32>
    %and3A_1225 = arith.andi %get3A_1218, %and3A_1224 : vector<16xi32>
    %add3A_1226 = arith.addi %gather3A_1222, %and3A_1225 : vector<16xi32>
    %swap3A_1227 = arith.constant 0 : i32
    %swap3A_1228 = arith.constant 33 : i32
    %swap3A_1229 = arith.index_cast %swap3A_1227 : i32 to index
    %swap3A_1230 = arith.index_cast %swap3A_1228 : i32 to index
    %swap3A_1231 = arith.constant 0 : index
    %swap3A_1232 = tpu.vector_load %arg12[%swap3A_1229, %swap3A_1230, %swap3A_1231] {strides = array<i32>} : memref<2x64x16xi32, #tpu.memory_space<vmem>>, vector<16xi32>,
    tpu.vector_store %arg12[%swap3A_1229, %swap3A_1230, %swap3A_1231], %add3A_1226 {strides = array<i32>} : memref<2x64x16xi32, #tpu.memory_space<vmem>>, vector<16xi32>,
    %shift_right_arithmetic3A_1233 = arith.constant 8 : i32
    %shift_right_arithmetic3A_1234 = vector.broadcast %shift_right_arithmetic3A_1233 : i32 to vector<16xi32>
    %shift_right_arithmetic3A_1235 = arith.shrsi %get3A_1216, %shift_right_arithmetic3A_1234 : vector<16xi32>
    %gather3A_1236 = tpu.vector_load_idx %arg11[%shift_right_arithmetic3A_1235] : memref<64xi32, #tpu.memory_space<vmem>>[vector<16xi32>], vector<16xi32>,
    %shift_right_arithmetic3A_1237 = arith.constant 15 : i32
    %shift_right_arithmetic3A_1238 = vector.broadcast %shift_right_arithmetic3A_1237 : i32 to vector<16xi32>
    %shift_right_arithmetic3A_1239 = arith.shrsi %get3A_1218, %shift_right_arithmetic3A_1238 : vector<16xi32>
    %add3A_1240 = arith.addi %gather3A_1236, %shift_right_arithmetic3A_1239 : vector<16xi32>
    %swap3A_1241 = arith.constant 1 : i32
    %swap3A_1242 = arith.constant 33 : i32
    %swap3A_1243 = arith.index_cast %swap3A_1241 : i32 to index
    %swap3A_1244 = arith.index_cast %swap3A_1242 : i32 to index
    %swap3A_1245 = arith.constant 0 : index
    %swap3A_1246 = tpu.vector_load %arg12[%swap3A_1243, %swap3A_1244, %swap3A_1245] {strides = array<i32>} : memref<2x64x16xi32, #tpu.memory_space<vmem>>, vector<16xi32>,
    tpu.vector_store %arg12[%swap3A_1243, %swap3A_1244, %swap3A_1245], %add3A_1240 {strides = array<i32>} : memref<2x64x16xi32, #tpu.memory_space<vmem>>, vector<16xi32>,
    %get3A_1247 = arith.constant 544 : index
    %get3A_1248 = tpu.vector_load %arg8[%get3A_1247] {strides = array<i32>} : memref<1024xi32, #tpu.memory_space<vmem>>, vector<16xi32>,
    %get3A_1249 = arith.constant 544 : index
    %get3A_1250 = tpu.vector_load %arg9[%get3A_1249] {strides = array<i32>} : memref<1024xi32, #tpu.memory_space<vmem>>, vector<16xi32>,
    %and3A_1251 = arith.constant 255 : i32
    %and3A_1252 = vector.broadcast %and3A_1251 : i32 to vector<16xi32>
    %and3A_1253 = arith.andi %get3A_1248, %and3A_1252 : vector<16xi32>
    %gather3A_1254 = tpu.vector_load_idx %arg11[%and3A_1253] : memref<64xi32, #tpu.memory_space<vmem>>[vector<16xi32>], vector<16xi32>,
    %and3A_1255 = arith.constant 32767 : i32
    %and3A_1256 = vector.broadcast %and3A_1255 : i32 to vector<16xi32>
    %and3A_1257 = arith.andi %get3A_1250, %and3A_1256 : vector<16xi32>
    %add3A_1258 = arith.addi %gather3A_1254, %and3A_1257 : vector<16xi32>
    %swap3A_1259 = arith.constant 0 : i32
    %swap3A_1260 = arith.constant 34 : i32
    %swap3A_1261 = arith.index_cast %swap3A_1259 : i32 to index
    %swap3A_1262 = arith.index_cast %swap3A_1260 : i32 to index
    %swap3A_1263 = arith.constant 0 : index
    %swap3A_1264 = tpu.vector_load %arg12[%swap3A_1261, %swap3A_1262, %swap3A_1263] {strides = array<i32>} : memref<2x64x16xi32, #tpu.memory_space<vmem>>, vector<16xi32>,
    tpu.vector_store %arg12[%swap3A_1261, %swap3A_1262, %swap3A_1263], %add3A_1258 {strides = array<i32>} : memref<2x64x16xi32, #tpu.memory_space<vmem>>, vector<16xi32>,
    %shift_right_arithmetic3A_1265 = arith.constant 8 : i32
    %shift_right_arithmetic3A_1266 = vector.broadcast %shift_right_arithmetic3A_1265 : i32 to vector<16xi32>
    %shift_right_arithmetic3A_1267 = arith.shrsi %get3A_1248, %shift_right_arithmetic3A_1266 : vector<16xi32>
    %gather3A_1268 = tpu.vector_load_idx %arg11[%shift_right_arithmetic3A_1267] : memref<64xi32, #tpu.memory_space<vmem>>[vector<16xi32>], vector<16xi32>,
    %shift_right_arithmetic3A_1269 = arith.constant 15 : i32
    %shift_right_arithmetic3A_1270 = vector.broadcast %shift_right_arithmetic3A_1269 : i32 to vector<16xi32>
    %shift_right_arithmetic3A_1271 = arith.shrsi %get3A_1250, %shift_right_arithmetic3A_1270 : vector<16xi32>
    %add3A_1272 = arith.addi %gather3A_1268, %shift_right_arithmetic3A_1271 : vector<16xi32>
    %swap3A_1273 = arith.constant 1 : i32
    %swap3A_1274 = arith.constant 34 : i32
    %swap3A_1275 = arith.index_cast %swap3A_1273 : i32 to index
    %swap3A_1276 = arith.index_cast %swap3A_1274 : i32 to index
    %swap3A_1277 = arith.constant 0 : index
    %swap3A_1278 = tpu.vector_load %arg12[%swap3A_1275, %swap3A_1276, %swap3A_1277] {strides = array<i32>} : memref<2x64x16xi32, #tpu.memory_space<vmem>>, vector<16xi32>,
    tpu.vector_store %arg12[%swap3A_1275, %swap3A_1276, %swap3A_1277], %add3A_1272 {strides = array<i32>} : memref<2x64x16xi32, #tpu.memory_space<vmem>>, vector<16xi32>,
    %get3A_1279 = arith.constant 560 : index
    %get3A_1280 = tpu.vector_load %arg8[%get3A_1279] {strides = array<i32>} : memref<1024xi32, #tpu.memory_space<vmem>>, vector<16xi32>,
    %get3A_1281 = arith.constant 560 : index
    %get3A_1282 = tpu.vector_load %arg9[%get3A_1281] {strides = array<i32>} : memref<1024xi32, #tpu.memory_space<vmem>>, vector<16xi32>,
    %and3A_1283 = arith.constant 255 : i32
    %and3A_1284 = vector.broadcast %and3A_1283 : i32 to vector<16xi32>
    %and3A_1285 = arith.andi %get3A_1280, %and3A_1284 : vector<16xi32>
    %gather3A_1286 = tpu.vector_load_idx %arg11[%and3A_1285] : memref<64xi32, #tpu.memory_space<vmem>>[vector<16xi32>], vector<16xi32>,
    %and3A_1287 = arith.constant 32767 : i32
    %and3A_1288 = vector.broadcast %and3A_1287 : i32 to vector<16xi32>
    %and3A_1289 = arith.andi %get3A_1282, %and3A_1288 : vector<16xi32>
    %add3A_1290 = arith.addi %gather3A_1286, %and3A_1289 : vector<16xi32>
    %swap3A_1291 = arith.constant 0 : i32
    %swap3A_1292 = arith.constant 35 : i32
    %swap3A_1293 = arith.index_cast %swap3A_1291 : i32 to index
    %swap3A_1294 = arith.index_cast %swap3A_1292 : i32 to index
    %swap3A_1295 = arith.constant 0 : index
    %swap3A_1296 = tpu.vector_load %arg12[%swap3A_1293, %swap3A_1294, %swap3A_1295] {strides = array<i32>} : memref<2x64x16xi32, #tpu.memory_space<vmem>>, vector<16xi32>,
    tpu.vector_store %arg12[%swap3A_1293, %swap3A_1294, %swap3A_1295], %add3A_1290 {strides = array<i32>} : memref<2x64x16xi32, #tpu.memory_space<vmem>>, vector<16xi32>,
    %shift_right_arithmetic3A_1297 = arith.constant 8 : i32
    %shift_right_arithmetic3A_1298 = vector.broadcast %shift_right_arithmetic3A_1297 : i32 to vector<16xi32>
    %shift_right_arithmetic3A_1299 = arith.shrsi %get3A_1280, %shift_right_arithmetic3A_1298 : vector<16xi32>
    %gather3A_1300 = tpu.vector_load_idx %arg11[%shift_right_arithmetic3A_1299] : memref<64xi32, #tpu.memory_space<vmem>>[vector<16xi32>], vector<16xi32>,
    %shift_right_arithmetic3A_1301 = arith.constant 15 : i32
    %shift_right_arithmetic3A_1302 = vector.broadcast %shift_right_arithmetic3A_1301 : i32 to vector<16xi32>
    %shift_right_arithmetic3A_1303 = arith.shrsi %get3A_1282, %shift_right_arithmetic3A_1302 : vector<16xi32>
    %add3A_1304 = arith.addi %gather3A_1300, %shift_right_arithmetic3A_1303 : vector<16xi32>
    %swap3A_1305 = arith.constant 1 : i32
    %swap3A_1306 = arith.constant 35 : i32
    %swap3A_1307 = arith.index_cast %swap3A_1305 : i32 to index
    %swap3A_1308 = arith.index_cast %swap3A_1306 : i32 to index
    %swap3A_1309 = arith.constant 0 : index
    %swap3A_1310 = tpu.vector_load %arg12[%swap3A_1307, %swap3A_1308, %swap3A_1309] {strides = array<i32>} : memref<2x64x16xi32, #tpu.memory_space<vmem>>, vector<16xi32>,
    tpu.vector_store %arg12[%swap3A_1307, %swap3A_1308, %swap3A_1309], %add3A_1304 {strides = array<i32>} : memref<2x64x16xi32, #tpu.memory_space<vmem>>, vector<16xi32>,
    %get3A_1311 = arith.constant 576 : index
    %get3A_1312 = tpu.vector_load %arg8[%get3A_1311] {strides = array<i32>} : memref<1024xi32, #tpu.memory_space<vmem>>, vector<16xi32>,
    %get3A_1313 = arith.constant 576 : index
    %get3A_1314 = tpu.vector_load %arg9[%get3A_1313] {strides = array<i32>} : memref<1024xi32, #tpu.memory_space<vmem>>, vector<16xi32>,
    %and3A_1315 = arith.constant 255 : i32
    %and3A_1316 = vector.broadcast %and3A_1315 : i32 to vector<16xi32>
    %and3A_1317 = arith.andi %get3A_1312, %and3A_1316 : vector<16xi32>
    %gather3A_1318 = tpu.vector_load_idx %arg11[%and3A_1317] : memref<64xi32, #tpu.memory_space<vmem>>[vector<16xi32>], vector<16xi32>,
    %and3A_1319 = arith.constant 32767 : i32
    %and3A_1320 = vector.broadcast %and3A_1319 : i32 to vector<16xi32>
    %and3A_1321 = arith.andi %get3A_1314, %and3A_1320 : vector<16xi32>
    %add3A_1322 = arith.addi %gather3A_1318, %and3A_1321 : vector<16xi32>
    %swap3A_1323 = arith.constant 0 : i32
    %swap3A_1324 = arith.constant 36 : i32
    %swap3A_1325 = arith.index_cast %swap3A_1323 : i32 to index
    %swap3A_1326 = arith.index_cast %swap3A_1324 : i32 to index
    %swap3A_1327 = arith.constant 0 : index
    %swap3A_1328 = tpu.vector_load %arg12[%swap3A_1325, %swap3A_1326, %swap3A_1327] {strides = array<i32>} : memref<2x64x16xi32, #tpu.memory_space<vmem>>, vector<16xi32>,
    tpu.vector_store %arg12[%swap3A_1325, %swap3A_1326, %swap3A_1327], %add3A_1322 {strides = array<i32>} : memref<2x64x16xi32, #tpu.memory_space<vmem>>, vector<16xi32>,
    %shift_right_arithmetic3A_1329 = arith.constant 8 : i32
    %shift_right_arithmetic3A_1330 = vector.broadcast %shift_right_arithmetic3A_1329 : i32 to vector<16xi32>
    %shift_right_arithmetic3A_1331 = arith.shrsi %get3A_1312, %shift_right_arithmetic3A_1330 : vector<16xi32>
    %gather3A_1332 = tpu.vector_load_idx %arg11[%shift_right_arithmetic3A_1331] : memref<64xi32, #tpu.memory_space<vmem>>[vector<16xi32>], vector<16xi32>,
    %shift_right_arithmetic3A_1333 = arith.constant 15 : i32
    %shift_right_arithmetic3A_1334 = vector.broadcast %shift_right_arithmetic3A_1333 : i32 to vector<16xi32>
    %shift_right_arithmetic3A_1335 = arith.shrsi %get3A_1314, %shift_right_arithmetic3A_1334 : vector<16xi32>
    %add3A_1336 = arith.addi %gather3A_1332, %shift_right_arithmetic3A_1335 : vector<16xi32>
    %swap3A_1337 = arith.constant 1 : i32
    %swap3A_1338 = arith.constant 36 : i32
    %swap3A_1339 = arith.index_cast %swap3A_1337 : i32 to index
    %swap3A_1340 = arith.index_cast %swap3A_1338 : i32 to index
    %swap3A_1341 = arith.constant 0 : index
    %swap3A_1342 = tpu.vector_load %arg12[%swap3A_1339, %swap3A_1340, %swap3A_1341] {strides = array<i32>} : memref<2x64x16xi32, #tpu.memory_space<vmem>>, vector<16xi32>,
    tpu.vector_store %arg12[%swap3A_1339, %swap3A_1340, %swap3A_1341], %add3A_1336 {strides = array<i32>} : memref<2x64x16xi32, #tpu.memory_space<vmem>>, vector<16xi32>,
    %get3A_1343 = arith.constant 592 : index
    %get3A_1344 = tpu.vector_load %arg8[%get3A_1343] {strides = array<i32>} : memref<1024xi32, #tpu.memory_space<vmem>>, vector<16xi32>,
    %get3A_1345 = arith.constant 592 : index
    %get3A_1346 = tpu.vector_load %arg9[%get3A_1345] {strides = array<i32>} : memref<1024xi32, #tpu.memory_space<vmem>>, vector<16xi32>,
    %and3A_1347 = arith.constant 255 : i32
    %and3A_1348 = vector.broadcast %and3A_1347 : i32 to vector<16xi32>
    %and3A_1349 = arith.andi %get3A_1344, %and3A_1348 : vector<16xi32>
    %gather3A_1350 = tpu.vector_load_idx %arg11[%and3A_1349] : memref<64xi32, #tpu.memory_space<vmem>>[vector<16xi32>], vector<16xi32>,
    %and3A_1351 = arith.constant 32767 : i32
    %and3A_1352 = vector.broadcast %and3A_1351 : i32 to vector<16xi32>
    %and3A_1353 = arith.andi %get3A_1346, %and3A_1352 : vector<16xi32>
    %add3A_1354 = arith.addi %gather3A_1350, %and3A_1353 : vector<16xi32>
    %swap3A_1355 = arith.constant 0 : i32
    %swap3A_1356 = arith.constant 37 : i32
    %swap3A_1357 = arith.index_cast %swap3A_1355 : i32 to index
    %swap3A_1358 = arith.index_cast %swap3A_1356 : i32 to index
    %swap3A_1359 = arith.constant 0 : index
    %swap3A_1360 = tpu.vector_load %arg12[%swap3A_1357, %swap3A_1358, %swap3A_1359] {strides = array<i32>} : memref<2x64x16xi32, #tpu.memory_space<vmem>>, vector<16xi32>,
    tpu.vector_store %arg12[%swap3A_1357, %swap3A_1358, %swap3A_1359], %add3A_1354 {strides = array<i32>} : memref<2x64x16xi32, #tpu.memory_space<vmem>>, vector<16xi32>,
    %shift_right_arithmetic3A_1361 = arith.constant 8 : i32
    %shift_right_arithmetic3A_1362 = vector.broadcast %shift_right_arithmetic3A_1361 : i32 to vector<16xi32>
    %shift_right_arithmetic3A_1363 = arith.shrsi %get3A_1344, %shift_right_arithmetic3A_1362 : vector<16xi32>
    %gather3A_1364 = tpu.vector_load_idx %arg11[%shift_right_arithmetic3A_1363] : memref<64xi32, #tpu.memory_space<vmem>>[vector<16xi32>], vector<16xi32>,
    %shift_right_arithmetic3A_1365 = arith.constant 15 : i32
    %shift_right_arithmetic3A_1366 = vector.broadcast %shift_right_arithmetic3A_1365 : i32 to vector<16xi32>
    %shift_right_arithmetic3A_1367 = arith.shrsi %get3A_1346, %shift_right_arithmetic3A_1366 : vector<16xi32>
    %add3A_1368 = arith.addi %gather3A_1364, %shift_right_arithmetic3A_1367 : vector<16xi32>
    %swap3A_1369 = arith.constant 1 : i32
    %swap3A_1370 = arith.constant 37 : i32
    %swap3A_1371 = arith.index_cast %swap3A_1369 : i32 to index
    %swap3A_1372 = arith.index_cast %swap3A_1370 : i32 to index
    %swap3A_1373 = arith.constant 0 : index
    %swap3A_1374 = tpu.vector_load %arg12[%swap3A_1371, %swap3A_1372, %swap3A_1373] {strides = array<i32>} : memref<2x64x16xi32, #tpu.memory_space<vmem>>, vector<16xi32>,
    tpu.vector_store %arg12[%swap3A_1371, %swap3A_1372, %swap3A_1373], %add3A_1368 {strides = array<i32>} : memref<2x64x16xi32, #tpu.memory_space<vmem>>, vector<16xi32>,
    %get3A_1375 = arith.constant 608 : index
    %get3A_1376 = tpu.vector_load %arg8[%get3A_1375] {strides = array<i32>} : memref<1024xi32, #tpu.memory_space<vmem>>, vector<16xi32>,
    %get3A_1377 = arith.constant 608 : index
    %get3A_1378 = tpu.vector_load %arg9[%get3A_1377] {strides = array<i32>} : memref<1024xi32, #tpu.memory_space<vmem>>, vector<16xi32>,
    %and3A_1379 = arith.constant 255 : i32
    %and3A_1380 = vector.broadcast %and3A_1379 : i32 to vector<16xi32>
    %and3A_1381 = arith.andi %get3A_1376, %and3A_1380 : vector<16xi32>
    %gather3A_1382 = tpu.vector_load_idx %arg11[%and3A_1381] : memref<64xi32, #tpu.memory_space<vmem>>[vector<16xi32>], vector<16xi32>,
    %and3A_1383 = arith.constant 32767 : i32
    %and3A_1384 = vector.broadcast %and3A_1383 : i32 to vector<16xi32>
    %and3A_1385 = arith.andi %get3A_1378, %and3A_1384 : vector<16xi32>
    %add3A_1386 = arith.addi %gather3A_1382, %and3A_1385 : vector<16xi32>
    %swap3A_1387 = arith.constant 0 : i32
    %swap3A_1388 = arith.constant 38 : i32
    %swap3A_1389 = arith.index_cast %swap3A_1387 : i32 to index
    %swap3A_1390 = arith.index_cast %swap3A_1388 : i32 to index
    %swap3A_1391 = arith.constant 0 : index
    %swap3A_1392 = tpu.vector_load %arg12[%swap3A_1389, %swap3A_1390, %swap3A_1391] {strides = array<i32>} : memref<2x64x16xi32, #tpu.memory_space<vmem>>, vector<16xi32>,
    tpu.vector_store %arg12[%swap3A_1389, %swap3A_1390, %swap3A_1391], %add3A_1386 {strides = array<i32>} : memref<2x64x16xi32, #tpu.memory_space<vmem>>, vector<16xi32>,
    %shift_right_arithmetic3A_1393 = arith.constant 8 : i32
    %shift_right_arithmetic3A_1394 = vector.broadcast %shift_right_arithmetic3A_1393 : i32 to vector<16xi32>
    %shift_right_arithmetic3A_1395 = arith.shrsi %get3A_1376, %shift_right_arithmetic3A_1394 : vector<16xi32>
    %gather3A_1396 = tpu.vector_load_idx %arg11[%shift_right_arithmetic3A_1395] : memref<64xi32, #tpu.memory_space<vmem>>[vector<16xi32>], vector<16xi32>,
    %shift_right_arithmetic3A_1397 = arith.constant 15 : i32
    %shift_right_arithmetic3A_1398 = vector.broadcast %shift_right_arithmetic3A_1397 : i32 to vector<16xi32>
    %shift_right_arithmetic3A_1399 = arith.shrsi %get3A_1378, %shift_right_arithmetic3A_1398 : vector<16xi32>
    %add3A_1400 = arith.addi %gather3A_1396, %shift_right_arithmetic3A_1399 : vector<16xi32>
    %swap3A_1401 = arith.constant 1 : i32
    %swap3A_1402 = arith.constant 38 : i32
    %swap3A_1403 = arith.index_cast %swap3A_1401 : i32 to index
    %swap3A_1404 = arith.index_cast %swap3A_1402 : i32 to index
    %swap3A_1405 = arith.constant 0 : index
    %swap3A_1406 = tpu.vector_load %arg12[%swap3A_1403, %swap3A_1404, %swap3A_1405] {strides = array<i32>} : memref<2x64x16xi32, #tpu.memory_space<vmem>>, vector<16xi32>,
    tpu.vector_store %arg12[%swap3A_1403, %swap3A_1404, %swap3A_1405], %add3A_1400 {strides = array<i32>} : memref<2x64x16xi32, #tpu.memory_space<vmem>>, vector<16xi32>,
    %get3A_1407 = arith.constant 624 : index
    %get3A_1408 = tpu.vector_load %arg8[%get3A_1407] {strides = array<i32>} : memref<1024xi32, #tpu.memory_space<vmem>>, vector<16xi32>,
    %get3A_1409 = arith.constant 624 : index
    %get3A_1410 = tpu.vector_load %arg9[%get3A_1409] {strides = array<i32>} : memref<1024xi32, #tpu.memory_space<vmem>>, vector<16xi32>,
    %and3A_1411 = arith.constant 255 : i32
    %and3A_1412 = vector.broadcast %and3A_1411 : i32 to vector<16xi32>
    %and3A_1413 = arith.andi %get3A_1408, %and3A_1412 : vector<16xi32>
    %gather3A_1414 = tpu.vector_load_idx %arg11[%and3A_1413] : memref<64xi32, #tpu.memory_space<vmem>>[vector<16xi32>], vector<16xi32>,
    %and3A_1415 = arith.constant 32767 : i32
    %and3A_1416 = vector.broadcast %and3A_1415 : i32 to vector<16xi32>
    %and3A_1417 = arith.andi %get3A_1410, %and3A_1416 : vector<16xi32>
    %add3A_1418 = arith.addi %gather3A_1414, %and3A_1417 : vector<16xi32>
    %swap3A_1419 = arith.constant 0 : i32
    %swap3A_1420 = arith.constant 39 : i32
    %swap3A_1421 = arith.index_cast %swap3A_1419 : i32 to index
    %swap3A_1422 = arith.index_cast %swap3A_1420 : i32 to index
    %swap3A_1423 = arith.constant 0 : index
    %swap3A_1424 = tpu.vector_load %arg12[%swap3A_1421, %swap3A_1422, %swap3A_1423] {strides = array<i32>} : memref<2x64x16xi32, #tpu.memory_space<vmem>>, vector<16xi32>,
    tpu.vector_store %arg12[%swap3A_1421, %swap3A_1422, %swap3A_1423], %add3A_1418 {strides = array<i32>} : memref<2x64x16xi32, #tpu.memory_space<vmem>>, vector<16xi32>,
    %shift_right_arithmetic3A_1425 = arith.constant 8 : i32
    %shift_right_arithmetic3A_1426 = vector.broadcast %shift_right_arithmetic3A_1425 : i32 to vector<16xi32>
    %shift_right_arithmetic3A_1427 = arith.shrsi %get3A_1408, %shift_right_arithmetic3A_1426 : vector<16xi32>
    %gather3A_1428 = tpu.vector_load_idx %arg11[%shift_right_arithmetic3A_1427] : memref<64xi32, #tpu.memory_space<vmem>>[vector<16xi32>], vector<16xi32>,
    %shift_right_arithmetic3A_1429 = arith.constant 15 : i32
    %shift_right_arithmetic3A_1430 = vector.broadcast %shift_right_arithmetic3A_1429 : i32 to vector<16xi32>
    %shift_right_arithmetic3A_1431 = arith.shrsi %get3A_1410, %shift_right_arithmetic3A_1430 : vector<16xi32>
    %add3A_1432 = arith.addi %gather3A_1428, %shift_right_arithmetic3A_1431 : vector<16xi32>
    %swap3A_1433 = arith.constant 1 : i32
    %swap3A_1434 = arith.constant 39 : i32
    %swap3A_1435 = arith.index_cast %swap3A_1433 : i32 to index
    %swap3A_1436 = arith.index_cast %swap3A_1434 : i32 to index
    %swap3A_1437 = arith.constant 0 : index
    %swap3A_1438 = tpu.vector_load %arg12[%swap3A_1435, %swap3A_1436, %swap3A_1437] {strides = array<i32>} : memref<2x64x16xi32, #tpu.memory_space<vmem>>, vector<16xi32>,
    tpu.vector_store %arg12[%swap3A_1435, %swap3A_1436, %swap3A_1437], %add3A_1432 {strides = array<i32>} : memref<2x64x16xi32, #tpu.memory_space<vmem>>, vector<16xi32>,
    %get3A_1439 = arith.constant 640 : index
    %get3A_1440 = tpu.vector_load %arg8[%get3A_1439] {strides = array<i32>} : memref<1024xi32, #tpu.memory_space<vmem>>, vector<16xi32>,
    %get3A_1441 = arith.constant 640 : index
    %get3A_1442 = tpu.vector_load %arg9[%get3A_1441] {strides = array<i32>} : memref<1024xi32, #tpu.memory_space<vmem>>, vector<16xi32>,
    %and3A_1443 = arith.constant 255 : i32
    %and3A_1444 = vector.broadcast %and3A_1443 : i32 to vector<16xi32>
    %and3A_1445 = arith.andi %get3A_1440, %and3A_1444 : vector<16xi32>
    %gather3A_1446 = tpu.vector_load_idx %arg11[%and3A_1445] : memref<64xi32, #tpu.memory_space<vmem>>[vector<16xi32>], vector<16xi32>,
    %and3A_1447 = arith.constant 32767 : i32
    %and3A_1448 = vector.broadcast %and3A_1447 : i32 to vector<16xi32>
    %and3A_1449 = arith.andi %get3A_1442, %and3A_1448 : vector<16xi32>
    %add3A_1450 = arith.addi %gather3A_1446, %and3A_1449 : vector<16xi32>
    %swap3A_1451 = arith.constant 0 : i32
    %swap3A_1452 = arith.constant 40 : i32
    %swap3A_1453 = arith.index_cast %swap3A_1451 : i32 to index
    %swap3A_1454 = arith.index_cast %swap3A_1452 : i32 to index
    %swap3A_1455 = arith.constant 0 : index
    %swap3A_1456 = tpu.vector_load %arg12[%swap3A_1453, %swap3A_1454, %swap3A_1455] {strides = array<i32>} : memref<2x64x16xi32, #tpu.memory_space<vmem>>, vector<16xi32>,
    tpu.vector_store %arg12[%swap3A_1453, %swap3A_1454, %swap3A_1455], %add3A_1450 {strides = array<i32>} : memref<2x64x16xi32, #tpu.memory_space<vmem>>, vector<16xi32>,
    %shift_right_arithmetic3A_1457 = arith.constant 8 : i32
    %shift_right_arithmetic3A_1458 = vector.broadcast %shift_right_arithmetic3A_1457 : i32 to vector<16xi32>
    %shift_right_arithmetic3A_1459 = arith.shrsi %get3A_1440, %shift_right_arithmetic3A_1458 : vector<16xi32>
    %gather3A_1460 = tpu.vector_load_idx %arg11[%shift_right_arithmetic3A_1459] : memref<64xi32, #tpu.memory_space<vmem>>[vector<16xi32>], vector<16xi32>,
    %shift_right_arithmetic3A_1461 = arith.constant 15 : i32
    %shift_right_arithmetic3A_1462 = vector.broadcast %shift_right_arithmetic3A_1461 : i32 to vector<16xi32>
    %shift_right_arithmetic3A_1463 = arith.shrsi %get3A_1442, %shift_right_arithmetic3A_1462 : vector<16xi32>
    %add3A_1464 = arith.addi %gather3A_1460, %shift_right_arithmetic3A_1463 : vector<16xi32>
    %swap3A_1465 = arith.constant 1 : i32
    %swap3A_1466 = arith.constant 40 : i32
    %swap3A_1467 = arith.index_cast %swap3A_1465 : i32 to index
    %swap3A_1468 = arith.index_cast %swap3A_1466 : i32 to index
    %swap3A_1469 = arith.constant 0 : index
    %swap3A_1470 = tpu.vector_load %arg12[%swap3A_1467, %swap3A_1468, %swap3A_1469] {strides = array<i32>} : memref<2x64x16xi32, #tpu.memory_space<vmem>>, vector<16xi32>,
    tpu.vector_store %arg12[%swap3A_1467, %swap3A_1468, %swap3A_1469], %add3A_1464 {strides = array<i32>} : memref<2x64x16xi32, #tpu.memory_space<vmem>>, vector<16xi32>,
    %get3A_1471 = arith.constant 656 : index
    %get3A_1472 = tpu.vector_load %arg8[%get3A_1471] {strides = array<i32>} : memref<1024xi32, #tpu.memory_space<vmem>>, vector<16xi32>,
    %get3A_1473 = arith.constant 656 : index
    %get3A_1474 = tpu.vector_load %arg9[%get3A_1473] {strides = array<i32>} : memref<1024xi32, #tpu.memory_space<vmem>>, vector<16xi32>,
    %and3A_1475 = arith.constant 255 : i32
    %and3A_1476 = vector.broadcast %and3A_1475 : i32 to vector<16xi32>
    %and3A_1477 = arith.andi %get3A_1472, %and3A_1476 : vector<16xi32>
    %gather3A_1478 = tpu.vector_load_idx %arg11[%and3A_1477] : memref<64xi32, #tpu.memory_space<vmem>>[vector<16xi32>], vector<16xi32>,
    %and3A_1479 = arith.constant 32767 : i32
    %and3A_1480 = vector.broadcast %and3A_1479 : i32 to vector<16xi32>
    %and3A_1481 = arith.andi %get3A_1474, %and3A_1480 : vector<16xi32>
    %add3A_1482 = arith.addi %gather3A_1478, %and3A_1481 : vector<16xi32>
    %swap3A_1483 = arith.constant 0 : i32
    %swap3A_1484 = arith.constant 41 : i32
    %swap3A_1485 = arith.index_cast %swap3A_1483 : i32 to index
    %swap3A_1486 = arith.index_cast %swap3A_1484 : i32 to index
    %swap3A_1487 = arith.constant 0 : index
    %swap3A_1488 = tpu.vector_load %arg12[%swap3A_1485, %swap3A_1486, %swap3A_1487] {strides = array<i32>} : memref<2x64x16xi32, #tpu.memory_space<vmem>>, vector<16xi32>,
    tpu.vector_store %arg12[%swap3A_1485, %swap3A_1486, %swap3A_1487], %add3A_1482 {strides = array<i32>} : memref<2x64x16xi32, #tpu.memory_space<vmem>>, vector<16xi32>,
    %shift_right_arithmetic3A_1489 = arith.constant 8 : i32
    %shift_right_arithmetic3A_1490 = vector.broadcast %shift_right_arithmetic3A_1489 : i32 to vector<16xi32>
    %shift_right_arithmetic3A_1491 = arith.shrsi %get3A_1472, %shift_right_arithmetic3A_1490 : vector<16xi32>
    %gather3A_1492 = tpu.vector_load_idx %arg11[%shift_right_arithmetic3A_1491] : memref<64xi32, #tpu.memory_space<vmem>>[vector<16xi32>], vector<16xi32>,
    %shift_right_arithmetic3A_1493 = arith.constant 15 : i32
    %shift_right_arithmetic3A_1494 = vector.broadcast %shift_right_arithmetic3A_1493 : i32 to vector<16xi32>
    %shift_right_arithmetic3A_1495 = arith.shrsi %get3A_1474, %shift_right_arithmetic3A_1494 : vector<16xi32>
    %add3A_1496 = arith.addi %gather3A_1492, %shift_right_arithmetic3A_1495 : vector<16xi32>
    %swap3A_1497 = arith.constant 1 : i32
    %swap3A_1498 = arith.constant 41 : i32
    %swap3A_1499 = arith.index_cast %swap3A_1497 : i32 to index
    %swap3A_1500 = arith.index_cast %swap3A_1498 : i32 to index
    %swap3A_1501 = arith.constant 0 : index
    %swap3A_1502 = tpu.vector_load %arg12[%swap3A_1499, %swap3A_1500, %swap3A_1501] {strides = array<i32>} : memref<2x64x16xi32, #tpu.memory_space<vmem>>, vector<16xi32>,
    tpu.vector_store %arg12[%swap3A_1499, %swap3A_1500, %swap3A_1501], %add3A_1496 {strides = array<i32>} : memref<2x64x16xi32, #tpu.memory_space<vmem>>, vector<16xi32>,
    %get3A_1503 = arith.constant 672 : index
    %get3A_1504 = tpu.vector_load %arg8[%get3A_1503] {strides = array<i32>} : memref<1024xi32, #tpu.memory_space<vmem>>, vector<16xi32>,
    %get3A_1505 = arith.constant 672 : index
    %get3A_1506 = tpu.vector_load %arg9[%get3A_1505] {strides = array<i32>} : memref<1024xi32, #tpu.memory_space<vmem>>, vector<16xi32>,
    %and3A_1507 = arith.constant 255 : i32
    %and3A_1508 = vector.broadcast %and3A_1507 : i32 to vector<16xi32>
    %and3A_1509 = arith.andi %get3A_1504, %and3A_1508 : vector<16xi32>
    %gather3A_1510 = tpu.vector_load_idx %arg11[%and3A_1509] : memref<64xi32, #tpu.memory_space<vmem>>[vector<16xi32>], vector<16xi32>,
    %and3A_1511 = arith.constant 32767 : i32
    %and3A_1512 = vector.broadcast %and3A_1511 : i32 to vector<16xi32>
    %and3A_1513 = arith.andi %get3A_1506, %and3A_1512 : vector<16xi32>
    %add3A_1514 = arith.addi %gather3A_1510, %and3A_1513 : vector<16xi32>
    %swap3A_1515 = arith.constant 0 : i32
    %swap3A_1516 = arith.constant 42 : i32
    %swap3A_1517 = arith.index_cast %swap3A_1515 : i32 to index
    %swap3A_1518 = arith.index_cast %swap3A_1516 : i32 to index
    %swap3A_1519 = arith.constant 0 : index
    %swap3A_1520 = tpu.vector_load %arg12[%swap3A_1517, %swap3A_1518, %swap3A_1519] {strides = array<i32>} : memref<2x64x16xi32, #tpu.memory_space<vmem>>, vector<16xi32>,
    tpu.vector_store %arg12[%swap3A_1517, %swap3A_1518, %swap3A_1519], %add3A_1514 {strides = array<i32>} : memref<2x64x16xi32, #tpu.memory_space<vmem>>, vector<16xi32>,
    %shift_right_arithmetic3A_1521 = arith.constant 8 : i32
    %shift_right_arithmetic3A_1522 = vector.broadcast %shift_right_arithmetic3A_1521 : i32 to vector<16xi32>
    %shift_right_arithmetic3A_1523 = arith.shrsi %get3A_1504, %shift_right_arithmetic3A_1522 : vector<16xi32>
    %gather3A_1524 = tpu.vector_load_idx %arg11[%shift_right_arithmetic3A_1523] : memref<64xi32, #tpu.memory_space<vmem>>[vector<16xi32>], vector<16xi32>,
    %shift_right_arithmetic3A_1525 = arith.constant 15 : i32
    %shift_right_arithmetic3A_1526 = vector.broadcast %shift_right_arithmetic3A_1525 : i32 to vector<16xi32>
    %shift_right_arithmetic3A_1527 = arith.shrsi %get3A_1506, %shift_right_arithmetic3A_1526 : vector<16xi32>
    %add3A_1528 = arith.addi %gather3A_1524, %shift_right_arithmetic3A_1527 : vector<16xi32>
    %swap3A_1529 = arith.constant 1 : i32
    %swap3A_1530 = arith.constant 42 : i32
    %swap3A_1531 = arith.index_cast %swap3A_1529 : i32 to index
    %swap3A_1532 = arith.index_cast %swap3A_1530 : i32 to index
    %swap3A_1533 = arith.constant 0 : index
    %swap3A_1534 = tpu.vector_load %arg12[%swap3A_1531, %swap3A_1532, %swap3A_1533] {strides = array<i32>} : memref<2x64x16xi32, #tpu.memory_space<vmem>>, vector<16xi32>,
    tpu.vector_store %arg12[%swap3A_1531, %swap3A_1532, %swap3A_1533], %add3A_1528 {strides = array<i32>} : memref<2x64x16xi32, #tpu.memory_space<vmem>>, vector<16xi32>,
    %get3A_1535 = arith.constant 688 : index
    %get3A_1536 = tpu.vector_load %arg8[%get3A_1535] {strides = array<i32>} : memref<1024xi32, #tpu.memory_space<vmem>>, vector<16xi32>,
    %get3A_1537 = arith.constant 688 : index
    %get3A_1538 = tpu.vector_load %arg9[%get3A_1537] {strides = array<i32>} : memref<1024xi32, #tpu.memory_space<vmem>>, vector<16xi32>,
    %and3A_1539 = arith.constant 255 : i32
    %and3A_1540 = vector.broadcast %and3A_1539 : i32 to vector<16xi32>
    %and3A_1541 = arith.andi %get3A_1536, %and3A_1540 : vector<16xi32>
    %gather3A_1542 = tpu.vector_load_idx %arg11[%and3A_1541] : memref<64xi32, #tpu.memory_space<vmem>>[vector<16xi32>], vector<16xi32>,
    %and3A_1543 = arith.constant 32767 : i32
    %and3A_1544 = vector.broadcast %and3A_1543 : i32 to vector<16xi32>
    %and3A_1545 = arith.andi %get3A_1538, %and3A_1544 : vector<16xi32>
    %add3A_1546 = arith.addi %gather3A_1542, %and3A_1545 : vector<16xi32>
    %swap3A_1547 = arith.constant 0 : i32
    %swap3A_1548 = arith.constant 43 : i32
    %swap3A_1549 = arith.index_cast %swap3A_1547 : i32 to index
    %swap3A_1550 = arith.index_cast %swap3A_1548 : i32 to index
    %swap3A_1551 = arith.constant 0 : index
    %swap3A_1552 = tpu.vector_load %arg12[%swap3A_1549, %swap3A_1550, %swap3A_1551] {strides = array<i32>} : memref<2x64x16xi32, #tpu.memory_space<vmem>>, vector<16xi32>,
    tpu.vector_store %arg12[%swap3A_1549, %swap3A_1550, %swap3A_1551], %add3A_1546 {strides = array<i32>} : memref<2x64x16xi32, #tpu.memory_space<vmem>>, vector<16xi32>,
    %shift_right_arithmetic3A_1553 = arith.constant 8 : i32
    %shift_right_arithmetic3A_1554 = vector.broadcast %shift_right_arithmetic3A_1553 : i32 to vector<16xi32>
    %shift_right_arithmetic3A_1555 = arith.shrsi %get3A_1536, %shift_right_arithmetic3A_1554 : vector<16xi32>
    %gather3A_1556 = tpu.vector_load_idx %arg11[%shift_right_arithmetic3A_1555] : memref<64xi32, #tpu.memory_space<vmem>>[vector<16xi32>], vector<16xi32>,
    %shift_right_arithmetic3A_1557 = arith.constant 15 : i32
    %shift_right_arithmetic3A_1558 = vector.broadcast %shift_right_arithmetic3A_1557 : i32 to vector<16xi32>
    %shift_right_arithmetic3A_1559 = arith.shrsi %get3A_1538, %shift_right_arithmetic3A_1558 : vector<16xi32>
    %add3A_1560 = arith.addi %gather3A_1556, %shift_right_arithmetic3A_1559 : vector<16xi32>
    %swap3A_1561 = arith.constant 1 : i32
    %swap3A_1562 = arith.constant 43 : i32
    %swap3A_1563 = arith.index_cast %swap3A_1561 : i32 to index
    %swap3A_1564 = arith.index_cast %swap3A_1562 : i32 to index
    %swap3A_1565 = arith.constant 0 : index
    %swap3A_1566 = tpu.vector_load %arg12[%swap3A_1563, %swap3A_1564, %swap3A_1565] {strides = array<i32>} : memref<2x64x16xi32, #tpu.memory_space<vmem>>, vector<16xi32>,
    tpu.vector_store %arg12[%swap3A_1563, %swap3A_1564, %swap3A_1565], %add3A_1560 {strides = array<i32>} : memref<2x64x16xi32, #tpu.memory_space<vmem>>, vector<16xi32>,
    %get3A_1567 = arith.constant 704 : index
    %get3A_1568 = tpu.vector_load %arg8[%get3A_1567] {strides = array<i32>} : memref<1024xi32, #tpu.memory_space<vmem>>, vector<16xi32>,
    %get3A_1569 = arith.constant 704 : index
    %get3A_1570 = tpu.vector_load %arg9[%get3A_1569] {strides = array<i32>} : memref<1024xi32, #tpu.memory_space<vmem>>, vector<16xi32>,
    %and3A_1571 = arith.constant 255 : i32
    %and3A_1572 = vector.broadcast %and3A_1571 : i32 to vector<16xi32>
    %and3A_1573 = arith.andi %get3A_1568, %and3A_1572 : vector<16xi32>
    %gather3A_1574 = tpu.vector_load_idx %arg11[%and3A_1573] : memref<64xi32, #tpu.memory_space<vmem>>[vector<16xi32>], vector<16xi32>,
    %and3A_1575 = arith.constant 32767 : i32
    %and3A_1576 = vector.broadcast %and3A_1575 : i32 to vector<16xi32>
    %and3A_1577 = arith.andi %get3A_1570, %and3A_1576 : vector<16xi32>
    %add3A_1578 = arith.addi %gather3A_1574, %and3A_1577 : vector<16xi32>
    %swap3A_1579 = arith.constant 0 : i32
    %swap3A_1580 = arith.constant 44 : i32
    %swap3A_1581 = arith.index_cast %swap3A_1579 : i32 to index
    %swap3A_1582 = arith.index_cast %swap3A_1580 : i32 to index
    %swap3A_1583 = arith.constant 0 : index
    %swap3A_1584 = tpu.vector_load %arg12[%swap3A_1581, %swap3A_1582, %swap3A_1583] {strides = array<i32>} : memref<2x64x16xi32, #tpu.memory_space<vmem>>, vector<16xi32>,
    tpu.vector_store %arg12[%swap3A_1581, %swap3A_1582, %swap3A_1583], %add3A_1578 {strides = array<i32>} : memref<2x64x16xi32, #tpu.memory_space<vmem>>, vector<16xi32>,
    %shift_right_arithmetic3A_1585 = arith.constant 8 : i32
    %shift_right_arithmetic3A_1586 = vector.broadcast %shift_right_arithmetic3A_1585 : i32 to vector<16xi32>
    %shift_right_arithmetic3A_1587 = arith.shrsi %get3A_1568, %shift_right_arithmetic3A_1586 : vector<16xi32>
    %gather3A_1588 = tpu.vector_load_idx %arg11[%shift_right_arithmetic3A_1587] : memref<64xi32, #tpu.memory_space<vmem>>[vector<16xi32>], vector<16xi32>,
    %shift_right_arithmetic3A_1589 = arith.constant 15 : i32
    %shift_right_arithmetic3A_1590 = vector.broadcast %shift_right_arithmetic3A_1589 : i32 to vector<16xi32>
    %shift_right_arithmetic3A_1591 = arith.shrsi %get3A_1570, %shift_right_arithmetic3A_1590 : vector<16xi32>
    %add3A_1592 = arith.addi %gather3A_1588, %shift_right_arithmetic3A_1591 : vector<16xi32>
    %swap3A_1593 = arith.constant 1 : i32
    %swap3A_1594 = arith.constant 44 : i32
    %swap3A_1595 = arith.index_cast %swap3A_1593 : i32 to index
    %swap3A_1596 = arith.index_cast %swap3A_1594 : i32 to index
    %swap3A_1597 = arith.constant 0 : index
    %swap3A_1598 = tpu.vector_load %arg12[%swap3A_1595, %swap3A_1596, %swap3A_1597] {strides = array<i32>} : memref<2x64x16xi32, #tpu.memory_space<vmem>>, vector<16xi32>,
    tpu.vector_store %arg12[%swap3A_1595, %swap3A_1596, %swap3A_1597], %add3A_1592 {strides = array<i32>} : memref<2x64x16xi32, #tpu.memory_space<vmem>>, vector<16xi32>,
    %get3A_1599 = arith.constant 720 : index
    %get3A_1600 = tpu.vector_load %arg8[%get3A_1599] {strides = array<i32>} : memref<1024xi32, #tpu.memory_space<vmem>>, vector<16xi32>,
    %get3A_1601 = arith.constant 720 : index
    %get3A_1602 = tpu.vector_load %arg9[%get3A_1601] {strides = array<i32>} : memref<1024xi32, #tpu.memory_space<vmem>>, vector<16xi32>,
    %and3A_1603 = arith.constant 255 : i32
    %and3A_1604 = vector.broadcast %and3A_1603 : i32 to vector<16xi32>
    %and3A_1605 = arith.andi %get3A_1600, %and3A_1604 : vector<16xi32>
    %gather3A_1606 = tpu.vector_load_idx %arg11[%and3A_1605] : memref<64xi32, #tpu.memory_space<vmem>>[vector<16xi32>], vector<16xi32>,
    %and3A_1607 = arith.constant 32767 : i32
    %and3A_1608 = vector.broadcast %and3A_1607 : i32 to vector<16xi32>
    %and3A_1609 = arith.andi %get3A_1602, %and3A_1608 : vector<16xi32>
    %add3A_1610 = arith.addi %gather3A_1606, %and3A_1609 : vector<16xi32>
    %swap3A_1611 = arith.constant 0 : i32
    %swap3A_1612 = arith.constant 45 : i32
    %swap3A_1613 = arith.index_cast %swap3A_1611 : i32 to index
    %swap3A_1614 = arith.index_cast %swap3A_1612 : i32 to index
    %swap3A_1615 = arith.constant 0 : index
    %swap3A_1616 = tpu.vector_load %arg12[%swap3A_1613, %swap3A_1614, %swap3A_1615] {strides = array<i32>} : memref<2x64x16xi32, #tpu.memory_space<vmem>>, vector<16xi32>,
    tpu.vector_store %arg12[%swap3A_1613, %swap3A_1614, %swap3A_1615], %add3A_1610 {strides = array<i32>} : memref<2x64x16xi32, #tpu.memory_space<vmem>>, vector<16xi32>,
    %shift_right_arithmetic3A_1617 = arith.constant 8 : i32
    %shift_right_arithmetic3A_1618 = vector.broadcast %shift_right_arithmetic3A_1617 : i32 to vector<16xi32>
    %shift_right_arithmetic3A_1619 = arith.shrsi %get3A_1600, %shift_right_arithmetic3A_1618 : vector<16xi32>
    %gather3A_1620 = tpu.vector_load_idx %arg11[%shift_right_arithmetic3A_1619] : memref<64xi32, #tpu.memory_space<vmem>>[vector<16xi32>], vector<16xi32>,
    %shift_right_arithmetic3A_1621 = arith.constant 15 : i32
    %shift_right_arithmetic3A_1622 = vector.broadcast %shift_right_arithmetic3A_1621 : i32 to vector<16xi32>
    %shift_right_arithmetic3A_1623 = arith.shrsi %get3A_1602, %shift_right_arithmetic3A_1622 : vector<16xi32>
    %add3A_1624 = arith.addi %gather3A_1620, %shift_right_arithmetic3A_1623 : vector<16xi32>
    %swap3A_1625 = arith.constant 1 : i32
    %swap3A_1626 = arith.constant 45 : i32
    %swap3A_1627 = arith.index_cast %swap3A_1625 : i32 to index
    %swap3A_1628 = arith.index_cast %swap3A_1626 : i32 to index
    %swap3A_1629 = arith.constant 0 : index
    %swap3A_1630 = tpu.vector_load %arg12[%swap3A_1627, %swap3A_1628, %swap3A_1629] {strides = array<i32>} : memref<2x64x16xi32, #tpu.memory_space<vmem>>, vector<16xi32>,
    tpu.vector_store %arg12[%swap3A_1627, %swap3A_1628, %swap3A_1629], %add3A_1624 {strides = array<i32>} : memref<2x64x16xi32, #tpu.memory_space<vmem>>, vector<16xi32>,
    %get3A_1631 = arith.constant 736 : index
    %get3A_1632 = tpu.vector_load %arg8[%get3A_1631] {strides = array<i32>} : memref<1024xi32, #tpu.memory_space<vmem>>, vector<16xi32>,
    %get3A_1633 = arith.constant 736 : index
    %get3A_1634 = tpu.vector_load %arg9[%get3A_1633] {strides = array<i32>} : memref<1024xi32, #tpu.memory_space<vmem>>, vector<16xi32>,
    %and3A_1635 = arith.constant 255 : i32
    %and3A_1636 = vector.broadcast %and3A_1635 : i32 to vector<16xi32>
    %and3A_1637 = arith.andi %get3A_1632, %and3A_1636 : vector<16xi32>
    %gather3A_1638 = tpu.vector_load_idx %arg11[%and3A_1637] : memref<64xi32, #tpu.memory_space<vmem>>[vector<16xi32>], vector<16xi32>,
    %and3A_1639 = arith.constant 32767 : i32
    %and3A_1640 = vector.broadcast %and3A_1639 : i32 to vector<16xi32>
    %and3A_1641 = arith.andi %get3A_1634, %and3A_1640 : vector<16xi32>
    %add3A_1642 = arith.addi %gather3A_1638, %and3A_1641 : vector<16xi32>
    %swap3A_1643 = arith.constant 0 : i32
    %swap3A_1644 = arith.constant 46 : i32
    %swap3A_1645 = arith.index_cast %swap3A_1643 : i32 to index
    %swap3A_1646 = arith.index_cast %swap3A_1644 : i32 to index
    %swap3A_1647 = arith.constant 0 : index
    %swap3A_1648 = tpu.vector_load %arg12[%swap3A_1645, %swap3A_1646, %swap3A_1647] {strides = array<i32>} : memref<2x64x16xi32, #tpu.memory_space<vmem>>, vector<16xi32>,
    tpu.vector_store %arg12[%swap3A_1645, %swap3A_1646, %swap3A_1647], %add3A_1642 {strides = array<i32>} : memref<2x64x16xi32, #tpu.memory_space<vmem>>, vector<16xi32>,
    %shift_right_arithmetic3A_1649 = arith.constant 8 : i32
    %shift_right_arithmetic3A_1650 = vector.broadcast %shift_right_arithmetic3A_1649 : i32 to vector<16xi32>
    %shift_right_arithmetic3A_1651 = arith.shrsi %get3A_1632, %shift_right_arithmetic3A_1650 : vector<16xi32>
    %gather3A_1652 = tpu.vector_load_idx %arg11[%shift_right_arithmetic3A_1651] : memref<64xi32, #tpu.memory_space<vmem>>[vector<16xi32>], vector<16xi32>,
    %shift_right_arithmetic3A_1653 = arith.constant 15 : i32
    %shift_right_arithmetic3A_1654 = vector.broadcast %shift_right_arithmetic3A_1653 : i32 to vector<16xi32>
    %shift_right_arithmetic3A_1655 = arith.shrsi %get3A_1634, %shift_right_arithmetic3A_1654 : vector<16xi32>
    %add3A_1656 = arith.addi %gather3A_1652, %shift_right_arithmetic3A_1655 : vector<16xi32>
    %swap3A_1657 = arith.constant 1 : i32
    %swap3A_1658 = arith.constant 46 : i32
    %swap3A_1659 = arith.index_cast %swap3A_1657 : i32 to index
    %swap3A_1660 = arith.index_cast %swap3A_1658 : i32 to index
    %swap3A_1661 = arith.constant 0 : index
    %swap3A_1662 = tpu.vector_load %arg12[%swap3A_1659, %swap3A_1660, %swap3A_1661] {strides = array<i32>} : memref<2x64x16xi32, #tpu.memory_space<vmem>>, vector<16xi32>,
    tpu.vector_store %arg12[%swap3A_1659, %swap3A_1660, %swap3A_1661], %add3A_1656 {strides = array<i32>} : memref<2x64x16xi32, #tpu.memory_space<vmem>>, vector<16xi32>,
    %get3A_1663 = arith.constant 752 : index
    %get3A_1664 = tpu.vector_load %arg8[%get3A_1663] {strides = array<i32>} : memref<1024xi32, #tpu.memory_space<vmem>>, vector<16xi32>,
    %get3A_1665 = arith.constant 752 : index
    %get3A_1666 = tpu.vector_load %arg9[%get3A_1665] {strides = array<i32>} : memref<1024xi32, #tpu.memory_space<vmem>>, vector<16xi32>,
    %and3A_1667 = arith.constant 255 : i32
    %and3A_1668 = vector.broadcast %and3A_1667 : i32 to vector<16xi32>
    %and3A_1669 = arith.andi %get3A_1664, %and3A_1668 : vector<16xi32>
    %gather3A_1670 = tpu.vector_load_idx %arg11[%and3A_1669] : memref<64xi32, #tpu.memory_space<vmem>>[vector<16xi32>], vector<16xi32>,
    %and3A_1671 = arith.constant 32767 : i32
    %and3A_1672 = vector.broadcast %and3A_1671 : i32 to vector<16xi32>
    %and3A_1673 = arith.andi %get3A_1666, %and3A_1672 : vector<16xi32>
    %add3A_1674 = arith.addi %gather3A_1670, %and3A_1673 : vector<16xi32>
    %swap3A_1675 = arith.constant 0 : i32
    %swap3A_1676 = arith.constant 47 : i32
    %swap3A_1677 = arith.index_cast %swap3A_1675 : i32 to index
    %swap3A_1678 = arith.index_cast %swap3A_1676 : i32 to index
    %swap3A_1679 = arith.constant 0 : index
    %swap3A_1680 = tpu.vector_load %arg12[%swap3A_1677, %swap3A_1678, %swap3A_1679] {strides = array<i32>} : memref<2x64x16xi32, #tpu.memory_space<vmem>>, vector<16xi32>,
    tpu.vector_store %arg12[%swap3A_1677, %swap3A_1678, %swap3A_1679], %add3A_1674 {strides = array<i32>} : memref<2x64x16xi32, #tpu.memory_space<vmem>>, vector<16xi32>,
    %shift_right_arithmetic3A_1681 = arith.constant 8 : i32
    %shift_right_arithmetic3A_1682 = vector.broadcast %shift_right_arithmetic3A_1681 : i32 to vector<16xi32>
    %shift_right_arithmetic3A_1683 = arith.shrsi %get3A_1664, %shift_right_arithmetic3A_1682 : vector<16xi32>
    %gather3A_1684 = tpu.vector_load_idx %arg11[%shift_right_arithmetic3A_1683] : memref<64xi32, #tpu.memory_space<vmem>>[vector<16xi32>], vector<16xi32>,
    %shift_right_arithmetic3A_1685 = arith.constant 15 : i32
    %shift_right_arithmetic3A_1686 = vector.broadcast %shift_right_arithmetic3A_1685 : i32 to vector<16xi32>
    %shift_right_arithmetic3A_1687 = arith.shrsi %get3A_1666, %shift_right_arithmetic3A_1686 : vector<16xi32>
    %add3A_1688 = arith.addi %gather3A_1684, %shift_right_arithmetic3A_1687 : vector<16xi32>
    %swap3A_1689 = arith.constant 1 : i32
    %swap3A_1690 = arith.constant 47 : i32
    %swap3A_1691 = arith.index_cast %swap3A_1689 : i32 to index
    %swap3A_1692 = arith.index_cast %swap3A_1690 : i32 to index
    %swap3A_1693 = arith.constant 0 : index
    %swap3A_1694 = tpu.vector_load %arg12[%swap3A_1691, %swap3A_1692, %swap3A_1693] {strides = array<i32>} : memref<2x64x16xi32, #tpu.memory_space<vmem>>, vector<16xi32>,
    tpu.vector_store %arg12[%swap3A_1691, %swap3A_1692, %swap3A_1693], %add3A_1688 {strides = array<i32>} : memref<2x64x16xi32, #tpu.memory_space<vmem>>, vector<16xi32>,
    %get3A_1695 = arith.constant 768 : index
    %get3A_1696 = tpu.vector_load %arg8[%get3A_1695] {strides = array<i32>} : memref<1024xi32, #tpu.memory_space<vmem>>, vector<16xi32>,
    %get3A_1697 = arith.constant 768 : index
    %get3A_1698 = tpu.vector_load %arg9[%get3A_1697] {strides = array<i32>} : memref<1024xi32, #tpu.memory_space<vmem>>, vector<16xi32>,
    %and3A_1699 = arith.constant 255 : i32
    %and3A_1700 = vector.broadcast %and3A_1699 : i32 to vector<16xi32>
    %and3A_1701 = arith.andi %get3A_1696, %and3A_1700 : vector<16xi32>
    %gather3A_1702 = tpu.vector_load_idx %arg11[%and3A_1701] : memref<64xi32, #tpu.memory_space<vmem>>[vector<16xi32>], vector<16xi32>,
    %and3A_1703 = arith.constant 32767 : i32
    %and3A_1704 = vector.broadcast %and3A_1703 : i32 to vector<16xi32>
    %and3A_1705 = arith.andi %get3A_1698, %and3A_1704 : vector<16xi32>
    %add3A_1706 = arith.addi %gather3A_1702, %and3A_1705 : vector<16xi32>
    %swap3A_1707 = arith.constant 0 : i32
    %swap3A_1708 = arith.constant 48 : i32
    %swap3A_1709 = arith.index_cast %swap3A_1707 : i32 to index
    %swap3A_1710 = arith.index_cast %swap3A_1708 : i32 to index
    %swap3A_1711 = arith.constant 0 : index
    %swap3A_1712 = tpu.vector_load %arg12[%swap3A_1709, %swap3A_1710, %swap3A_1711] {strides = array<i32>} : memref<2x64x16xi32, #tpu.memory_space<vmem>>, vector<16xi32>,
    tpu.vector_store %arg12[%swap3A_1709, %swap3A_1710, %swap3A_1711], %add3A_1706 {strides = array<i32>} : memref<2x64x16xi32, #tpu.memory_space<vmem>>, vector<16xi32>,
    %shift_right_arithmetic3A_1713 = arith.constant 8 : i32
    %shift_right_arithmetic3A_1714 = vector.broadcast %shift_right_arithmetic3A_1713 : i32 to vector<16xi32>
    %shift_right_arithmetic3A_1715 = arith.shrsi %get3A_1696, %shift_right_arithmetic3A_1714 : vector<16xi32>
    %gather3A_1716 = tpu.vector_load_idx %arg11[%shift_right_arithmetic3A_1715] : memref<64xi32, #tpu.memory_space<vmem>>[vector<16xi32>], vector<16xi32>,
    %shift_right_arithmetic3A_1717 = arith.constant 15 : i32
    %shift_right_arithmetic3A_1718 = vector.broadcast %shift_right_arithmetic3A_1717 : i32 to vector<16xi32>
    %shift_right_arithmetic3A_1719 = arith.shrsi %get3A_1698, %shift_right_arithmetic3A_1718 : vector<16xi32>
    %add3A_1720 = arith.addi %gather3A_1716, %shift_right_arithmetic3A_1719 : vector<16xi32>
    %swap3A_1721 = arith.constant 1 : i32
    %swap3A_1722 = arith.constant 48 : i32
    %swap3A_1723 = arith.index_cast %swap3A_1721 : i32 to index
    %swap3A_1724 = arith.index_cast %swap3A_1722 : i32 to index
    %swap3A_1725 = arith.constant 0 : index
    %swap3A_1726 = tpu.vector_load %arg12[%swap3A_1723, %swap3A_1724, %swap3A_1725] {strides = array<i32>} : memref<2x64x16xi32, #tpu.memory_space<vmem>>, vector<16xi32>,
    tpu.vector_store %arg12[%swap3A_1723, %swap3A_1724, %swap3A_1725], %add3A_1720 {strides = array<i32>} : memref<2x64x16xi32, #tpu.memory_space<vmem>>, vector<16xi32>,
    %get3A_1727 = arith.constant 784 : index
    %get3A_1728 = tpu.vector_load %arg8[%get3A_1727] {strides = array<i32>} : memref<1024xi32, #tpu.memory_space<vmem>>, vector<16xi32>,
    %get3A_1729 = arith.constant 784 : index
    %get3A_1730 = tpu.vector_load %arg9[%get3A_1729] {strides = array<i32>} : memref<1024xi32, #tpu.memory_space<vmem>>, vector<16xi32>,
    %and3A_1731 = arith.constant 255 : i32
    %and3A_1732 = vector.broadcast %and3A_1731 : i32 to vector<16xi32>
    %and3A_1733 = arith.andi %get3A_1728, %and3A_1732 : vector<16xi32>
    %gather3A_1734 = tpu.vector_load_idx %arg11[%and3A_1733] : memref<64xi32, #tpu.memory_space<vmem>>[vector<16xi32>], vector<16xi32>,
    %and3A_1735 = arith.constant 32767 : i32
    %and3A_1736 = vector.broadcast %and3A_1735 : i32 to vector<16xi32>
    %and3A_1737 = arith.andi %get3A_1730, %and3A_1736 : vector<16xi32>
    %add3A_1738 = arith.addi %gather3A_1734, %and3A_1737 : vector<16xi32>
    %swap3A_1739 = arith.constant 0 : i32
    %swap3A_1740 = arith.constant 49 : i32
    %swap3A_1741 = arith.index_cast %swap3A_1739 : i32 to index
    %swap3A_1742 = arith.index_cast %swap3A_1740 : i32 to index
    %swap3A_1743 = arith.constant 0 : index
    %swap3A_1744 = tpu.vector_load %arg12[%swap3A_1741, %swap3A_1742, %swap3A_1743] {strides = array<i32>} : memref<2x64x16xi32, #tpu.memory_space<vmem>>, vector<16xi32>,
    tpu.vector_store %arg12[%swap3A_1741, %swap3A_1742, %swap3A_1743], %add3A_1738 {strides = array<i32>} : memref<2x64x16xi32, #tpu.memory_space<vmem>>, vector<16xi32>,
    %shift_right_arithmetic3A_1745 = arith.constant 8 : i32
    %shift_right_arithmetic3A_1746 = vector.broadcast %shift_right_arithmetic3A_1745 : i32 to vector<16xi32>
    %shift_right_arithmetic3A_1747 = arith.shrsi %get3A_1728, %shift_right_arithmetic3A_1746 : vector<16xi32>
    %gather3A_1748 = tpu.vector_load_idx %arg11[%shift_right_arithmetic3A_1747] : memref<64xi32, #tpu.memory_space<vmem>>[vector<16xi32>], vector<16xi32>,
    %shift_right_arithmetic3A_1749 = arith.constant 15 : i32
    %shift_right_arithmetic3A_1750 = vector.broadcast %shift_right_arithmetic3A_1749 : i32 to vector<16xi32>
    %shift_right_arithmetic3A_1751 = arith.shrsi %get3A_1730, %shift_right_arithmetic3A_1750 : vector<16xi32>
    %add3A_1752 = arith.addi %gather3A_1748, %shift_right_arithmetic3A_1751 : vector<16xi32>
    %swap3A_1753 = arith.constant 1 : i32
    %swap3A_1754 = arith.constant 49 : i32
    %swap3A_1755 = arith.index_cast %swap3A_1753 : i32 to index
    %swap3A_1756 = arith.index_cast %swap3A_1754 : i32 to index
    %swap3A_1757 = arith.constant 0 : index
    %swap3A_1758 = tpu.vector_load %arg12[%swap3A_1755, %swap3A_1756, %swap3A_1757] {strides = array<i32>} : memref<2x64x16xi32, #tpu.memory_space<vmem>>, vector<16xi32>,
    tpu.vector_store %arg12[%swap3A_1755, %swap3A_1756, %swap3A_1757], %add3A_1752 {strides = array<i32>} : memref<2x64x16xi32, #tpu.memory_space<vmem>>, vector<16xi32>,
    %get3A_1759 = arith.constant 800 : index
    %get3A_1760 = tpu.vector_load %arg8[%get3A_1759] {strides = array<i32>} : memref<1024xi32, #tpu.memory_space<vmem>>, vector<16xi32>,
    %get3A_1761 = arith.constant 800 : index
    %get3A_1762 = tpu.vector_load %arg9[%get3A_1761] {strides = array<i32>} : memref<1024xi32, #tpu.memory_space<vmem>>, vector<16xi32>,
    %and3A_1763 = arith.constant 255 : i32
    %and3A_1764 = vector.broadcast %and3A_1763 : i32 to vector<16xi32>
    %and3A_1765 = arith.andi %get3A_1760, %and3A_1764 : vector<16xi32>
    %gather3A_1766 = tpu.vector_load_idx %arg11[%and3A_1765] : memref<64xi32, #tpu.memory_space<vmem>>[vector<16xi32>], vector<16xi32>,
    %and3A_1767 = arith.constant 32767 : i32
    %and3A_1768 = vector.broadcast %and3A_1767 : i32 to vector<16xi32>
    %and3A_1769 = arith.andi %get3A_1762, %and3A_1768 : vector<16xi32>
    %add3A_1770 = arith.addi %gather3A_1766, %and3A_1769 : vector<16xi32>
    %swap3A_1771 = arith.constant 0 : i32
    %swap3A_1772 = arith.constant 50 : i32
    %swap3A_1773 = arith.index_cast %swap3A_1771 : i32 to index
    %swap3A_1774 = arith.index_cast %swap3A_1772 : i32 to index
    %swap3A_1775 = arith.constant 0 : index
    %swap3A_1776 = tpu.vector_load %arg12[%swap3A_1773, %swap3A_1774, %swap3A_1775] {strides = array<i32>} : memref<2x64x16xi32, #tpu.memory_space<vmem>>, vector<16xi32>,
    tpu.vector_store %arg12[%swap3A_1773, %swap3A_1774, %swap3A_1775], %add3A_1770 {strides = array<i32>} : memref<2x64x16xi32, #tpu.memory_space<vmem>>, vector<16xi32>,
    %shift_right_arithmetic3A_1777 = arith.constant 8 : i32
    %shift_right_arithmetic3A_1778 = vector.broadcast %shift_right_arithmetic3A_1777 : i32 to vector<16xi32>
    %shift_right_arithmetic3A_1779 = arith.shrsi %get3A_1760, %shift_right_arithmetic3A_1778 : vector<16xi32>
    %gather3A_1780 = tpu.vector_load_idx %arg11[%shift_right_arithmetic3A_1779] : memref<64xi32, #tpu.memory_space<vmem>>[vector<16xi32>], vector<16xi32>,
    %shift_right_arithmetic3A_1781 = arith.constant 15 : i32
    %shift_right_arithmetic3A_1782 = vector.broadcast %shift_right_arithmetic3A_1781 : i32 to vector<16xi32>
    %shift_right_arithmetic3A_1783 = arith.shrsi %get3A_1762, %shift_right_arithmetic3A_1782 : vector<16xi32>
    %add3A_1784 = arith.addi %gather3A_1780, %shift_right_arithmetic3A_1783 : vector<16xi32>
    %swap3A_1785 = arith.constant 1 : i32
    %swap3A_1786 = arith.constant 50 : i32
    %swap3A_1787 = arith.index_cast %swap3A_1785 : i32 to index
    %swap3A_1788 = arith.index_cast %swap3A_1786 : i32 to index
    %swap3A_1789 = arith.constant 0 : index
    %swap3A_1790 = tpu.vector_load %arg12[%swap3A_1787, %swap3A_1788, %swap3A_1789] {strides = array<i32>} : memref<2x64x16xi32, #tpu.memory_space<vmem>>, vector<16xi32>,
    tpu.vector_store %arg12[%swap3A_1787, %swap3A_1788, %swap3A_1789], %add3A_1784 {strides = array<i32>} : memref<2x64x16xi32, #tpu.memory_space<vmem>>, vector<16xi32>,
    %get3A_1791 = arith.constant 816 : index
    %get3A_1792 = tpu.vector_load %arg8[%get3A_1791] {strides = array<i32>} : memref<1024xi32, #tpu.memory_space<vmem>>, vector<16xi32>,
    %get3A_1793 = arith.constant 816 : index
    %get3A_1794 = tpu.vector_load %arg9[%get3A_1793] {strides = array<i32>} : memref<1024xi32, #tpu.memory_space<vmem>>, vector<16xi32>,
    %and3A_1795 = arith.constant 255 : i32
    %and3A_1796 = vector.broadcast %and3A_1795 : i32 to vector<16xi32>
    %and3A_1797 = arith.andi %get3A_1792, %and3A_1796 : vector<16xi32>
    %gather3A_1798 = tpu.vector_load_idx %arg11[%and3A_1797] : memref<64xi32, #tpu.memory_space<vmem>>[vector<16xi32>], vector<16xi32>,
    %and3A_1799 = arith.constant 32767 : i32
    %and3A_1800 = vector.broadcast %and3A_1799 : i32 to vector<16xi32>
    %and3A_1801 = arith.andi %get3A_1794, %and3A_1800 : vector<16xi32>
    %add3A_1802 = arith.addi %gather3A_1798, %and3A_1801 : vector<16xi32>
    %swap3A_1803 = arith.constant 0 : i32
    %swap3A_1804 = arith.constant 51 : i32
    %swap3A_1805 = arith.index_cast %swap3A_1803 : i32 to index
    %swap3A_1806 = arith.index_cast %swap3A_1804 : i32 to index
    %swap3A_1807 = arith.constant 0 : index
    %swap3A_1808 = tpu.vector_load %arg12[%swap3A_1805, %swap3A_1806, %swap3A_1807] {strides = array<i32>} : memref<2x64x16xi32, #tpu.memory_space<vmem>>, vector<16xi32>,
    tpu.vector_store %arg12[%swap3A_1805, %swap3A_1806, %swap3A_1807], %add3A_1802 {strides = array<i32>} : memref<2x64x16xi32, #tpu.memory_space<vmem>>, vector<16xi32>,
    %shift_right_arithmetic3A_1809 = arith.constant 8 : i32
    %shift_right_arithmetic3A_1810 = vector.broadcast %shift_right_arithmetic3A_1809 : i32 to vector<16xi32>
    %shift_right_arithmetic3A_1811 = arith.shrsi %get3A_1792, %shift_right_arithmetic3A_1810 : vector<16xi32>
    %gather3A_1812 = tpu.vector_load_idx %arg11[%shift_right_arithmetic3A_1811] : memref<64xi32, #tpu.memory_space<vmem>>[vector<16xi32>], vector<16xi32>,
    %shift_right_arithmetic3A_1813 = arith.constant 15 : i32
    %shift_right_arithmetic3A_1814 = vector.broadcast %shift_right_arithmetic3A_1813 : i32 to vector<16xi32>
    %shift_right_arithmetic3A_1815 = arith.shrsi %get3A_1794, %shift_right_arithmetic3A_1814 : vector<16xi32>
    %add3A_1816 = arith.addi %gather3A_1812, %shift_right_arithmetic3A_1815 : vector<16xi32>
    %swap3A_1817 = arith.constant 1 : i32
    %swap3A_1818 = arith.constant 51 : i32
    %swap3A_1819 = arith.index_cast %swap3A_1817 : i32 to index
    %swap3A_1820 = arith.index_cast %swap3A_1818 : i32 to index
    %swap3A_1821 = arith.constant 0 : index
    %swap3A_1822 = tpu.vector_load %arg12[%swap3A_1819, %swap3A_1820, %swap3A_1821] {strides = array<i32>} : memref<2x64x16xi32, #tpu.memory_space<vmem>>, vector<16xi32>,
    tpu.vector_store %arg12[%swap3A_1819, %swap3A_1820, %swap3A_1821], %add3A_1816 {strides = array<i32>} : memref<2x64x16xi32, #tpu.memory_space<vmem>>, vector<16xi32>,
    %get3A_1823 = arith.constant 832 : index
    %get3A_1824 = tpu.vector_load %arg8[%get3A_1823] {strides = array<i32>} : memref<1024xi32, #tpu.memory_space<vmem>>, vector<16xi32>,
    %get3A_1825 = arith.constant 832 : index
    %get3A_1826 = tpu.vector_load %arg9[%get3A_1825] {strides = array<i32>} : memref<1024xi32, #tpu.memory_space<vmem>>, vector<16xi32>,
    %and3A_1827 = arith.constant 255 : i32
    %and3A_1828 = vector.broadcast %and3A_1827 : i32 to vector<16xi32>
    %and3A_1829 = arith.andi %get3A_1824, %and3A_1828 : vector<16xi32>
    %gather3A_1830 = tpu.vector_load_idx %arg11[%and3A_1829] : memref<64xi32, #tpu.memory_space<vmem>>[vector<16xi32>], vector<16xi32>,
    %and3A_1831 = arith.constant 32767 : i32
    %and3A_1832 = vector.broadcast %and3A_1831 : i32 to vector<16xi32>
    %and3A_1833 = arith.andi %get3A_1826, %and3A_1832 : vector<16xi32>
    %add3A_1834 = arith.addi %gather3A_1830, %and3A_1833 : vector<16xi32>
    %swap3A_1835 = arith.constant 0 : i32
    %swap3A_1836 = arith.constant 52 : i32
    %swap3A_1837 = arith.index_cast %swap3A_1835 : i32 to index
    %swap3A_1838 = arith.index_cast %swap3A_1836 : i32 to index
    %swap3A_1839 = arith.constant 0 : index
    %swap3A_1840 = tpu.vector_load %arg12[%swap3A_1837, %swap3A_1838, %swap3A_1839] {strides = array<i32>} : memref<2x64x16xi32, #tpu.memory_space<vmem>>, vector<16xi32>,
    tpu.vector_store %arg12[%swap3A_1837, %swap3A_1838, %swap3A_1839], %add3A_1834 {strides = array<i32>} : memref<2x64x16xi32, #tpu.memory_space<vmem>>, vector<16xi32>,
    %shift_right_arithmetic3A_1841 = arith.constant 8 : i32
    %shift_right_arithmetic3A_1842 = vector.broadcast %shift_right_arithmetic3A_1841 : i32 to vector<16xi32>
    %shift_right_arithmetic3A_1843 = arith.shrsi %get3A_1824, %shift_right_arithmetic3A_1842 : vector<16xi32>
    %gather3A_1844 = tpu.vector_load_idx %arg11[%shift_right_arithmetic3A_1843] : memref<64xi32, #tpu.memory_space<vmem>>[vector<16xi32>], vector<16xi32>,
    %shift_right_arithmetic3A_1845 = arith.constant 15 : i32
    %shift_right_arithmetic3A_1846 = vector.broadcast %shift_right_arithmetic3A_1845 : i32 to vector<16xi32>
    %shift_right_arithmetic3A_1847 = arith.shrsi %get3A_1826, %shift_right_arithmetic3A_1846 : vector<16xi32>
    %add3A_1848 = arith.addi %gather3A_1844, %shift_right_arithmetic3A_1847 : vector<16xi32>
    %swap3A_1849 = arith.constant 1 : i32
    %swap3A_1850 = arith.constant 52 : i32
    %swap3A_1851 = arith.index_cast %swap3A_1849 : i32 to index
    %swap3A_1852 = arith.index_cast %swap3A_1850 : i32 to index
    %swap3A_1853 = arith.constant 0 : index
    %swap3A_1854 = tpu.vector_load %arg12[%swap3A_1851, %swap3A_1852, %swap3A_1853] {strides = array<i32>} : memref<2x64x16xi32, #tpu.memory_space<vmem>>, vector<16xi32>,
    tpu.vector_store %arg12[%swap3A_1851, %swap3A_1852, %swap3A_1853], %add3A_1848 {strides = array<i32>} : memref<2x64x16xi32, #tpu.memory_space<vmem>>, vector<16xi32>,
    %get3A_1855 = arith.constant 848 : index
    %get3A_1856 = tpu.vector_load %arg8[%get3A_1855] {strides = array<i32>} : memref<1024xi32, #tpu.memory_space<vmem>>, vector<16xi32>,
    %get3A_1857 = arith.constant 848 : index
    %get3A_1858 = tpu.vector_load %arg9[%get3A_1857] {strides = array<i32>} : memref<1024xi32, #tpu.memory_space<vmem>>, vector<16xi32>,
    %and3A_1859 = arith.constant 255 : i32
    %and3A_1860 = vector.broadcast %and3A_1859 : i32 to vector<16xi32>
    %and3A_1861 = arith.andi %get3A_1856, %and3A_1860 : vector<16xi32>
    %gather3A_1862 = tpu.vector_load_idx %arg11[%and3A_1861] : memref<64xi32, #tpu.memory_space<vmem>>[vector<16xi32>], vector<16xi32>,
    %and3A_1863 = arith.constant 32767 : i32
    %and3A_1864 = vector.broadcast %and3A_1863 : i32 to vector<16xi32>
    %and3A_1865 = arith.andi %get3A_1858, %and3A_1864 : vector<16xi32>
    %add3A_1866 = arith.addi %gather3A_1862, %and3A_1865 : vector<16xi32>
    %swap3A_1867 = arith.constant 0 : i32
    %swap3A_1868 = arith.constant 53 : i32
    %swap3A_1869 = arith.index_cast %swap3A_1867 : i32 to index
    %swap3A_1870 = arith.index_cast %swap3A_1868 : i32 to index
    %swap3A_1871 = arith.constant 0 : index
    %swap3A_1872 = tpu.vector_load %arg12[%swap3A_1869, %swap3A_1870, %swap3A_1871] {strides = array<i32>} : memref<2x64x16xi32, #tpu.memory_space<vmem>>, vector<16xi32>,
    tpu.vector_store %arg12[%swap3A_1869, %swap3A_1870, %swap3A_1871], %add3A_1866 {strides = array<i32>} : memref<2x64x16xi32, #tpu.memory_space<vmem>>, vector<16xi32>,
    %shift_right_arithmetic3A_1873 = arith.constant 8 : i32
    %shift_right_arithmetic3A_1874 = vector.broadcast %shift_right_arithmetic3A_1873 : i32 to vector<16xi32>
    %shift_right_arithmetic3A_1875 = arith.shrsi %get3A_1856, %shift_right_arithmetic3A_1874 : vector<16xi32>
    %gather3A_1876 = tpu.vector_load_idx %arg11[%shift_right_arithmetic3A_1875] : memref<64xi32, #tpu.memory_space<vmem>>[vector<16xi32>], vector<16xi32>,
    %shift_right_arithmetic3A_1877 = arith.constant 15 : i32
    %shift_right_arithmetic3A_1878 = vector.broadcast %shift_right_arithmetic3A_1877 : i32 to vector<16xi32>
    %shift_right_arithmetic3A_1879 = arith.shrsi %get3A_1858, %shift_right_arithmetic3A_1878 : vector<16xi32>
    %add3A_1880 = arith.addi %gather3A_1876, %shift_right_arithmetic3A_1879 : vector<16xi32>
    %swap3A_1881 = arith.constant 1 : i32
    %swap3A_1882 = arith.constant 53 : i32
    %swap3A_1883 = arith.index_cast %swap3A_1881 : i32 to index
    %swap3A_1884 = arith.index_cast %swap3A_1882 : i32 to index
    %swap3A_1885 = arith.constant 0 : index
    %swap3A_1886 = tpu.vector_load %arg12[%swap3A_1883, %swap3A_1884, %swap3A_1885] {strides = array<i32>} : memref<2x64x16xi32, #tpu.memory_space<vmem>>, vector<16xi32>,
    tpu.vector_store %arg12[%swap3A_1883, %swap3A_1884, %swap3A_1885], %add3A_1880 {strides = array<i32>} : memref<2x64x16xi32, #tpu.memory_space<vmem>>, vector<16xi32>,
    %get3A_1887 = arith.constant 864 : index
    %get3A_1888 = tpu.vector_load %arg8[%get3A_1887] {strides = array<i32>} : memref<1024xi32, #tpu.memory_space<vmem>>, vector<16xi32>,
    %get3A_1889 = arith.constant 864 : index
    %get3A_1890 = tpu.vector_load %arg9[%get3A_1889] {strides = array<i32>} : memref<1024xi32, #tpu.memory_space<vmem>>, vector<16xi32>,
    %and3A_1891 = arith.constant 255 : i32
    %and3A_1892 = vector.broadcast %and3A_1891 : i32 to vector<16xi32>
    %and3A_1893 = arith.andi %get3A_1888, %and3A_1892 : vector<16xi32>
    %gather3A_1894 = tpu.vector_load_idx %arg11[%and3A_1893] : memref<64xi32, #tpu.memory_space<vmem>>[vector<16xi32>], vector<16xi32>,
    %and3A_1895 = arith.constant 32767 : i32
    %and3A_1896 = vector.broadcast %and3A_1895 : i32 to vector<16xi32>
    %and3A_1897 = arith.andi %get3A_1890, %and3A_1896 : vector<16xi32>
    %add3A_1898 = arith.addi %gather3A_1894, %and3A_1897 : vector<16xi32>
    %swap3A_1899 = arith.constant 0 : i32
    %swap3A_1900 = arith.constant 54 : i32
    %swap3A_1901 = arith.index_cast %swap3A_1899 : i32 to index
    %swap3A_1902 = arith.index_cast %swap3A_1900 : i32 to index
    %swap3A_1903 = arith.constant 0 : index
    %swap3A_1904 = tpu.vector_load %arg12[%swap3A_1901, %swap3A_1902, %swap3A_1903] {strides = array<i32>} : memref<2x64x16xi32, #tpu.memory_space<vmem>>, vector<16xi32>,
    tpu.vector_store %arg12[%swap3A_1901, %swap3A_1902, %swap3A_1903], %add3A_1898 {strides = array<i32>} : memref<2x64x16xi32, #tpu.memory_space<vmem>>, vector<16xi32>,
    %shift_right_arithmetic3A_1905 = arith.constant 8 : i32
    %shift_right_arithmetic3A_1906 = vector.broadcast %shift_right_arithmetic3A_1905 : i32 to vector<16xi32>
    %shift_right_arithmetic3A_1907 = arith.shrsi %get3A_1888, %shift_right_arithmetic3A_1906 : vector<16xi32>
    %gather3A_1908 = tpu.vector_load_idx %arg11[%shift_right_arithmetic3A_1907] : memref<64xi32, #tpu.memory_space<vmem>>[vector<16xi32>], vector<16xi32>,
    %shift_right_arithmetic3A_1909 = arith.constant 15 : i32
    %shift_right_arithmetic3A_1910 = vector.broadcast %shift_right_arithmetic3A_1909 : i32 to vector<16xi32>
    %shift_right_arithmetic3A_1911 = arith.shrsi %get3A_1890, %shift_right_arithmetic3A_1910 : vector<16xi32>
    %add3A_1912 = arith.addi %gather3A_1908, %shift_right_arithmetic3A_1911 : vector<16xi32>
    %swap3A_1913 = arith.constant 1 : i32
    %swap3A_1914 = arith.constant 54 : i32
    %swap3A_1915 = arith.index_cast %swap3A_1913 : i32 to index
    %swap3A_1916 = arith.index_cast %swap3A_1914 : i32 to index
    %swap3A_1917 = arith.constant 0 : index
    %swap3A_1918 = tpu.vector_load %arg12[%swap3A_1915, %swap3A_1916, %swap3A_1917] {strides = array<i32>} : memref<2x64x16xi32, #tpu.memory_space<vmem>>, vector<16xi32>,
    tpu.vector_store %arg12[%swap3A_1915, %swap3A_1916, %swap3A_1917], %add3A_1912 {strides = array<i32>} : memref<2x64x16xi32, #tpu.memory_space<vmem>>, vector<16xi32>,
    %get3A_1919 = arith.constant 880 : index
    %get3A_1920 = tpu.vector_load %arg8[%get3A_1919] {strides = array<i32>} : memref<1024xi32, #tpu.memory_space<vmem>>, vector<16xi32>,
    %get3A_1921 = arith.constant 880 : index
    %get3A_1922 = tpu.vector_load %arg9[%get3A_1921] {strides = array<i32>} : memref<1024xi32, #tpu.memory_space<vmem>>, vector<16xi32>,
    %and3A_1923 = arith.constant 255 : i32
    %and3A_1924 = vector.broadcast %and3A_1923 : i32 to vector<16xi32>
    %and3A_1925 = arith.andi %get3A_1920, %and3A_1924 : vector<16xi32>
    %gather3A_1926 = tpu.vector_load_idx %arg11[%and3A_1925] : memref<64xi32, #tpu.memory_space<vmem>>[vector<16xi32>], vector<16xi32>,
    %and3A_1927 = arith.constant 32767 : i32
    %and3A_1928 = vector.broadcast %and3A_1927 : i32 to vector<16xi32>
    %and3A_1929 = arith.andi %get3A_1922, %and3A_1928 : vector<16xi32>
    %add3A_1930 = arith.addi %gather3A_1926, %and3A_1929 : vector<16xi32>
    %swap3A_1931 = arith.constant 0 : i32
    %swap3A_1932 = arith.constant 55 : i32
    %swap3A_1933 = arith.index_cast %swap3A_1931 : i32 to index
    %swap3A_1934 = arith.index_cast %swap3A_1932 : i32 to index
    %swap3A_1935 = arith.constant 0 : index
    %swap3A_1936 = tpu.vector_load %arg12[%swap3A_1933, %swap3A_1934, %swap3A_1935] {strides = array<i32>} : memref<2x64x16xi32, #tpu.memory_space<vmem>>, vector<16xi32>,
    tpu.vector_store %arg12[%swap3A_1933, %swap3A_1934, %swap3A_1935], %add3A_1930 {strides = array<i32>} : memref<2x64x16xi32, #tpu.memory_space<vmem>>, vector<16xi32>,
    %shift_right_arithmetic3A_1937 = arith.constant 8 : i32
    %shift_right_arithmetic3A_1938 = vector.broadcast %shift_right_arithmetic3A_1937 : i32 to vector<16xi32>
    %shift_right_arithmetic3A_1939 = arith.shrsi %get3A_1920, %shift_right_arithmetic3A_1938 : vector<16xi32>
    %gather3A_1940 = tpu.vector_load_idx %arg11[%shift_right_arithmetic3A_1939] : memref<64xi32, #tpu.memory_space<vmem>>[vector<16xi32>], vector<16xi32>,
    %shift_right_arithmetic3A_1941 = arith.constant 15 : i32
    %shift_right_arithmetic3A_1942 = vector.broadcast %shift_right_arithmetic3A_1941 : i32 to vector<16xi32>
    %shift_right_arithmetic3A_1943 = arith.shrsi %get3A_1922, %shift_right_arithmetic3A_1942 : vector<16xi32>
    %add3A_1944 = arith.addi %gather3A_1940, %shift_right_arithmetic3A_1943 : vector<16xi32>
    %swap3A_1945 = arith.constant 1 : i32
    %swap3A_1946 = arith.constant 55 : i32
    %swap3A_1947 = arith.index_cast %swap3A_1945 : i32 to index
    %swap3A_1948 = arith.index_cast %swap3A_1946 : i32 to index
    %swap3A_1949 = arith.constant 0 : index
    %swap3A_1950 = tpu.vector_load %arg12[%swap3A_1947, %swap3A_1948, %swap3A_1949] {strides = array<i32>} : memref<2x64x16xi32, #tpu.memory_space<vmem>>, vector<16xi32>,
    tpu.vector_store %arg12[%swap3A_1947, %swap3A_1948, %swap3A_1949], %add3A_1944 {strides = array<i32>} : memref<2x64x16xi32, #tpu.memory_space<vmem>>, vector<16xi32>,
    %get3A_1951 = arith.constant 896 : index
    %get3A_1952 = tpu.vector_load %arg8[%get3A_1951] {strides = array<i32>} : memref<1024xi32, #tpu.memory_space<vmem>>, vector<16xi32>,
    %get3A_1953 = arith.constant 896 : index
    %get3A_1954 = tpu.vector_load %arg9[%get3A_1953] {strides = array<i32>} : memref<1024xi32, #tpu.memory_space<vmem>>, vector<16xi32>,
    %and3A_1955 = arith.constant 255 : i32
    %and3A_1956 = vector.broadcast %and3A_1955 : i32 to vector<16xi32>
    %and3A_1957 = arith.andi %get3A_1952, %and3A_1956 : vector<16xi32>
    %gather3A_1958 = tpu.vector_load_idx %arg11[%and3A_1957] : memref<64xi32, #tpu.memory_space<vmem>>[vector<16xi32>], vector<16xi32>,
    %and3A_1959 = arith.constant 32767 : i32
    %and3A_1960 = vector.broadcast %and3A_1959 : i32 to vector<16xi32>
    %and3A_1961 = arith.andi %get3A_1954, %and3A_1960 : vector<16xi32>
    %add3A_1962 = arith.addi %gather3A_1958, %and3A_1961 : vector<16xi32>
    %swap3A_1963 = arith.constant 0 : i32
    %swap3A_1964 = arith.constant 56 : i32
    %swap3A_1965 = arith.index_cast %swap3A_1963 : i32 to index
    %swap3A_1966 = arith.index_cast %swap3A_1964 : i32 to index
    %swap3A_1967 = arith.constant 0 : index
    %swap3A_1968 = tpu.vector_load %arg12[%swap3A_1965, %swap3A_1966, %swap3A_1967] {strides = array<i32>} : memref<2x64x16xi32, #tpu.memory_space<vmem>>, vector<16xi32>,
    tpu.vector_store %arg12[%swap3A_1965, %swap3A_1966, %swap3A_1967], %add3A_1962 {strides = array<i32>} : memref<2x64x16xi32, #tpu.memory_space<vmem>>, vector<16xi32>,
    %shift_right_arithmetic3A_1969 = arith.constant 8 : i32
    %shift_right_arithmetic3A_1970 = vector.broadcast %shift_right_arithmetic3A_1969 : i32 to vector<16xi32>
    %shift_right_arithmetic3A_1971 = arith.shrsi %get3A_1952, %shift_right_arithmetic3A_1970 : vector<16xi32>
    %gather3A_1972 = tpu.vector_load_idx %arg11[%shift_right_arithmetic3A_1971] : memref<64xi32, #tpu.memory_space<vmem>>[vector<16xi32>], vector<16xi32>,
    %shift_right_arithmetic3A_1973 = arith.constant 15 : i32
    %shift_right_arithmetic3A_1974 = vector.broadcast %shift_right_arithmetic3A_1973 : i32 to vector<16xi32>
    %shift_right_arithmetic3A_1975 = arith.shrsi %get3A_1954, %shift_right_arithmetic3A_1974 : vector<16xi32>
    %add3A_1976 = arith.addi %gather3A_1972, %shift_right_arithmetic3A_1975 : vector<16xi32>
    %swap3A_1977 = arith.constant 1 : i32
    %swap3A_1978 = arith.constant 56 : i32
    %swap3A_1979 = arith.index_cast %swap3A_1977 : i32 to index
    %swap3A_1980 = arith.index_cast %swap3A_1978 : i32 to index
    %swap3A_1981 = arith.constant 0 : index
    %swap3A_1982 = tpu.vector_load %arg12[%swap3A_1979, %swap3A_1980, %swap3A_1981] {strides = array<i32>} : memref<2x64x16xi32, #tpu.memory_space<vmem>>, vector<16xi32>,
    tpu.vector_store %arg12[%swap3A_1979, %swap3A_1980, %swap3A_1981], %add3A_1976 {strides = array<i32>} : memref<2x64x16xi32, #tpu.memory_space<vmem>>, vector<16xi32>,
    %get3A_1983 = arith.constant 912 : index
    %get3A_1984 = tpu.vector_load %arg8[%get3A_1983] {strides = array<i32>} : memref<1024xi32, #tpu.memory_space<vmem>>, vector<16xi32>,
    %get3A_1985 = arith.constant 912 : index
    %get3A_1986 = tpu.vector_load %arg9[%get3A_1985] {strides = array<i32>} : memref<1024xi32, #tpu.memory_space<vmem>>, vector<16xi32>,
    %and3A_1987 = arith.constant 255 : i32
    %and3A_1988 = vector.broadcast %and3A_1987 : i32 to vector<16xi32>
    %and3A_1989 = arith.andi %get3A_1984, %and3A_1988 : vector<16xi32>
    %gather3A_1990 = tpu.vector_load_idx %arg11[%and3A_1989] : memref<64xi32, #tpu.memory_space<vmem>>[vector<16xi32>], vector<16xi32>,
    %and3A_1991 = arith.constant 32767 : i32
    %and3A_1992 = vector.broadcast %and3A_1991 : i32 to vector<16xi32>
    %and3A_1993 = arith.andi %get3A_1986, %and3A_1992 : vector<16xi32>
    %add3A_1994 = arith.addi %gather3A_1990, %and3A_1993 : vector<16xi32>
    %swap3A_1995 = arith.constant 0 : i32
    %swap3A_1996 = arith.constant 57 : i32
    %swap3A_1997 = arith.index_cast %swap3A_1995 : i32 to index
    %swap3A_1998 = arith.index_cast %swap3A_1996 : i32 to index
    %swap3A_1999 = arith.constant 0 : index
    %swap3A_2000 = tpu.vector_load %arg12[%swap3A_1997, %swap3A_1998, %swap3A_1999] {strides = array<i32>} : memref<2x64x16xi32, #tpu.memory_space<vmem>>, vector<16xi32>,
    tpu.vector_store %arg12[%swap3A_1997, %swap3A_1998, %swap3A_1999], %add3A_1994 {strides = array<i32>} : memref<2x64x16xi32, #tpu.memory_space<vmem>>, vector<16xi32>,
    %shift_right_arithmetic3A_2001 = arith.constant 8 : i32
    %shift_right_arithmetic3A_2002 = vector.broadcast %shift_right_arithmetic3A_2001 : i32 to vector<16xi32>
    %shift_right_arithmetic3A_2003 = arith.shrsi %get3A_1984, %shift_right_arithmetic3A_2002 : vector<16xi32>
    %gather3A_2004 = tpu.vector_load_idx %arg11[%shift_right_arithmetic3A_2003] : memref<64xi32, #tpu.memory_space<vmem>>[vector<16xi32>], vector<16xi32>,
    %shift_right_arithmetic3A_2005 = arith.constant 15 : i32
    %shift_right_arithmetic3A_2006 = vector.broadcast %shift_right_arithmetic3A_2005 : i32 to vector<16xi32>
    %shift_right_arithmetic3A_2007 = arith.shrsi %get3A_1986, %shift_right_arithmetic3A_2006 : vector<16xi32>
    %add3A_2008 = arith.addi %gather3A_2004, %shift_right_arithmetic3A_2007 : vector<16xi32>
    %swap3A_2009 = arith.constant 1 : i32
    %swap3A_2010 = arith.constant 57 : i32
    %swap3A_2011 = arith.index_cast %swap3A_2009 : i32 to index
    %swap3A_2012 = arith.index_cast %swap3A_2010 : i32 to index
    %swap3A_2013 = arith.constant 0 : index
    %swap3A_2014 = tpu.vector_load %arg12[%swap3A_2011, %swap3A_2012, %swap3A_2013] {strides = array<i32>} : memref<2x64x16xi32, #tpu.memory_space<vmem>>, vector<16xi32>,
    tpu.vector_store %arg12[%swap3A_2011, %swap3A_2012, %swap3A_2013], %add3A_2008 {strides = array<i32>} : memref<2x64x16xi32, #tpu.memory_space<vmem>>, vector<16xi32>,
    %get3A_2015 = arith.constant 928 : index
    %get3A_2016 = tpu.vector_load %arg8[%get3A_2015] {strides = array<i32>} : memref<1024xi32, #tpu.memory_space<vmem>>, vector<16xi32>,
    %get3A_2017 = arith.constant 928 : index
    %get3A_2018 = tpu.vector_load %arg9[%get3A_2017] {strides = array<i32>} : memref<1024xi32, #tpu.memory_space<vmem>>, vector<16xi32>,
    %and3A_2019 = arith.constant 255 : i32
    %and3A_2020 = vector.broadcast %and3A_2019 : i32 to vector<16xi32>
    %and3A_2021 = arith.andi %get3A_2016, %and3A_2020 : vector<16xi32>
    %gather3A_2022 = tpu.vector_load_idx %arg11[%and3A_2021] : memref<64xi32, #tpu.memory_space<vmem>>[vector<16xi32>], vector<16xi32>,
    %and3A_2023 = arith.constant 32767 : i32
    %and3A_2024 = vector.broadcast %and3A_2023 : i32 to vector<16xi32>
    %and3A_2025 = arith.andi %get3A_2018, %and3A_2024 : vector<16xi32>
    %add3A_2026 = arith.addi %gather3A_2022, %and3A_2025 : vector<16xi32>
    %swap3A_2027 = arith.constant 0 : i32
    %swap3A_2028 = arith.constant 58 : i32
    %swap3A_2029 = arith.index_cast %swap3A_2027 : i32 to index
    %swap3A_2030 = arith.index_cast %swap3A_2028 : i32 to index
    %swap3A_2031 = arith.constant 0 : index
    %swap3A_2032 = tpu.vector_load %arg12[%swap3A_2029, %swap3A_2030, %swap3A_2031] {strides = array<i32>} : memref<2x64x16xi32, #tpu.memory_space<vmem>>, vector<16xi32>,
    tpu.vector_store %arg12[%swap3A_2029, %swap3A_2030, %swap3A_2031], %add3A_2026 {strides = array<i32>} : memref<2x64x16xi32, #tpu.memory_space<vmem>>, vector<16xi32>,
    %shift_right_arithmetic3A_2033 = arith.constant 8 : i32
    %shift_right_arithmetic3A_2034 = vector.broadcast %shift_right_arithmetic3A_2033 : i32 to vector<16xi32>
    %shift_right_arithmetic3A_2035 = arith.shrsi %get3A_2016, %shift_right_arithmetic3A_2034 : vector<16xi32>
    %gather3A_2036 = tpu.vector_load_idx %arg11[%shift_right_arithmetic3A_2035] : memref<64xi32, #tpu.memory_space<vmem>>[vector<16xi32>], vector<16xi32>,
    %shift_right_arithmetic3A_2037 = arith.constant 15 : i32
    %shift_right_arithmetic3A_2038 = vector.broadcast %shift_right_arithmetic3A_2037 : i32 to vector<16xi32>
    %shift_right_arithmetic3A_2039 = arith.shrsi %get3A_2018, %shift_right_arithmetic3A_2038 : vector<16xi32>
    %add3A_2040 = arith.addi %gather3A_2036, %shift_right_arithmetic3A_2039 : vector<16xi32>
    %swap3A_2041 = arith.constant 1 : i32
    %swap3A_2042 = arith.constant 58 : i32
    %swap3A_2043 = arith.index_cast %swap3A_2041 : i32 to index
    %swap3A_2044 = arith.index_cast %swap3A_2042 : i32 to index
    %swap3A_2045 = arith.constant 0 : index
    %swap3A_2046 = tpu.vector_load %arg12[%swap3A_2043, %swap3A_2044, %swap3A_2045] {strides = array<i32>} : memref<2x64x16xi32, #tpu.memory_space<vmem>>, vector<16xi32>,
    tpu.vector_store %arg12[%swap3A_2043, %swap3A_2044, %swap3A_2045], %add3A_2040 {strides = array<i32>} : memref<2x64x16xi32, #tpu.memory_space<vmem>>, vector<16xi32>,
    %get3A_2047 = arith.constant 944 : index
    %get3A_2048 = tpu.vector_load %arg8[%get3A_2047] {strides = array<i32>} : memref<1024xi32, #tpu.memory_space<vmem>>, vector<16xi32>,
    %get3A_2049 = arith.constant 944 : index
    %get3A_2050 = tpu.vector_load %arg9[%get3A_2049] {strides = array<i32>} : memref<1024xi32, #tpu.memory_space<vmem>>, vector<16xi32>,
    %and3A_2051 = arith.constant 255 : i32
    %and3A_2052 = vector.broadcast %and3A_2051 : i32 to vector<16xi32>
    %and3A_2053 = arith.andi %get3A_2048, %and3A_2052 : vector<16xi32>
    %gather3A_2054 = tpu.vector_load_idx %arg11[%and3A_2053] : memref<64xi32, #tpu.memory_space<vmem>>[vector<16xi32>], vector<16xi32>,
    %and3A_2055 = arith.constant 32767 : i32
    %and3A_2056 = vector.broadcast %and3A_2055 : i32 to vector<16xi32>
    %and3A_2057 = arith.andi %get3A_2050, %and3A_2056 : vector<16xi32>
    %add3A_2058 = arith.addi %gather3A_2054, %and3A_2057 : vector<16xi32>
    %swap3A_2059 = arith.constant 0 : i32
    %swap3A_2060 = arith.constant 59 : i32
    %swap3A_2061 = arith.index_cast %swap3A_2059 : i32 to index
    %swap3A_2062 = arith.index_cast %swap3A_2060 : i32 to index
    %swap3A_2063 = arith.constant 0 : index
    %swap3A_2064 = tpu.vector_load %arg12[%swap3A_2061, %swap3A_2062, %swap3A_2063] {strides = array<i32>} : memref<2x64x16xi32, #tpu.memory_space<vmem>>, vector<16xi32>,
    tpu.vector_store %arg12[%swap3A_2061, %swap3A_2062, %swap3A_2063], %add3A_2058 {strides = array<i32>} : memref<2x64x16xi32, #tpu.memory_space<vmem>>, vector<16xi32>,
    %shift_right_arithmetic3A_2065 = arith.constant 8 : i32
    %shift_right_arithmetic3A_2066 = vector.broadcast %shift_right_arithmetic3A_2065 : i32 to vector<16xi32>
    %shift_right_arithmetic3A_2067 = arith.shrsi %get3A_2048, %shift_right_arithmetic3A_2066 : vector<16xi32>
    %gather3A_2068 = tpu.vector_load_idx %arg11[%shift_right_arithmetic3A_2067] : memref<64xi32, #tpu.memory_space<vmem>>[vector<16xi32>], vector<16xi32>,
    %shift_right_arithmetic3A_2069 = arith.constant 15 : i32
    %shift_right_arithmetic3A_2070 = vector.broadcast %shift_right_arithmetic3A_2069 : i32 to vector<16xi32>
    %shift_right_arithmetic3A_2071 = arith.shrsi %get3A_2050, %shift_right_arithmetic3A_2070 : vector<16xi32>
    %add3A_2072 = arith.addi %gather3A_2068, %shift_right_arithmetic3A_2071 : vector<16xi32>
    %swap3A_2073 = arith.constant 1 : i32
    %swap3A_2074 = arith.constant 59 : i32
    %swap3A_2075 = arith.index_cast %swap3A_2073 : i32 to index
    %swap3A_2076 = arith.index_cast %swap3A_2074 : i32 to index
    %swap3A_2077 = arith.constant 0 : index
    %swap3A_2078 = tpu.vector_load %arg12[%swap3A_2075, %swap3A_2076, %swap3A_2077] {strides = array<i32>} : memref<2x64x16xi32, #tpu.memory_space<vmem>>, vector<16xi32>,
    tpu.vector_store %arg12[%swap3A_2075, %swap3A_2076, %swap3A_2077], %add3A_2072 {strides = array<i32>} : memref<2x64x16xi32, #tpu.memory_space<vmem>>, vector<16xi32>,
    %get3A_2079 = arith.constant 960 : index
    %get3A_2080 = tpu.vector_load %arg8[%get3A_2079] {strides = array<i32>} : memref<1024xi32, #tpu.memory_space<vmem>>, vector<16xi32>,
    %get3A_2081 = arith.constant 960 : index
    %get3A_2082 = tpu.vector_load %arg9[%get3A_2081] {strides = array<i32>} : memref<1024xi32, #tpu.memory_space<vmem>>, vector<16xi32>,
    %and3A_2083 = arith.constant 255 : i32
    %and3A_2084 = vector.broadcast %and3A_2083 : i32 to vector<16xi32>
    %and3A_2085 = arith.andi %get3A_2080, %and3A_2084 : vector<16xi32>
    %gather3A_2086 = tpu.vector_load_idx %arg11[%and3A_2085] : memref<64xi32, #tpu.memory_space<vmem>>[vector<16xi32>], vector<16xi32>,
    %and3A_2087 = arith.constant 32767 : i32
    %and3A_2088 = vector.broadcast %and3A_2087 : i32 to vector<16xi32>
    %and3A_2089 = arith.andi %get3A_2082, %and3A_2088 : vector<16xi32>
    %add3A_2090 = arith.addi %gather3A_2086, %and3A_2089 : vector<16xi32>
    %swap3A_2091 = arith.constant 0 : i32
    %swap3A_2092 = arith.constant 60 : i32
    %swap3A_2093 = arith.index_cast %swap3A_2091 : i32 to index
    %swap3A_2094 = arith.index_cast %swap3A_2092 : i32 to index
    %swap3A_2095 = arith.constant 0 : index
    %swap3A_2096 = tpu.vector_load %arg12[%swap3A_2093, %swap3A_2094, %swap3A_2095] {strides = array<i32>} : memref<2x64x16xi32, #tpu.memory_space<vmem>>, vector<16xi32>,
    tpu.vector_store %arg12[%swap3A_2093, %swap3A_2094, %swap3A_2095], %add3A_2090 {strides = array<i32>} : memref<2x64x16xi32, #tpu.memory_space<vmem>>, vector<16xi32>,
    %shift_right_arithmetic3A_2097 = arith.constant 8 : i32
    %shift_right_arithmetic3A_2098 = vector.broadcast %shift_right_arithmetic3A_2097 : i32 to vector<16xi32>
    %shift_right_arithmetic3A_2099 = arith.shrsi %get3A_2080, %shift_right_arithmetic3A_2098 : vector<16xi32>
    %gather3A_2100 = tpu.vector_load_idx %arg11[%shift_right_arithmetic3A_2099] : memref<64xi32, #tpu.memory_space<vmem>>[vector<16xi32>], vector<16xi32>,
    %shift_right_arithmetic3A_2101 = arith.constant 15 : i32
    %shift_right_arithmetic3A_2102 = vector.broadcast %shift_right_arithmetic3A_2101 : i32 to vector<16xi32>
    %shift_right_arithmetic3A_2103 = arith.shrsi %get3A_2082, %shift_right_arithmetic3A_2102 : vector<16xi32>
    %add3A_2104 = arith.addi %gather3A_2100, %shift_right_arithmetic3A_2103 : vector<16xi32>
    %swap3A_2105 = arith.constant 1 : i32
    %swap3A_2106 = arith.constant 60 : i32
    %swap3A_2107 = arith.index_cast %swap3A_2105 : i32 to index
    %swap3A_2108 = arith.index_cast %swap3A_2106 : i32 to index
    %swap3A_2109 = arith.constant 0 : index
    %swap3A_2110 = tpu.vector_load %arg12[%swap3A_2107, %swap3A_2108, %swap3A_2109] {strides = array<i32>} : memref<2x64x16xi32, #tpu.memory_space<vmem>>, vector<16xi32>,
    tpu.vector_store %arg12[%swap3A_2107, %swap3A_2108, %swap3A_2109], %add3A_2104 {strides = array<i32>} : memref<2x64x16xi32, #tpu.memory_space<vmem>>, vector<16xi32>,
    %get3A_2111 = arith.constant 976 : index
    %get3A_2112 = tpu.vector_load %arg8[%get3A_2111] {strides = array<i32>} : memref<1024xi32, #tpu.memory_space<vmem>>, vector<16xi32>,
    %get3A_2113 = arith.constant 976 : index
    %get3A_2114 = tpu.vector_load %arg9[%get3A_2113] {strides = array<i32>} : memref<1024xi32, #tpu.memory_space<vmem>>, vector<16xi32>,
    %and3A_2115 = arith.constant 255 : i32
    %and3A_2116 = vector.broadcast %and3A_2115 : i32 to vector<16xi32>
    %and3A_2117 = arith.andi %get3A_2112, %and3A_2116 : vector<16xi32>
    %gather3A_2118 = tpu.vector_load_idx %arg11[%and3A_2117] : memref<64xi32, #tpu.memory_space<vmem>>[vector<16xi32>], vector<16xi32>,
    %and3A_2119 = arith.constant 32767 : i32
    %and3A_2120 = vector.broadcast %and3A_2119 : i32 to vector<16xi32>
    %and3A_2121 = arith.andi %get3A_2114, %and3A_2120 : vector<16xi32>
    %add3A_2122 = arith.addi %gather3A_2118, %and3A_2121 : vector<16xi32>
    %swap3A_2123 = arith.constant 0 : i32
    %swap3A_2124 = arith.constant 61 : i32
    %swap3A_2125 = arith.index_cast %swap3A_2123 : i32 to index
    %swap3A_2126 = arith.index_cast %swap3A_2124 : i32 to index
    %swap3A_2127 = arith.constant 0 : index
    %swap3A_2128 = tpu.vector_load %arg12[%swap3A_2125, %swap3A_2126, %swap3A_2127] {strides = array<i32>} : memref<2x64x16xi32, #tpu.memory_space<vmem>>, vector<16xi32>,
    tpu.vector_store %arg12[%swap3A_2125, %swap3A_2126, %swap3A_2127], %add3A_2122 {strides = array<i32>} : memref<2x64x16xi32, #tpu.memory_space<vmem>>, vector<16xi32>,
    %shift_right_arithmetic3A_2129 = arith.constant 8 : i32
    %shift_right_arithmetic3A_2130 = vector.broadcast %shift_right_arithmetic3A_2129 : i32 to vector<16xi32>
    %shift_right_arithmetic3A_2131 = arith.shrsi %get3A_2112, %shift_right_arithmetic3A_2130 : vector<16xi32>
    %gather3A_2132 = tpu.vector_load_idx %arg11[%shift_right_arithmetic3A_2131] : memref<64xi32, #tpu.memory_space<vmem>>[vector<16xi32>], vector<16xi32>,
    %shift_right_arithmetic3A_2133 = arith.constant 15 : i32
    %shift_right_arithmetic3A_2134 = vector.broadcast %shift_right_arithmetic3A_2133 : i32 to vector<16xi32>
    %shift_right_arithmetic3A_2135 = arith.shrsi %get3A_2114, %shift_right_arithmetic3A_2134 : vector<16xi32>
    %add3A_2136 = arith.addi %gather3A_2132, %shift_right_arithmetic3A_2135 : vector<16xi32>
    %swap3A_2137 = arith.constant 1 : i32
    %swap3A_2138 = arith.constant 61 : i32
    %swap3A_2139 = arith.index_cast %swap3A_2137 : i32 to index
    %swap3A_2140 = arith.index_cast %swap3A_2138 : i32 to index
    %swap3A_2141 = arith.constant 0 : index
    %swap3A_2142 = tpu.vector_load %arg12[%swap3A_2139, %swap3A_2140, %swap3A_2141] {strides = array<i32>} : memref<2x64x16xi32, #tpu.memory_space<vmem>>, vector<16xi32>,
    tpu.vector_store %arg12[%swap3A_2139, %swap3A_2140, %swap3A_2141], %add3A_2136 {strides = array<i32>} : memref<2x64x16xi32, #tpu.memory_space<vmem>>, vector<16xi32>,
    %get3A_2143 = arith.constant 992 : index
    %get3A_2144 = tpu.vector_load %arg8[%get3A_2143] {strides = array<i32>} : memref<1024xi32, #tpu.memory_space<vmem>>, vector<16xi32>,
    %get3A_2145 = arith.constant 992 : index
    %get3A_2146 = tpu.vector_load %arg9[%get3A_2145] {strides = array<i32>} : memref<1024xi32, #tpu.memory_space<vmem>>, vector<16xi32>,
    %and3A_2147 = arith.constant 255 : i32
    %and3A_2148 = vector.broadcast %and3A_2147 : i32 to vector<16xi32>
    %and3A_2149 = arith.andi %get3A_2144, %and3A_2148 : vector<16xi32>
    %gather3A_2150 = tpu.vector_load_idx %arg11[%and3A_2149] : memref<64xi32, #tpu.memory_space<vmem>>[vector<16xi32>], vector<16xi32>,
    %and3A_2151 = arith.constant 32767 : i32
    %and3A_2152 = vector.broadcast %and3A_2151 : i32 to vector<16xi32>
    %and3A_2153 = arith.andi %get3A_2146, %and3A_2152 : vector<16xi32>
    %add3A_2154 = arith.addi %gather3A_2150, %and3A_2153 : vector<16xi32>
    %swap3A_2155 = arith.constant 0 : i32
    %swap3A_2156 = arith.constant 62 : i32
    %swap3A_2157 = arith.index_cast %swap3A_2155 : i32 to index
    %swap3A_2158 = arith.index_cast %swap3A_2156 : i32 to index
    %swap3A_2159 = arith.constant 0 : index
    %swap3A_2160 = tpu.vector_load %arg12[%swap3A_2157, %swap3A_2158, %swap3A_2159] {strides = array<i32>} : memref<2x64x16xi32, #tpu.memory_space<vmem>>, vector<16xi32>,
    tpu.vector_store %arg12[%swap3A_2157, %swap3A_2158, %swap3A_2159], %add3A_2154 {strides = array<i32>} : memref<2x64x16xi32, #tpu.memory_space<vmem>>, vector<16xi32>,
    %shift_right_arithmetic3A_2161 = arith.constant 8 : i32
    %shift_right_arithmetic3A_2162 = vector.broadcast %shift_right_arithmetic3A_2161 : i32 to vector<16xi32>
    %shift_right_arithmetic3A_2163 = arith.shrsi %get3A_2144, %shift_right_arithmetic3A_2162 : vector<16xi32>
    %gather3A_2164 = tpu.vector_load_idx %arg11[%shift_right_arithmetic3A_2163] : memref<64xi32, #tpu.memory_space<vmem>>[vector<16xi32>], vector<16xi32>,
    %shift_right_arithmetic3A_2165 = arith.constant 15 : i32
    %shift_right_arithmetic3A_2166 = vector.broadcast %shift_right_arithmetic3A_2165 : i32 to vector<16xi32>
    %shift_right_arithmetic3A_2167 = arith.shrsi %get3A_2146, %shift_right_arithmetic3A_2166 : vector<16xi32>
    %add3A_2168 = arith.addi %gather3A_2164, %shift_right_arithmetic3A_2167 : vector<16xi32>
    %swap3A_2169 = arith.constant 1 : i32
    %swap3A_2170 = arith.constant 62 : i32
    %swap3A_2171 = arith.index_cast %swap3A_2169 : i32 to index
    %swap3A_2172 = arith.index_cast %swap3A_2170 : i32 to index
    %swap3A_2173 = arith.constant 0 : index
    %swap3A_2174 = tpu.vector_load %arg12[%swap3A_2171, %swap3A_2172, %swap3A_2173] {strides = array<i32>} : memref<2x64x16xi32, #tpu.memory_space<vmem>>, vector<16xi32>,
    tpu.vector_store %arg12[%swap3A_2171, %swap3A_2172, %swap3A_2173], %add3A_2168 {strides = array<i32>} : memref<2x64x16xi32, #tpu.memory_space<vmem>>, vector<16xi32>,
    %get3A_2175 = arith.constant 1008 : index
    %get3A_2176 = tpu.vector_load %arg8[%get3A_2175] {strides = array<i32>} : memref<1024xi32, #tpu.memory_space<vmem>>, vector<16xi32>,
    %get3A_2177 = arith.constant 1008 : index
    %get3A_2178 = tpu.vector_load %arg9[%get3A_2177] {strides = array<i32>} : memref<1024xi32, #tpu.memory_space<vmem>>, vector<16xi32>,
    %and3A_2179 = arith.constant 255 : i32
    %and3A_2180 = vector.broadcast %and3A_2179 : i32 to vector<16xi32>
    %and3A_2181 = arith.andi %get3A_2176, %and3A_2180 : vector<16xi32>
    %gather3A_2182 = tpu.vector_load_idx %arg11[%and3A_2181] : memref<64xi32, #tpu.memory_space<vmem>>[vector<16xi32>], vector<16xi32>,
    %and3A_2183 = arith.constant 32767 : i32
    %and3A_2184 = vector.broadcast %and3A_2183 : i32 to vector<16xi32>
    %and3A_2185 = arith.andi %get3A_2178, %and3A_2184 : vector<16xi32>
    %add3A_2186 = arith.addi %gather3A_2182, %and3A_2185 : vector<16xi32>
    %swap3A_2187 = arith.constant 0 : i32
    %swap3A_2188 = arith.constant 63 : i32
    %swap3A_2189 = arith.index_cast %swap3A_2187 : i32 to index
    %swap3A_2190 = arith.index_cast %swap3A_2188 : i32 to index
    %swap3A_2191 = arith.constant 0 : index
    %swap3A_2192 = tpu.vector_load %arg12[%swap3A_2189, %swap3A_2190, %swap3A_2191] {strides = array<i32>} : memref<2x64x16xi32, #tpu.memory_space<vmem>>, vector<16xi32>,
    tpu.vector_store %arg12[%swap3A_2189, %swap3A_2190, %swap3A_2191], %add3A_2186 {strides = array<i32>} : memref<2x64x16xi32, #tpu.memory_space<vmem>>, vector<16xi32>,
    %shift_right_arithmetic3A_2193 = arith.constant 8 : i32
    %shift_right_arithmetic3A_2194 = vector.broadcast %shift_right_arithmetic3A_2193 : i32 to vector<16xi32>
    %shift_right_arithmetic3A_2195 = arith.shrsi %get3A_2176, %shift_right_arithmetic3A_2194 : vector<16xi32>
    %gather3A_2196 = tpu.vector_load_idx %arg11[%shift_right_arithmetic3A_2195] : memref<64xi32, #tpu.memory_space<vmem>>[vector<16xi32>], vector<16xi32>,
    %shift_right_arithmetic3A_2197 = arith.constant 15 : i32
    %shift_right_arithmetic3A_2198 = vector.broadcast %shift_right_arithmetic3A_2197 : i32 to vector<16xi32>
    %shift_right_arithmetic3A_2199 = arith.shrsi %get3A_2178, %shift_right_arithmetic3A_2198 : vector<16xi32>
    %add3A_2200 = arith.addi %gather3A_2196, %shift_right_arithmetic3A_2199 : vector<16xi32>
    %swap3A_2201 = arith.constant 1 : i32
    %swap3A_2202 = arith.constant 63 : i32
    %swap3A_2203 = arith.index_cast %swap3A_2201 : i32 to index
    %swap3A_2204 = arith.index_cast %swap3A_2202 : i32 to index
    %swap3A_2205 = arith.constant 0 : index
    %swap3A_2206 = tpu.vector_load %arg12[%swap3A_2203, %swap3A_2204, %swap3A_2205] {strides = array<i32>} : memref<2x64x16xi32, #tpu.memory_space<vmem>>, vector<16xi32>,
    tpu.vector_store %arg12[%swap3A_2203, %swap3A_2204, %swap3A_2205], %add3A_2200 {strides = array<i32>} : memref<2x64x16xi32, #tpu.memory_space<vmem>>, vector<16xi32>,
    %scan3A = arith.constant 0 : i32
    %scan3A_2207 = arith.constant 0 : i32
    %scan3A_2208 = arith.constant 10 : i32
    %scan3A_2209 = arith.addi %scan3A_2207, %scan3A_2208 : i32
    %scan3A_2210 = arith.constant 1 : i32
    %scan3A_2211 = scf.for %scan3A_2689 = %scan3A_2207 to %scan3A_2209 step %scan3A_2210 iter_args(%scan3A_2690 = %scan3A) -> (i32)  : i32 {
      %mul3A_2691 = arith.constant 6 : i32
      %mul3A_2692 = arith.muli %scan3A_2689, %mul3A_2691 : i32
      %add3A_2693 = arith.constant 0 : i32
      %add3A_2694 = arith.addi %mul3A_2692, %add3A_2693 : i32
      %gt3A = arith.constant 0 : i32
      %gt3A_2695 = arith.cmpi sgt, %scan3A_2689, %gt3A : i32
      %convert_element_type3A_2696 = arith.extui %gt3A_2695 : i1 to i32
      %cond3A = arith.constant 0 : i32
      %cond3A_2697 = arith.cmpi ne, %convert_element_type3A_2696, %cond3A : i32
      scf.if %cond3A_2697 {
        %dma_wait3A_2990 = arith.constant 0 : i32
        %dma_wait3A_2991 = arith.constant 0 : i32
        %dma_wait3A_2992 = arith.constant 0 : i32
        %dma_wait3A_2993 = arith.constant 0 : i32
        %dma_wait3A_2994 = arith.constant 0 : i32
        %dma_wait3A_2995 = tpu.memref_slice %arg7[%dma_wait3A_2990, %dma_wait3A_2993, %dma_wait3A_2994] : memref<6x16x1024xf32, #tpu.memory_space<vmem>> -> memref<1x16x1024xf32, #tpu.memory_space<vmem>>
        %dma_wait3A_2996 = tpu.memref_squeeze %dma_wait3A_2995 : memref<1x16x1024xf32, #tpu.memory_space<vmem>> -> memref<16x1024xf32, #tpu.memory_space<vmem>>
        %dma_wait3A_2997 = arith.constant 0 : i32
        %dma_wait3A_2998 = tpu.memref_slice %arg12[%dma_wait3A_2991, %dma_wait3A_2992, %dma_wait3A_2997] : memref<2x64x16xi32, #tpu.memory_space<vmem>> -> memref<1x1x16xi32, #tpu.memory_space<vmem>>
        %dma_wait3A_2999 = tpu.memref_squeeze %dma_wait3A_2998 : memref<1x1x16xi32, #tpu.memory_space<vmem>> -> memref<16xi32, #tpu.memory_space<vmem>>
        %dma_wait3A_3000 = arith.constant 0 : i32
        %dma_wait3A_3001 = arith.constant 0 : i32
        %dma_wait3A_3002 = tpu.memref_slice %arg6[%dma_wait3A_3000, %dma_wait3A_3001] : memref<65536x1024xf32, #tpu.memory_space<hbm>> -> memref<65536x1024xf32, #tpu.memory_space<hbm>>
        tpu.wait_indirect_dma semaphore(%arg20 : memref<!tpu.dma_semaphore, #tpu.memory_space<semaphore_mem>>) src(%dma_wait3A_2996 : memref<16x1024xf32, #tpu.memory_space<vmem>>) dst(%dma_wait3A_3002 : memref<65536x1024xf32, #tpu.memory_space<hbm>>)
        %dma_wait3A_3003 = arith.constant 0 : i32
        %dma_wait3A_3004 = arith.constant 0 : i32
        %dma_wait3A_3005 = arith.constant 0 : i32
        %dma_wait3A_3006 = arith.constant 0 : i32
        %dma_wait3A_3007 = arith.constant 0 : i32
        %dma_wait3A_3008 = tpu.memref_slice %arg7[%dma_wait3A_3003, %dma_wait3A_3006, %dma_wait3A_3007] : memref<6x16x1024xf32, #tpu.memory_space<vmem>> -> memref<1x16x1024xf32, #tpu.memory_space<vmem>>
        %dma_wait3A_3009 = tpu.memref_squeeze %dma_wait3A_3008 : memref<1x16x1024xf32, #tpu.memory_space<vmem>> -> memref<16x1024xf32, #tpu.memory_space<vmem>>
        %dma_wait3A_3010 = arith.constant 0 : i32
        %dma_wait3A_3011 = tpu.memref_slice %arg12[%dma_wait3A_3004, %dma_wait3A_3005, %dma_wait3A_3010] : memref<2x64x16xi32, #tpu.memory_space<vmem>> -> memref<1x1x16xi32, #tpu.memory_space<vmem>>
        %dma_wait3A_3012 = tpu.memref_squeeze %dma_wait3A_3011 : memref<1x1x16xi32, #tpu.memory_space<vmem>> -> memref<16xi32, #tpu.memory_space<vmem>>
        %dma_wait3A_3013 = arith.constant 0 : i32
        %dma_wait3A_3014 = arith.constant 0 : i32
        %dma_wait3A_3015 = tpu.memref_slice %arg6[%dma_wait3A_3013, %dma_wait3A_3014] : memref<65536x1024xf32, #tpu.memory_space<hbm>> -> memref<65536x1024xf32, #tpu.memory_space<hbm>>
        tpu.wait_indirect_dma semaphore(%arg20 : memref<!tpu.dma_semaphore, #tpu.memory_space<semaphore_mem>>) src(%dma_wait3A_3009 : memref<16x1024xf32, #tpu.memory_space<vmem>>) dst(%dma_wait3A_3015 : memref<65536x1024xf32, #tpu.memory_space<hbm>>)
        %mul3A_3016 = arith.constant 16 : i32
        %mul3A_3017 = arith.muli %add3A_2694, %mul3A_3016 : i32
        %add3A_3018 = arith.addi %mul3A_2, %mul3A_3017 : i32
        %dma_start3A_3019 = arith.constant 0 : i32
        %dma_start3A_3020 = arith.constant 0 : i32
        %dma_start3A_3021 = arith.constant 0 : i32
        %dma_start3A_3022 = tpu.memref_slice %arg7[%dma_start3A_3019, %dma_start3A_3020, %dma_start3A_3021] : memref<6x16x1024xf32, #tpu.memory_space<vmem>> -> memref<1x16x1024xf32, #tpu.memory_space<vmem>>
        %dma_start3A_3023 = tpu.memref_squeeze %dma_start3A_3022 : memref<1x16x1024xf32, #tpu.memory_space<vmem>> -> memref<16x1024xf32, #tpu.memory_space<vmem>>
        %dma_start3A_3024 = arith.constant 0 : i32
        %dma_start3A_3025 = tpu.memref_slice %arg2[%add3A_3018, %dma_start3A_3024] : memref<32768x1024xf32, #tpu.memory_space<hbm>> -> memref<16x1024xf32, #tpu.memory_space<hbm>>
        %dma_start3A_3026 = arith.constant 0 : i32
        %dma_start3A_3027 = arith.constant 0 : i32
        %dma_start3A_3028 = tpu.memref_slice %arg7[%dma_start3A_3019, %dma_start3A_3026, %dma_start3A_3027] : memref<6x16x1024xf32, #tpu.memory_space<vmem>> -> memref<1x16x1024xf32, #tpu.memory_space<vmem>>
        %dma_start3A_3029 = tpu.memref_squeeze %dma_start3A_3028 : memref<1x16x1024xf32, #tpu.memory_space<vmem>> -> memref<16x1024xf32, #tpu.memory_space<vmem>>
        %dma_start3A_3030 = arith.constant 0 : i32
        %dma_start3A_3031 = tpu.memref_slice %arg2[%add3A_3018, %dma_start3A_3030] : memref<32768x1024xf32, #tpu.memory_space<hbm>> -> memref<16x1024xf32, #tpu.memory_space<hbm>>
        tpu.enqueue_dma source(%dma_start3A_3031 : memref<16x1024xf32, #tpu.memory_space<hbm>>) target(%dma_start3A_3029 : memref<16x1024xf32, #tpu.memory_space<vmem>>) target_semaphore(%arg14 : memref<!tpu.dma_semaphore, #tpu.memory_space<semaphore_mem>>)
      } else {
      }
      %mul3A_2698 = arith.constant 6 : i32
      %mul3A_2699 = arith.muli %scan3A_2689, %mul3A_2698 : i32
      %add3A_2700 = arith.constant 1 : i32
      %add3A_2701 = arith.addi %mul3A_2699, %add3A_2700 : i32
      %gt3A_2702 = arith.constant 0 : i32
      %gt3A_2703 = arith.cmpi sgt, %scan3A_2689, %gt3A_2702 : i32
      %convert_element_type3A_2704 = arith.extui %gt3A_2703 : i1 to i32
      %cond3A_2705 = arith.constant 0 : i32
      %cond3A_2706 = arith.cmpi ne, %convert_element_type3A_2704, %cond3A_2705 : i32
      scf.if %cond3A_2706 {
        %dma_wait3A_2990 = arith.constant 1 : i32
        %dma_wait3A_2991 = arith.constant 0 : i32
        %dma_wait3A_2992 = arith.constant 0 : i32
        %dma_wait3A_2993 = arith.constant 0 : i32
        %dma_wait3A_2994 = arith.constant 0 : i32
        %dma_wait3A_2995 = tpu.memref_slice %arg7[%dma_wait3A_2990, %dma_wait3A_2993, %dma_wait3A_2994] : memref<6x16x1024xf32, #tpu.memory_space<vmem>> -> memref<1x16x1024xf32, #tpu.memory_space<vmem>>
        %dma_wait3A_2996 = tpu.memref_squeeze %dma_wait3A_2995 : memref<1x16x1024xf32, #tpu.memory_space<vmem>> -> memref<16x1024xf32, #tpu.memory_space<vmem>>
        %dma_wait3A_2997 = arith.constant 0 : i32
        %dma_wait3A_2998 = tpu.memref_slice %arg12[%dma_wait3A_2991, %dma_wait3A_2992, %dma_wait3A_2997] : memref<2x64x16xi32, #tpu.memory_space<vmem>> -> memref<1x1x16xi32, #tpu.memory_space<vmem>>
        %dma_wait3A_2999 = tpu.memref_squeeze %dma_wait3A_2998 : memref<1x1x16xi32, #tpu.memory_space<vmem>> -> memref<16xi32, #tpu.memory_space<vmem>>
        %dma_wait3A_3000 = arith.constant 0 : i32
        %dma_wait3A_3001 = arith.constant 0 : i32
        %dma_wait3A_3002 = tpu.memref_slice %arg6[%dma_wait3A_3000, %dma_wait3A_3001] : memref<65536x1024xf32, #tpu.memory_space<hbm>> -> memref<65536x1024xf32, #tpu.memory_space<hbm>>
        tpu.wait_indirect_dma semaphore(%arg21 : memref<!tpu.dma_semaphore, #tpu.memory_space<semaphore_mem>>) src(%dma_wait3A_2996 : memref<16x1024xf32, #tpu.memory_space<vmem>>) dst(%dma_wait3A_3002 : memref<65536x1024xf32, #tpu.memory_space<hbm>>)
        %dma_wait3A_3003 = arith.constant 1 : i32
        %dma_wait3A_3004 = arith.constant 0 : i32
        %dma_wait3A_3005 = arith.constant 0 : i32
        %dma_wait3A_3006 = arith.constant 0 : i32
        %dma_wait3A_3007 = arith.constant 0 : i32
        %dma_wait3A_3008 = tpu.memref_slice %arg7[%dma_wait3A_3003, %dma_wait3A_3006, %dma_wait3A_3007] : memref<6x16x1024xf32, #tpu.memory_space<vmem>> -> memref<1x16x1024xf32, #tpu.memory_space<vmem>>
        %dma_wait3A_3009 = tpu.memref_squeeze %dma_wait3A_3008 : memref<1x16x1024xf32, #tpu.memory_space<vmem>> -> memref<16x1024xf32, #tpu.memory_space<vmem>>
        %dma_wait3A_3010 = arith.constant 0 : i32
        %dma_wait3A_3011 = tpu.memref_slice %arg12[%dma_wait3A_3004, %dma_wait3A_3005, %dma_wait3A_3010] : memref<2x64x16xi32, #tpu.memory_space<vmem>> -> memref<1x1x16xi32, #tpu.memory_space<vmem>>
        %dma_wait3A_3012 = tpu.memref_squeeze %dma_wait3A_3011 : memref<1x1x16xi32, #tpu.memory_space<vmem>> -> memref<16xi32, #tpu.memory_space<vmem>>
        %dma_wait3A_3013 = arith.constant 0 : i32
        %dma_wait3A_3014 = arith.constant 0 : i32
        %dma_wait3A_3015 = tpu.memref_slice %arg6[%dma_wait3A_3013, %dma_wait3A_3014] : memref<65536x1024xf32, #tpu.memory_space<hbm>> -> memref<65536x1024xf32, #tpu.memory_space<hbm>>
        tpu.wait_indirect_dma semaphore(%arg21 : memref<!tpu.dma_semaphore, #tpu.memory_space<semaphore_mem>>) src(%dma_wait3A_3009 : memref<16x1024xf32, #tpu.memory_space<vmem>>) dst(%dma_wait3A_3015 : memref<65536x1024xf32, #tpu.memory_space<hbm>>)
        %mul3A_3016 = arith.constant 16 : i32
        %mul3A_3017 = arith.muli %add3A_2701, %mul3A_3016 : i32
        %add3A_3018 = arith.addi %mul3A_2, %mul3A_3017 : i32
        %dma_start3A_3019 = arith.constant 1 : i32
        %dma_start3A_3020 = arith.constant 0 : i32
        %dma_start3A_3021 = arith.constant 0 : i32
        %dma_start3A_3022 = tpu.memref_slice %arg7[%dma_start3A_3019, %dma_start3A_3020, %dma_start3A_3021] : memref<6x16x1024xf32, #tpu.memory_space<vmem>> -> memref<1x16x1024xf32, #tpu.memory_space<vmem>>
        %dma_start3A_3023 = tpu.memref_squeeze %dma_start3A_3022 : memref<1x16x1024xf32, #tpu.memory_space<vmem>> -> memref<16x1024xf32, #tpu.memory_space<vmem>>
        %dma_start3A_3024 = arith.constant 0 : i32
        %dma_start3A_3025 = tpu.memref_slice %arg2[%add3A_3018, %dma_start3A_3024] : memref<32768x1024xf32, #tpu.memory_space<hbm>> -> memref<16x1024xf32, #tpu.memory_space<hbm>>
        %dma_start3A_3026 = arith.constant 0 : i32
        %dma_start3A_3027 = arith.constant 0 : i32
        %dma_start3A_3028 = tpu.memref_slice %arg7[%dma_start3A_3019, %dma_start3A_3026, %dma_start3A_3027] : memref<6x16x1024xf32, #tpu.memory_space<vmem>> -> memref<1x16x1024xf32, #tpu.memory_space<vmem>>
        %dma_start3A_3029 = tpu.memref_squeeze %dma_start3A_3028 : memref<1x16x1024xf32, #tpu.memory_space<vmem>> -> memref<16x1024xf32, #tpu.memory_space<vmem>>
        %dma_start3A_3030 = arith.constant 0 : i32
        %dma_start3A_3031 = tpu.memref_slice %arg2[%add3A_3018, %dma_start3A_3030] : memref<32768x1024xf32, #tpu.memory_space<hbm>> -> memref<16x1024xf32, #tpu.memory_space<hbm>>
        tpu.enqueue_dma source(%dma_start3A_3031 : memref<16x1024xf32, #tpu.memory_space<hbm>>) target(%dma_start3A_3029 : memref<16x1024xf32, #tpu.memory_space<vmem>>) target_semaphore(%arg15 : memref<!tpu.dma_semaphore, #tpu.memory_space<semaphore_mem>>)
      } else {
      }
      %mul3A_2707 = arith.constant 6 : i32
      %mul3A_2708 = arith.muli %scan3A_2689, %mul3A_2707 : i32
      %add3A_2709 = arith.constant 2 : i32
      %add3A_2710 = arith.addi %mul3A_2708, %add3A_2709 : i32
      %gt3A_2711 = arith.constant 0 : i32
      %gt3A_2712 = arith.cmpi sgt, %scan3A_2689, %gt3A_2711 : i32
      %convert_element_type3A_2713 = arith.extui %gt3A_2712 : i1 to i32
      %cond3A_2714 = arith.constant 0 : i32
      %cond3A_2715 = arith.cmpi ne, %convert_element_type3A_2713, %cond3A_2714 : i32
      scf.if %cond3A_2715 {
        %dma_wait3A_2990 = arith.constant 2 : i32
        %dma_wait3A_2991 = arith.constant 0 : i32
        %dma_wait3A_2992 = arith.constant 0 : i32
        %dma_wait3A_2993 = arith.constant 0 : i32
        %dma_wait3A_2994 = arith.constant 0 : i32
        %dma_wait3A_2995 = tpu.memref_slice %arg7[%dma_wait3A_2990, %dma_wait3A_2993, %dma_wait3A_2994] : memref<6x16x1024xf32, #tpu.memory_space<vmem>> -> memref<1x16x1024xf32, #tpu.memory_space<vmem>>
        %dma_wait3A_2996 = tpu.memref_squeeze %dma_wait3A_2995 : memref<1x16x1024xf32, #tpu.memory_space<vmem>> -> memref<16x1024xf32, #tpu.memory_space<vmem>>
        %dma_wait3A_2997 = arith.constant 0 : i32
        %dma_wait3A_2998 = tpu.memref_slice %arg12[%dma_wait3A_2991, %dma_wait3A_2992, %dma_wait3A_2997] : memref<2x64x16xi32, #tpu.memory_space<vmem>> -> memref<1x1x16xi32, #tpu.memory_space<vmem>>
        %dma_wait3A_2999 = tpu.memref_squeeze %dma_wait3A_2998 : memref<1x1x16xi32, #tpu.memory_space<vmem>> -> memref<16xi32, #tpu.memory_space<vmem>>
        %dma_wait3A_3000 = arith.constant 0 : i32
        %dma_wait3A_3001 = arith.constant 0 : i32
        %dma_wait3A_3002 = tpu.memref_slice %arg6[%dma_wait3A_3000, %dma_wait3A_3001] : memref<65536x1024xf32, #tpu.memory_space<hbm>> -> memref<65536x1024xf32, #tpu.memory_space<hbm>>
        tpu.wait_indirect_dma semaphore(%arg22 : memref<!tpu.dma_semaphore, #tpu.memory_space<semaphore_mem>>) src(%dma_wait3A_2996 : memref<16x1024xf32, #tpu.memory_space<vmem>>) dst(%dma_wait3A_3002 : memref<65536x1024xf32, #tpu.memory_space<hbm>>)
        %dma_wait3A_3003 = arith.constant 2 : i32
        %dma_wait3A_3004 = arith.constant 0 : i32
        %dma_wait3A_3005 = arith.constant 0 : i32
        %dma_wait3A_3006 = arith.constant 0 : i32
        %dma_wait3A_3007 = arith.constant 0 : i32
        %dma_wait3A_3008 = tpu.memref_slice %arg7[%dma_wait3A_3003, %dma_wait3A_3006, %dma_wait3A_3007] : memref<6x16x1024xf32, #tpu.memory_space<vmem>> -> memref<1x16x1024xf32, #tpu.memory_space<vmem>>
        %dma_wait3A_3009 = tpu.memref_squeeze %dma_wait3A_3008 : memref<1x16x1024xf32, #tpu.memory_space<vmem>> -> memref<16x1024xf32, #tpu.memory_space<vmem>>
        %dma_wait3A_3010 = arith.constant 0 : i32
        %dma_wait3A_3011 = tpu.memref_slice %arg12[%dma_wait3A_3004, %dma_wait3A_3005, %dma_wait3A_3010] : memref<2x64x16xi32, #tpu.memory_space<vmem>> -> memref<1x1x16xi32, #tpu.memory_space<vmem>>
        %dma_wait3A_3012 = tpu.memref_squeeze %dma_wait3A_3011 : memref<1x1x16xi32, #tpu.memory_space<vmem>> -> memref<16xi32, #tpu.memory_space<vmem>>
        %dma_wait3A_3013 = arith.constant 0 : i32
        %dma_wait3A_3014 = arith.constant 0 : i32
        %dma_wait3A_3015 = tpu.memref_slice %arg6[%dma_wait3A_3013, %dma_wait3A_3014] : memref<65536x1024xf32, #tpu.memory_space<hbm>> -> memref<65536x1024xf32, #tpu.memory_space<hbm>>
        tpu.wait_indirect_dma semaphore(%arg22 : memref<!tpu.dma_semaphore, #tpu.memory_space<semaphore_mem>>) src(%dma_wait3A_3009 : memref<16x1024xf32, #tpu.memory_space<vmem>>) dst(%dma_wait3A_3015 : memref<65536x1024xf32, #tpu.memory_space<hbm>>)
        %mul3A_3016 = arith.constant 16 : i32
        %mul3A_3017 = arith.muli %add3A_2710, %mul3A_3016 : i32
        %add3A_3018 = arith.addi %mul3A_2, %mul3A_3017 : i32
        %dma_start3A_3019 = arith.constant 2 : i32
        %dma_start3A_3020 = arith.constant 0 : i32
        %dma_start3A_3021 = arith.constant 0 : i32
        %dma_start3A_3022 = tpu.memref_slice %arg7[%dma_start3A_3019, %dma_start3A_3020, %dma_start3A_3021] : memref<6x16x1024xf32, #tpu.memory_space<vmem>> -> memref<1x16x1024xf32, #tpu.memory_space<vmem>>
        %dma_start3A_3023 = tpu.memref_squeeze %dma_start3A_3022 : memref<1x16x1024xf32, #tpu.memory_space<vmem>> -> memref<16x1024xf32, #tpu.memory_space<vmem>>
        %dma_start3A_3024 = arith.constant 0 : i32
        %dma_start3A_3025 = tpu.memref_slice %arg2[%add3A_3018, %dma_start3A_3024] : memref<32768x1024xf32, #tpu.memory_space<hbm>> -> memref<16x1024xf32, #tpu.memory_space<hbm>>
        %dma_start3A_3026 = arith.constant 0 : i32
        %dma_start3A_3027 = arith.constant 0 : i32
        %dma_start3A_3028 = tpu.memref_slice %arg7[%dma_start3A_3019, %dma_start3A_3026, %dma_start3A_3027] : memref<6x16x1024xf32, #tpu.memory_space<vmem>> -> memref<1x16x1024xf32, #tpu.memory_space<vmem>>
        %dma_start3A_3029 = tpu.memref_squeeze %dma_start3A_3028 : memref<1x16x1024xf32, #tpu.memory_space<vmem>> -> memref<16x1024xf32, #tpu.memory_space<vmem>>
        %dma_start3A_3030 = arith.constant 0 : i32
        %dma_start3A_3031 = tpu.memref_slice %arg2[%add3A_3018, %dma_start3A_3030] : memref<32768x1024xf32, #tpu.memory_space<hbm>> -> memref<16x1024xf32, #tpu.memory_space<hbm>>
        tpu.enqueue_dma source(%dma_start3A_3031 : memref<16x1024xf32, #tpu.memory_space<hbm>>) target(%dma_start3A_3029 : memref<16x1024xf32, #tpu.memory_space<vmem>>) target_semaphore(%arg16 : memref<!tpu.dma_semaphore, #tpu.memory_space<semaphore_mem>>)
      } else {
      }
      %mul3A_2716 = arith.constant 6 : i32
      %mul3A_2717 = arith.muli %scan3A_2689, %mul3A_2716 : i32
      %add3A_2718 = arith.constant 3 : i32
      %add3A_2719 = arith.addi %mul3A_2717, %add3A_2718 : i32
      %gt3A_2720 = arith.constant 0 : i32
      %gt3A_2721 = arith.cmpi sgt, %scan3A_2689, %gt3A_2720 : i32
      %convert_element_type3A_2722 = arith.extui %gt3A_2721 : i1 to i32
      %cond3A_2723 = arith.constant 0 : i32
      %cond3A_2724 = arith.cmpi ne, %convert_element_type3A_2722, %cond3A_2723 : i32
      scf.if %cond3A_2724 {
        %dma_wait3A_2990 = arith.constant 3 : i32
        %dma_wait3A_2991 = arith.constant 0 : i32
        %dma_wait3A_2992 = arith.constant 0 : i32
        %dma_wait3A_2993 = arith.constant 0 : i32
        %dma_wait3A_2994 = arith.constant 0 : i32
        %dma_wait3A_2995 = tpu.memref_slice %arg7[%dma_wait3A_2990, %dma_wait3A_2993, %dma_wait3A_2994] : memref<6x16x1024xf32, #tpu.memory_space<vmem>> -> memref<1x16x1024xf32, #tpu.memory_space<vmem>>
        %dma_wait3A_2996 = tpu.memref_squeeze %dma_wait3A_2995 : memref<1x16x1024xf32, #tpu.memory_space<vmem>> -> memref<16x1024xf32, #tpu.memory_space<vmem>>
        %dma_wait3A_2997 = arith.constant 0 : i32
        %dma_wait3A_2998 = tpu.memref_slice %arg12[%dma_wait3A_2991, %dma_wait3A_2992, %dma_wait3A_2997] : memref<2x64x16xi32, #tpu.memory_space<vmem>> -> memref<1x1x16xi32, #tpu.memory_space<vmem>>
        %dma_wait3A_2999 = tpu.memref_squeeze %dma_wait3A_2998 : memref<1x1x16xi32, #tpu.memory_space<vmem>> -> memref<16xi32, #tpu.memory_space<vmem>>
        %dma_wait3A_3000 = arith.constant 0 : i32
        %dma_wait3A_3001 = arith.constant 0 : i32
        %dma_wait3A_3002 = tpu.memref_slice %arg6[%dma_wait3A_3000, %dma_wait3A_3001] : memref<65536x1024xf32, #tpu.memory_space<hbm>> -> memref<65536x1024xf32, #tpu.memory_space<hbm>>
        tpu.wait_indirect_dma semaphore(%arg23 : memref<!tpu.dma_semaphore, #tpu.memory_space<semaphore_mem>>) src(%dma_wait3A_2996 : memref<16x1024xf32, #tpu.memory_space<vmem>>) dst(%dma_wait3A_3002 : memref<65536x1024xf32, #tpu.memory_space<hbm>>)
        %dma_wait3A_3003 = arith.constant 3 : i32
        %dma_wait3A_3004 = arith.constant 0 : i32
        %dma_wait3A_3005 = arith.constant 0 : i32
        %dma_wait3A_3006 = arith.constant 0 : i32
        %dma_wait3A_3007 = arith.constant 0 : i32
        %dma_wait3A_3008 = tpu.memref_slice %arg7[%dma_wait3A_3003, %dma_wait3A_3006, %dma_wait3A_3007] : memref<6x16x1024xf32, #tpu.memory_space<vmem>> -> memref<1x16x1024xf32, #tpu.memory_space<vmem>>
        %dma_wait3A_3009 = tpu.memref_squeeze %dma_wait3A_3008 : memref<1x16x1024xf32, #tpu.memory_space<vmem>> -> memref<16x1024xf32, #tpu.memory_space<vmem>>
        %dma_wait3A_3010 = arith.constant 0 : i32
        %dma_wait3A_3011 = tpu.memref_slice %arg12[%dma_wait3A_3004, %dma_wait3A_3005, %dma_wait3A_3010] : memref<2x64x16xi32, #tpu.memory_space<vmem>> -> memref<1x1x16xi32, #tpu.memory_space<vmem>>
        %dma_wait3A_3012 = tpu.memref_squeeze %dma_wait3A_3011 : memref<1x1x16xi32, #tpu.memory_space<vmem>> -> memref<16xi32, #tpu.memory_space<vmem>>
        %dma_wait3A_3013 = arith.constant 0 : i32
        %dma_wait3A_3014 = arith.constant 0 : i32
        %dma_wait3A_3015 = tpu.memref_slice %arg6[%dma_wait3A_3013, %dma_wait3A_3014] : memref<65536x1024xf32, #tpu.memory_space<hbm>> -> memref<65536x1024xf32, #tpu.memory_space<hbm>>
        tpu.wait_indirect_dma semaphore(%arg23 : memref<!tpu.dma_semaphore, #tpu.memory_space<semaphore_mem>>) src(%dma_wait3A_3009 : memref<16x1024xf32, #tpu.memory_space<vmem>>) dst(%dma_wait3A_3015 : memref<65536x1024xf32, #tpu.memory_space<hbm>>)
        %mul3A_3016 = arith.constant 16 : i32
        %mul3A_3017 = arith.muli %add3A_2719, %mul3A_3016 : i32
        %add3A_3018 = arith.addi %mul3A_2, %mul3A_3017 : i32
        %dma_start3A_3019 = arith.constant 3 : i32
        %dma_start3A_3020 = arith.constant 0 : i32
        %dma_start3A_3021 = arith.constant 0 : i32
        %dma_start3A_3022 = tpu.memref_slice %arg7[%dma_start3A_3019, %dma_start3A_3020, %dma_start3A_3021] : memref<6x16x1024xf32, #tpu.memory_space<vmem>> -> memref<1x16x1024xf32, #tpu.memory_space<vmem>>
        %dma_start3A_3023 = tpu.memref_squeeze %dma_start3A_3022 : memref<1x16x1024xf32, #tpu.memory_space<vmem>> -> memref<16x1024xf32, #tpu.memory_space<vmem>>
        %dma_start3A_3024 = arith.constant 0 : i32
        %dma_start3A_3025 = tpu.memref_slice %arg2[%add3A_3018, %dma_start3A_3024] : memref<32768x1024xf32, #tpu.memory_space<hbm>> -> memref<16x1024xf32, #tpu.memory_space<hbm>>
        %dma_start3A_3026 = arith.constant 0 : i32
        %dma_start3A_3027 = arith.constant 0 : i32
        %dma_start3A_3028 = tpu.memref_slice %arg7[%dma_start3A_3019, %dma_start3A_3026, %dma_start3A_3027] : memref<6x16x1024xf32, #tpu.memory_space<vmem>> -> memref<1x16x1024xf32, #tpu.memory_space<vmem>>
        %dma_start3A_3029 = tpu.memref_squeeze %dma_start3A_3028 : memref<1x16x1024xf32, #tpu.memory_space<vmem>> -> memref<16x1024xf32, #tpu.memory_space<vmem>>
        %dma_start3A_3030 = arith.constant 0 : i32
        %dma_start3A_3031 = tpu.memref_slice %arg2[%add3A_3018, %dma_start3A_3030] : memref<32768x1024xf32, #tpu.memory_space<hbm>> -> memref<16x1024xf32, #tpu.memory_space<hbm>>
        tpu.enqueue_dma source(%dma_start3A_3031 : memref<16x1024xf32, #tpu.memory_space<hbm>>) target(%dma_start3A_3029 : memref<16x1024xf32, #tpu.memory_space<vmem>>) target_semaphore(%arg17 : memref<!tpu.dma_semaphore, #tpu.memory_space<semaphore_mem>>)
      } else {
      }
      %mul3A_2725 = arith.constant 6 : i32
      %mul3A_2726 = arith.muli %scan3A_2689, %mul3A_2725 : i32
      %add3A_2727 = arith.constant 4 : i32
      %add3A_2728 = arith.addi %mul3A_2726, %add3A_2727 : i32
      %gt3A_2729 = arith.constant 0 : i32
      %gt3A_2730 = arith.cmpi sgt, %scan3A_2689, %gt3A_2729 : i32
      %convert_element_type3A_2731 = arith.extui %gt3A_2730 : i1 to i32
      %cond3A_2732 = arith.constant 0 : i32
      %cond3A_2733 = arith.cmpi ne, %convert_element_type3A_2731, %cond3A_2732 : i32
      scf.if %cond3A_2733 {
        %dma_wait3A_2990 = arith.constant 4 : i32
        %dma_wait3A_2991 = arith.constant 0 : i32
        %dma_wait3A_2992 = arith.constant 0 : i32
        %dma_wait3A_2993 = arith.constant 0 : i32
        %dma_wait3A_2994 = arith.constant 0 : i32
        %dma_wait3A_2995 = tpu.memref_slice %arg7[%dma_wait3A_2990, %dma_wait3A_2993, %dma_wait3A_2994] : memref<6x16x1024xf32, #tpu.memory_space<vmem>> -> memref<1x16x1024xf32, #tpu.memory_space<vmem>>
        %dma_wait3A_2996 = tpu.memref_squeeze %dma_wait3A_2995 : memref<1x16x1024xf32, #tpu.memory_space<vmem>> -> memref<16x1024xf32, #tpu.memory_space<vmem>>
        %dma_wait3A_2997 = arith.constant 0 : i32
        %dma_wait3A_2998 = tpu.memref_slice %arg12[%dma_wait3A_2991, %dma_wait3A_2992, %dma_wait3A_2997] : memref<2x64x16xi32, #tpu.memory_space<vmem>> -> memref<1x1x16xi32, #tpu.memory_space<vmem>>
        %dma_wait3A_2999 = tpu.memref_squeeze %dma_wait3A_2998 : memref<1x1x16xi32, #tpu.memory_space<vmem>> -> memref<16xi32, #tpu.memory_space<vmem>>
        %dma_wait3A_3000 = arith.constant 0 : i32
        %dma_wait3A_3001 = arith.constant 0 : i32
        %dma_wait3A_3002 = tpu.memref_slice %arg6[%dma_wait3A_3000, %dma_wait3A_3001] : memref<65536x1024xf32, #tpu.memory_space<hbm>> -> memref<65536x1024xf32, #tpu.memory_space<hbm>>
        tpu.wait_indirect_dma semaphore(%arg24 : memref<!tpu.dma_semaphore, #tpu.memory_space<semaphore_mem>>) src(%dma_wait3A_2996 : memref<16x1024xf32, #tpu.memory_space<vmem>>) dst(%dma_wait3A_3002 : memref<65536x1024xf32, #tpu.memory_space<hbm>>)
        %dma_wait3A_3003 = arith.constant 4 : i32
        %dma_wait3A_3004 = arith.constant 0 : i32
        %dma_wait3A_3005 = arith.constant 0 : i32
        %dma_wait3A_3006 = arith.constant 0 : i32
        %dma_wait3A_3007 = arith.constant 0 : i32
        %dma_wait3A_3008 = tpu.memref_slice %arg7[%dma_wait3A_3003, %dma_wait3A_3006, %dma_wait3A_3007] : memref<6x16x1024xf32, #tpu.memory_space<vmem>> -> memref<1x16x1024xf32, #tpu.memory_space<vmem>>
        %dma_wait3A_3009 = tpu.memref_squeeze %dma_wait3A_3008 : memref<1x16x1024xf32, #tpu.memory_space<vmem>> -> memref<16x1024xf32, #tpu.memory_space<vmem>>
        %dma_wait3A_3010 = arith.constant 0 : i32
        %dma_wait3A_3011 = tpu.memref_slice %arg12[%dma_wait3A_3004, %dma_wait3A_3005, %dma_wait3A_3010] : memref<2x64x16xi32, #tpu.memory_space<vmem>> -> memref<1x1x16xi32, #tpu.memory_space<vmem>>
        %dma_wait3A_3012 = tpu.memref_squeeze %dma_wait3A_3011 : memref<1x1x16xi32, #tpu.memory_space<vmem>> -> memref<16xi32, #tpu.memory_space<vmem>>
        %dma_wait3A_3013 = arith.constant 0 : i32
        %dma_wait3A_3014 = arith.constant 0 : i32
        %dma_wait3A_3015 = tpu.memref_slice %arg6[%dma_wait3A_3013, %dma_wait3A_3014] : memref<65536x1024xf32, #tpu.memory_space<hbm>> -> memref<65536x1024xf32, #tpu.memory_space<hbm>>
        tpu.wait_indirect_dma semaphore(%arg24 : memref<!tpu.dma_semaphore, #tpu.memory_space<semaphore_mem>>) src(%dma_wait3A_3009 : memref<16x1024xf32, #tpu.memory_space<vmem>>) dst(%dma_wait3A_3015 : memref<65536x1024xf32, #tpu.memory_space<hbm>>)
        %mul3A_3016 = arith.constant 16 : i32
        %mul3A_3017 = arith.muli %add3A_2728, %mul3A_3016 : i32
        %add3A_3018 = arith.addi %mul3A_2, %mul3A_3017 : i32
        %dma_start3A_3019 = arith.constant 4 : i32
        %dma_start3A_3020 = arith.constant 0 : i32
        %dma_start3A_3021 = arith.constant 0 : i32
        %dma_start3A_3022 = tpu.memref_slice %arg7[%dma_start3A_3019, %dma_start3A_3020, %dma_start3A_3021] : memref<6x16x1024xf32, #tpu.memory_space<vmem>> -> memref<1x16x1024xf32, #tpu.memory_space<vmem>>
        %dma_start3A_3023 = tpu.memref_squeeze %dma_start3A_3022 : memref<1x16x1024xf32, #tpu.memory_space<vmem>> -> memref<16x1024xf32, #tpu.memory_space<vmem>>
        %dma_start3A_3024 = arith.constant 0 : i32
        %dma_start3A_3025 = tpu.memref_slice %arg2[%add3A_3018, %dma_start3A_3024] : memref<32768x1024xf32, #tpu.memory_space<hbm>> -> memref<16x1024xf32, #tpu.memory_space<hbm>>
        %dma_start3A_3026 = arith.constant 0 : i32
        %dma_start3A_3027 = arith.constant 0 : i32
        %dma_start3A_3028 = tpu.memref_slice %arg7[%dma_start3A_3019, %dma_start3A_3026, %dma_start3A_3027] : memref<6x16x1024xf32, #tpu.memory_space<vmem>> -> memref<1x16x1024xf32, #tpu.memory_space<vmem>>
        %dma_start3A_3029 = tpu.memref_squeeze %dma_start3A_3028 : memref<1x16x1024xf32, #tpu.memory_space<vmem>> -> memref<16x1024xf32, #tpu.memory_space<vmem>>
        %dma_start3A_3030 = arith.constant 0 : i32
        %dma_start3A_3031 = tpu.memref_slice %arg2[%add3A_3018, %dma_start3A_3030] : memref<32768x1024xf32, #tpu.memory_space<hbm>> -> memref<16x1024xf32, #tpu.memory_space<hbm>>
        tpu.enqueue_dma source(%dma_start3A_3031 : memref<16x1024xf32, #tpu.memory_space<hbm>>) target(%dma_start3A_3029 : memref<16x1024xf32, #tpu.memory_space<vmem>>) target_semaphore(%arg18 : memref<!tpu.dma_semaphore, #tpu.memory_space<semaphore_mem>>)
      } else {
      }
      %mul3A_2734 = arith.constant 6 : i32
      %mul3A_2735 = arith.muli %scan3A_2689, %mul3A_2734 : i32
      %add3A_2736 = arith.constant 5 : i32
      %add3A_2737 = arith.addi %mul3A_2735, %add3A_2736 : i32
      %gt3A_2738 = arith.constant 0 : i32
      %gt3A_2739 = arith.cmpi sgt, %scan3A_2689, %gt3A_2738 : i32
      %convert_element_type3A_2740 = arith.extui %gt3A_2739 : i1 to i32
      %cond3A_2741 = arith.constant 0 : i32
      %cond3A_2742 = arith.cmpi ne, %convert_element_type3A_2740, %cond3A_2741 : i32
      scf.if %cond3A_2742 {
        %dma_wait3A_2990 = arith.constant 5 : i32
        %dma_wait3A_2991 = arith.constant 0 : i32
        %dma_wait3A_2992 = arith.constant 0 : i32
        %dma_wait3A_2993 = arith.constant 0 : i32
        %dma_wait3A_2994 = arith.constant 0 : i32
        %dma_wait3A_2995 = tpu.memref_slice %arg7[%dma_wait3A_2990, %dma_wait3A_2993, %dma_wait3A_2994] : memref<6x16x1024xf32, #tpu.memory_space<vmem>> -> memref<1x16x1024xf32, #tpu.memory_space<vmem>>
        %dma_wait3A_2996 = tpu.memref_squeeze %dma_wait3A_2995 : memref<1x16x1024xf32, #tpu.memory_space<vmem>> -> memref<16x1024xf32, #tpu.memory_space<vmem>>
        %dma_wait3A_2997 = arith.constant 0 : i32
        %dma_wait3A_2998 = tpu.memref_slice %arg12[%dma_wait3A_2991, %dma_wait3A_2992, %dma_wait3A_2997] : memref<2x64x16xi32, #tpu.memory_space<vmem>> -> memref<1x1x16xi32, #tpu.memory_space<vmem>>
        %dma_wait3A_2999 = tpu.memref_squeeze %dma_wait3A_2998 : memref<1x1x16xi32, #tpu.memory_space<vmem>> -> memref<16xi32, #tpu.memory_space<vmem>>
        %dma_wait3A_3000 = arith.constant 0 : i32
        %dma_wait3A_3001 = arith.constant 0 : i32
        %dma_wait3A_3002 = tpu.memref_slice %arg6[%dma_wait3A_3000, %dma_wait3A_3001] : memref<65536x1024xf32, #tpu.memory_space<hbm>> -> memref<65536x1024xf32, #tpu.memory_space<hbm>>
        tpu.wait_indirect_dma semaphore(%arg25 : memref<!tpu.dma_semaphore, #tpu.memory_space<semaphore_mem>>) src(%dma_wait3A_2996 : memref<16x1024xf32, #tpu.memory_space<vmem>>) dst(%dma_wait3A_3002 : memref<65536x1024xf32, #tpu.memory_space<hbm>>)
        %dma_wait3A_3003 = arith.constant 5 : i32
        %dma_wait3A_3004 = arith.constant 0 : i32
        %dma_wait3A_3005 = arith.constant 0 : i32
        %dma_wait3A_3006 = arith.constant 0 : i32
        %dma_wait3A_3007 = arith.constant 0 : i32
        %dma_wait3A_3008 = tpu.memref_slice %arg7[%dma_wait3A_3003, %dma_wait3A_3006, %dma_wait3A_3007] : memref<6x16x1024xf32, #tpu.memory_space<vmem>> -> memref<1x16x1024xf32, #tpu.memory_space<vmem>>
        %dma_wait3A_3009 = tpu.memref_squeeze %dma_wait3A_3008 : memref<1x16x1024xf32, #tpu.memory_space<vmem>> -> memref<16x1024xf32, #tpu.memory_space<vmem>>
        %dma_wait3A_3010 = arith.constant 0 : i32
        %dma_wait3A_3011 = tpu.memref_slice %arg12[%dma_wait3A_3004, %dma_wait3A_3005, %dma_wait3A_3010] : memref<2x64x16xi32, #tpu.memory_space<vmem>> -> memref<1x1x16xi32, #tpu.memory_space<vmem>>
        %dma_wait3A_3012 = tpu.memref_squeeze %dma_wait3A_3011 : memref<1x1x16xi32, #tpu.memory_space<vmem>> -> memref<16xi32, #tpu.memory_space<vmem>>
        %dma_wait3A_3013 = arith.constant 0 : i32
        %dma_wait3A_3014 = arith.constant 0 : i32
        %dma_wait3A_3015 = tpu.memref_slice %arg6[%dma_wait3A_3013, %dma_wait3A_3014] : memref<65536x1024xf32, #tpu.memory_space<hbm>> -> memref<65536x1024xf32, #tpu.memory_space<hbm>>
        tpu.wait_indirect_dma semaphore(%arg25 : memref<!tpu.dma_semaphore, #tpu.memory_space<semaphore_mem>>) src(%dma_wait3A_3009 : memref<16x1024xf32, #tpu.memory_space<vmem>>) dst(%dma_wait3A_3015 : memref<65536x1024xf32, #tpu.memory_space<hbm>>)
        %mul3A_3016 = arith.constant 16 : i32
        %mul3A_3017 = arith.muli %add3A_2737, %mul3A_3016 : i32
        %add3A_3018 = arith.addi %mul3A_2, %mul3A_3017 : i32
        %dma_start3A_3019 = arith.constant 5 : i32
        %dma_start3A_3020 = arith.constant 0 : i32
        %dma_start3A_3021 = arith.constant 0 : i32
        %dma_start3A_3022 = tpu.memref_slice %arg7[%dma_start3A_3019, %dma_start3A_3020, %dma_start3A_3021] : memref<6x16x1024xf32, #tpu.memory_space<vmem>> -> memref<1x16x1024xf32, #tpu.memory_space<vmem>>
        %dma_start3A_3023 = tpu.memref_squeeze %dma_start3A_3022 : memref<1x16x1024xf32, #tpu.memory_space<vmem>> -> memref<16x1024xf32, #tpu.memory_space<vmem>>
        %dma_start3A_3024 = arith.constant 0 : i32
        %dma_start3A_3025 = tpu.memref_slice %arg2[%add3A_3018, %dma_start3A_3024] : memref<32768x1024xf32, #tpu.memory_space<hbm>> -> memref<16x1024xf32, #tpu.memory_space<hbm>>
        %dma_start3A_3026 = arith.constant 0 : i32
        %dma_start3A_3027 = arith.constant 0 : i32
        %dma_start3A_3028 = tpu.memref_slice %arg7[%dma_start3A_3019, %dma_start3A_3026, %dma_start3A_3027] : memref<6x16x1024xf32, #tpu.memory_space<vmem>> -> memref<1x16x1024xf32, #tpu.memory_space<vmem>>
        %dma_start3A_3029 = tpu.memref_squeeze %dma_start3A_3028 : memref<1x16x1024xf32, #tpu.memory_space<vmem>> -> memref<16x1024xf32, #tpu.memory_space<vmem>>
        %dma_start3A_3030 = arith.constant 0 : i32
        %dma_start3A_3031 = tpu.memref_slice %arg2[%add3A_3018, %dma_start3A_3030] : memref<32768x1024xf32, #tpu.memory_space<hbm>> -> memref<16x1024xf32, #tpu.memory_space<hbm>>
        tpu.enqueue_dma source(%dma_start3A_3031 : memref<16x1024xf32, #tpu.memory_space<hbm>>) target(%dma_start3A_3029 : memref<16x1024xf32, #tpu.memory_space<vmem>>) target_semaphore(%arg19 : memref<!tpu.dma_semaphore, #tpu.memory_space<semaphore_mem>>)
      } else {
      }
      %mul3A_2743 = arith.constant 6 : i32
      %mul3A_2744 = arith.muli %scan3A_2689, %mul3A_2743 : i32
      %add3A_2745 = arith.constant 0 : i32
      %add3A_2746 = arith.addi %mul3A_2744, %add3A_2745 : i32
      %dma_wait3A_2747 = arith.constant 0 : i32
      %dma_wait3A_2748 = arith.constant 0 : i32
      %dma_wait3A_2749 = arith.constant 0 : i32
      %dma_wait3A_2750 = tpu.memref_slice %arg7[%dma_wait3A_2747, %dma_wait3A_2748, %dma_wait3A_2749] : memref<6x16x1024xf32, #tpu.memory_space<vmem>> -> memref<1x16x1024xf32, #tpu.memory_space<vmem>>
      %dma_wait3A_2751 = tpu.memref_squeeze %dma_wait3A_2750 : memref<1x16x1024xf32, #tpu.memory_space<vmem>> -> memref<16x1024xf32, #tpu.memory_space<vmem>>
      %dma_wait3A_2752 = arith.constant 0 : i32
      %dma_wait3A_2753 = tpu.memref_slice %arg2[%mul3A_2, %dma_wait3A_2752] : memref<32768x1024xf32, #tpu.memory_space<hbm>> -> memref<16x1024xf32, #tpu.memory_space<hbm>>
      %dma_wait3A_2754 = arith.constant 0 : i32
      %dma_wait3A_2755 = arith.constant 0 : i32
      %dma_wait3A_2756 = tpu.memref_slice %arg7[%dma_wait3A_2747, %dma_wait3A_2754, %dma_wait3A_2755] : memref<6x16x1024xf32, #tpu.memory_space<vmem>> -> memref<1x16x1024xf32, #tpu.memory_space<vmem>>
      %dma_wait3A_2757 = tpu.memref_squeeze %dma_wait3A_2756 : memref<1x16x1024xf32, #tpu.memory_space<vmem>> -> memref<16x1024xf32, #tpu.memory_space<vmem>>
      %dma_wait3A_2758 = arith.constant 0 : i32
      %dma_wait3A_2759 = tpu.memref_slice %arg2[%mul3A_2, %dma_wait3A_2758] : memref<32768x1024xf32, #tpu.memory_space<hbm>> -> memref<16x1024xf32, #tpu.memory_space<hbm>>
      tpu.wait_dma2 semaphore(%arg14 : memref<!tpu.dma_semaphore, #tpu.memory_space<semaphore_mem>>) src(%dma_wait3A_2759 : memref<16x1024xf32, #tpu.memory_space<hbm>>) dst(%dma_wait3A_2757 : memref<16x1024xf32, #tpu.memory_space<vmem>>)
      %dma_start3A_2760 = arith.constant 0 : i32
      %dma_start3A_2761 = arith.constant 0 : i32
      %dma_start3A_2762 = arith.constant 0 : i32
      %dma_start3A_2763 = arith.constant 0 : i32
      %dma_start3A_2764 = tpu.memref_slice %arg7[%dma_start3A_2760, %dma_start3A_2762, %dma_start3A_2763] : memref<6x16x1024xf32, #tpu.memory_space<vmem>> -> memref<1x16x1024xf32, #tpu.memory_space<vmem>>
      %dma_start3A_2765 = tpu.memref_squeeze %dma_start3A_2764 : memref<1x16x1024xf32, #tpu.memory_space<vmem>> -> memref<16x1024xf32, #tpu.memory_space<vmem>>
      %dma_start3A_2766 = arith.constant 0 : i32
      %dma_start3A_2767 = tpu.memref_slice %arg12[%dma_start3A_2761, %add3A_2746, %dma_start3A_2766] : memref<2x64x16xi32, #tpu.memory_space<vmem>> -> memref<1x1x16xi32, #tpu.memory_space<vmem>>
      %dma_start3A_2768 = tpu.memref_squeeze %dma_start3A_2767 : memref<1x1x16xi32, #tpu.memory_space<vmem>> -> memref<16xi32, #tpu.memory_space<vmem>>
      %dma_start3A_2769 = arith.constant 0 : i32
      %dma_start3A_2770 = arith.constant 0 : i32
      %dma_start3A_2771 = tpu.memref_slice %arg6[%dma_start3A_2769, %dma_start3A_2770] : memref<65536x1024xf32, #tpu.memory_space<hbm>> -> memref<65536x1024xf32, #tpu.memory_space<hbm>>
      tpu.enqueue_indirect_dma source(%dma_start3A_2765 : memref<16x1024xf32, #tpu.memory_space<vmem>>) target(%dma_start3A_2771 : memref<65536x1024xf32, #tpu.memory_space<hbm>>) offsets(%dma_start3A_2768 : memref<16xi32, #tpu.memory_space<vmem>>) semaphore(%arg20 : memref<!tpu.dma_semaphore, #tpu.memory_space<semaphore_mem>>)
      %dma_start3A_2772 = arith.constant 0 : i32
      %dma_start3A_2773 = arith.constant 1 : i32
      %dma_start3A_2774 = arith.constant 0 : i32
      %dma_start3A_2775 = arith.constant 0 : i32
      %dma_start3A_2776 = tpu.memref_slice %arg7[%dma_start3A_2772, %dma_start3A_2774, %dma_start3A_2775] : memref<6x16x1024xf32, #tpu.memory_space<vmem>> -> memref<1x16x1024xf32, #tpu.memory_space<vmem>>
      %dma_start3A_2777 = tpu.memref_squeeze %dma_start3A_2776 : memref<1x16x1024xf32, #tpu.memory_space<vmem>> -> memref<16x1024xf32, #tpu.memory_space<vmem>>
      %dma_start3A_2778 = arith.constant 0 : i32
      %dma_start3A_2779 = tpu.memref_slice %arg12[%dma_start3A_2773, %add3A_2746, %dma_start3A_2778] : memref<2x64x16xi32, #tpu.memory_space<vmem>> -> memref<1x1x16xi32, #tpu.memory_space<vmem>>
      %dma_start3A_2780 = tpu.memref_squeeze %dma_start3A_2779 : memref<1x1x16xi32, #tpu.memory_space<vmem>> -> memref<16xi32, #tpu.memory_space<vmem>>
      %dma_start3A_2781 = arith.constant 0 : i32
      %dma_start3A_2782 = arith.constant 0 : i32
      %dma_start3A_2783 = tpu.memref_slice %arg6[%dma_start3A_2781, %dma_start3A_2782] : memref<65536x1024xf32, #tpu.memory_space<hbm>> -> memref<65536x1024xf32, #tpu.memory_space<hbm>>
      tpu.enqueue_indirect_dma source(%dma_start3A_2777 : memref<16x1024xf32, #tpu.memory_space<vmem>>) target(%dma_start3A_2783 : memref<65536x1024xf32, #tpu.memory_space<hbm>>) offsets(%dma_start3A_2780 : memref<16xi32, #tpu.memory_space<vmem>>) semaphore(%arg20 : memref<!tpu.dma_semaphore, #tpu.memory_space<semaphore_mem>>)
      %mul3A_2784 = arith.constant 6 : i32
      %mul3A_2785 = arith.muli %scan3A_2689, %mul3A_2784 : i32
      %add3A_2786 = arith.constant 1 : i32
      %add3A_2787 = arith.addi %mul3A_2785, %add3A_2786 : i32
      %dma_wait3A_2788 = arith.constant 1 : i32
      %dma_wait3A_2789 = arith.constant 0 : i32
      %dma_wait3A_2790 = arith.constant 0 : i32
      %dma_wait3A_2791 = tpu.memref_slice %arg7[%dma_wait3A_2788, %dma_wait3A_2789, %dma_wait3A_2790] : memref<6x16x1024xf32, #tpu.memory_space<vmem>> -> memref<1x16x1024xf32, #tpu.memory_space<vmem>>
      %dma_wait3A_2792 = tpu.memref_squeeze %dma_wait3A_2791 : memref<1x16x1024xf32, #tpu.memory_space<vmem>> -> memref<16x1024xf32, #tpu.memory_space<vmem>>
      %dma_wait3A_2793 = arith.constant 0 : i32
      %dma_wait3A_2794 = tpu.memref_slice %arg2[%mul3A_2, %dma_wait3A_2793] : memref<32768x1024xf32, #tpu.memory_space<hbm>> -> memref<16x1024xf32, #tpu.memory_space<hbm>>
      %dma_wait3A_2795 = arith.constant 0 : i32
      %dma_wait3A_2796 = arith.constant 0 : i32
      %dma_wait3A_2797 = tpu.memref_slice %arg7[%dma_wait3A_2788, %dma_wait3A_2795, %dma_wait3A_2796] : memref<6x16x1024xf32, #tpu.memory_space<vmem>> -> memref<1x16x1024xf32, #tpu.memory_space<vmem>>
      %dma_wait3A_2798 = tpu.memref_squeeze %dma_wait3A_2797 : memref<1x16x1024xf32, #tpu.memory_space<vmem>> -> memref<16x1024xf32, #tpu.memory_space<vmem>>
      %dma_wait3A_2799 = arith.constant 0 : i32
      %dma_wait3A_2800 = tpu.memref_slice %arg2[%mul3A_2, %dma_wait3A_2799] : memref<32768x1024xf32, #tpu.memory_space<hbm>> -> memref<16x1024xf32, #tpu.memory_space<hbm>>
      tpu.wait_dma2 semaphore(%arg15 : memref<!tpu.dma_semaphore, #tpu.memory_space<semaphore_mem>>) src(%dma_wait3A_2800 : memref<16x1024xf32, #tpu.memory_space<hbm>>) dst(%dma_wait3A_2798 : memref<16x1024xf32, #tpu.memory_space<vmem>>)
      %dma_start3A_2801 = arith.constant 1 : i32
      %dma_start3A_2802 = arith.constant 0 : i32
      %dma_start3A_2803 = arith.constant 0 : i32
      %dma_start3A_2804 = arith.constant 0 : i32
      %dma_start3A_2805 = tpu.memref_slice %arg7[%dma_start3A_2801, %dma_start3A_2803, %dma_start3A_2804] : memref<6x16x1024xf32, #tpu.memory_space<vmem>> -> memref<1x16x1024xf32, #tpu.memory_space<vmem>>
      %dma_start3A_2806 = tpu.memref_squeeze %dma_start3A_2805 : memref<1x16x1024xf32, #tpu.memory_space<vmem>> -> memref<16x1024xf32, #tpu.memory_space<vmem>>
      %dma_start3A_2807 = arith.constant 0 : i32
      %dma_start3A_2808 = tpu.memref_slice %arg12[%dma_start3A_2802, %add3A_2787, %dma_start3A_2807] : memref<2x64x16xi32, #tpu.memory_space<vmem>> -> memref<1x1x16xi32, #tpu.memory_space<vmem>>
      %dma_start3A_2809 = tpu.memref_squeeze %dma_start3A_2808 : memref<1x1x16xi32, #tpu.memory_space<vmem>> -> memref<16xi32, #tpu.memory_space<vmem>>
      %dma_start3A_2810 = arith.constant 0 : i32
      %dma_start3A_2811 = arith.constant 0 : i32
      %dma_start3A_2812 = tpu.memref_slice %arg6[%dma_start3A_2810, %dma_start3A_2811] : memref<65536x1024xf32, #tpu.memory_space<hbm>> -> memref<65536x1024xf32, #tpu.memory_space<hbm>>
      tpu.enqueue_indirect_dma source(%dma_start3A_2806 : memref<16x1024xf32, #tpu.memory_space<vmem>>) target(%dma_start3A_2812 : memref<65536x1024xf32, #tpu.memory_space<hbm>>) offsets(%dma_start3A_2809 : memref<16xi32, #tpu.memory_space<vmem>>) semaphore(%arg21 : memref<!tpu.dma_semaphore, #tpu.memory_space<semaphore_mem>>)
      %dma_start3A_2813 = arith.constant 1 : i32
      %dma_start3A_2814 = arith.constant 1 : i32
      %dma_start3A_2815 = arith.constant 0 : i32
      %dma_start3A_2816 = arith.constant 0 : i32
      %dma_start3A_2817 = tpu.memref_slice %arg7[%dma_start3A_2813, %dma_start3A_2815, %dma_start3A_2816] : memref<6x16x1024xf32, #tpu.memory_space<vmem>> -> memref<1x16x1024xf32, #tpu.memory_space<vmem>>
      %dma_start3A_2818 = tpu.memref_squeeze %dma_start3A_2817 : memref<1x16x1024xf32, #tpu.memory_space<vmem>> -> memref<16x1024xf32, #tpu.memory_space<vmem>>
      %dma_start3A_2819 = arith.constant 0 : i32
      %dma_start3A_2820 = tpu.memref_slice %arg12[%dma_start3A_2814, %add3A_2787, %dma_start3A_2819] : memref<2x64x16xi32, #tpu.memory_space<vmem>> -> memref<1x1x16xi32, #tpu.memory_space<vmem>>
      %dma_start3A_2821 = tpu.memref_squeeze %dma_start3A_2820 : memref<1x1x16xi32, #tpu.memory_space<vmem>> -> memref<16xi32, #tpu.memory_space<vmem>>
      %dma_start3A_2822 = arith.constant 0 : i32
      %dma_start3A_2823 = arith.constant 0 : i32
      %dma_start3A_2824 = tpu.memref_slice %arg6[%dma_start3A_2822, %dma_start3A_2823] : memref<65536x1024xf32, #tpu.memory_space<hbm>> -> memref<65536x1024xf32, #tpu.memory_space<hbm>>
      tpu.enqueue_indirect_dma source(%dma_start3A_2818 : memref<16x1024xf32, #tpu.memory_space<vmem>>) target(%dma_start3A_2824 : memref<65536x1024xf32, #tpu.memory_space<hbm>>) offsets(%dma_start3A_2821 : memref<16xi32, #tpu.memory_space<vmem>>) semaphore(%arg21 : memref<!tpu.dma_semaphore, #tpu.memory_space<semaphore_mem>>)
      %mul3A_2825 = arith.constant 6 : i32
      %mul3A_2826 = arith.muli %scan3A_2689, %mul3A_2825 : i32
      %add3A_2827 = arith.constant 2 : i32
      %add3A_2828 = arith.addi %mul3A_2826, %add3A_2827 : i32
      %dma_wait3A_2829 = arith.constant 2 : i32
      %dma_wait3A_2830 = arith.constant 0 : i32
      %dma_wait3A_2831 = arith.constant 0 : i32
      %dma_wait3A_2832 = tpu.memref_slice %arg7[%dma_wait3A_2829, %dma_wait3A_2830, %dma_wait3A_2831] : memref<6x16x1024xf32, #tpu.memory_space<vmem>> -> memref<1x16x1024xf32, #tpu.memory_space<vmem>>
      %dma_wait3A_2833 = tpu.memref_squeeze %dma_wait3A_2832 : memref<1x16x1024xf32, #tpu.memory_space<vmem>> -> memref<16x1024xf32, #tpu.memory_space<vmem>>
      %dma_wait3A_2834 = arith.constant 0 : i32
      %dma_wait3A_2835 = tpu.memref_slice %arg2[%mul3A_2, %dma_wait3A_2834] : memref<32768x1024xf32, #tpu.memory_space<hbm>> -> memref<16x1024xf32, #tpu.memory_space<hbm>>
      %dma_wait3A_2836 = arith.constant 0 : i32
      %dma_wait3A_2837 = arith.constant 0 : i32
      %dma_wait3A_2838 = tpu.memref_slice %arg7[%dma_wait3A_2829, %dma_wait3A_2836, %dma_wait3A_2837] : memref<6x16x1024xf32, #tpu.memory_space<vmem>> -> memref<1x16x1024xf32, #tpu.memory_space<vmem>>
      %dma_wait3A_2839 = tpu.memref_squeeze %dma_wait3A_2838 : memref<1x16x1024xf32, #tpu.memory_space<vmem>> -> memref<16x1024xf32, #tpu.memory_space<vmem>>
      %dma_wait3A_2840 = arith.constant 0 : i32
      %dma_wait3A_2841 = tpu.memref_slice %arg2[%mul3A_2, %dma_wait3A_2840] : memref<32768x1024xf32, #tpu.memory_space<hbm>> -> memref<16x1024xf32, #tpu.memory_space<hbm>>
      tpu.wait_dma2 semaphore(%arg16 : memref<!tpu.dma_semaphore, #tpu.memory_space<semaphore_mem>>) src(%dma_wait3A_2841 : memref<16x1024xf32, #tpu.memory_space<hbm>>) dst(%dma_wait3A_2839 : memref<16x1024xf32, #tpu.memory_space<vmem>>)
      %dma_start3A_2842 = arith.constant 2 : i32
      %dma_start3A_2843 = arith.constant 0 : i32
      %dma_start3A_2844 = arith.constant 0 : i32
      %dma_start3A_2845 = arith.constant 0 : i32
      %dma_start3A_2846 = tpu.memref_slice %arg7[%dma_start3A_2842, %dma_start3A_2844, %dma_start3A_2845] : memref<6x16x1024xf32, #tpu.memory_space<vmem>> -> memref<1x16x1024xf32, #tpu.memory_space<vmem>>
      %dma_start3A_2847 = tpu.memref_squeeze %dma_start3A_2846 : memref<1x16x1024xf32, #tpu.memory_space<vmem>> -> memref<16x1024xf32, #tpu.memory_space<vmem>>
      %dma_start3A_2848 = arith.constant 0 : i32
      %dma_start3A_2849 = tpu.memref_slice %arg12[%dma_start3A_2843, %add3A_2828, %dma_start3A_2848] : memref<2x64x16xi32, #tpu.memory_space<vmem>> -> memref<1x1x16xi32, #tpu.memory_space<vmem>>
      %dma_start3A_2850 = tpu.memref_squeeze %dma_start3A_2849 : memref<1x1x16xi32, #tpu.memory_space<vmem>> -> memref<16xi32, #tpu.memory_space<vmem>>
      %dma_start3A_2851 = arith.constant 0 : i32
      %dma_start3A_2852 = arith.constant 0 : i32
      %dma_start3A_2853 = tpu.memref_slice %arg6[%dma_start3A_2851, %dma_start3A_2852] : memref<65536x1024xf32, #tpu.memory_space<hbm>> -> memref<65536x1024xf32, #tpu.memory_space<hbm>>
      tpu.enqueue_indirect_dma source(%dma_start3A_2847 : memref<16x1024xf32, #tpu.memory_space<vmem>>) target(%dma_start3A_2853 : memref<65536x1024xf32, #tpu.memory_space<hbm>>) offsets(%dma_start3A_2850 : memref<16xi32, #tpu.memory_space<vmem>>) semaphore(%arg22 : memref<!tpu.dma_semaphore, #tpu.memory_space<semaphore_mem>>)
      %dma_start3A_2854 = arith.constant 2 : i32
      %dma_start3A_2855 = arith.constant 1 : i32
      %dma_start3A_2856 = arith.constant 0 : i32
      %dma_start3A_2857 = arith.constant 0 : i32
      %dma_start3A_2858 = tpu.memref_slice %arg7[%dma_start3A_2854, %dma_start3A_2856, %dma_start3A_2857] : memref<6x16x1024xf32, #tpu.memory_space<vmem>> -> memref<1x16x1024xf32, #tpu.memory_space<vmem>>
      %dma_start3A_2859 = tpu.memref_squeeze %dma_start3A_2858 : memref<1x16x1024xf32, #tpu.memory_space<vmem>> -> memref<16x1024xf32, #tpu.memory_space<vmem>>
      %dma_start3A_2860 = arith.constant 0 : i32
      %dma_start3A_2861 = tpu.memref_slice %arg12[%dma_start3A_2855, %add3A_2828, %dma_start3A_2860] : memref<2x64x16xi32, #tpu.memory_space<vmem>> -> memref<1x1x16xi32, #tpu.memory_space<vmem>>
      %dma_start3A_2862 = tpu.memref_squeeze %dma_start3A_2861 : memref<1x1x16xi32, #tpu.memory_space<vmem>> -> memref<16xi32, #tpu.memory_space<vmem>>
      %dma_start3A_2863 = arith.constant 0 : i32
      %dma_start3A_2864 = arith.constant 0 : i32
      %dma_start3A_2865 = tpu.memref_slice %arg6[%dma_start3A_2863, %dma_start3A_2864] : memref<65536x1024xf32, #tpu.memory_space<hbm>> -> memref<65536x1024xf32, #tpu.memory_space<hbm>>
      tpu.enqueue_indirect_dma source(%dma_start3A_2859 : memref<16x1024xf32, #tpu.memory_space<vmem>>) target(%dma_start3A_2865 : memref<65536x1024xf32, #tpu.memory_space<hbm>>) offsets(%dma_start3A_2862 : memref<16xi32, #tpu.memory_space<vmem>>) semaphore(%arg22 : memref<!tpu.dma_semaphore, #tpu.memory_space<semaphore_mem>>)
      %mul3A_2866 = arith.constant 6 : i32
      %mul3A_2867 = arith.muli %scan3A_2689, %mul3A_2866 : i32
      %add3A_2868 = arith.constant 3 : i32
      %add3A_2869 = arith.addi %mul3A_2867, %add3A_2868 : i32
      %dma_wait3A_2870 = arith.constant 3 : i32
      %dma_wait3A_2871 = arith.constant 0 : i32
      %dma_wait3A_2872 = arith.constant 0 : i32
      %dma_wait3A_2873 = tpu.memref_slice %arg7[%dma_wait3A_2870, %dma_wait3A_2871, %dma_wait3A_2872] : memref<6x16x1024xf32, #tpu.memory_space<vmem>> -> memref<1x16x1024xf32, #tpu.memory_space<vmem>>
      %dma_wait3A_2874 = tpu.memref_squeeze %dma_wait3A_2873 : memref<1x16x1024xf32, #tpu.memory_space<vmem>> -> memref<16x1024xf32, #tpu.memory_space<vmem>>
      %dma_wait3A_2875 = arith.constant 0 : i32
      %dma_wait3A_2876 = tpu.memref_slice %arg2[%mul3A_2, %dma_wait3A_2875] : memref<32768x1024xf32, #tpu.memory_space<hbm>> -> memref<16x1024xf32, #tpu.memory_space<hbm>>
      %dma_wait3A_2877 = arith.constant 0 : i32
      %dma_wait3A_2878 = arith.constant 0 : i32
      %dma_wait3A_2879 = tpu.memref_slice %arg7[%dma_wait3A_2870, %dma_wait3A_2877, %dma_wait3A_2878] : memref<6x16x1024xf32, #tpu.memory_space<vmem>> -> memref<1x16x1024xf32, #tpu.memory_space<vmem>>
      %dma_wait3A_2880 = tpu.memref_squeeze %dma_wait3A_2879 : memref<1x16x1024xf32, #tpu.memory_space<vmem>> -> memref<16x1024xf32, #tpu.memory_space<vmem>>
      %dma_wait3A_2881 = arith.constant 0 : i32
      %dma_wait3A_2882 = tpu.memref_slice %arg2[%mul3A_2, %dma_wait3A_2881] : memref<32768x1024xf32, #tpu.memory_space<hbm>> -> memref<16x1024xf32, #tpu.memory_space<hbm>>
      tpu.wait_dma2 semaphore(%arg17 : memref<!tpu.dma_semaphore, #tpu.memory_space<semaphore_mem>>) src(%dma_wait3A_2882 : memref<16x1024xf32, #tpu.memory_space<hbm>>) dst(%dma_wait3A_2880 : memref<16x1024xf32, #tpu.memory_space<vmem>>)
      %dma_start3A_2883 = arith.constant 3 : i32
      %dma_start3A_2884 = arith.constant 0 : i32
      %dma_start3A_2885 = arith.constant 0 : i32
      %dma_start3A_2886 = arith.constant 0 : i32
      %dma_start3A_2887 = tpu.memref_slice %arg7[%dma_start3A_2883, %dma_start3A_2885, %dma_start3A_2886] : memref<6x16x1024xf32, #tpu.memory_space<vmem>> -> memref<1x16x1024xf32, #tpu.memory_space<vmem>>
      %dma_start3A_2888 = tpu.memref_squeeze %dma_start3A_2887 : memref<1x16x1024xf32, #tpu.memory_space<vmem>> -> memref<16x1024xf32, #tpu.memory_space<vmem>>
      %dma_start3A_2889 = arith.constant 0 : i32
      %dma_start3A_2890 = tpu.memref_slice %arg12[%dma_start3A_2884, %add3A_2869, %dma_start3A_2889] : memref<2x64x16xi32, #tpu.memory_space<vmem>> -> memref<1x1x16xi32, #tpu.memory_space<vmem>>
      %dma_start3A_2891 = tpu.memref_squeeze %dma_start3A_2890 : memref<1x1x16xi32, #tpu.memory_space<vmem>> -> memref<16xi32, #tpu.memory_space<vmem>>
      %dma_start3A_2892 = arith.constant 0 : i32
      %dma_start3A_2893 = arith.constant 0 : i32
      %dma_start3A_2894 = tpu.memref_slice %arg6[%dma_start3A_2892, %dma_start3A_2893] : memref<65536x1024xf32, #tpu.memory_space<hbm>> -> memref<65536x1024xf32, #tpu.memory_space<hbm>>
      tpu.enqueue_indirect_dma source(%dma_start3A_2888 : memref<16x1024xf32, #tpu.memory_space<vmem>>) target(%dma_start3A_2894 : memref<65536x1024xf32, #tpu.memory_space<hbm>>) offsets(%dma_start3A_2891 : memref<16xi32, #tpu.memory_space<vmem>>) semaphore(%arg23 : memref<!tpu.dma_semaphore, #tpu.memory_space<semaphore_mem>>)
      %dma_start3A_2895 = arith.constant 3 : i32
      %dma_start3A_2896 = arith.constant 1 : i32
      %dma_start3A_2897 = arith.constant 0 : i32
      %dma_start3A_2898 = arith.constant 0 : i32
      %dma_start3A_2899 = tpu.memref_slice %arg7[%dma_start3A_2895, %dma_start3A_2897, %dma_start3A_2898] : memref<6x16x1024xf32, #tpu.memory_space<vmem>> -> memref<1x16x1024xf32, #tpu.memory_space<vmem>>
      %dma_start3A_2900 = tpu.memref_squeeze %dma_start3A_2899 : memref<1x16x1024xf32, #tpu.memory_space<vmem>> -> memref<16x1024xf32, #tpu.memory_space<vmem>>
      %dma_start3A_2901 = arith.constant 0 : i32
      %dma_start3A_2902 = tpu.memref_slice %arg12[%dma_start3A_2896, %add3A_2869, %dma_start3A_2901] : memref<2x64x16xi32, #tpu.memory_space<vmem>> -> memref<1x1x16xi32, #tpu.memory_space<vmem>>
      %dma_start3A_2903 = tpu.memref_squeeze %dma_start3A_2902 : memref<1x1x16xi32, #tpu.memory_space<vmem>> -> memref<16xi32, #tpu.memory_space<vmem>>
      %dma_start3A_2904 = arith.constant 0 : i32
      %dma_start3A_2905 = arith.constant 0 : i32
      %dma_start3A_2906 = tpu.memref_slice %arg6[%dma_start3A_2904, %dma_start3A_2905] : memref<65536x1024xf32, #tpu.memory_space<hbm>> -> memref<65536x1024xf32, #tpu.memory_space<hbm>>
      tpu.enqueue_indirect_dma source(%dma_start3A_2900 : memref<16x1024xf32, #tpu.memory_space<vmem>>) target(%dma_start3A_2906 : memref<65536x1024xf32, #tpu.memory_space<hbm>>) offsets(%dma_start3A_2903 : memref<16xi32, #tpu.memory_space<vmem>>) semaphore(%arg23 : memref<!tpu.dma_semaphore, #tpu.memory_space<semaphore_mem>>)
      %mul3A_2907 = arith.constant 6 : i32
      %mul3A_2908 = arith.muli %scan3A_2689, %mul3A_2907 : i32
      %add3A_2909 = arith.constant 4 : i32
      %add3A_2910 = arith.addi %mul3A_2908, %add3A_2909 : i32
      %dma_wait3A_2911 = arith.constant 4 : i32
      %dma_wait3A_2912 = arith.constant 0 : i32
      %dma_wait3A_2913 = arith.constant 0 : i32
      %dma_wait3A_2914 = tpu.memref_slice %arg7[%dma_wait3A_2911, %dma_wait3A_2912, %dma_wait3A_2913] : memref<6x16x1024xf32, #tpu.memory_space<vmem>> -> memref<1x16x1024xf32, #tpu.memory_space<vmem>>
      %dma_wait3A_2915 = tpu.memref_squeeze %dma_wait3A_2914 : memref<1x16x1024xf32, #tpu.memory_space<vmem>> -> memref<16x1024xf32, #tpu.memory_space<vmem>>
      %dma_wait3A_2916 = arith.constant 0 : i32
      %dma_wait3A_2917 = tpu.memref_slice %arg2[%mul3A_2, %dma_wait3A_2916] : memref<32768x1024xf32, #tpu.memory_space<hbm>> -> memref<16x1024xf32, #tpu.memory_space<hbm>>
      %dma_wait3A_2918 = arith.constant 0 : i32
      %dma_wait3A_2919 = arith.constant 0 : i32
      %dma_wait3A_2920 = tpu.memref_slice %arg7[%dma_wait3A_2911, %dma_wait3A_2918, %dma_wait3A_2919] : memref<6x16x1024xf32, #tpu.memory_space<vmem>> -> memref<1x16x1024xf32, #tpu.memory_space<vmem>>
      %dma_wait3A_2921 = tpu.memref_squeeze %dma_wait3A_2920 : memref<1x16x1024xf32, #tpu.memory_space<vmem>> -> memref<16x1024xf32, #tpu.memory_space<vmem>>
      %dma_wait3A_2922 = arith.constant 0 : i32
      %dma_wait3A_2923 = tpu.memref_slice %arg2[%mul3A_2, %dma_wait3A_2922] : memref<32768x1024xf32, #tpu.memory_space<hbm>> -> memref<16x1024xf32, #tpu.memory_space<hbm>>
      tpu.wait_dma2 semaphore(%arg18 : memref<!tpu.dma_semaphore, #tpu.memory_space<semaphore_mem>>) src(%dma_wait3A_2923 : memref<16x1024xf32, #tpu.memory_space<hbm>>) dst(%dma_wait3A_2921 : memref<16x1024xf32, #tpu.memory_space<vmem>>)
      %dma_start3A_2924 = arith.constant 4 : i32
      %dma_start3A_2925 = arith.constant 0 : i32
      %dma_start3A_2926 = arith.constant 0 : i32
      %dma_start3A_2927 = arith.constant 0 : i32
      %dma_start3A_2928 = tpu.memref_slice %arg7[%dma_start3A_2924, %dma_start3A_2926, %dma_start3A_2927] : memref<6x16x1024xf32, #tpu.memory_space<vmem>> -> memref<1x16x1024xf32, #tpu.memory_space<vmem>>
      %dma_start3A_2929 = tpu.memref_squeeze %dma_start3A_2928 : memref<1x16x1024xf32, #tpu.memory_space<vmem>> -> memref<16x1024xf32, #tpu.memory_space<vmem>>
      %dma_start3A_2930 = arith.constant 0 : i32
      %dma_start3A_2931 = tpu.memref_slice %arg12[%dma_start3A_2925, %add3A_2910, %dma_start3A_2930] : memref<2x64x16xi32, #tpu.memory_space<vmem>> -> memref<1x1x16xi32, #tpu.memory_space<vmem>>
      %dma_start3A_2932 = tpu.memref_squeeze %dma_start3A_2931 : memref<1x1x16xi32, #tpu.memory_space<vmem>> -> memref<16xi32, #tpu.memory_space<vmem>>
      %dma_start3A_2933 = arith.constant 0 : i32
      %dma_start3A_2934 = arith.constant 0 : i32
      %dma_start3A_2935 = tpu.memref_slice %arg6[%dma_start3A_2933, %dma_start3A_2934] : memref<65536x1024xf32, #tpu.memory_space<hbm>> -> memref<65536x1024xf32, #tpu.memory_space<hbm>>
      tpu.enqueue_indirect_dma source(%dma_start3A_2929 : memref<16x1024xf32, #tpu.memory_space<vmem>>) target(%dma_start3A_2935 : memref<65536x1024xf32, #tpu.memory_space<hbm>>) offsets(%dma_start3A_2932 : memref<16xi32, #tpu.memory_space<vmem>>) semaphore(%arg24 : memref<!tpu.dma_semaphore, #tpu.memory_space<semaphore_mem>>)
      %dma_start3A_2936 = arith.constant 4 : i32
      %dma_start3A_2937 = arith.constant 1 : i32
      %dma_start3A_2938 = arith.constant 0 : i32
      %dma_start3A_2939 = arith.constant 0 : i32
      %dma_start3A_2940 = tpu.memref_slice %arg7[%dma_start3A_2936, %dma_start3A_2938, %dma_start3A_2939] : memref<6x16x1024xf32, #tpu.memory_space<vmem>> -> memref<1x16x1024xf32, #tpu.memory_space<vmem>>
      %dma_start3A_2941 = tpu.memref_squeeze %dma_start3A_2940 : memref<1x16x1024xf32, #tpu.memory_space<vmem>> -> memref<16x1024xf32, #tpu.memory_space<vmem>>
      %dma_start3A_2942 = arith.constant 0 : i32
      %dma_start3A_2943 = tpu.memref_slice %arg12[%dma_start3A_2937, %add3A_2910, %dma_start3A_2942] : memref<2x64x16xi32, #tpu.memory_space<vmem>> -> memref<1x1x16xi32, #tpu.memory_space<vmem>>
      %dma_start3A_2944 = tpu.memref_squeeze %dma_start3A_2943 : memref<1x1x16xi32, #tpu.memory_space<vmem>> -> memref<16xi32, #tpu.memory_space<vmem>>
      %dma_start3A_2945 = arith.constant 0 : i32
      %dma_start3A_2946 = arith.constant 0 : i32
      %dma_start3A_2947 = tpu.memref_slice %arg6[%dma_start3A_2945, %dma_start3A_2946] : memref<65536x1024xf32, #tpu.memory_space<hbm>> -> memref<65536x1024xf32, #tpu.memory_space<hbm>>
      tpu.enqueue_indirect_dma source(%dma_start3A_2941 : memref<16x1024xf32, #tpu.memory_space<vmem>>) target(%dma_start3A_2947 : memref<65536x1024xf32, #tpu.memory_space<hbm>>) offsets(%dma_start3A_2944 : memref<16xi32, #tpu.memory_space<vmem>>) semaphore(%arg24 : memref<!tpu.dma_semaphore, #tpu.memory_space<semaphore_mem>>)
      %mul3A_2948 = arith.constant 6 : i32
      %mul3A_2949 = arith.muli %scan3A_2689, %mul3A_2948 : i32
      %add3A_2950 = arith.constant 5 : i32
      %add3A_2951 = arith.addi %mul3A_2949, %add3A_2950 : i32
      %dma_wait3A_2952 = arith.constant 5 : i32
      %dma_wait3A_2953 = arith.constant 0 : i32
      %dma_wait3A_2954 = arith.constant 0 : i32
      %dma_wait3A_2955 = tpu.memref_slice %arg7[%dma_wait3A_2952, %dma_wait3A_2953, %dma_wait3A_2954] : memref<6x16x1024xf32, #tpu.memory_space<vmem>> -> memref<1x16x1024xf32, #tpu.memory_space<vmem>>
      %dma_wait3A_2956 = tpu.memref_squeeze %dma_wait3A_2955 : memref<1x16x1024xf32, #tpu.memory_space<vmem>> -> memref<16x1024xf32, #tpu.memory_space<vmem>>
      %dma_wait3A_2957 = arith.constant 0 : i32
      %dma_wait3A_2958 = tpu.memref_slice %arg2[%mul3A_2, %dma_wait3A_2957] : memref<32768x1024xf32, #tpu.memory_space<hbm>> -> memref<16x1024xf32, #tpu.memory_space<hbm>>
      %dma_wait3A_2959 = arith.constant 0 : i32
      %dma_wait3A_2960 = arith.constant 0 : i32
      %dma_wait3A_2961 = tpu.memref_slice %arg7[%dma_wait3A_2952, %dma_wait3A_2959, %dma_wait3A_2960] : memref<6x16x1024xf32, #tpu.memory_space<vmem>> -> memref<1x16x1024xf32, #tpu.memory_space<vmem>>
      %dma_wait3A_2962 = tpu.memref_squeeze %dma_wait3A_2961 : memref<1x16x1024xf32, #tpu.memory_space<vmem>> -> memref<16x1024xf32, #tpu.memory_space<vmem>>
      %dma_wait3A_2963 = arith.constant 0 : i32
      %dma_wait3A_2964 = tpu.memref_slice %arg2[%mul3A_2, %dma_wait3A_2963] : memref<32768x1024xf32, #tpu.memory_space<hbm>> -> memref<16x1024xf32, #tpu.memory_space<hbm>>
      tpu.wait_dma2 semaphore(%arg19 : memref<!tpu.dma_semaphore, #tpu.memory_space<semaphore_mem>>) src(%dma_wait3A_2964 : memref<16x1024xf32, #tpu.memory_space<hbm>>) dst(%dma_wait3A_2962 : memref<16x1024xf32, #tpu.memory_space<vmem>>)
      %dma_start3A_2965 = arith.constant 5 : i32
      %dma_start3A_2966 = arith.constant 0 : i32
      %dma_start3A_2967 = arith.constant 0 : i32
      %dma_start3A_2968 = arith.constant 0 : i32
      %dma_start3A_2969 = tpu.memref_slice %arg7[%dma_start3A_2965, %dma_start3A_2967, %dma_start3A_2968] : memref<6x16x1024xf32, #tpu.memory_space<vmem>> -> memref<1x16x1024xf32, #tpu.memory_space<vmem>>
      %dma_start3A_2970 = tpu.memref_squeeze %dma_start3A_2969 : memref<1x16x1024xf32, #tpu.memory_space<vmem>> -> memref<16x1024xf32, #tpu.memory_space<vmem>>
      %dma_start3A_2971 = arith.constant 0 : i32
      %dma_start3A_2972 = tpu.memref_slice %arg12[%dma_start3A_2966, %add3A_2951, %dma_start3A_2971] : memref<2x64x16xi32, #tpu.memory_space<vmem>> -> memref<1x1x16xi32, #tpu.memory_space<vmem>>
      %dma_start3A_2973 = tpu.memref_squeeze %dma_start3A_2972 : memref<1x1x16xi32, #tpu.memory_space<vmem>> -> memref<16xi32, #tpu.memory_space<vmem>>
      %dma_start3A_2974 = arith.constant 0 : i32
      %dma_start3A_2975 = arith.constant 0 : i32
      %dma_start3A_2976 = tpu.memref_slice %arg6[%dma_start3A_2974, %dma_start3A_2975] : memref<65536x1024xf32, #tpu.memory_space<hbm>> -> memref<65536x1024xf32, #tpu.memory_space<hbm>>
      tpu.enqueue_indirect_dma source(%dma_start3A_2970 : memref<16x1024xf32, #tpu.memory_space<vmem>>) target(%dma_start3A_2976 : memref<65536x1024xf32, #tpu.memory_space<hbm>>) offsets(%dma_start3A_2973 : memref<16xi32, #tpu.memory_space<vmem>>) semaphore(%arg25 : memref<!tpu.dma_semaphore, #tpu.memory_space<semaphore_mem>>)
      %dma_start3A_2977 = arith.constant 5 : i32
      %dma_start3A_2978 = arith.constant 1 : i32
      %dma_start3A_2979 = arith.constant 0 : i32
      %dma_start3A_2980 = arith.constant 0 : i32
      %dma_start3A_2981 = tpu.memref_slice %arg7[%dma_start3A_2977, %dma_start3A_2979, %dma_start3A_2980] : memref<6x16x1024xf32, #tpu.memory_space<vmem>> -> memref<1x16x1024xf32, #tpu.memory_space<vmem>>
      %dma_start3A_2982 = tpu.memref_squeeze %dma_start3A_2981 : memref<1x16x1024xf32, #tpu.memory_space<vmem>> -> memref<16x1024xf32, #tpu.memory_space<vmem>>
      %dma_start3A_2983 = arith.constant 0 : i32
      %dma_start3A_2984 = tpu.memref_slice %arg12[%dma_start3A_2978, %add3A_2951, %dma_start3A_2983] : memref<2x64x16xi32, #tpu.memory_space<vmem>> -> memref<1x1x16xi32, #tpu.memory_space<vmem>>
      %dma_start3A_2985 = tpu.memref_squeeze %dma_start3A_2984 : memref<1x1x16xi32, #tpu.memory_space<vmem>> -> memref<16xi32, #tpu.memory_space<vmem>>
      %dma_start3A_2986 = arith.constant 0 : i32
      %dma_start3A_2987 = arith.constant 0 : i32
      %dma_start3A_2988 = tpu.memref_slice %arg6[%dma_start3A_2986, %dma_start3A_2987] : memref<65536x1024xf32, #tpu.memory_space<hbm>> -> memref<65536x1024xf32, #tpu.memory_space<hbm>>
      tpu.enqueue_indirect_dma source(%dma_start3A_2982 : memref<16x1024xf32, #tpu.memory_space<vmem>>) target(%dma_start3A_2988 : memref<65536x1024xf32, #tpu.memory_space<hbm>>) offsets(%dma_start3A_2985 : memref<16xi32, #tpu.memory_space<vmem>>) semaphore(%arg25 : memref<!tpu.dma_semaphore, #tpu.memory_space<semaphore_mem>>)
      %scan3A_2989 = arith.constant 0 : i32
      scf.yield %scan3A_2989 : i32
    }
    %scan3A_2212 = arith.constant 10 : i32
    %dma_wait3A_2213 = arith.constant 0 : i32
    %dma_wait3A_2214 = arith.constant 0 : i32
    %dma_wait3A_2215 = arith.constant 0 : i32
    %dma_wait3A_2216 = arith.constant 0 : i32
    %dma_wait3A_2217 = arith.constant 0 : i32
    %dma_wait3A_2218 = tpu.memref_slice %arg7[%dma_wait3A_2213, %dma_wait3A_2216, %dma_wait3A_2217] : memref<6x16x1024xf32, #tpu.memory_space<vmem>> -> memref<1x16x1024xf32, #tpu.memory_space<vmem>>
    %dma_wait3A_2219 = tpu.memref_squeeze %dma_wait3A_2218 : memref<1x16x1024xf32, #tpu.memory_space<vmem>> -> memref<16x1024xf32, #tpu.memory_space<vmem>>
    %dma_wait3A_2220 = arith.constant 0 : i32
    %dma_wait3A_2221 = tpu.memref_slice %arg12[%dma_wait3A_2214, %dma_wait3A_2215, %dma_wait3A_2220] : memref<2x64x16xi32, #tpu.memory_space<vmem>> -> memref<1x1x16xi32, #tpu.memory_space<vmem>>
    %dma_wait3A_2222 = tpu.memref_squeeze %dma_wait3A_2221 : memref<1x1x16xi32, #tpu.memory_space<vmem>> -> memref<16xi32, #tpu.memory_space<vmem>>
    %dma_wait3A_2223 = arith.constant 0 : i32
    %dma_wait3A_2224 = arith.constant 0 : i32
    %dma_wait3A_2225 = tpu.memref_slice %arg6[%dma_wait3A_2223, %dma_wait3A_2224] : memref<65536x1024xf32, #tpu.memory_space<hbm>> -> memref<65536x1024xf32, #tpu.memory_space<hbm>>
    tpu.wait_indirect_dma semaphore(%arg20 : memref<!tpu.dma_semaphore, #tpu.memory_space<semaphore_mem>>) src(%dma_wait3A_2219 : memref<16x1024xf32, #tpu.memory_space<vmem>>) dst(%dma_wait3A_2225 : memref<65536x1024xf32, #tpu.memory_space<hbm>>)
    %dma_wait3A_2226 = arith.constant 0 : i32
    %dma_wait3A_2227 = arith.constant 0 : i32
    %dma_wait3A_2228 = arith.constant 0 : i32
    %dma_wait3A_2229 = arith.constant 0 : i32
    %dma_wait3A_2230 = arith.constant 0 : i32
    %dma_wait3A_2231 = tpu.memref_slice %arg7[%dma_wait3A_2226, %dma_wait3A_2229, %dma_wait3A_2230] : memref<6x16x1024xf32, #tpu.memory_space<vmem>> -> memref<1x16x1024xf32, #tpu.memory_space<vmem>>
    %dma_wait3A_2232 = tpu.memref_squeeze %dma_wait3A_2231 : memref<1x16x1024xf32, #tpu.memory_space<vmem>> -> memref<16x1024xf32, #tpu.memory_space<vmem>>
    %dma_wait3A_2233 = arith.constant 0 : i32
    %dma_wait3A_2234 = tpu.memref_slice %arg12[%dma_wait3A_2227, %dma_wait3A_2228, %dma_wait3A_2233] : memref<2x64x16xi32, #tpu.memory_space<vmem>> -> memref<1x1x16xi32, #tpu.memory_space<vmem>>
    %dma_wait3A_2235 = tpu.memref_squeeze %dma_wait3A_2234 : memref<1x1x16xi32, #tpu.memory_space<vmem>> -> memref<16xi32, #tpu.memory_space<vmem>>
    %dma_wait3A_2236 = arith.constant 0 : i32
    %dma_wait3A_2237 = arith.constant 0 : i32
    %dma_wait3A_2238 = tpu.memref_slice %arg6[%dma_wait3A_2236, %dma_wait3A_2237] : memref<65536x1024xf32, #tpu.memory_space<hbm>> -> memref<65536x1024xf32, #tpu.memory_space<hbm>>
    tpu.wait_indirect_dma semaphore(%arg20 : memref<!tpu.dma_semaphore, #tpu.memory_space<semaphore_mem>>) src(%dma_wait3A_2232 : memref<16x1024xf32, #tpu.memory_space<vmem>>) dst(%dma_wait3A_2238 : memref<65536x1024xf32, #tpu.memory_space<hbm>>)
    %add3A_2239 = arith.constant 960 : i32
    %add3A_2240 = arith.addi %mul3A_2, %add3A_2239 : i32
    %dma_start3A_2241 = arith.constant 0 : i32
    %dma_start3A_2242 = arith.constant 0 : i32
    %dma_start3A_2243 = arith.constant 0 : i32
    %dma_start3A_2244 = tpu.memref_slice %arg7[%dma_start3A_2241, %dma_start3A_2242, %dma_start3A_2243] : memref<6x16x1024xf32, #tpu.memory_space<vmem>> -> memref<1x16x1024xf32, #tpu.memory_space<vmem>>
    %dma_start3A_2245 = tpu.memref_squeeze %dma_start3A_2244 : memref<1x16x1024xf32, #tpu.memory_space<vmem>> -> memref<16x1024xf32, #tpu.memory_space<vmem>>
    %dma_start3A_2246 = arith.constant 0 : i32
    %dma_start3A_2247 = tpu.memref_slice %arg2[%add3A_2240, %dma_start3A_2246] : memref<32768x1024xf32, #tpu.memory_space<hbm>> -> memref<16x1024xf32, #tpu.memory_space<hbm>>
    %dma_start3A_2248 = arith.constant 0 : i32
    %dma_start3A_2249 = arith.constant 0 : i32
    %dma_start3A_2250 = tpu.memref_slice %arg7[%dma_start3A_2241, %dma_start3A_2248, %dma_start3A_2249] : memref<6x16x1024xf32, #tpu.memory_space<vmem>> -> memref<1x16x1024xf32, #tpu.memory_space<vmem>>
    %dma_start3A_2251 = tpu.memref_squeeze %dma_start3A_2250 : memref<1x16x1024xf32, #tpu.memory_space<vmem>> -> memref<16x1024xf32, #tpu.memory_space<vmem>>
    %dma_start3A_2252 = arith.constant 0 : i32
    %dma_start3A_2253 = tpu.memref_slice %arg2[%add3A_2240, %dma_start3A_2252] : memref<32768x1024xf32, #tpu.memory_space<hbm>> -> memref<16x1024xf32, #tpu.memory_space<hbm>>
    tpu.enqueue_dma source(%dma_start3A_2253 : memref<16x1024xf32, #tpu.memory_space<hbm>>) target(%dma_start3A_2251 : memref<16x1024xf32, #tpu.memory_space<vmem>>) target_semaphore(%arg14 : memref<!tpu.dma_semaphore, #tpu.memory_space<semaphore_mem>>)
    %dma_wait3A_2254 = arith.constant 1 : i32
    %dma_wait3A_2255 = arith.constant 0 : i32
    %dma_wait3A_2256 = arith.constant 0 : i32
    %dma_wait3A_2257 = arith.constant 0 : i32
    %dma_wait3A_2258 = arith.constant 0 : i32
    %dma_wait3A_2259 = tpu.memref_slice %arg7[%dma_wait3A_2254, %dma_wait3A_2257, %dma_wait3A_2258] : memref<6x16x1024xf32, #tpu.memory_space<vmem>> -> memref<1x16x1024xf32, #tpu.memory_space<vmem>>
    %dma_wait3A_2260 = tpu.memref_squeeze %dma_wait3A_2259 : memref<1x16x1024xf32, #tpu.memory_space<vmem>> -> memref<16x1024xf32, #tpu.memory_space<vmem>>
    %dma_wait3A_2261 = arith.constant 0 : i32
    %dma_wait3A_2262 = tpu.memref_slice %arg12[%dma_wait3A_2255, %dma_wait3A_2256, %dma_wait3A_2261] : memref<2x64x16xi32, #tpu.memory_space<vmem>> -> memref<1x1x16xi32, #tpu.memory_space<vmem>>
    %dma_wait3A_2263 = tpu.memref_squeeze %dma_wait3A_2262 : memref<1x1x16xi32, #tpu.memory_space<vmem>> -> memref<16xi32, #tpu.memory_space<vmem>>
    %dma_wait3A_2264 = arith.constant 0 : i32
    %dma_wait3A_2265 = arith.constant 0 : i32
    %dma_wait3A_2266 = tpu.memref_slice %arg6[%dma_wait3A_2264, %dma_wait3A_2265] : memref<65536x1024xf32, #tpu.memory_space<hbm>> -> memref<65536x1024xf32, #tpu.memory_space<hbm>>
    tpu.wait_indirect_dma semaphore(%arg21 : memref<!tpu.dma_semaphore, #tpu.memory_space<semaphore_mem>>) src(%dma_wait3A_2260 : memref<16x1024xf32, #tpu.memory_space<vmem>>) dst(%dma_wait3A_2266 : memref<65536x1024xf32, #tpu.memory_space<hbm>>)
    %dma_wait3A_2267 = arith.constant 1 : i32
    %dma_wait3A_2268 = arith.constant 0 : i32
    %dma_wait3A_2269 = arith.constant 0 : i32
    %dma_wait3A_2270 = arith.constant 0 : i32
    %dma_wait3A_2271 = arith.constant 0 : i32
    %dma_wait3A_2272 = tpu.memref_slice %arg7[%dma_wait3A_2267, %dma_wait3A_2270, %dma_wait3A_2271] : memref<6x16x1024xf32, #tpu.memory_space<vmem>> -> memref<1x16x1024xf32, #tpu.memory_space<vmem>>
    %dma_wait3A_2273 = tpu.memref_squeeze %dma_wait3A_2272 : memref<1x16x1024xf32, #tpu.memory_space<vmem>> -> memref<16x1024xf32, #tpu.memory_space<vmem>>
    %dma_wait3A_2274 = arith.constant 0 : i32
    %dma_wait3A_2275 = tpu.memref_slice %arg12[%dma_wait3A_2268, %dma_wait3A_2269, %dma_wait3A_2274] : memref<2x64x16xi32, #tpu.memory_space<vmem>> -> memref<1x1x16xi32, #tpu.memory_space<vmem>>
    %dma_wait3A_2276 = tpu.memref_squeeze %dma_wait3A_2275 : memref<1x1x16xi32, #tpu.memory_space<vmem>> -> memref<16xi32, #tpu.memory_space<vmem>>
    %dma_wait3A_2277 = arith.constant 0 : i32
    %dma_wait3A_2278 = arith.constant 0 : i32
    %dma_wait3A_2279 = tpu.memref_slice %arg6[%dma_wait3A_2277, %dma_wait3A_2278] : memref<65536x1024xf32, #tpu.memory_space<hbm>> -> memref<65536x1024xf32, #tpu.memory_space<hbm>>
    tpu.wait_indirect_dma semaphore(%arg21 : memref<!tpu.dma_semaphore, #tpu.memory_space<semaphore_mem>>) src(%dma_wait3A_2273 : memref<16x1024xf32, #tpu.memory_space<vmem>>) dst(%dma_wait3A_2279 : memref<65536x1024xf32, #tpu.memory_space<hbm>>)
    %add3A_2280 = arith.constant 976 : i32
    %add3A_2281 = arith.addi %mul3A_2, %add3A_2280 : i32
    %dma_start3A_2282 = arith.constant 1 : i32
    %dma_start3A_2283 = arith.constant 0 : i32
    %dma_start3A_2284 = arith.constant 0 : i32
    %dma_start3A_2285 = tpu.memref_slice %arg7[%dma_start3A_2282, %dma_start3A_2283, %dma_start3A_2284] : memref<6x16x1024xf32, #tpu.memory_space<vmem>> -> memref<1x16x1024xf32, #tpu.memory_space<vmem>>
    %dma_start3A_2286 = tpu.memref_squeeze %dma_start3A_2285 : memref<1x16x1024xf32, #tpu.memory_space<vmem>> -> memref<16x1024xf32, #tpu.memory_space<vmem>>
    %dma_start3A_2287 = arith.constant 0 : i32
    %dma_start3A_2288 = tpu.memref_slice %arg2[%add3A_2281, %dma_start3A_2287] : memref<32768x1024xf32, #tpu.memory_space<hbm>> -> memref<16x1024xf32, #tpu.memory_space<hbm>>
    %dma_start3A_2289 = arith.constant 0 : i32
    %dma_start3A_2290 = arith.constant 0 : i32
    %dma_start3A_2291 = tpu.memref_slice %arg7[%dma_start3A_2282, %dma_start3A_2289, %dma_start3A_2290] : memref<6x16x1024xf32, #tpu.memory_space<vmem>> -> memref<1x16x1024xf32, #tpu.memory_space<vmem>>
    %dma_start3A_2292 = tpu.memref_squeeze %dma_start3A_2291 : memref<1x16x1024xf32, #tpu.memory_space<vmem>> -> memref<16x1024xf32, #tpu.memory_space<vmem>>
    %dma_start3A_2293 = arith.constant 0 : i32
    %dma_start3A_2294 = tpu.memref_slice %arg2[%add3A_2281, %dma_start3A_2293] : memref<32768x1024xf32, #tpu.memory_space<hbm>> -> memref<16x1024xf32, #tpu.memory_space<hbm>>
    tpu.enqueue_dma source(%dma_start3A_2294 : memref<16x1024xf32, #tpu.memory_space<hbm>>) target(%dma_start3A_2292 : memref<16x1024xf32, #tpu.memory_space<vmem>>) target_semaphore(%arg15 : memref<!tpu.dma_semaphore, #tpu.memory_space<semaphore_mem>>)
    %dma_wait3A_2295 = arith.constant 2 : i32
    %dma_wait3A_2296 = arith.constant 0 : i32
    %dma_wait3A_2297 = arith.constant 0 : i32
    %dma_wait3A_2298 = arith.constant 0 : i32
    %dma_wait3A_2299 = arith.constant 0 : i32
    %dma_wait3A_2300 = tpu.memref_slice %arg7[%dma_wait3A_2295, %dma_wait3A_2298, %dma_wait3A_2299] : memref<6x16x1024xf32, #tpu.memory_space<vmem>> -> memref<1x16x1024xf32, #tpu.memory_space<vmem>>
    %dma_wait3A_2301 = tpu.memref_squeeze %dma_wait3A_2300 : memref<1x16x1024xf32, #tpu.memory_space<vmem>> -> memref<16x1024xf32, #tpu.memory_space<vmem>>
    %dma_wait3A_2302 = arith.constant 0 : i32
    %dma_wait3A_2303 = tpu.memref_slice %arg12[%dma_wait3A_2296, %dma_wait3A_2297, %dma_wait3A_2302] : memref<2x64x16xi32, #tpu.memory_space<vmem>> -> memref<1x1x16xi32, #tpu.memory_space<vmem>>
    %dma_wait3A_2304 = tpu.memref_squeeze %dma_wait3A_2303 : memref<1x1x16xi32, #tpu.memory_space<vmem>> -> memref<16xi32, #tpu.memory_space<vmem>>
    %dma_wait3A_2305 = arith.constant 0 : i32
    %dma_wait3A_2306 = arith.constant 0 : i32
    %dma_wait3A_2307 = tpu.memref_slice %arg6[%dma_wait3A_2305, %dma_wait3A_2306] : memref<65536x1024xf32, #tpu.memory_space<hbm>> -> memref<65536x1024xf32, #tpu.memory_space<hbm>>
    tpu.wait_indirect_dma semaphore(%arg22 : memref<!tpu.dma_semaphore, #tpu.memory_space<semaphore_mem>>) src(%dma_wait3A_2301 : memref<16x1024xf32, #tpu.memory_space<vmem>>) dst(%dma_wait3A_2307 : memref<65536x1024xf32, #tpu.memory_space<hbm>>)
    %dma_wait3A_2308 = arith.constant 2 : i32
    %dma_wait3A_2309 = arith.constant 0 : i32
    %dma_wait3A_2310 = arith.constant 0 : i32
    %dma_wait3A_2311 = arith.constant 0 : i32
    %dma_wait3A_2312 = arith.constant 0 : i32
    %dma_wait3A_2313 = tpu.memref_slice %arg7[%dma_wait3A_2308, %dma_wait3A_2311, %dma_wait3A_2312] : memref<6x16x1024xf32, #tpu.memory_space<vmem>> -> memref<1x16x1024xf32, #tpu.memory_space<vmem>>
    %dma_wait3A_2314 = tpu.memref_squeeze %dma_wait3A_2313 : memref<1x16x1024xf32, #tpu.memory_space<vmem>> -> memref<16x1024xf32, #tpu.memory_space<vmem>>
    %dma_wait3A_2315 = arith.constant 0 : i32
    %dma_wait3A_2316 = tpu.memref_slice %arg12[%dma_wait3A_2309, %dma_wait3A_2310, %dma_wait3A_2315] : memref<2x64x16xi32, #tpu.memory_space<vmem>> -> memref<1x1x16xi32, #tpu.memory_space<vmem>>
    %dma_wait3A_2317 = tpu.memref_squeeze %dma_wait3A_2316 : memref<1x1x16xi32, #tpu.memory_space<vmem>> -> memref<16xi32, #tpu.memory_space<vmem>>
    %dma_wait3A_2318 = arith.constant 0 : i32
    %dma_wait3A_2319 = arith.constant 0 : i32
    %dma_wait3A_2320 = tpu.memref_slice %arg6[%dma_wait3A_2318, %dma_wait3A_2319] : memref<65536x1024xf32, #tpu.memory_space<hbm>> -> memref<65536x1024xf32, #tpu.memory_space<hbm>>
    tpu.wait_indirect_dma semaphore(%arg22 : memref<!tpu.dma_semaphore, #tpu.memory_space<semaphore_mem>>) src(%dma_wait3A_2314 : memref<16x1024xf32, #tpu.memory_space<vmem>>) dst(%dma_wait3A_2320 : memref<65536x1024xf32, #tpu.memory_space<hbm>>)
    %add3A_2321 = arith.constant 992 : i32
    %add3A_2322 = arith.addi %mul3A_2, %add3A_2321 : i32
    %dma_start3A_2323 = arith.constant 2 : i32
    %dma_start3A_2324 = arith.constant 0 : i32
    %dma_start3A_2325 = arith.constant 0 : i32
    %dma_start3A_2326 = tpu.memref_slice %arg7[%dma_start3A_2323, %dma_start3A_2324, %dma_start3A_2325] : memref<6x16x1024xf32, #tpu.memory_space<vmem>> -> memref<1x16x1024xf32, #tpu.memory_space<vmem>>
    %dma_start3A_2327 = tpu.memref_squeeze %dma_start3A_2326 : memref<1x16x1024xf32, #tpu.memory_space<vmem>> -> memref<16x1024xf32, #tpu.memory_space<vmem>>
    %dma_start3A_2328 = arith.constant 0 : i32
    %dma_start3A_2329 = tpu.memref_slice %arg2[%add3A_2322, %dma_start3A_2328] : memref<32768x1024xf32, #tpu.memory_space<hbm>> -> memref<16x1024xf32, #tpu.memory_space<hbm>>
    %dma_start3A_2330 = arith.constant 0 : i32
    %dma_start3A_2331 = arith.constant 0 : i32
    %dma_start3A_2332 = tpu.memref_slice %arg7[%dma_start3A_2323, %dma_start3A_2330, %dma_start3A_2331] : memref<6x16x1024xf32, #tpu.memory_space<vmem>> -> memref<1x16x1024xf32, #tpu.memory_space<vmem>>
    %dma_start3A_2333 = tpu.memref_squeeze %dma_start3A_2332 : memref<1x16x1024xf32, #tpu.memory_space<vmem>> -> memref<16x1024xf32, #tpu.memory_space<vmem>>
    %dma_start3A_2334 = arith.constant 0 : i32
    %dma_start3A_2335 = tpu.memref_slice %arg2[%add3A_2322, %dma_start3A_2334] : memref<32768x1024xf32, #tpu.memory_space<hbm>> -> memref<16x1024xf32, #tpu.memory_space<hbm>>
    tpu.enqueue_dma source(%dma_start3A_2335 : memref<16x1024xf32, #tpu.memory_space<hbm>>) target(%dma_start3A_2333 : memref<16x1024xf32, #tpu.memory_space<vmem>>) target_semaphore(%arg16 : memref<!tpu.dma_semaphore, #tpu.memory_space<semaphore_mem>>)
    %dma_wait3A_2336 = arith.constant 3 : i32
    %dma_wait3A_2337 = arith.constant 0 : i32
    %dma_wait3A_2338 = arith.constant 0 : i32
    %dma_wait3A_2339 = arith.constant 0 : i32
    %dma_wait3A_2340 = arith.constant 0 : i32
    %dma_wait3A_2341 = tpu.memref_slice %arg7[%dma_wait3A_2336, %dma_wait3A_2339, %dma_wait3A_2340] : memref<6x16x1024xf32, #tpu.memory_space<vmem>> -> memref<1x16x1024xf32, #tpu.memory_space<vmem>>
    %dma_wait3A_2342 = tpu.memref_squeeze %dma_wait3A_2341 : memref<1x16x1024xf32, #tpu.memory_space<vmem>> -> memref<16x1024xf32, #tpu.memory_space<vmem>>
    %dma_wait3A_2343 = arith.constant 0 : i32
    %dma_wait3A_2344 = tpu.memref_slice %arg12[%dma_wait3A_2337, %dma_wait3A_2338, %dma_wait3A_2343] : memref<2x64x16xi32, #tpu.memory_space<vmem>> -> memref<1x1x16xi32, #tpu.memory_space<vmem>>
    %dma_wait3A_2345 = tpu.memref_squeeze %dma_wait3A_2344 : memref<1x1x16xi32, #tpu.memory_space<vmem>> -> memref<16xi32, #tpu.memory_space<vmem>>
    %dma_wait3A_2346 = arith.constant 0 : i32
    %dma_wait3A_2347 = arith.constant 0 : i32
    %dma_wait3A_2348 = tpu.memref_slice %arg6[%dma_wait3A_2346, %dma_wait3A_2347] : memref<65536x1024xf32, #tpu.memory_space<hbm>> -> memref<65536x1024xf32, #tpu.memory_space<hbm>>
    tpu.wait_indirect_dma semaphore(%arg23 : memref<!tpu.dma_semaphore, #tpu.memory_space<semaphore_mem>>) src(%dma_wait3A_2342 : memref<16x1024xf32, #tpu.memory_space<vmem>>) dst(%dma_wait3A_2348 : memref<65536x1024xf32, #tpu.memory_space<hbm>>)
    %dma_wait3A_2349 = arith.constant 3 : i32
    %dma_wait3A_2350 = arith.constant 0 : i32
    %dma_wait3A_2351 = arith.constant 0 : i32
    %dma_wait3A_2352 = arith.constant 0 : i32
    %dma_wait3A_2353 = arith.constant 0 : i32
    %dma_wait3A_2354 = tpu.memref_slice %arg7[%dma_wait3A_2349, %dma_wait3A_2352, %dma_wait3A_2353] : memref<6x16x1024xf32, #tpu.memory_space<vmem>> -> memref<1x16x1024xf32, #tpu.memory_space<vmem>>
    %dma_wait3A_2355 = tpu.memref_squeeze %dma_wait3A_2354 : memref<1x16x1024xf32, #tpu.memory_space<vmem>> -> memref<16x1024xf32, #tpu.memory_space<vmem>>
    %dma_wait3A_2356 = arith.constant 0 : i32
    %dma_wait3A_2357 = tpu.memref_slice %arg12[%dma_wait3A_2350, %dma_wait3A_2351, %dma_wait3A_2356] : memref<2x64x16xi32, #tpu.memory_space<vmem>> -> memref<1x1x16xi32, #tpu.memory_space<vmem>>
    %dma_wait3A_2358 = tpu.memref_squeeze %dma_wait3A_2357 : memref<1x1x16xi32, #tpu.memory_space<vmem>> -> memref<16xi32, #tpu.memory_space<vmem>>
    %dma_wait3A_2359 = arith.constant 0 : i32
    %dma_wait3A_2360 = arith.constant 0 : i32
    %dma_wait3A_2361 = tpu.memref_slice %arg6[%dma_wait3A_2359, %dma_wait3A_2360] : memref<65536x1024xf32, #tpu.memory_space<hbm>> -> memref<65536x1024xf32, #tpu.memory_space<hbm>>
    tpu.wait_indirect_dma semaphore(%arg23 : memref<!tpu.dma_semaphore, #tpu.memory_space<semaphore_mem>>) src(%dma_wait3A_2355 : memref<16x1024xf32, #tpu.memory_space<vmem>>) dst(%dma_wait3A_2361 : memref<65536x1024xf32, #tpu.memory_space<hbm>>)
    %add3A_2362 = arith.constant 1008 : i32
    %add3A_2363 = arith.addi %mul3A_2, %add3A_2362 : i32
    %dma_start3A_2364 = arith.constant 3 : i32
    %dma_start3A_2365 = arith.constant 0 : i32
    %dma_start3A_2366 = arith.constant 0 : i32
    %dma_start3A_2367 = tpu.memref_slice %arg7[%dma_start3A_2364, %dma_start3A_2365, %dma_start3A_2366] : memref<6x16x1024xf32, #tpu.memory_space<vmem>> -> memref<1x16x1024xf32, #tpu.memory_space<vmem>>
    %dma_start3A_2368 = tpu.memref_squeeze %dma_start3A_2367 : memref<1x16x1024xf32, #tpu.memory_space<vmem>> -> memref<16x1024xf32, #tpu.memory_space<vmem>>
    %dma_start3A_2369 = arith.constant 0 : i32
    %dma_start3A_2370 = tpu.memref_slice %arg2[%add3A_2363, %dma_start3A_2369] : memref<32768x1024xf32, #tpu.memory_space<hbm>> -> memref<16x1024xf32, #tpu.memory_space<hbm>>
    %dma_start3A_2371 = arith.constant 0 : i32
    %dma_start3A_2372 = arith.constant 0 : i32
    %dma_start3A_2373 = tpu.memref_slice %arg7[%dma_start3A_2364, %dma_start3A_2371, %dma_start3A_2372] : memref<6x16x1024xf32, #tpu.memory_space<vmem>> -> memref<1x16x1024xf32, #tpu.memory_space<vmem>>
    %dma_start3A_2374 = tpu.memref_squeeze %dma_start3A_2373 : memref<1x16x1024xf32, #tpu.memory_space<vmem>> -> memref<16x1024xf32, #tpu.memory_space<vmem>>
    %dma_start3A_2375 = arith.constant 0 : i32
    %dma_start3A_2376 = tpu.memref_slice %arg2[%add3A_2363, %dma_start3A_2375] : memref<32768x1024xf32, #tpu.memory_space<hbm>> -> memref<16x1024xf32, #tpu.memory_space<hbm>>
    tpu.enqueue_dma source(%dma_start3A_2376 : memref<16x1024xf32, #tpu.memory_space<hbm>>) target(%dma_start3A_2374 : memref<16x1024xf32, #tpu.memory_space<vmem>>) target_semaphore(%arg17 : memref<!tpu.dma_semaphore, #tpu.memory_space<semaphore_mem>>)
    %dma_wait3A_2377 = arith.constant 0 : i32
    %dma_wait3A_2378 = arith.constant 0 : i32
    %dma_wait3A_2379 = arith.constant 0 : i32
    %dma_wait3A_2380 = tpu.memref_slice %arg7[%dma_wait3A_2377, %dma_wait3A_2378, %dma_wait3A_2379] : memref<6x16x1024xf32, #tpu.memory_space<vmem>> -> memref<1x16x1024xf32, #tpu.memory_space<vmem>>
    %dma_wait3A_2381 = tpu.memref_squeeze %dma_wait3A_2380 : memref<1x16x1024xf32, #tpu.memory_space<vmem>> -> memref<16x1024xf32, #tpu.memory_space<vmem>>
    %dma_wait3A_2382 = arith.constant 0 : i32
    %dma_wait3A_2383 = tpu.memref_slice %arg2[%mul3A_2, %dma_wait3A_2382] : memref<32768x1024xf32, #tpu.memory_space<hbm>> -> memref<16x1024xf32, #tpu.memory_space<hbm>>
    %dma_wait3A_2384 = arith.constant 0 : i32
    %dma_wait3A_2385 = arith.constant 0 : i32
    %dma_wait3A_2386 = tpu.memref_slice %arg7[%dma_wait3A_2377, %dma_wait3A_2384, %dma_wait3A_2385] : memref<6x16x1024xf32, #tpu.memory_space<vmem>> -> memref<1x16x1024xf32, #tpu.memory_space<vmem>>
    %dma_wait3A_2387 = tpu.memref_squeeze %dma_wait3A_2386 : memref<1x16x1024xf32, #tpu.memory_space<vmem>> -> memref<16x1024xf32, #tpu.memory_space<vmem>>
    %dma_wait3A_2388 = arith.constant 0 : i32
    %dma_wait3A_2389 = tpu.memref_slice %arg2[%mul3A_2, %dma_wait3A_2388] : memref<32768x1024xf32, #tpu.memory_space<hbm>> -> memref<16x1024xf32, #tpu.memory_space<hbm>>
    tpu.wait_dma2 semaphore(%arg14 : memref<!tpu.dma_semaphore, #tpu.memory_space<semaphore_mem>>) src(%dma_wait3A_2389 : memref<16x1024xf32, #tpu.memory_space<hbm>>) dst(%dma_wait3A_2387 : memref<16x1024xf32, #tpu.memory_space<vmem>>)
    %dma_start3A_2390 = arith.constant 0 : i32
    %dma_start3A_2391 = arith.constant 0 : i32
    %dma_start3A_2392 = arith.constant 60 : i32
    %dma_start3A_2393 = arith.constant 0 : i32
    %dma_start3A_2394 = arith.constant 0 : i32
    %dma_start3A_2395 = tpu.memref_slice %arg7[%dma_start3A_2390, %dma_start3A_2393, %dma_start3A_2394] : memref<6x16x1024xf32, #tpu.memory_space<vmem>> -> memref<1x16x1024xf32, #tpu.memory_space<vmem>>
    %dma_start3A_2396 = tpu.memref_squeeze %dma_start3A_2395 : memref<1x16x1024xf32, #tpu.memory_space<vmem>> -> memref<16x1024xf32, #tpu.memory_space<vmem>>
    %dma_start3A_2397 = arith.constant 0 : i32
    %dma_start3A_2398 = tpu.memref_slice %arg12[%dma_start3A_2391, %dma_start3A_2392, %dma_start3A_2397] : memref<2x64x16xi32, #tpu.memory_space<vmem>> -> memref<1x1x16xi32, #tpu.memory_space<vmem>>
    %dma_start3A_2399 = tpu.memref_squeeze %dma_start3A_2398 : memref<1x1x16xi32, #tpu.memory_space<vmem>> -> memref<16xi32, #tpu.memory_space<vmem>>
    %dma_start3A_2400 = arith.constant 0 : i32
    %dma_start3A_2401 = arith.constant 0 : i32
    %dma_start3A_2402 = tpu.memref_slice %arg6[%dma_start3A_2400, %dma_start3A_2401] : memref<65536x1024xf32, #tpu.memory_space<hbm>> -> memref<65536x1024xf32, #tpu.memory_space<hbm>>
    tpu.enqueue_indirect_dma source(%dma_start3A_2396 : memref<16x1024xf32, #tpu.memory_space<vmem>>) target(%dma_start3A_2402 : memref<65536x1024xf32, #tpu.memory_space<hbm>>) offsets(%dma_start3A_2399 : memref<16xi32, #tpu.memory_space<vmem>>) semaphore(%arg20 : memref<!tpu.dma_semaphore, #tpu.memory_space<semaphore_mem>>)
    %dma_start3A_2403 = arith.constant 0 : i32
    %dma_start3A_2404 = arith.constant 1 : i32
    %dma_start3A_2405 = arith.constant 60 : i32
    %dma_start3A_2406 = arith.constant 0 : i32
    %dma_start3A_2407 = arith.constant 0 : i32
    %dma_start3A_2408 = tpu.memref_slice %arg7[%dma_start3A_2403, %dma_start3A_2406, %dma_start3A_2407] : memref<6x16x1024xf32, #tpu.memory_space<vmem>> -> memref<1x16x1024xf32, #tpu.memory_space<vmem>>
    %dma_start3A_2409 = tpu.memref_squeeze %dma_start3A_2408 : memref<1x16x1024xf32, #tpu.memory_space<vmem>> -> memref<16x1024xf32, #tpu.memory_space<vmem>>
    %dma_start3A_2410 = arith.constant 0 : i32
    %dma_start3A_2411 = tpu.memref_slice %arg12[%dma_start3A_2404, %dma_start3A_2405, %dma_start3A_2410] : memref<2x64x16xi32, #tpu.memory_space<vmem>> -> memref<1x1x16xi32, #tpu.memory_space<vmem>>
    %dma_start3A_2412 = tpu.memref_squeeze %dma_start3A_2411 : memref<1x1x16xi32, #tpu.memory_space<vmem>> -> memref<16xi32, #tpu.memory_space<vmem>>
    %dma_start3A_2413 = arith.constant 0 : i32
    %dma_start3A_2414 = arith.constant 0 : i32
    %dma_start3A_2415 = tpu.memref_slice %arg6[%dma_start3A_2413, %dma_start3A_2414] : memref<65536x1024xf32, #tpu.memory_space<hbm>> -> memref<65536x1024xf32, #tpu.memory_space<hbm>>
    tpu.enqueue_indirect_dma source(%dma_start3A_2409 : memref<16x1024xf32, #tpu.memory_space<vmem>>) target(%dma_start3A_2415 : memref<65536x1024xf32, #tpu.memory_space<hbm>>) offsets(%dma_start3A_2412 : memref<16xi32, #tpu.memory_space<vmem>>) semaphore(%arg20 : memref<!tpu.dma_semaphore, #tpu.memory_space<semaphore_mem>>)
    %dma_wait3A_2416 = arith.constant 1 : i32
    %dma_wait3A_2417 = arith.constant 0 : i32
    %dma_wait3A_2418 = arith.constant 0 : i32
    %dma_wait3A_2419 = tpu.memref_slice %arg7[%dma_wait3A_2416, %dma_wait3A_2417, %dma_wait3A_2418] : memref<6x16x1024xf32, #tpu.memory_space<vmem>> -> memref<1x16x1024xf32, #tpu.memory_space<vmem>>
    %dma_wait3A_2420 = tpu.memref_squeeze %dma_wait3A_2419 : memref<1x16x1024xf32, #tpu.memory_space<vmem>> -> memref<16x1024xf32, #tpu.memory_space<vmem>>
    %dma_wait3A_2421 = arith.constant 0 : i32
    %dma_wait3A_2422 = tpu.memref_slice %arg2[%mul3A_2, %dma_wait3A_2421] : memref<32768x1024xf32, #tpu.memory_space<hbm>> -> memref<16x1024xf32, #tpu.memory_space<hbm>>
    %dma_wait3A_2423 = arith.constant 0 : i32
    %dma_wait3A_2424 = arith.constant 0 : i32
    %dma_wait3A_2425 = tpu.memref_slice %arg7[%dma_wait3A_2416, %dma_wait3A_2423, %dma_wait3A_2424] : memref<6x16x1024xf32, #tpu.memory_space<vmem>> -> memref<1x16x1024xf32, #tpu.memory_space<vmem>>
    %dma_wait3A_2426 = tpu.memref_squeeze %dma_wait3A_2425 : memref<1x16x1024xf32, #tpu.memory_space<vmem>> -> memref<16x1024xf32, #tpu.memory_space<vmem>>
    %dma_wait3A_2427 = arith.constant 0 : i32
    %dma_wait3A_2428 = tpu.memref_slice %arg2[%mul3A_2, %dma_wait3A_2427] : memref<32768x1024xf32, #tpu.memory_space<hbm>> -> memref<16x1024xf32, #tpu.memory_space<hbm>>
    tpu.wait_dma2 semaphore(%arg15 : memref<!tpu.dma_semaphore, #tpu.memory_space<semaphore_mem>>) src(%dma_wait3A_2428 : memref<16x1024xf32, #tpu.memory_space<hbm>>) dst(%dma_wait3A_2426 : memref<16x1024xf32, #tpu.memory_space<vmem>>)
    %dma_start3A_2429 = arith.constant 1 : i32
    %dma_start3A_2430 = arith.constant 0 : i32
    %dma_start3A_2431 = arith.constant 61 : i32
    %dma_start3A_2432 = arith.constant 0 : i32
    %dma_start3A_2433 = arith.constant 0 : i32
    %dma_start3A_2434 = tpu.memref_slice %arg7[%dma_start3A_2429, %dma_start3A_2432, %dma_start3A_2433] : memref<6x16x1024xf32, #tpu.memory_space<vmem>> -> memref<1x16x1024xf32, #tpu.memory_space<vmem>>
    %dma_start3A_2435 = tpu.memref_squeeze %dma_start3A_2434 : memref<1x16x1024xf32, #tpu.memory_space<vmem>> -> memref<16x1024xf32, #tpu.memory_space<vmem>>
    %dma_start3A_2436 = arith.constant 0 : i32
    %dma_start3A_2437 = tpu.memref_slice %arg12[%dma_start3A_2430, %dma_start3A_2431, %dma_start3A_2436] : memref<2x64x16xi32, #tpu.memory_space<vmem>> -> memref<1x1x16xi32, #tpu.memory_space<vmem>>
    %dma_start3A_2438 = tpu.memref_squeeze %dma_start3A_2437 : memref<1x1x16xi32, #tpu.memory_space<vmem>> -> memref<16xi32, #tpu.memory_space<vmem>>
    %dma_start3A_2439 = arith.constant 0 : i32
    %dma_start3A_2440 = arith.constant 0 : i32
    %dma_start3A_2441 = tpu.memref_slice %arg6[%dma_start3A_2439, %dma_start3A_2440] : memref<65536x1024xf32, #tpu.memory_space<hbm>> -> memref<65536x1024xf32, #tpu.memory_space<hbm>>
    tpu.enqueue_indirect_dma source(%dma_start3A_2435 : memref<16x1024xf32, #tpu.memory_space<vmem>>) target(%dma_start3A_2441 : memref<65536x1024xf32, #tpu.memory_space<hbm>>) offsets(%dma_start3A_2438 : memref<16xi32, #tpu.memory_space<vmem>>) semaphore(%arg21 : memref<!tpu.dma_semaphore, #tpu.memory_space<semaphore_mem>>)
    %dma_start3A_2442 = arith.constant 1 : i32
    %dma_start3A_2443 = arith.constant 1 : i32
    %dma_start3A_2444 = arith.constant 61 : i32
    %dma_start3A_2445 = arith.constant 0 : i32
    %dma_start3A_2446 = arith.constant 0 : i32
    %dma_start3A_2447 = tpu.memref_slice %arg7[%dma_start3A_2442, %dma_start3A_2445, %dma_start3A_2446] : memref<6x16x1024xf32, #tpu.memory_space<vmem>> -> memref<1x16x1024xf32, #tpu.memory_space<vmem>>
    %dma_start3A_2448 = tpu.memref_squeeze %dma_start3A_2447 : memref<1x16x1024xf32, #tpu.memory_space<vmem>> -> memref<16x1024xf32, #tpu.memory_space<vmem>>
    %dma_start3A_2449 = arith.constant 0 : i32
    %dma_start3A_2450 = tpu.memref_slice %arg12[%dma_start3A_2443, %dma_start3A_2444, %dma_start3A_2449] : memref<2x64x16xi32, #tpu.memory_space<vmem>> -> memref<1x1x16xi32, #tpu.memory_space<vmem>>
    %dma_start3A_2451 = tpu.memref_squeeze %dma_start3A_2450 : memref<1x1x16xi32, #tpu.memory_space<vmem>> -> memref<16xi32, #tpu.memory_space<vmem>>
    %dma_start3A_2452 = arith.constant 0 : i32
    %dma_start3A_2453 = arith.constant 0 : i32
    %dma_start3A_2454 = tpu.memref_slice %arg6[%dma_start3A_2452, %dma_start3A_2453] : memref<65536x1024xf32, #tpu.memory_space<hbm>> -> memref<65536x1024xf32, #tpu.memory_space<hbm>>
    tpu.enqueue_indirect_dma source(%dma_start3A_2448 : memref<16x1024xf32, #tpu.memory_space<vmem>>) target(%dma_start3A_2454 : memref<65536x1024xf32, #tpu.memory_space<hbm>>) offsets(%dma_start3A_2451 : memref<16xi32, #tpu.memory_space<vmem>>) semaphore(%arg21 : memref<!tpu.dma_semaphore, #tpu.memory_space<semaphore_mem>>)
    %dma_wait3A_2455 = arith.constant 2 : i32
    %dma_wait3A_2456 = arith.constant 0 : i32
    %dma_wait3A_2457 = arith.constant 0 : i32
    %dma_wait3A_2458 = tpu.memref_slice %arg7[%dma_wait3A_2455, %dma_wait3A_2456, %dma_wait3A_2457] : memref<6x16x1024xf32, #tpu.memory_space<vmem>> -> memref<1x16x1024xf32, #tpu.memory_space<vmem>>
    %dma_wait3A_2459 = tpu.memref_squeeze %dma_wait3A_2458 : memref<1x16x1024xf32, #tpu.memory_space<vmem>> -> memref<16x1024xf32, #tpu.memory_space<vmem>>
    %dma_wait3A_2460 = arith.constant 0 : i32
    %dma_wait3A_2461 = tpu.memref_slice %arg2[%mul3A_2, %dma_wait3A_2460] : memref<32768x1024xf32, #tpu.memory_space<hbm>> -> memref<16x1024xf32, #tpu.memory_space<hbm>>
    %dma_wait3A_2462 = arith.constant 0 : i32
    %dma_wait3A_2463 = arith.constant 0 : i32
    %dma_wait3A_2464 = tpu.memref_slice %arg7[%dma_wait3A_2455, %dma_wait3A_2462, %dma_wait3A_2463] : memref<6x16x1024xf32, #tpu.memory_space<vmem>> -> memref<1x16x1024xf32, #tpu.memory_space<vmem>>
    %dma_wait3A_2465 = tpu.memref_squeeze %dma_wait3A_2464 : memref<1x16x1024xf32, #tpu.memory_space<vmem>> -> memref<16x1024xf32, #tpu.memory_space<vmem>>
    %dma_wait3A_2466 = arith.constant 0 : i32
    %dma_wait3A_2467 = tpu.memref_slice %arg2[%mul3A_2, %dma_wait3A_2466] : memref<32768x1024xf32, #tpu.memory_space<hbm>> -> memref<16x1024xf32, #tpu.memory_space<hbm>>
    tpu.wait_dma2 semaphore(%arg16 : memref<!tpu.dma_semaphore, #tpu.memory_space<semaphore_mem>>) src(%dma_wait3A_2467 : memref<16x1024xf32, #tpu.memory_space<hbm>>) dst(%dma_wait3A_2465 : memref<16x1024xf32, #tpu.memory_space<vmem>>)
    %dma_start3A_2468 = arith.constant 2 : i32
    %dma_start3A_2469 = arith.constant 0 : i32
    %dma_start3A_2470 = arith.constant 62 : i32
    %dma_start3A_2471 = arith.constant 0 : i32
    %dma_start3A_2472 = arith.constant 0 : i32
    %dma_start3A_2473 = tpu.memref_slice %arg7[%dma_start3A_2468, %dma_start3A_2471, %dma_start3A_2472] : memref<6x16x1024xf32, #tpu.memory_space<vmem>> -> memref<1x16x1024xf32, #tpu.memory_space<vmem>>
    %dma_start3A_2474 = tpu.memref_squeeze %dma_start3A_2473 : memref<1x16x1024xf32, #tpu.memory_space<vmem>> -> memref<16x1024xf32, #tpu.memory_space<vmem>>
    %dma_start3A_2475 = arith.constant 0 : i32
    %dma_start3A_2476 = tpu.memref_slice %arg12[%dma_start3A_2469, %dma_start3A_2470, %dma_start3A_2475] : memref<2x64x16xi32, #tpu.memory_space<vmem>> -> memref<1x1x16xi32, #tpu.memory_space<vmem>>
    %dma_start3A_2477 = tpu.memref_squeeze %dma_start3A_2476 : memref<1x1x16xi32, #tpu.memory_space<vmem>> -> memref<16xi32, #tpu.memory_space<vmem>>
    %dma_start3A_2478 = arith.constant 0 : i32
    %dma_start3A_2479 = arith.constant 0 : i32
    %dma_start3A_2480 = tpu.memref_slice %arg6[%dma_start3A_2478, %dma_start3A_2479] : memref<65536x1024xf32, #tpu.memory_space<hbm>> -> memref<65536x1024xf32, #tpu.memory_space<hbm>>
    tpu.enqueue_indirect_dma source(%dma_start3A_2474 : memref<16x1024xf32, #tpu.memory_space<vmem>>) target(%dma_start3A_2480 : memref<65536x1024xf32, #tpu.memory_space<hbm>>) offsets(%dma_start3A_2477 : memref<16xi32, #tpu.memory_space<vmem>>) semaphore(%arg22 : memref<!tpu.dma_semaphore, #tpu.memory_space<semaphore_mem>>)
    %dma_start3A_2481 = arith.constant 2 : i32
    %dma_start3A_2482 = arith.constant 1 : i32
    %dma_start3A_2483 = arith.constant 62 : i32
    %dma_start3A_2484 = arith.constant 0 : i32
    %dma_start3A_2485 = arith.constant 0 : i32
    %dma_start3A_2486 = tpu.memref_slice %arg7[%dma_start3A_2481, %dma_start3A_2484, %dma_start3A_2485] : memref<6x16x1024xf32, #tpu.memory_space<vmem>> -> memref<1x16x1024xf32, #tpu.memory_space<vmem>>
    %dma_start3A_2487 = tpu.memref_squeeze %dma_start3A_2486 : memref<1x16x1024xf32, #tpu.memory_space<vmem>> -> memref<16x1024xf32, #tpu.memory_space<vmem>>
    %dma_start3A_2488 = arith.constant 0 : i32
    %dma_start3A_2489 = tpu.memref_slice %arg12[%dma_start3A_2482, %dma_start3A_2483, %dma_start3A_2488] : memref<2x64x16xi32, #tpu.memory_space<vmem>> -> memref<1x1x16xi32, #tpu.memory_space<vmem>>
    %dma_start3A_2490 = tpu.memref_squeeze %dma_start3A_2489 : memref<1x1x16xi32, #tpu.memory_space<vmem>> -> memref<16xi32, #tpu.memory_space<vmem>>
    %dma_start3A_2491 = arith.constant 0 : i32
    %dma_start3A_2492 = arith.constant 0 : i32
    %dma_start3A_2493 = tpu.memref_slice %arg6[%dma_start3A_2491, %dma_start3A_2492] : memref<65536x1024xf32, #tpu.memory_space<hbm>> -> memref<65536x1024xf32, #tpu.memory_space<hbm>>
    tpu.enqueue_indirect_dma source(%dma_start3A_2487 : memref<16x1024xf32, #tpu.memory_space<vmem>>) target(%dma_start3A_2493 : memref<65536x1024xf32, #tpu.memory_space<hbm>>) offsets(%dma_start3A_2490 : memref<16xi32, #tpu.memory_space<vmem>>) semaphore(%arg22 : memref<!tpu.dma_semaphore, #tpu.memory_space<semaphore_mem>>)
    %dma_wait3A_2494 = arith.constant 3 : i32
    %dma_wait3A_2495 = arith.constant 0 : i32
    %dma_wait3A_2496 = arith.constant 0 : i32
    %dma_wait3A_2497 = tpu.memref_slice %arg7[%dma_wait3A_2494, %dma_wait3A_2495, %dma_wait3A_2496] : memref<6x16x1024xf32, #tpu.memory_space<vmem>> -> memref<1x16x1024xf32, #tpu.memory_space<vmem>>
    %dma_wait3A_2498 = tpu.memref_squeeze %dma_wait3A_2497 : memref<1x16x1024xf32, #tpu.memory_space<vmem>> -> memref<16x1024xf32, #tpu.memory_space<vmem>>
    %dma_wait3A_2499 = arith.constant 0 : i32
    %dma_wait3A_2500 = tpu.memref_slice %arg2[%mul3A_2, %dma_wait3A_2499] : memref<32768x1024xf32, #tpu.memory_space<hbm>> -> memref<16x1024xf32, #tpu.memory_space<hbm>>
    %dma_wait3A_2501 = arith.constant 0 : i32
    %dma_wait3A_2502 = arith.constant 0 : i32
    %dma_wait3A_2503 = tpu.memref_slice %arg7[%dma_wait3A_2494, %dma_wait3A_2501, %dma_wait3A_2502] : memref<6x16x1024xf32, #tpu.memory_space<vmem>> -> memref<1x16x1024xf32, #tpu.memory_space<vmem>>
    %dma_wait3A_2504 = tpu.memref_squeeze %dma_wait3A_2503 : memref<1x16x1024xf32, #tpu.memory_space<vmem>> -> memref<16x1024xf32, #tpu.memory_space<vmem>>
    %dma_wait3A_2505 = arith.constant 0 : i32
    %dma_wait3A_2506 = tpu.memref_slice %arg2[%mul3A_2, %dma_wait3A_2505] : memref<32768x1024xf32, #tpu.memory_space<hbm>> -> memref<16x1024xf32, #tpu.memory_space<hbm>>
    tpu.wait_dma2 semaphore(%arg17 : memref<!tpu.dma_semaphore, #tpu.memory_space<semaphore_mem>>) src(%dma_wait3A_2506 : memref<16x1024xf32, #tpu.memory_space<hbm>>) dst(%dma_wait3A_2504 : memref<16x1024xf32, #tpu.memory_space<vmem>>)
    %dma_start3A_2507 = arith.constant 3 : i32
    %dma_start3A_2508 = arith.constant 0 : i32
    %dma_start3A_2509 = arith.constant 63 : i32
    %dma_start3A_2510 = arith.constant 0 : i32
    %dma_start3A_2511 = arith.constant 0 : i32
    %dma_start3A_2512 = tpu.memref_slice %arg7[%dma_start3A_2507, %dma_start3A_2510, %dma_start3A_2511] : memref<6x16x1024xf32, #tpu.memory_space<vmem>> -> memref<1x16x1024xf32, #tpu.memory_space<vmem>>
    %dma_start3A_2513 = tpu.memref_squeeze %dma_start3A_2512 : memref<1x16x1024xf32, #tpu.memory_space<vmem>> -> memref<16x1024xf32, #tpu.memory_space<vmem>>
    %dma_start3A_2514 = arith.constant 0 : i32
    %dma_start3A_2515 = tpu.memref_slice %arg12[%dma_start3A_2508, %dma_start3A_2509, %dma_start3A_2514] : memref<2x64x16xi32, #tpu.memory_space<vmem>> -> memref<1x1x16xi32, #tpu.memory_space<vmem>>
    %dma_start3A_2516 = tpu.memref_squeeze %dma_start3A_2515 : memref<1x1x16xi32, #tpu.memory_space<vmem>> -> memref<16xi32, #tpu.memory_space<vmem>>
    %dma_start3A_2517 = arith.constant 0 : i32
    %dma_start3A_2518 = arith.constant 0 : i32
    %dma_start3A_2519 = tpu.memref_slice %arg6[%dma_start3A_2517, %dma_start3A_2518] : memref<65536x1024xf32, #tpu.memory_space<hbm>> -> memref<65536x1024xf32, #tpu.memory_space<hbm>>
    tpu.enqueue_indirect_dma source(%dma_start3A_2513 : memref<16x1024xf32, #tpu.memory_space<vmem>>) target(%dma_start3A_2519 : memref<65536x1024xf32, #tpu.memory_space<hbm>>) offsets(%dma_start3A_2516 : memref<16xi32, #tpu.memory_space<vmem>>) semaphore(%arg23 : memref<!tpu.dma_semaphore, #tpu.memory_space<semaphore_mem>>)
    %dma_start3A_2520 = arith.constant 3 : i32
    %dma_start3A_2521 = arith.constant 1 : i32
    %dma_start3A_2522 = arith.constant 63 : i32
    %dma_start3A_2523 = arith.constant 0 : i32
    %dma_start3A_2524 = arith.constant 0 : i32
    %dma_start3A_2525 = tpu.memref_slice %arg7[%dma_start3A_2520, %dma_start3A_2523, %dma_start3A_2524] : memref<6x16x1024xf32, #tpu.memory_space<vmem>> -> memref<1x16x1024xf32, #tpu.memory_space<vmem>>
    %dma_start3A_2526 = tpu.memref_squeeze %dma_start3A_2525 : memref<1x16x1024xf32, #tpu.memory_space<vmem>> -> memref<16x1024xf32, #tpu.memory_space<vmem>>
    %dma_start3A_2527 = arith.constant 0 : i32
    %dma_start3A_2528 = tpu.memref_slice %arg12[%dma_start3A_2521, %dma_start3A_2522, %dma_start3A_2527] : memref<2x64x16xi32, #tpu.memory_space<vmem>> -> memref<1x1x16xi32, #tpu.memory_space<vmem>>
    %dma_start3A_2529 = tpu.memref_squeeze %dma_start3A_2528 : memref<1x1x16xi32, #tpu.memory_space<vmem>> -> memref<16xi32, #tpu.memory_space<vmem>>
    %dma_start3A_2530 = arith.constant 0 : i32
    %dma_start3A_2531 = arith.constant 0 : i32
    %dma_start3A_2532 = tpu.memref_slice %arg6[%dma_start3A_2530, %dma_start3A_2531] : memref<65536x1024xf32, #tpu.memory_space<hbm>> -> memref<65536x1024xf32, #tpu.memory_space<hbm>>
    tpu.enqueue_indirect_dma source(%dma_start3A_2526 : memref<16x1024xf32, #tpu.memory_space<vmem>>) target(%dma_start3A_2532 : memref<65536x1024xf32, #tpu.memory_space<hbm>>) offsets(%dma_start3A_2529 : memref<16xi32, #tpu.memory_space<vmem>>) semaphore(%arg23 : memref<!tpu.dma_semaphore, #tpu.memory_space<semaphore_mem>>)
    %dma_wait3A_2533 = arith.constant 0 : i32
    %dma_wait3A_2534 = arith.constant 0 : i32
    %dma_wait3A_2535 = arith.constant 0 : i32
    %dma_wait3A_2536 = arith.constant 0 : i32
    %dma_wait3A_2537 = arith.constant 0 : i32
    %dma_wait3A_2538 = tpu.memref_slice %arg7[%dma_wait3A_2533, %dma_wait3A_2536, %dma_wait3A_2537] : memref<6x16x1024xf32, #tpu.memory_space<vmem>> -> memref<1x16x1024xf32, #tpu.memory_space<vmem>>
    %dma_wait3A_2539 = tpu.memref_squeeze %dma_wait3A_2538 : memref<1x16x1024xf32, #tpu.memory_space<vmem>> -> memref<16x1024xf32, #tpu.memory_space<vmem>>
    %dma_wait3A_2540 = arith.constant 0 : i32
    %dma_wait3A_2541 = tpu.memref_slice %arg12[%dma_wait3A_2534, %dma_wait3A_2535, %dma_wait3A_2540] : memref<2x64x16xi32, #tpu.memory_space<vmem>> -> memref<1x1x16xi32, #tpu.memory_space<vmem>>
    %dma_wait3A_2542 = tpu.memref_squeeze %dma_wait3A_2541 : memref<1x1x16xi32, #tpu.memory_space<vmem>> -> memref<16xi32, #tpu.memory_space<vmem>>
    %dma_wait3A_2543 = arith.constant 0 : i32
    %dma_wait3A_2544 = arith.constant 0 : i32
    %dma_wait3A_2545 = tpu.memref_slice %arg6[%dma_wait3A_2543, %dma_wait3A_2544] : memref<65536x1024xf32, #tpu.memory_space<hbm>> -> memref<65536x1024xf32, #tpu.memory_space<hbm>>
    tpu.wait_indirect_dma semaphore(%arg20 : memref<!tpu.dma_semaphore, #tpu.memory_space<semaphore_mem>>) src(%dma_wait3A_2539 : memref<16x1024xf32, #tpu.memory_space<vmem>>) dst(%dma_wait3A_2545 : memref<65536x1024xf32, #tpu.memory_space<hbm>>)
    %dma_wait3A_2546 = arith.constant 0 : i32
    %dma_wait3A_2547 = arith.constant 0 : i32
    %dma_wait3A_2548 = arith.constant 0 : i32
    %dma_wait3A_2549 = arith.constant 0 : i32
    %dma_wait3A_2550 = arith.constant 0 : i32
    %dma_wait3A_2551 = tpu.memref_slice %arg7[%dma_wait3A_2546, %dma_wait3A_2549, %dma_wait3A_2550] : memref<6x16x1024xf32, #tpu.memory_space<vmem>> -> memref<1x16x1024xf32, #tpu.memory_space<vmem>>
    %dma_wait3A_2552 = tpu.memref_squeeze %dma_wait3A_2551 : memref<1x16x1024xf32, #tpu.memory_space<vmem>> -> memref<16x1024xf32, #tpu.memory_space<vmem>>
    %dma_wait3A_2553 = arith.constant 0 : i32
    %dma_wait3A_2554 = tpu.memref_slice %arg12[%dma_wait3A_2547, %dma_wait3A_2548, %dma_wait3A_2553] : memref<2x64x16xi32, #tpu.memory_space<vmem>> -> memref<1x1x16xi32, #tpu.memory_space<vmem>>
    %dma_wait3A_2555 = tpu.memref_squeeze %dma_wait3A_2554 : memref<1x1x16xi32, #tpu.memory_space<vmem>> -> memref<16xi32, #tpu.memory_space<vmem>>
    %dma_wait3A_2556 = arith.constant 0 : i32
    %dma_wait3A_2557 = arith.constant 0 : i32
    %dma_wait3A_2558 = tpu.memref_slice %arg6[%dma_wait3A_2556, %dma_wait3A_2557] : memref<65536x1024xf32, #tpu.memory_space<hbm>> -> memref<65536x1024xf32, #tpu.memory_space<hbm>>
    tpu.wait_indirect_dma semaphore(%arg20 : memref<!tpu.dma_semaphore, #tpu.memory_space<semaphore_mem>>) src(%dma_wait3A_2552 : memref<16x1024xf32, #tpu.memory_space<vmem>>) dst(%dma_wait3A_2558 : memref<65536x1024xf32, #tpu.memory_space<hbm>>)
    %dma_wait3A_2559 = arith.constant 1 : i32
    %dma_wait3A_2560 = arith.constant 0 : i32
    %dma_wait3A_2561 = arith.constant 0 : i32
    %dma_wait3A_2562 = arith.constant 0 : i32
    %dma_wait3A_2563 = arith.constant 0 : i32
    %dma_wait3A_2564 = tpu.memref_slice %arg7[%dma_wait3A_2559, %dma_wait3A_2562, %dma_wait3A_2563] : memref<6x16x1024xf32, #tpu.memory_space<vmem>> -> memref<1x16x1024xf32, #tpu.memory_space<vmem>>
    %dma_wait3A_2565 = tpu.memref_squeeze %dma_wait3A_2564 : memref<1x16x1024xf32, #tpu.memory_space<vmem>> -> memref<16x1024xf32, #tpu.memory_space<vmem>>
    %dma_wait3A_2566 = arith.constant 0 : i32
    %dma_wait3A_2567 = tpu.memref_slice %arg12[%dma_wait3A_2560, %dma_wait3A_2561, %dma_wait3A_2566] : memref<2x64x16xi32, #tpu.memory_space<vmem>> -> memref<1x1x16xi32, #tpu.memory_space<vmem>>
    %dma_wait3A_2568 = tpu.memref_squeeze %dma_wait3A_2567 : memref<1x1x16xi32, #tpu.memory_space<vmem>> -> memref<16xi32, #tpu.memory_space<vmem>>
    %dma_wait3A_2569 = arith.constant 0 : i32
    %dma_wait3A_2570 = arith.constant 0 : i32
    %dma_wait3A_2571 = tpu.memref_slice %arg6[%dma_wait3A_2569, %dma_wait3A_2570] : memref<65536x1024xf32, #tpu.memory_space<hbm>> -> memref<65536x1024xf32, #tpu.memory_space<hbm>>
    tpu.wait_indirect_dma semaphore(%arg21 : memref<!tpu.dma_semaphore, #tpu.memory_space<semaphore_mem>>) src(%dma_wait3A_2565 : memref<16x1024xf32, #tpu.memory_space<vmem>>) dst(%dma_wait3A_2571 : memref<65536x1024xf32, #tpu.memory_space<hbm>>)
    %dma_wait3A_2572 = arith.constant 1 : i32
    %dma_wait3A_2573 = arith.constant 0 : i32
    %dma_wait3A_2574 = arith.constant 0 : i32
    %dma_wait3A_2575 = arith.constant 0 : i32
    %dma_wait3A_2576 = arith.constant 0 : i32
    %dma_wait3A_2577 = tpu.memref_slice %arg7[%dma_wait3A_2572, %dma_wait3A_2575, %dma_wait3A_2576] : memref<6x16x1024xf32, #tpu.memory_space<vmem>> -> memref<1x16x1024xf32, #tpu.memory_space<vmem>>
    %dma_wait3A_2578 = tpu.memref_squeeze %dma_wait3A_2577 : memref<1x16x1024xf32, #tpu.memory_space<vmem>> -> memref<16x1024xf32, #tpu.memory_space<vmem>>
    %dma_wait3A_2579 = arith.constant 0 : i32
    %dma_wait3A_2580 = tpu.memref_slice %arg12[%dma_wait3A_2573, %dma_wait3A_2574, %dma_wait3A_2579] : memref<2x64x16xi32, #tpu.memory_space<vmem>> -> memref<1x1x16xi32, #tpu.memory_space<vmem>>
    %dma_wait3A_2581 = tpu.memref_squeeze %dma_wait3A_2580 : memref<1x1x16xi32, #tpu.memory_space<vmem>> -> memref<16xi32, #tpu.memory_space<vmem>>
    %dma_wait3A_2582 = arith.constant 0 : i32
    %dma_wait3A_2583 = arith.constant 0 : i32
    %dma_wait3A_2584 = tpu.memref_slice %arg6[%dma_wait3A_2582, %dma_wait3A_2583] : memref<65536x1024xf32, #tpu.memory_space<hbm>> -> memref<65536x1024xf32, #tpu.memory_space<hbm>>
    tpu.wait_indirect_dma semaphore(%arg21 : memref<!tpu.dma_semaphore, #tpu.memory_space<semaphore_mem>>) src(%dma_wait3A_2578 : memref<16x1024xf32, #tpu.memory_space<vmem>>) dst(%dma_wait3A_2584 : memref<65536x1024xf32, #tpu.memory_space<hbm>>)
    %dma_wait3A_2585 = arith.constant 2 : i32
    %dma_wait3A_2586 = arith.constant 0 : i32
    %dma_wait3A_2587 = arith.constant 0 : i32
    %dma_wait3A_2588 = arith.constant 0 : i32
    %dma_wait3A_2589 = arith.constant 0 : i32
    %dma_wait3A_2590 = tpu.memref_slice %arg7[%dma_wait3A_2585, %dma_wait3A_2588, %dma_wait3A_2589] : memref<6x16x1024xf32, #tpu.memory_space<vmem>> -> memref<1x16x1024xf32, #tpu.memory_space<vmem>>
    %dma_wait3A_2591 = tpu.memref_squeeze %dma_wait3A_2590 : memref<1x16x1024xf32, #tpu.memory_space<vmem>> -> memref<16x1024xf32, #tpu.memory_space<vmem>>
    %dma_wait3A_2592 = arith.constant 0 : i32
    %dma_wait3A_2593 = tpu.memref_slice %arg12[%dma_wait3A_2586, %dma_wait3A_2587, %dma_wait3A_2592] : memref<2x64x16xi32, #tpu.memory_space<vmem>> -> memref<1x1x16xi32, #tpu.memory_space<vmem>>
    %dma_wait3A_2594 = tpu.memref_squeeze %dma_wait3A_2593 : memref<1x1x16xi32, #tpu.memory_space<vmem>> -> memref<16xi32, #tpu.memory_space<vmem>>
    %dma_wait3A_2595 = arith.constant 0 : i32
    %dma_wait3A_2596 = arith.constant 0 : i32
    %dma_wait3A_2597 = tpu.memref_slice %arg6[%dma_wait3A_2595, %dma_wait3A_2596] : memref<65536x1024xf32, #tpu.memory_space<hbm>> -> memref<65536x1024xf32, #tpu.memory_space<hbm>>
    tpu.wait_indirect_dma semaphore(%arg22 : memref<!tpu.dma_semaphore, #tpu.memory_space<semaphore_mem>>) src(%dma_wait3A_2591 : memref<16x1024xf32, #tpu.memory_space<vmem>>) dst(%dma_wait3A_2597 : memref<65536x1024xf32, #tpu.memory_space<hbm>>)
    %dma_wait3A_2598 = arith.constant 2 : i32
    %dma_wait3A_2599 = arith.constant 0 : i32
    %dma_wait3A_2600 = arith.constant 0 : i32
    %dma_wait3A_2601 = arith.constant 0 : i32
    %dma_wait3A_2602 = arith.constant 0 : i32
    %dma_wait3A_2603 = tpu.memref_slice %arg7[%dma_wait3A_2598, %dma_wait3A_2601, %dma_wait3A_2602] : memref<6x16x1024xf32, #tpu.memory_space<vmem>> -> memref<1x16x1024xf32, #tpu.memory_space<vmem>>
    %dma_wait3A_2604 = tpu.memref_squeeze %dma_wait3A_2603 : memref<1x16x1024xf32, #tpu.memory_space<vmem>> -> memref<16x1024xf32, #tpu.memory_space<vmem>>
    %dma_wait3A_2605 = arith.constant 0 : i32
    %dma_wait3A_2606 = tpu.memref_slice %arg12[%dma_wait3A_2599, %dma_wait3A_2600, %dma_wait3A_2605] : memref<2x64x16xi32, #tpu.memory_space<vmem>> -> memref<1x1x16xi32, #tpu.memory_space<vmem>>
    %dma_wait3A_2607 = tpu.memref_squeeze %dma_wait3A_2606 : memref<1x1x16xi32, #tpu.memory_space<vmem>> -> memref<16xi32, #tpu.memory_space<vmem>>
    %dma_wait3A_2608 = arith.constant 0 : i32
    %dma_wait3A_2609 = arith.constant 0 : i32
    %dma_wait3A_2610 = tpu.memref_slice %arg6[%dma_wait3A_2608, %dma_wait3A_2609] : memref<65536x1024xf32, #tpu.memory_space<hbm>> -> memref<65536x1024xf32, #tpu.memory_space<hbm>>
    tpu.wait_indirect_dma semaphore(%arg22 : memref<!tpu.dma_semaphore, #tpu.memory_space<semaphore_mem>>) src(%dma_wait3A_2604 : memref<16x1024xf32, #tpu.memory_space<vmem>>) dst(%dma_wait3A_2610 : memref<65536x1024xf32, #tpu.memory_space<hbm>>)
    %dma_wait3A_2611 = arith.constant 3 : i32
    %dma_wait3A_2612 = arith.constant 0 : i32
    %dma_wait3A_2613 = arith.constant 0 : i32
    %dma_wait3A_2614 = arith.constant 0 : i32
    %dma_wait3A_2615 = arith.constant 0 : i32
    %dma_wait3A_2616 = tpu.memref_slice %arg7[%dma_wait3A_2611, %dma_wait3A_2614, %dma_wait3A_2615] : memref<6x16x1024xf32, #tpu.memory_space<vmem>> -> memref<1x16x1024xf32, #tpu.memory_space<vmem>>
    %dma_wait3A_2617 = tpu.memref_squeeze %dma_wait3A_2616 : memref<1x16x1024xf32, #tpu.memory_space<vmem>> -> memref<16x1024xf32, #tpu.memory_space<vmem>>
    %dma_wait3A_2618 = arith.constant 0 : i32
    %dma_wait3A_2619 = tpu.memref_slice %arg12[%dma_wait3A_2612, %dma_wait3A_2613, %dma_wait3A_2618] : memref<2x64x16xi32, #tpu.memory_space<vmem>> -> memref<1x1x16xi32, #tpu.memory_space<vmem>>
    %dma_wait3A_2620 = tpu.memref_squeeze %dma_wait3A_2619 : memref<1x1x16xi32, #tpu.memory_space<vmem>> -> memref<16xi32, #tpu.memory_space<vmem>>
    %dma_wait3A_2621 = arith.constant 0 : i32
    %dma_wait3A_2622 = arith.constant 0 : i32
    %dma_wait3A_2623 = tpu.memref_slice %arg6[%dma_wait3A_2621, %dma_wait3A_2622] : memref<65536x1024xf32, #tpu.memory_space<hbm>> -> memref<65536x1024xf32, #tpu.memory_space<hbm>>
    tpu.wait_indirect_dma semaphore(%arg23 : memref<!tpu.dma_semaphore, #tpu.memory_space<semaphore_mem>>) src(%dma_wait3A_2617 : memref<16x1024xf32, #tpu.memory_space<vmem>>) dst(%dma_wait3A_2623 : memref<65536x1024xf32, #tpu.memory_space<hbm>>)
    %dma_wait3A_2624 = arith.constant 3 : i32
    %dma_wait3A_2625 = arith.constant 0 : i32
    %dma_wait3A_2626 = arith.constant 0 : i32
    %dma_wait3A_2627 = arith.constant 0 : i32
    %dma_wait3A_2628 = arith.constant 0 : i32
    %dma_wait3A_2629 = tpu.memref_slice %arg7[%dma_wait3A_2624, %dma_wait3A_2627, %dma_wait3A_2628] : memref<6x16x1024xf32, #tpu.memory_space<vmem>> -> memref<1x16x1024xf32, #tpu.memory_space<vmem>>
    %dma_wait3A_2630 = tpu.memref_squeeze %dma_wait3A_2629 : memref<1x16x1024xf32, #tpu.memory_space<vmem>> -> memref<16x1024xf32, #tpu.memory_space<vmem>>
    %dma_wait3A_2631 = arith.constant 0 : i32
    %dma_wait3A_2632 = tpu.memref_slice %arg12[%dma_wait3A_2625, %dma_wait3A_2626, %dma_wait3A_2631] : memref<2x64x16xi32, #tpu.memory_space<vmem>> -> memref<1x1x16xi32, #tpu.memory_space<vmem>>
    %dma_wait3A_2633 = tpu.memref_squeeze %dma_wait3A_2632 : memref<1x1x16xi32, #tpu.memory_space<vmem>> -> memref<16xi32, #tpu.memory_space<vmem>>
    %dma_wait3A_2634 = arith.constant 0 : i32
    %dma_wait3A_2635 = arith.constant 0 : i32
    %dma_wait3A_2636 = tpu.memref_slice %arg6[%dma_wait3A_2634, %dma_wait3A_2635] : memref<65536x1024xf32, #tpu.memory_space<hbm>> -> memref<65536x1024xf32, #tpu.memory_space<hbm>>
    tpu.wait_indirect_dma semaphore(%arg23 : memref<!tpu.dma_semaphore, #tpu.memory_space<semaphore_mem>>) src(%dma_wait3A_2630 : memref<16x1024xf32, #tpu.memory_space<vmem>>) dst(%dma_wait3A_2636 : memref<65536x1024xf32, #tpu.memory_space<hbm>>)
    %dma_wait3A_2637 = arith.constant 4 : i32
    %dma_wait3A_2638 = arith.constant 0 : i32
    %dma_wait3A_2639 = arith.constant 0 : i32
    %dma_wait3A_2640 = arith.constant 0 : i32
    %dma_wait3A_2641 = arith.constant 0 : i32
    %dma_wait3A_2642 = tpu.memref_slice %arg7[%dma_wait3A_2637, %dma_wait3A_2640, %dma_wait3A_2641] : memref<6x16x1024xf32, #tpu.memory_space<vmem>> -> memref<1x16x1024xf32, #tpu.memory_space<vmem>>
    %dma_wait3A_2643 = tpu.memref_squeeze %dma_wait3A_2642 : memref<1x16x1024xf32, #tpu.memory_space<vmem>> -> memref<16x1024xf32, #tpu.memory_space<vmem>>
    %dma_wait3A_2644 = arith.constant 0 : i32
    %dma_wait3A_2645 = tpu.memref_slice %arg12[%dma_wait3A_2638, %dma_wait3A_2639, %dma_wait3A_2644] : memref<2x64x16xi32, #tpu.memory_space<vmem>> -> memref<1x1x16xi32, #tpu.memory_space<vmem>>
    %dma_wait3A_2646 = tpu.memref_squeeze %dma_wait3A_2645 : memref<1x1x16xi32, #tpu.memory_space<vmem>> -> memref<16xi32, #tpu.memory_space<vmem>>
    %dma_wait3A_2647 = arith.constant 0 : i32
    %dma_wait3A_2648 = arith.constant 0 : i32
    %dma_wait3A_2649 = tpu.memref_slice %arg6[%dma_wait3A_2647, %dma_wait3A_2648] : memref<65536x1024xf32, #tpu.memory_space<hbm>> -> memref<65536x1024xf32, #tpu.memory_space<hbm>>
    tpu.wait_indirect_dma semaphore(%arg24 : memref<!tpu.dma_semaphore, #tpu.memory_space<semaphore_mem>>) src(%dma_wait3A_2643 : memref<16x1024xf32, #tpu.memory_space<vmem>>) dst(%dma_wait3A_2649 : memref<65536x1024xf32, #tpu.memory_space<hbm>>)
    %dma_wait3A_2650 = arith.constant 4 : i32
    %dma_wait3A_2651 = arith.constant 0 : i32
    %dma_wait3A_2652 = arith.constant 0 : i32
    %dma_wait3A_2653 = arith.constant 0 : i32
    %dma_wait3A_2654 = arith.constant 0 : i32
    %dma_wait3A_2655 = tpu.memref_slice %arg7[%dma_wait3A_2650, %dma_wait3A_2653, %dma_wait3A_2654] : memref<6x16x1024xf32, #tpu.memory_space<vmem>> -> memref<1x16x1024xf32, #tpu.memory_space<vmem>>
    %dma_wait3A_2656 = tpu.memref_squeeze %dma_wait3A_2655 : memref<1x16x1024xf32, #tpu.memory_space<vmem>> -> memref<16x1024xf32, #tpu.memory_space<vmem>>
    %dma_wait3A_2657 = arith.constant 0 : i32
    %dma_wait3A_2658 = tpu.memref_slice %arg12[%dma_wait3A_2651, %dma_wait3A_2652, %dma_wait3A_2657] : memref<2x64x16xi32, #tpu.memory_space<vmem>> -> memref<1x1x16xi32, #tpu.memory_space<vmem>>
    %dma_wait3A_2659 = tpu.memref_squeeze %dma_wait3A_2658 : memref<1x1x16xi32, #tpu.memory_space<vmem>> -> memref<16xi32, #tpu.memory_space<vmem>>
    %dma_wait3A_2660 = arith.constant 0 : i32
    %dma_wait3A_2661 = arith.constant 0 : i32
    %dma_wait3A_2662 = tpu.memref_slice %arg6[%dma_wait3A_2660, %dma_wait3A_2661] : memref<65536x1024xf32, #tpu.memory_space<hbm>> -> memref<65536x1024xf32, #tpu.memory_space<hbm>>
    tpu.wait_indirect_dma semaphore(%arg24 : memref<!tpu.dma_semaphore, #tpu.memory_space<semaphore_mem>>) src(%dma_wait3A_2656 : memref<16x1024xf32, #tpu.memory_space<vmem>>) dst(%dma_wait3A_2662 : memref<65536x1024xf32, #tpu.memory_space<hbm>>)
    %dma_wait3A_2663 = arith.constant 5 : i32
    %dma_wait3A_2664 = arith.constant 0 : i32
    %dma_wait3A_2665 = arith.constant 0 : i32
    %dma_wait3A_2666 = arith.constant 0 : i32
    %dma_wait3A_2667 = arith.constant 0 : i32
    %dma_wait3A_2668 = tpu.memref_slice %arg7[%dma_wait3A_2663, %dma_wait3A_2666, %dma_wait3A_2667] : memref<6x16x1024xf32, #tpu.memory_space<vmem>> -> memref<1x16x1024xf32, #tpu.memory_space<vmem>>
    %dma_wait3A_2669 = tpu.memref_squeeze %dma_wait3A_2668 : memref<1x16x1024xf32, #tpu.memory_space<vmem>> -> memref<16x1024xf32, #tpu.memory_space<vmem>>
    %dma_wait3A_2670 = arith.constant 0 : i32
    %dma_wait3A_2671 = tpu.memref_slice %arg12[%dma_wait3A_2664, %dma_wait3A_2665, %dma_wait3A_2670] : memref<2x64x16xi32, #tpu.memory_space<vmem>> -> memref<1x1x16xi32, #tpu.memory_space<vmem>>
    %dma_wait3A_2672 = tpu.memref_squeeze %dma_wait3A_2671 : memref<1x1x16xi32, #tpu.memory_space<vmem>> -> memref<16xi32, #tpu.memory_space<vmem>>
    %dma_wait3A_2673 = arith.constant 0 : i32
    %dma_wait3A_2674 = arith.constant 0 : i32
    %dma_wait3A_2675 = tpu.memref_slice %arg6[%dma_wait3A_2673, %dma_wait3A_2674] : memref<65536x1024xf32, #tpu.memory_space<hbm>> -> memref<65536x1024xf32, #tpu.memory_space<hbm>>
    tpu.wait_indirect_dma semaphore(%arg25 : memref<!tpu.dma_semaphore, #tpu.memory_space<semaphore_mem>>) src(%dma_wait3A_2669 : memref<16x1024xf32, #tpu.memory_space<vmem>>) dst(%dma_wait3A_2675 : memref<65536x1024xf32, #tpu.memory_space<hbm>>)
    %dma_wait3A_2676 = arith.constant 5 : i32
    %dma_wait3A_2677 = arith.constant 0 : i32
    %dma_wait3A_2678 = arith.constant 0 : i32
    %dma_wait3A_2679 = arith.constant 0 : i32
    %dma_wait3A_2680 = arith.constant 0 : i32
    %dma_wait3A_2681 = tpu.memref_slice %arg7[%dma_wait3A_2676, %dma_wait3A_2679, %dma_wait3A_2680] : memref<6x16x1024xf32, #tpu.memory_space<vmem>> -> memref<1x16x1024xf32, #tpu.memory_space<vmem>>
    %dma_wait3A_2682 = tpu.memref_squeeze %dma_wait3A_2681 : memref<1x16x1024xf32, #tpu.memory_space<vmem>> -> memref<16x1024xf32, #tpu.memory_space<vmem>>
    %dma_wait3A_2683 = arith.constant 0 : i32
    %dma_wait3A_2684 = tpu.memref_slice %arg12[%dma_wait3A_2677, %dma_wait3A_2678, %dma_wait3A_2683] : memref<2x64x16xi32, #tpu.memory_space<vmem>> -> memref<1x1x16xi32, #tpu.memory_space<vmem>>
    %dma_wait3A_2685 = tpu.memref_squeeze %dma_wait3A_2684 : memref<1x1x16xi32, #tpu.memory_space<vmem>> -> memref<16xi32, #tpu.memory_space<vmem>>
    %dma_wait3A_2686 = arith.constant 0 : i32
    %dma_wait3A_2687 = arith.constant 0 : i32
    %dma_wait3A_2688 = tpu.memref_slice %arg6[%dma_wait3A_2686, %dma_wait3A_2687] : memref<65536x1024xf32, #tpu.memory_space<hbm>> -> memref<65536x1024xf32, #tpu.memory_space<hbm>>
    tpu.wait_indirect_dma semaphore(%arg25 : memref<!tpu.dma_semaphore, #tpu.memory_space<semaphore_mem>>) src(%dma_wait3A_2682 : memref<16x1024xf32, #tpu.memory_space<vmem>>) dst(%dma_wait3A_2688 : memref<65536x1024xf32, #tpu.memory_space<hbm>>)
    return
  }
}

module attributes {stable_mosaic.version = 14 : i64} {
  func.func @_routing_body(%arg0: i32, %arg1: memref<64x2048xf32, #tpu.memory_space<vmem>>, %arg2: memref<2048xi32, #tpu.memory_space<vmem>>, %arg3: memref<2048xi32, #tpu.memory_space<vmem>>, %arg4: memref<64xi32, #tpu.memory_space<vmem>>, %arg5: memref<64x1xf32, #tpu.memory_space<vmem>>, %arg6: memref<2048x2048xbf16, #tpu.memory_space<vmem>>) attributes {dimension_semantics = [#tpu.dimension_semantics<arbitrary>], iteration_bounds = array<i64: 16>, scalar_prefetch = 0 : i64, scratch_operands = 2 : i64, tpu.core_type = #tpu.core_type<tc>, window_params = [{transform_indices = @transform_0, window_bounds = array<i64: 64, 2048>}, {transform_indices = @transform_1, window_bounds = array<i64: 2048>}, {transform_indices = @transform_2, window_bounds = array<i64: 2048>}, {pipeline_mode = #tpu.pipeline_mode<synchronous>, transform_indices = @transform_3, window_bounds = array<i64: 64>}]} {
    %eq3A = arith.constant 0 : i32
    %eq3A_0 = arith.cmpi eq, %arg0, %eq3A : i32
    %convert_element_type3A = arith.extui %eq3A_0 : i1 to i32
    %cond3A = arith.constant 0 : i32
    %cond3A_1 = arith.cmpi ne, %convert_element_type3A, %cond3A : i32
    scf.if %cond3A_1 {
      %broadcast_in_dim3A_73 = arith.constant 0.000000e+00 : f32
      %broadcast_in_dim3A_74 = vector.broadcast %broadcast_in_dim3A_73 : f32 to vector<64x1xf32>
      %swap3A_75 = arith.constant 0 : index
      %swap3A_76 = arith.constant 0 : index
      %swap3A_77 = vector.load %arg5[%swap3A_75, %swap3A_76] : memref<64x1xf32, #tpu.memory_space<vmem>>, vector<64x1xf32>
      tpu.vector_store %arg5[%swap3A_75, %swap3A_76], %broadcast_in_dim3A_74 {strides = array<i32>} : memref<64x1xf32, #tpu.memory_space<vmem>>, vector<64x1xf32>,
      %iota3A_78 = tpu.iota {dimensions = array<i32: 0>} : vector<2048x2048xi32>
      %iota3A_79 = tpu.iota {dimensions = array<i32: 1>} : vector<2048x2048xi32>
      %lt3A = arith.cmpi slt, %iota3A_78, %iota3A_79 : vector<2048x2048xi32>
      %convert_element_type3A_80 = arith.extui %lt3A : vector<2048x2048xi1> to vector<2048x2048xi32>
      %convert_element_type3A_81 = arith.sitofp %convert_element_type3A_80 : vector<2048x2048xi32> to vector<2048x2048xf32>
      %convert_element_type3A_82 = arith.truncf %convert_element_type3A_81 : vector<2048x2048xf32> to vector<2048x2048xbf16>
      %swap3A_83 = arith.constant 0 : index
      %swap3A_84 = arith.constant 0 : index
      %swap3A_85 = vector.load %arg6[%swap3A_83, %swap3A_84] : memref<2048x2048xbf16, #tpu.memory_space<vmem>>, vector<2048x2048xbf16>
      tpu.vector_store %arg6[%swap3A_83, %swap3A_84], %convert_element_type3A_82 {strides = array<i32>} : memref<2048x2048xbf16, #tpu.memory_space<vmem>>, vector<2048x2048xbf16>,
    } else {
    }
    %get3A = arith.constant 0 : index
    %get3A_2 = arith.constant 0 : index
    %get3A_3 = vector.load %arg1[%get3A, %get3A_2] : memref<64x2048xf32, #tpu.memory_space<vmem>>, vector<64x2048xf32>
    %iota3A = tpu.iota {dimensions = array<i32: 0>} : vector<64x2048xi32>
    %reduce_max3A = arith.constant dense<0xFF800000> : vector<2048xf32>
    %reduce_max3A_4 = vector.multi_reduction <maximumf>, %get3A_3, %reduce_max3A [0] : vector<64x2048xf32> to vector<2048xf32>
    %broadcast_in_dim3A = vector.shape_cast %reduce_max3A_4 : vector<2048xf32> to vector<1x2048xf32>
    %eq3A_5 = vector.broadcast %broadcast_in_dim3A : vector<1x2048xf32> to vector<64x2048xf32>
    %eq3A_6 = arith.cmpf oeq, %get3A_3, %eq3A_5 : vector<64x2048xf32>
    %jit3A = arith.constant 64 : i32
    %broadcast_in_dim3A_7 = vector.broadcast %jit3A : i32 to vector<64x2048xi32>
    %select_n3A = arith.select %eq3A_6, %iota3A, %broadcast_in_dim3A_7 : vector<64x2048xi1>, vector<64x2048xi32>
    %reduce_min3A = arith.constant dense<2147483647> : vector<2048xi32>
    %reduce_min3A_8 = vector.multi_reduction <minsi>, %select_n3A, %reduce_min3A [0] : vector<64x2048xi32> to vector<2048xi32>
    %broadcast_in_dim3A_9 = vector.shape_cast %reduce_min3A_8 : vector<2048xi32> to vector<1x2048xi32>
    %eq3A_10 = vector.broadcast %broadcast_in_dim3A_9 : vector<1x2048xi32> to vector<64x2048xi32>
    %eq3A_11 = arith.cmpi eq, %iota3A, %eq3A_10 : vector<64x2048xi32>
    %jit3A_12 = arith.constant -1.000000e+30 : f32
    %broadcast_in_dim3A_13 = vector.broadcast %jit3A_12 : f32 to vector<64x2048xf32>
    %select_n3A_14 = arith.select %eq3A_11, %broadcast_in_dim3A_13, %get3A_3 : vector<64x2048xi1>, vector<64x2048xf32>
    %reduce_max3A_15 = arith.constant dense<0xFF800000> : vector<2048xf32>
    %reduce_max3A_16 = vector.multi_reduction <maximumf>, %select_n3A_14, %reduce_max3A_15 [0] : vector<64x2048xf32> to vector<2048xf32>
    %broadcast_in_dim3A_17 = vector.shape_cast %reduce_max3A_16 : vector<2048xf32> to vector<1x2048xf32>
    %eq3A_18 = vector.broadcast %broadcast_in_dim3A_17 : vector<1x2048xf32> to vector<64x2048xf32>
    %eq3A_19 = arith.cmpf oeq, %select_n3A_14, %eq3A_18 : vector<64x2048xf32>
    %jit3A_20 = arith.constant 64 : i32
    %broadcast_in_dim3A_21 = vector.broadcast %jit3A_20 : i32 to vector<64x2048xi32>
    %select_n3A_22 = arith.select %eq3A_19, %iota3A, %broadcast_in_dim3A_21 : vector<64x2048xi1>, vector<64x2048xi32>
    %reduce_min3A_23 = arith.constant dense<2147483647> : vector<2048xi32>
    %reduce_min3A_24 = vector.multi_reduction <minsi>, %select_n3A_22, %reduce_min3A_23 [0] : vector<64x2048xi32> to vector<2048xi32>
    %broadcast_in_dim3A_25 = vector.shape_cast %reduce_min3A_24 : vector<2048xi32> to vector<1x2048xi32>
    %eq3A_26 = vector.broadcast %broadcast_in_dim3A_25 : vector<1x2048xi32> to vector<64x2048xi32>
    %eq3A_27 = arith.cmpi eq, %iota3A, %eq3A_26 : vector<64x2048xi32>
    %or3A = arith.ori %eq3A_11, %eq3A_27 : vector<64x2048xi1>
    %convert_element_type3A_28 = arith.extui %or3A : vector<64x2048xi1> to vector<64x2048xi32>
    %convert_element_type3A_29 = arith.sitofp %convert_element_type3A_28 : vector<64x2048xi32> to vector<64x2048xf32>
    %convert_element_type3A_30 = arith.truncf %convert_element_type3A_29 : vector<64x2048xf32> to vector<64x2048xbf16>
    %get3A_31 = arith.constant 0 : index
    %get3A_32 = arith.constant 0 : index
    %get3A_33 = vector.load %arg6[%get3A_31, %get3A_32] : memref<2048x2048xbf16, #tpu.memory_space<vmem>>, vector<2048x2048xbf16>
    %dot_general3A = arith.constant dense<0.000000e+00> : vector<64x2048xf32>
    %dot_general3A_34 = tpu.matmul %convert_element_type3A_30, %get3A_33, %dot_general3A {dimension_numbers = #tpu.dot_dimension_numbers<[1], [0], [0], [1], [0, 0, 1, 1], [], []>, transpose_lhs_hint = false} : vector<64x2048xbf16>, vector<2048x2048xbf16>, vector<64x2048xf32> -> vector<64x2048xf32>
    %get3A_35 = arith.constant 0 : index
    %get3A_36 = arith.constant 0 : index
    %get3A_37 = vector.load %arg5[%get3A_35, %get3A_36] : memref<64x1xf32, #tpu.memory_space<vmem>>, vector<64x1xf32>
    %add3A = vector.broadcast %get3A_37 : vector<64x1xf32> to vector<64x2048xf32>
    %add3A_38 = arith.addf %dot_general3A_34, %add3A : vector<64x2048xf32>
    %convert_element_type3A_39 = arith.fptosi %add3A_38 : vector<64x2048xf32> to vector<64x2048xi32>
    %jit3A_40 = arith.constant 0 : i32
    %broadcast_in_dim3A_41 = vector.broadcast %jit3A_40 : i32 to vector<64x2048xi32>
    %select_n3A_42 = arith.select %eq3A_11, %convert_element_type3A_39, %broadcast_in_dim3A_41 : vector<64x2048xi1>, vector<64x2048xi32>
    %shift_left3A = arith.constant 15 : i32
    %shift_left3A_43 = vector.broadcast %shift_left3A : i32 to vector<64x2048xi32>
    %shift_left3A_44 = arith.shli %convert_element_type3A_39, %shift_left3A_43 : vector<64x2048xi32>
    %jit3A_45 = arith.constant 0 : i32
    %broadcast_in_dim3A_46 = vector.broadcast %jit3A_45 : i32 to vector<64x2048xi32>
    %select_n3A_47 = arith.select %eq3A_27, %shift_left3A_44, %broadcast_in_dim3A_46 : vector<64x2048xi1>, vector<64x2048xi32>
    %add3A_48 = arith.addi %select_n3A_42, %select_n3A_47 : vector<64x2048xi32>
    %reduce_sum3A = arith.constant dense<0> : vector<2048xi32>
    %reduce_sum3A_49 = vector.multi_reduction <add>, %add3A_48, %reduce_sum3A [0] : vector<64x2048xi32> to vector<2048xi32>
    %swap3A = arith.constant 0 : index
    %swap3A_50 = vector.load %arg3[%swap3A] : memref<2048xi32, #tpu.memory_space<vmem>>, vector<2048xi32>
    tpu.vector_store %arg3[%swap3A], %reduce_sum3A_49 {strides = array<i32>} : memref<2048xi32, #tpu.memory_space<vmem>>, vector<2048xi32>,
    %get3A_51 = arith.constant 0 : index
    %get3A_52 = arith.constant 0 : index
    %get3A_53 = vector.load %arg5[%get3A_51, %get3A_52] : memref<64x1xf32, #tpu.memory_space<vmem>>, vector<64x1xf32>
    %convert_element_type3A_54 = arith.extf %convert_element_type3A_30 : vector<64x2048xbf16> to vector<64x2048xf32>
    %reduce_sum3A_55 = arith.constant dense<0.000000e+00> : vector<64xf32>
    %reduce_sum3A_56 = vector.multi_reduction <add>, %convert_element_type3A_54, %reduce_sum3A_55 [1] : vector<64x2048xf32> to vector<64xf32>
    %broadcast_in_dim3A_57 = vector.shape_cast %reduce_sum3A_56 : vector<64xf32> to vector<64x1xf32>
    %add3A_58 = arith.addf %get3A_53, %broadcast_in_dim3A_57 : vector<64x1xf32>
    %swap3A_59 = arith.constant 0 : index
    %swap3A_60 = arith.constant 0 : index
    %swap3A_61 = vector.load %arg5[%swap3A_59, %swap3A_60] : memref<64x1xf32, #tpu.memory_space<vmem>>, vector<64x1xf32>
    tpu.vector_store %arg5[%swap3A_59, %swap3A_60], %add3A_58 {strides = array<i32>} : memref<64x1xf32, #tpu.memory_space<vmem>>, vector<64x1xf32>,
    %squeeze3A = vector.shape_cast %broadcast_in_dim3A_9 : vector<1x2048xi32> to vector<2048xi32>
    %squeeze3A_62 = vector.shape_cast %broadcast_in_dim3A_25 : vector<1x2048xi32> to vector<2048xi32>
    %shift_left3A_63 = arith.constant 8 : i32
    %shift_left3A_64 = vector.broadcast %shift_left3A_63 : i32 to vector<2048xi32>
    %shift_left3A_65 = arith.shli %squeeze3A_62, %shift_left3A_64 : vector<2048xi32>
    %or3A_66 = arith.ori %squeeze3A, %shift_left3A_65 : vector<2048xi32>
    %swap3A_67 = arith.constant 0 : index
    %swap3A_68 = vector.load %arg2[%swap3A_67] : memref<2048xi32, #tpu.memory_space<vmem>>, vector<2048xi32>
    tpu.vector_store %arg2[%swap3A_67], %or3A_66 {strides = array<i32>} : memref<2048xi32, #tpu.memory_space<vmem>>, vector<2048xi32>,
    %squeeze3A_69 = vector.shape_cast %add3A_58 : vector<64x1xf32> to vector<64xf32>
    %convert_element_type3A_70 = arith.fptosi %squeeze3A_69 : vector<64xf32> to vector<64xi32>
    %swap3A_71 = arith.constant 0 : index
    %swap3A_72 = vector.load %arg4[%swap3A_71] : memref<64xi32, #tpu.memory_space<vmem>>, vector<64xi32>
    tpu.vector_store %arg4[%swap3A_71], %convert_element_type3A_70 {strides = array<i32>} : memref<64xi32, #tpu.memory_space<vmem>>, vector<64xi32>,
    return
  }
  func.func @transform_0(%arg0: i32) -> (i32, i32) {
    %c0_i32 = arith.constant 0 : i32
    %c0_i32_0 = arith.constant 0 : i32
    return %c0_i32, %arg0 : i32, i32
  }
  func.func @transform_1(%arg0: i32) -> i32 {
    %c0_i32 = arith.constant 0 : i32
    return %arg0 : i32
  }
  func.func @transform_2(%arg0: i32) -> i32 {
    %c0_i32 = arith.constant 0 : i32
    return %arg0 : i32
  }
  func.func @transform_3(%arg0: i32) -> i32 {
    %c0_i32 = arith.constant 0 : i32
    %c0_i32_0 = arith.constant 0 : i32
    return %c0_i32 : i32
  }
}

</mosaic_0001>

<sc_bundles>
// kernel: kernel.4.cloned.1.call-start
scs
__scs_entry_jumppad:
0x0: {  	(pc) =	sbr.rel $0x88, $3  }
0x1: {  	(tag) =	ssettag $0x0;
	lr =	simm.s32 $0x1  }
0x2: {  	[smem:$0x3F9F] =	sst lr;
	_ =	strace $0xD0000000  }
0x3: {  	_ = 	snop  }
0x4: {  	_ = 	snop  }
0x5: {  	_ = 	snop  }
0x6: {  	_ = 	snop  }
0x7: {  	_ = 	snop  }
__scs_overlays_trampoline_lowered:
0x8: {  	[smem:$0x3FAE] =	sst s0  }
0x9: {  	[smem:$0x3FAF] =	sst s1  }
0xa: {  	[smem:$0x3FB0] =	sst s2  }
0xb: {  	[smem:$0x3FB1] =	sst s3  }
0xc: {  	[smem:$0x3FB2] =	sst s4  }
0xd: {  	[smem:$0x3FB3] =	sst s5  }
0xe: {  	[smem:$0x3FB4] =	sst s6  }
0xf: {  	[smem:$0x3FB5] =	sst s7  }
0x10: {  	[smem:$0x3FB6] =	sst s8  }
0x11: {  	[smem:$0x3FB7] =	sst s9;
	s0 =	simm.s32 @!p0 $0x0  }
0x12: {  	s1 =	sld [smem:$0x3F9D];
	s0 =	simm.s32 @p0 $0x1  }
0x13: {  	[smem:$0x3FB8] =	sst s0;
	s0 =	simm.s32 @!p1 $0x0  }
0x14: {  	s2 =	sld [smem:$0x3F9C];
	s0 =	simm.s32 @p1 $0x1  }
0x15: {  	[smem:$0x3FB9] =	sst s0;
	s0 =	simm.s32 @!p2 $0x0  }
0x16: {  	s3 =	sld [smem:$0x3FDB];
	s0 =	simm.s32 @p2 $0x1  }
0x17: {  	s4 =	simm.s32 $0x1BF5;
	[smem:$0x3FBB] =	sst s0  }
0x18: {  	s0 =	sld [smem:$0x3F9E];
	_ =	swait.ge [sflag:s4], $0x0  }
0x19: {  	s7 =	sld [smem:$0x3F9F]  }
0x1a: {  	s8 =	sadd.s32 $0xFFFFE003, lr  }
0x1b: {  	s9 =	sadd.s32 $0xFFFFFEF7, lr;
	s5 =	simm.s32 $0xFFFFFFFF;
	p2 =	slt.u32 s8, $0xFFFFF086  }
0x1c: {  	p1 =	slt.u32 s9, $0xF7A;
	s5 =	simm.s32 @!p2 $0x0  }
0x1d: {  	s5 =	simm.s32 @p1 $0x1;
	p0 =	seq.s32 s7, s2  }
0x1e: {  	s7 =	smul.u32 @!p0 $0xF7A, s2;
	p2 =	seq.s32 @!p0 s5, $0x0  }
0x1f: {  	s9 =	smul.u32 $0xF7A, s1;
	s8 =	simm.s32 @!p0 $0x1BF5;
	p2 =	por !p2, p0  }
0x20: {  	[sflag:s8] =	ssyncset.s32 @!p0 $0xFFFFF086;
	s6 =	sadd.s32 @!p0 s3, s7;
	s7 =	simm.s32 @!p0 $0x108  }
0x21: {  	s3 =	sadd.s32 s3, s9;
	s6 =	sadd.s32 @!p0 $0x88, s6;
	s7 =	simm.s32 @p2 $0x1082  }
0x22: {  	[simem:s7], [sflag:s8] =	dma.local @!p0 [hbm:s6], $0xF7A  }
0x23: {  	s9 =	sor.u32 $0xD0000000, s2;
	s6 =	simm.s32 $0x108;
	_ =	swait.ge @!p0 [sflag:s8], $0x0  }
0x24: {  	s3 =	sadd.s32 $0x88, s3;
	s6 =	simm.s32 @!p1 $0x1082;
	[sflag:s4] =	ssyncset.s32 $0xFFFFF086  }
0x25: {  	[simem:s6], [sflag:s4] =	dma.local [hbm:s3], $0xF7A  }
0x26: {  	[smem:$0x3F9F] =	sst s1;
	(tag) =	ssettag s2;
	_ =	strace s9  }
0x27: {  	s1 =	sld [smem:$0x3FAF]  }
0x28: {  	s2 =	sld [smem:$0x3FB0]  }
0x29: {  	s4 =	sld [smem:$0x3FB2]  }
0x2a: {  	p0 =	seq.s32 s5, $0x0;
	s5 =	sld [smem:$0x3FB3]  }
0x2b: {  	s6 =	sld [smem:$0x3FB4]  }
0x2c: {  	s7 =	sld [smem:$0x3FB5]  }
0x2d: {  	s3 =	simm.s32 $0x108;
	s8 =	sld [smem:$0x3FB6]  }
0x2e: {  	s3 =	simm.s32 @!p0 $0x1082;
	s9 =	sld [smem:$0x3FB7]  }
0x2f: {  	lr =	sadd.s32 s0, s3;
	s0 =	sld [smem:$0x3FAE]  }
0x30: {  	s3 =	sld [smem:$0x3FB1]  }
0x31: {  	[smem:$0x3FBA] =	sst s10  }
0x32: {  	s10 =	sld [smem:$0x3FB8];
	_ =	sdelay $0x3  }
0x33: {  	p0 =	seq.s32 s10, $0x1;
	s10 =	sld [smem:$0x3FBA];
	_ =	sdelay $0x3  }
0x34: {  	[smem:$0x3FBA] =	sst s10  }
0x35: {  	s10 =	sld [smem:$0x3FB9];
	_ =	sdelay $0x3  }
0x36: {  	p1 =	seq.s32 s10, $0x1;
	s10 =	sld [smem:$0x3FBA];
	_ =	sdelay $0x3  }
0x37: {  	[smem:$0x3FBA] =	sst s10  }
0x38: {  	s10 =	sld [smem:$0x3FBB]  }
0x39: {  	_ = 	snop;
	(pc) =	sbr.ind lr, $3  }
0x3a: {  	_ = 	snop  }
0x3b: {  	_ = 	snop  }
0x3c: {  	p2 =	seq.s32 s10, $0x1;
	s10 =	sld [smem:$0x3FBA]  }
0x3d: {  	_ =	shalt  }
0x3e: {  	_ =	shalt  }
0x3f: {  	_ =	shalt  }
0x40: {  	_ =	shalt  }
0x41: {  	_ =	shalt  }
0x42: {  	_ =	shalt  }
0x43: {  	_ =	shalt  }
0x44: {  	_ =	shalt  }
0x45: {  	_ =	shalt  }
0x46: {  	_ =	shalt  }
0x47: {  	_ =	shalt  }
0x48: {  	_ =	shalt  }
0x49: {  	_ =	shalt  }
0x4a: {  	_ =	shalt  }
0x4b: {  	_ =	shalt  }
0x4c: {  	_ =	shalt  }
0x4d: {  	_ =	shalt  }
0x4e: {  	_ =	shalt  }
0x4f: {  	_ =	shalt  }
0x50: {  	_ =	shalt  }
0x51: {  	_ =	shalt  }
0x52: {  	_ =	shalt  }
0x53: {  	_ =	shalt  }
0x54: {  	_ =	shalt  }
0x55: {  	_ =	shalt  }
0x56: {  	_ =	shalt  }
0x57: {  	_ =	shalt  }
0x58: {  	_ =	shalt  }
0x59: {  	_ =	shalt  }
0x5a: {  	_ =	shalt  }
0x5b: {  	_ =	shalt  }
0x5c: {  	_ =	shalt  }
0x5d: {  	_ =	shalt  }
0x5e: {  	_ =	shalt  }
0x5f: {  	_ =	shalt  }
0x60: {  	_ =	shalt  }
0x61: {  	_ =	shalt  }
0x62: {  	_ =	shalt  }
0x63: {  	_ =	shalt  }
0x64: {  	_ =	shalt  }
0x65: {  	_ =	shalt  }
0x66: {  	_ =	shalt  }
0x67: {  	_ =	shalt  }
0x68: {  	_ =	shalt  }
0x69: {  	_ =	shalt  }
0x6a: {  	_ =	shalt  }
0x6b: {  	_ =	shalt  }
0x6c: {  	_ =	shalt  }
0x6d: {  	_ =	shalt  }
0x6e: {  	_ =	shalt  }
0x6f: {  	_ =	shalt  }
0x70: {  	_ =	shalt  }
0x71: {  	_ =	shalt  }
0x72: {  	_ =	shalt  }
0x73: {  	_ =	shalt  }
0x74: {  	_ =	shalt  }
0x75: {  	_ =	shalt  }
0x76: {  	_ =	shalt  }
0x77: {  	_ =	shalt  }
0x78: {  	_ =	shalt  }
0x79: {  	_ =	shalt  }
0x7a: {  	_ =	shalt  }
0x7b: {  	_ =	shalt  }
0x7c: {  	_ =	shalt  }
0x7d: {  	_ =	shalt  }
0x7e: {  	_ =	shalt  }
0x7f: {  	_ =	shalt  }
0x80: {  	_ =	shalt  }
0x81: {  	_ =	shalt  }
0x82: {  	_ =	shalt  }
0x83: {  	_ =	shalt  }
0x84: {  	_ =	shalt  }
0x85: {  	_ =	shalt  }
0x86: {  	_ =	shalt  }
0x87: {  	_ =	shalt  }
.Lfunc_end0:
.L_simem_size_0:
called_computation_lowered:
.L_overlay_start_0:
0x88: {  	s2 =	sld [smem:$0x3FD9]  }
0x89: {  	s3 =	sld [smem:$0x3FFE];
	_ =	sdelay $0x1  }
0x8a: {  	s1 =	srdreg.scid  }
0x8b: {  	s0 =	sand.u32 $0x1, s1  }
0x8c: {  	s14 =	sshll.u32 s0, $0xA;
	s2 =	sadd.s32 s3, s2  }
0x8d: {  	s2 =	sadd.s32 s2, s14  }
0x8e: {  	[smem:$0x3FC6] =	sst s2  }
0x8f: {  	_ = 	snop  }
0x90: {  	s2 =	sld [smem:$0x3FD0];
	_ =	sdelay $0x2  }
0x91: {  	s4 =	simm.s32 $0xA;
	s5 =	simm.s32 $0x10;
	s15 =	sld [smem:$0x3FC9]  }
0x92: {  	[smem:s5], [sflag:s4] =	dma.local [hbm:s2], $0x1  }
0x93: {  	_ =	swait.eq [sflag:s4], $0x1  }
0x94: {  	[sflag:s4] =	ssyncset.done $0x0  }
0x95: {  	s16 =	sld [smem:$0x10];
	[sflag:s4] =	ssyncadd.s32 $0xFFFFFFFF  }
0x96: {  	s17 =	sld [smem:$0x11];
	(tm) =	ssettm $0x1  }
0x97: {  	s18 =	sld [smem:$0x3FFB];
	_ =	sdelay $0x3  }
0x98: {  	_ =	strace s18  }
0x99: {  	s5 =	sld [smem:$0x3FFC];
	_ =	sdelay $0x3  }
0x9a: {  	_ =	strace s5  }
0x9b: {  	s5 =	sld [smem:$0x3FFD];
	_ =	sdelay $0x3  }
0x9c: {  	_ =	strace s5  }
0x9d: {  	_ =	strace $0x8FFFFFFF  }
0x9e: {  	s19 =	sld [smem:$0x3FDB];
	_ =	sdelay $0x1  }
0x9f: {  	s6 =	simm.s32 $_scs_section_size  }
0xa0: {  	s7 =	simm.s32 $_size__tile_overlayer_lowered;
	s8 =	simm.s32 $_tile_overlayer_lowered  }
0xa1: {  	s22 =	simm.s32 $0x1BFF;
	s21 =	sshll.u32 s8, $0x1;
	s5 =	sadd.s32 s6, s19  }
0xa2: {  	s9 =	simm.s32 $0x0;
	s20 =	sshll.u32 s7, $0x1;
	s7 =	sadd.s32 s21, s5  }
0xa3: {  	[timem:s9], [sflag:s22] =	dma.local [hbm:s7], s20  }
0xa4: {  	_ =	swait.ge [sflag:s22], s20  }
0xa5: {  	s6 =	ssub.s32 $0x0, s20;
	[sflag:s22] =	ssyncset.done $0x0  }
0xa6: {  	[sflag:s22] =	ssyncadd.s32 s6;
	_ =	sdelay $0x1  }
0xa7: {  	s23 =	simm.s32 $0x1B8B  }
0xa8: {  	_ =	swait.ge [sflag:s23], $0x1  }
0xa9: {  	[sflag:s23] =	ssyncset.done $0x0  }
0xaa: {  	s25 =	simm.s32 $0x1B8E;
	s24 =	sld [smem:$0x3FFE];
	[sflag:s23] =	ssyncadd.s32 $0xFFFFFFFF  }
0xab: {  	s26 =	simm.s32 $execute0_lowered;
	[smem:$0x3FD2] =	sst s25  }
0xac: {  	s7 =	sshll.u32 s26, $0x1;
	_ =	strace $0x80000046;
	[dreg:$0x1] =	wrdreg $0xFFFFFFFF  }
0xad: {  	s28 =	simm.s32 $_size_execute0_lowered;
	s5 =	sadd.s32 s5, s7;
	[dreg:$0x0] =	wrdreg $0x0  }
0xae: {  	s7 =	sshll.u32 s28, $0x1;
	[dreg:$0x2] =	wrdreg s5  }
0xaf: {  	[dreg:$0x3] =	wrdreg s7  }
0xb0: {  	[dreg:$0x4] =	wrdreg $0xC0  }
0xb1: {  	_ =	task [dreg:s9], $0x5FFFF  }
0xb2: {  	[dreg:$0x1] =	wrdreg $0xFFFFFFFF  }
0xb3: {  	[dreg:$0x0] =	wrdreg $0x60  }
0xb4: {  	[dreg:$0x2] =	wrdreg s15  }
0xb5: {  	[dreg:$0x3] =	wrdreg s24  }
0xb6: {  	[dreg:$0x4] =	wrdreg s17  }
0xb7: {  	[dreg:$0x5] =	wrdreg s16  }
0xb8: {  	[dreg:$0x6] =	wrdreg $0x9  }
0xb9: {  	_ =	task.clear_ibuf [dreg:s9], $0x7FFFF;
	_ =	strace $0x90000046  }
0xba: {  	s29 =	simm.s32 $0x9;
	_ =	strace $0x80000048  }
0xbb: {  	_ =	swait.ge [sflag:s29], $0x1  }
0xbc: {  	[sflag:s29] =	ssyncadd.s32 $0xFFFFFFFF  }
0xbd: {  	_ =	strace $0x90000048  }
0xbe: {  	_ =	sfence  }
0xbf: {  	s30 =	sld [smem:$0x0];
	_ =	sdelay $0x2  }
0xc0: {  	s31 =	sshll.u32 s1, $0xD;
	s1 =	sshrl.u32 s1, $0x2  }
0xc1: {  	s3 =	sand.u32 $0x4000, s31;
	s1 =	sadd.s32 s1, s30  }
0xc2: {  	s0 =	sor.u32 s3, s0;
	s1 =	sshll.u32 s1, $0x11  }
0xc3: {  	s0 =	sor.u32 s1, s0  }
0xc4: {  	s0 =	sadd.s32 $0x8F2B, s0  }
0xc5: {  	[sflag:s0] =	ssyncadd.remote.s32 $0x1  }
0xc6: {  	_ =	sfence.sel $0xFFFF  }
0xc7: {  	[dreg:$0x0] =	wrdreg $0xFFFFFFFF;
	(pc) =	sbr.abs _section_cstart, $3  }
0xc8: {  	[dreg:$0x1] =	wrdreg $0xFFFFFFFF  }
0xc9: {  	_ =	task.clear_ibuf [dreg:s9], $0x2FFFF;
	_ =	strace $0x9FFFFFFF  }
0xca: {  	(tm) =	ssettm $0x7FFFFFFF  }
0xcb: {  	_ =	shalt  }
tec
execute0_lowered:
.L_overlay_start_1:
0x0: {  	(tag) =	ssettag $0x1  }
0x1: {  	s0 =	rddreg [dreg:$0x0]  }
0x2: {  	s1 =	rddreg [dreg:$0x1]  }
0x3: {  	s3 =	rddreg [dreg:$0x3];
	s2 =	srdreg.scid  }
0x4: {  	s9 =	stileid.u32;
	s4 =	simm.s32 $0x0;
	s2 =	sand.u32 $0x1, s2  }
0x5: {  	s31 =	simm.s32 $0x18880;
	s5 =	sshll.u32 s9, $0xB;
	s6 =	sshll.u32 s2, $0xA  }
0x6: {  	[smem:$0x7FF] =	sst s4;
	s15 =	ssub.s32 $0x2, s2;
	s5 =	sor.u32 s6, s5  }
0x7: {  	s13 =	sadd.s32 $0x100, s3;
	s8 =	sshrl.u32 s15, $0x1;
	s7 =	sshll.u32 s5, $0x7  }
0x8: {  	s14 =	sadd.s32 $0x200, s3;
	s16 =	ssub.s32 s15, s8;
	s7 =	sadd.s32 s0, s7  }
0x9: {  	_ =	strace $0x80000047;
	s30 =	smax.u32 s16, $0x1;
	[dreg:$0x6] =	wrdreg s7  }
0xa: {  	s25 =	sshll.u32 s9, $0x12;
	s17 =	sadd.s32 $0x800, s7;
	[dreg:$0x12] =	wrdreg s30  }
0xb: {  	s9 =	simm.s32 $0x0;
	s18 =	sadd.s32 $0x1000, s7;
	[dreg:$0x7] =	wrdreg s17  }
0xc: {  	s28 =	sshll.u32 s2, $0x11;
	s19 =	sadd.s32 $0x1800, s7;
	[dreg:$0x8] =	wrdreg s18  }
0xd: {  	s5 =	sshrl.u32 s5, $0x3;
	s20 =	sadd.s32 $0x2000, s7;
	[dreg:$0x9] =	wrdreg s19  }
0xe: {  	s1 =	sadd.s32 s5, s1;
	s21 =	sadd.s32 $0x2800, s7;
	[dreg:$0xa] =	wrdreg s20  }
0xf: {  	s2 =	simm.s32 $0x8000;
	s22 =	sadd.s32 $0xC00, s1;
	[dreg:$0xb] =	wrdreg s21  }
0x10: {  	s6 =	simm.s32 $0xC000;
	s1 =	sadd.s32 $0x1C00, s1;
	[dreg:$0xc] =	wrdreg s22  }
0x11: {  	s15 =	sadd.s32 $0x300, s3;
	s23 =	sadd.s32 $0x1E000, s7;
	[dreg:$0xd] =	wrdreg s1  }
0x12: {  	s8 =	simm.s32 $0x3;
	s24 =	sadd.s32 $0x1E800, s7;
	[dreg:$0xe] =	wrdreg s23  }
0x13: {  	s0 =	sadd.s32 s25, s0;
	s26 =	sadd.s32 $0x1F000, s7;
	[dreg:$0xf] =	wrdreg s24  }
0x14: {  	s25 =	simm.s32 $0x14000;
	s29 =	sadd.s32 $0x1F800, s7;
	[dreg:$0x10] =	wrdreg s26  }
0x15: {  	s16 =	simm.s32 $0x7;
	s0 =	sadd.s32 s28, s0;
	[dreg:$0x11] =	wrdreg s29  }
0x16: {  	[dreg:$0x5] =	wrdreg s0;
	s1 =	simm.s32 $0x4000;
	s24 =	simm.s32 $0x10000  }
0x17: {  	v0 =	vlaneseq.u32;
	vm0 =	vmmov $0xffff;
	s0 =	simm.s32 $0x2;
	s19 =	simm.s32 $0x4;
	s26 =	simm.s32 $0x5  }
.LBB2_1:
0x18: {  	[dreg:$0x13] =	wrdreg s9  }
0x19: {  	s5 =	rddreg [dreg:$0x6]  }
0x1a: {  	[tilespmem:s4], [sflag:$0x2] =	stream.linear.gather [hbm4b:s5+s4], $0x4000, $0x38;
	[tilespmem:$0x1C900] =	vst v63  }
0x1b: {  	s11 =	rddreg [dreg:$0x7]  }
0x1c: {  	[tilespmem:s1], [sflag:$0x3] =	stream.linear.gather [hbm4b:s11+s4], $0x4000, $0x38;
	[tilespmem:$0x1C900] =	vst v63  }
0x1d: {  	s12 =	rddreg [dreg:$0x8]  }
0x1e: {  	[tilespmem:s2], [sflag:$0x4] =	stream.linear.gather [hbm4b:s12+s4], $0x4000, $0x38;
	[tilespmem:$0x1C900] =	vst v63  }
0x1f: {  	s17 =	rddreg [dreg:$0x9]  }
0x20: {  	[tilespmem:s6], [sflag:$0x5] =	stream.linear.gather [hbm4b:s17+s4], $0x4000, $0x38;
	[tilespmem:$0x1C900] =	vst v63  }
0x21: {  	s18 =	rddreg [dreg:$0xa]  }
0x22: {  	[tilespmem:s24], [sflag:$0x6] =	stream.linear.gather [hbm4b:s18+s4], $0x4000, $0x38;
	[tilespmem:$0x1C900] =	vst v63  }
0x23: {  	s20 =	rddreg [dreg:$0xb]  }
0x24: {  	[tilespmem:s25], [sflag:$0x7] =	stream.linear.gather [hbm4b:s20+s4], $0x4000, $0x38;
	[tilespmem:$0x1C900] =	vst v63  }
0x25: {  	s21 =	rddreg [dreg:$0x2];
	s17 =	simm.s32 $0x18800  }
0x26: {  	[tilespmem:s17], [sflag:$0x1] =	stream.linear.gather [hbm4b:s21+s4], $0x80, $0x38;
	[tilespmem:$0x1C900] =	vst v63  }
0x27: {  	s22 =	rddreg [dreg:$0xc];
	s23 =	simm.s32 $0x18000  }
0x28: {  	[tilespmem:s23], [sflag:$0x1] =	stream.linear.gather [hbm4b:s22+s4], $0x400, $0x38;
	[tilespmem:$0x1C900] =	vst v63  }
0x29: {  	s28 =	simm.s32 $0x1;
	s24 =	rddreg [dreg:$0xd];
	s25 =	simm.s32 $0x18400  }
0x2a: {  	[tilespmem:s25], [sflag:$0x1] =	stream.linear.gather [hbm4b:s24+s4], $0x400, $0x38;
	[tilespmem:$0x1C900] =	vst v63  }
0x2b: {  	_ =	swait.ge [sflag:s28], $0x80  }
0x2c: {  	[sflag:s28] =	ssyncset.done $0x0  }
0x2d: {  	[sflag:s28] =	ssyncadd.s32 $0xFFFFFF80  }
0x2e: {  	_ =	swait.ge [sflag:s28], $0x400  }
0x2f: {  	[sflag:s28] =	ssyncset.done $0x0  }
0x30: {  	[sflag:s28] =	ssyncadd.s32 $0xFFFFFC00  }
0x31: {  	_ =	swait.ge [sflag:s28], $0x400  }
0x32: {  	[sflag:s28] =	ssyncset.done $0x0  }
0x33: {  	[sflag:s28] =	ssyncadd.s32 $0xFFFFFC00  }
0x34: {  	v1 =	vld [tilespmem:$0x18800];
	_ =	sdelay $0x1  }
0x35: {  	v2 =	vld [tilespmem:$0x18810];
	_ =	sdelay $0x1  }
0x36: {  	v3 =	vld [tilespmem:$0x18820]  }
0x37: {  	v1 =	vcvt.s32.f32 v1;
	_ =	sdelay $0x1  }
0x38: {  	v2 =	vcvt.s32.f32 v2;
	(xrf2) =	vadd.scan.msk.f32 $0xffff, v1;
	_ =	sdelay $0x1  }
0x39: {  	v3 =	vcvt.s32.f32 v3;
	(xrf2) =	vadd.scan.msk.f32 $0xffff, v2;
	_ =	sdelay $0x1  }
0x3a: {  	(xrf2) =	vadd.scan.msk.f32 $0xffff, v3;
	_ =	sdelay $0x5  }
0x3b: {  	v4, _, _ =	vpop (xrf2)  }
0x3c: {  	(v2sf) =	vpush v4, $0xF  }
0x3d: {  	v5, _, _ =	vpop (xrf2)  }
0x3e: {  	v6 =	vld [tilespmem:$0x18830];
	(v2sf) =	vpush v5, $0xF  }
0x3f: {  	v7, _, _ =	vpop (xrf2)  }
0x40: {  	(v2sf) =	vpush v7, $0xF;
	_ =	sdelay $0x2  }
0x41: {  	v6 =	vcvt.s32.f32 v6;
	_ =	sdelay $0x1  }
0x42: {  	(xrf2) =	vadd.scan.msk.f32 $0xffff, v6;
	_ =	sdelay $0x5  }
0x43: {  	s29 =	spop (v2sf)  }
0x44: {  	s17 =	sadd.f32 $0.0e+00, s29  }
0x45: {  	s18 =	spop (v2sf)  }
0x46: {  	v46 =	vld [tilespmem:$0x18000];
	v2 =	vsub.f32 v5, v2;
	s18 =	sadd.f32 s18, s17  }
0x47: {  	v1 =	vsub.f32 v4, v1;
	v3 =	vsub.f32 v7, v3;
	v47, _, _ =	vpop (xrf2);
	s20 =	spop (v2sf)  }
0x48: {  	v4 =	vsub.f32 v47, v6;
	v2 =	vadd.f32 s17, v2;
	s30 =	sadd.f32 s20, s18  }
0x49: {  	v1 =	vtrunc.f32 v1;
	v3 =	vadd.f32 s18, v3  }
0x4a: {  	v1 =	vcvt.f32.s32 v1;
	v2 =	vtrunc.f32 v2;
	v4 =	vadd.f32 s30, v4  }
0x4b: {  	v48 =	vand.u32 $0xFF, v46;
	v2 =	vcvt.f32.s32 v2;
	v3 =	vtrunc.f32 v3  }
0x4c: {  	[tilespmem:$0x18880] =	vst v1;
	v1 =	vcvt.f32.s32 v3;
	v3 =	vtrunc.f32 v4  }
0x4d: {  	[tilespmem:$0x18890] =	vst v2;
	v2 =	vcvt.f32.s32 v3  }
0x4e: {  	[tilespmem:$0x188A0] =	vst v1  }
0x4f: {  	v1 =	vld [tilespmem:$0x18400];
	[tilespmem:$0x188B0] =	vst v2  }
0x50: {  	v2 =	vld.idx.msk [tilespmem:v48+s31+$0x0], $0xffff;
	_ =	sdelay $0x1  }
0x51: {  	v3 =	vshra.s32 v46, $0x8;
	_ =	sdelay $0x1  }
0x52: {  	v50 =	vld [tilespmem:$0x18010];
	v49 =	vand.u32 $0x7FFF, v1  }
0x53: {  	v2 =	vadd.s32 v49, v2  }
0x54: {  	[tilespmem:$0x18900] =	vst v2  }
0x55: {  	v2 =	vld.idx.msk [tilespmem:v3+s31+$0x0], $0xffff;
	_ =	sdelay $0x1  }
0x56: {  	v3 =	vand.u32 $0xFF, v50;
	_ =	sdelay $0x1  }
0x57: {  	v1 =	vshra.s32 v1, $0xF  }
0x58: {  	v1 =	vadd.s32 v1, v2  }
0x59: {  	[tilespmem:$0x1A900] =	vst v1;
	v1 =	vld [tilespmem:$0x18410]  }
0x5a: {  	v2 =	vld.idx.msk [tilespmem:v3+s31+$0x0], $0xffff;
	_ =	sdelay $0x1  }
0x5b: {  	v3 =	vshra.s32 v50, $0x8;
	_ =	sdelay $0x1  }
0x5c: {  	v52 =	vld [tilespmem:$0x18020];
	v51 =	vand.u32 $0x7FFF, v1  }
0x5d: {  	v2 =	vadd.s32 v51, v2  }
0x5e: {  	[tilespmem:$0x18980] =	vst v2  }
0x5f: {  	v2 =	vld.idx.msk [tilespmem:v3+s31+$0x0], $0xffff;
	_ =	sdelay $0x1  }
0x60: {  	v3 =	vand.u32 $0xFF, v52;
	_ =	sdelay $0x1  }
0x61: {  	v1 =	vshra.s32 v1, $0xF  }
0x62: {  	v1 =	vadd.s32 v1, v2  }
0x63: {  	[tilespmem:$0x1A980] =	vst v1;
	v1 =	vld [tilespmem:$0x18420]  }
0x64: {  	v2 =	vld.idx.msk [tilespmem:v3+s31+$0x0], $0xffff;
	_ =	sdelay $0x1  }
0x65: {  	v3 =	vshra.s32 v52, $0x8;
	_ =	sdelay $0x1  }
0x66: {  	v54 =	vld [tilespmem:$0x18030];
	v53 =	vand.u32 $0x7FFF, v1  }
0x67: {  	v2 =	vadd.s32 v53, v2  }
0x68: {  	[tilespmem:$0x18A00] =	vst v2  }
0x69: {  	v2 =	vld.idx.msk [tilespmem:v3+s31+$0x0], $0xffff;
	_ =	sdelay $0x1  }
0x6a: {  	v3 =	vand.u32 $0xFF, v54;
	_ =	sdelay $0x1  }
0x6b: {  	v1 =	vshra.s32 v1, $0xF  }
0x6c: {  	v1 =	vadd.s32 v1, v2  }
0x6d: {  	[tilespmem:$0x1AA00] =	vst v1;
	v1 =	vld [tilespmem:$0x18430]  }
0x6e: {  	v2 =	vld.idx.msk [tilespmem:v3+s31+$0x0], $0xffff;
	_ =	sdelay $0x1  }
0x6f: {  	v3 =	vshra.s32 v54, $0x8;
	_ =	sdelay $0x1  }
0x70: {  	v56 =	vld [tilespmem:$0x18040];
	v55 =	vand.u32 $0x7FFF, v1  }
0x71: {  	v2 =	vadd.s32 v55, v2  }
0x72: {  	[tilespmem:$0x18A80] =	vst v2  }
0x73: {  	v2 =	vld.idx.msk [tilespmem:v3+s31+$0x0], $0xffff;
	_ =	sdelay $0x1  }
0x74: {  	v3 =	vand.u32 $0xFF, v56;
	_ =	sdelay $0x1  }
0x75: {  	v1 =	vshra.s32 v1, $0xF  }
0x76: {  	v1 =	vadd.s32 v1, v2  }
0x77: {  	[tilespmem:$0x1AA80] =	vst v1;
	v1 =	vld [tilespmem:$0x18440]  }
0x78: {  	v2 =	vld.idx.msk [tilespmem:v3+s31+$0x0], $0xffff;
	_ =	sdelay $0x1  }
0x79: {  	v3 =	vshra.s32 v56, $0x8;
	_ =	sdelay $0x1  }
0x7a: {  	v58 =	vld [tilespmem:$0x18050];
	v57 =	vand.u32 $0x7FFF, v1  }
0x7b: {  	v2 =	vadd.s32 v57, v2  }
0x7c: {  	[tilespmem:$0x18B00] =	vst v2  }
0x7d: {  	v2 =	vld.idx.msk [tilespmem:v3+s31+$0x0], $0xffff;
	_ =	sdelay $0x1  }
0x7e: {  	v3 =	vand.u32 $0xFF, v58;
	_ =	sdelay $0x1  }
0x7f: {  	v1 =	vshra.s32 v1, $0xF  }
0x80: {  	v1 =	vadd.s32 v1, v2  }
0x81: {  	[tilespmem:$0x1AB00] =	vst v1;
	v1 =	vld [tilespmem:$0x18450]  }
0x82: {  	v2 =	vld.idx.msk [tilespmem:v3+s31+$0x0], $0xffff;
	_ =	sdelay $0x1  }
0x83: {  	v3 =	vshra.s32 v58, $0x8;
	_ =	sdelay $0x1  }
0x84: {  	v60 =	vld [tilespmem:$0x18060];
	v59 =	vand.u32 $0x7FFF, v1  }
0x85: {  	v2 =	vadd.s32 v59, v2  }
0x86: {  	[tilespmem:$0x18B80] =	vst v2  }
0x87: {  	v2 =	vld.idx.msk [tilespmem:v3+s31+$0x0], $0xffff;
	_ =	sdelay $0x1  }
0x88: {  	v3 =	vand.u32 $0xFF, v60;
	_ =	sdelay $0x1  }
0x89: {  	v1 =	vshra.s32 v1, $0xF  }
0x8a: {  	v1 =	vadd.s32 v1, v2  }
0x8b: {  	[tilespmem:$0x1AB80] =	vst v1;
	v1 =	vld [tilespmem:$0x18460]  }
0x8c: {  	v2 =	vld.idx.msk [tilespmem:v3+s31+$0x0], $0xffff;
	_ =	sdelay $0x1  }
0x8d: {  	v3 =	vshra.s32 v60, $0x8;
	_ =	sdelay $0x1  }
0x8e: {  	v62 =	vld [tilespmem:$0x18070];
	v61 =	vand.u32 $0x7FFF, v1  }
0x8f: {  	v2 =	vadd.s32 v61, v2  }
0x90: {  	[tilespmem:$0x18C00] =	vst v2  }
0x91: {  	v2 =	vld.idx.msk [tilespmem:v3+s31+$0x0], $0xffff;
	_ =	sdelay $0x1  }
0x92: {  	v3 =	vand.u32 $0xFF, v62;
	_ =	sdelay $0x1  }
0x93: {  	v1 =	vshra.s32 v1, $0xF  }
0x94: {  	v1 =	vadd.s32 v1, v2  }
0x95: {  	[tilespmem:$0x1AC00] =	vst v1;
	v1 =	vld [tilespmem:$0x18470]  }
0x96: {  	v2 =	vld.idx.msk [tilespmem:v3+s31+$0x0], $0xffff;
	_ =	sdelay $0x1  }
0x97: {  	v3 =	vshra.s32 v62, $0x8;
	_ =	sdelay $0x1  }
0x98: {  	v8 =	vld [tilespmem:$0x18080];
	v63 =	vand.u32 $0x7FFF, v1  }
0x99: {  	v2 =	vadd.s32 v63, v2  }
0x9a: {  	[tilespmem:$0x18C80] =	vst v2  }
0x9b: {  	v2 =	vld.idx.msk [tilespmem:v3+s31+$0x0], $0xffff;
	_ =	sdelay $0x1  }
0x9c: {  	v3 =	vand.u32 $0xFF, v8;
	_ =	sdelay $0x1  }
0x9d: {  	v1 =	vshra.s32 v1, $0xF  }
0x9e: {  	v1 =	vadd.s32 v1, v2  }
0x9f: {  	[tilespmem:$0x1AC80] =	vst v1;
	v1 =	vld [tilespmem:$0x18480]  }
0xa0: {  	v2 =	vld.idx.msk [tilespmem:v3+s31+$0x0], $0xffff;
	_ =	sdelay $0x1  }
0xa1: {  	v3 =	vshra.s32 v8, $0x8;
	_ =	sdelay $0x1  }
0xa2: {  	v10 =	vld [tilespmem:$0x18090];
	v9 =	vand.u32 $0x7FFF, v1  }
0xa3: {  	v2 =	vadd.s32 v9, v2  }
0xa4: {  	[tilespmem:$0x18D00] =	vst v2  }
0xa5: {  	v2 =	vld.idx.msk [tilespmem:v3+s31+$0x0], $0xffff;
	_ =	sdelay $0x1  }
0xa6: {  	v3 =	vand.u32 $0xFF, v10;
	_ =	sdelay $0x1  }
0xa7: {  	v1 =	vshra.s32 v1, $0xF  }
0xa8: {  	v1 =	vadd.s32 v1, v2  }
0xa9: {  	[tilespmem:$0x1AD00] =	vst v1;
	v1 =	vld [tilespmem:$0x18490]  }
0xaa: {  	v2 =	vld.idx.msk [tilespmem:v3+s31+$0x0], $0xffff;
	_ =	sdelay $0x1  }
0xab: {  	v3 =	vshra.s32 v10, $0x8;
	_ =	sdelay $0x1  }
0xac: {  	v12 =	vld [tilespmem:$0x180A0];
	v11 =	vand.u32 $0x7FFF, v1  }
0xad: {  	v2 =	vadd.s32 v11, v2  }
0xae: {  	[tilespmem:$0x18D80] =	vst v2  }
0xaf: {  	v2 =	vld.idx.msk [tilespmem:v3+s31+$0x0], $0xffff;
	_ =	sdelay $0x1  }
0xb0: {  	v3 =	vand.u32 $0xFF, v12;
	_ =	sdelay $0x1  }
0xb1: {  	v1 =	vshra.s32 v1, $0xF  }
0xb2: {  	v1 =	vadd.s32 v1, v2  }
0xb3: {  	[tilespmem:$0x1AD80] =	vst v1;
	v1 =	vld [tilespmem:$0x184A0]  }
0xb4: {  	v2 =	vld.idx.msk [tilespmem:v3+s31+$0x0], $0xffff;
	_ =	sdelay $0x1  }
0xb5: {  	v3 =	vshra.s32 v12, $0x8;
	_ =	sdelay $0x1  }
0xb6: {  	v14 =	vld [tilespmem:$0x180B0];
	v13 =	vand.u32 $0x7FFF, v1  }
0xb7: {  	v2 =	vadd.s32 v13, v2  }
0xb8: {  	[tilespmem:$0x18E00] =	vst v2  }
0xb9: {  	v2 =	vld.idx.msk [tilespmem:v3+s31+$0x0], $0xffff;
	_ =	sdelay $0x1  }
0xba: {  	v3 =	vand.u32 $0xFF, v14;
	_ =	sdelay $0x1  }
0xbb: {  	v1 =	vshra.s32 v1, $0xF  }
0xbc: {  	v1 =	vadd.s32 v1, v2  }
0xbd: {  	[tilespmem:$0x1AE00] =	vst v1;
	v1 =	vld [tilespmem:$0x184B0]  }
0xbe: {  	v2 =	vld.idx.msk [tilespmem:v3+s31+$0x0], $0xffff;
	_ =	sdelay $0x1  }
0xbf: {  	v3 =	vshra.s32 v14, $0x8;
	_ =	sdelay $0x1  }
0xc0: {  	v16 =	vld [tilespmem:$0x180C0];
	v15 =	vand.u32 $0x7FFF, v1  }
0xc1: {  	v2 =	vadd.s32 v15, v2  }
0xc2: {  	[tilespmem:$0x18E80] =	vst v2  }
0xc3: {  	v2 =	vld.idx.msk [tilespmem:v3+s31+$0x0], $0xffff;
	_ =	sdelay $0x1  }
0xc4: {  	v3 =	vand.u32 $0xFF, v16;
	_ =	sdelay $0x1  }
0xc5: {  	v1 =	vshra.s32 v1, $0xF  }
0xc6: {  	v1 =	vadd.s32 v1, v2  }
0xc7: {  	[tilespmem:$0x1AE80] =	vst v1;
	v1 =	vld [tilespmem:$0x184C0]  }
0xc8: {  	v2 =	vld.idx.msk [tilespmem:v3+s31+$0x0], $0xffff;
	_ =	sdelay $0x1  }
0xc9: {  	v3 =	vshra.s32 v16, $0x8;
	_ =	sdelay $0x1  }
0xca: {  	v18 =	vld [tilespmem:$0x180D0];
	v17 =	vand.u32 $0x7FFF, v1  }
0xcb: {  	v2 =	vadd.s32 v17, v2  }
0xcc: {  	[tilespmem:$0x18F00] =	vst v2  }
0xcd: {  	v2 =	vld.idx.msk [tilespmem:v3+s31+$0x0], $0xffff;
	_ =	sdelay $0x1  }
0xce: {  	v3 =	vand.u32 $0xFF, v18;
	_ =	sdelay $0x1  }
0xcf: {  	v1 =	vshra.s32 v1, $0xF  }
0xd0: {  	v1 =	vadd.s32 v1, v2  }
0xd1: {  	[tilespmem:$0x1AF00] =	vst v1;
	v1 =	vld [tilespmem:$0x184D0]  }
0xd2: {  	v2 =	vld.idx.msk [tilespmem:v3+s31+$0x0], $0xffff;
	_ =	sdelay $0x1  }
0xd3: {  	v3 =	vshra.s32 v18, $0x8;
	_ =	sdelay $0x1  }
0xd4: {  	v20 =	vld [tilespmem:$0x180E0];
	v19 =	vand.u32 $0x7FFF, v1  }
0xd5: {  	v2 =	vadd.s32 v19, v2  }
0xd6: {  	[tilespmem:$0x18F80] =	vst v2  }
0xd7: {  	v2 =	vld.idx.msk [tilespmem:v3+s31+$0x0], $0xffff;
	_ =	sdelay $0x1  }
0xd8: {  	v3 =	vand.u32 $0xFF, v20;
	_ =	sdelay $0x1  }
0xd9: {  	v1 =	vshra.s32 v1, $0xF  }
0xda: {  	v1 =	vadd.s32 v1, v2  }
0xdb: {  	[tilespmem:$0x1AF80] =	vst v1;
	v1 =	vld [tilespmem:$0x184E0]  }
0xdc: {  	v2 =	vld.idx.msk [tilespmem:v3+s31+$0x0], $0xffff;
	_ =	sdelay $0x1  }
0xdd: {  	v3 =	vshra.s32 v20, $0x8;
	_ =	sdelay $0x1  }
0xde: {  	v22 =	vld [tilespmem:$0x180F0];
	v21 =	vand.u32 $0x7FFF, v1  }
0xdf: {  	v2 =	vadd.s32 v21, v2  }
0xe0: {  	[tilespmem:$0x19000] =	vst v2  }
0xe1: {  	v2 =	vld.idx.msk [tilespmem:v3+s31+$0x0], $0xffff;
	_ =	sdelay $0x1  }
0xe2: {  	v3 =	vand.u32 $0xFF, v22;
	_ =	sdelay $0x1  }
0xe3: {  	v1 =	vshra.s32 v1, $0xF  }
0xe4: {  	v1 =	vadd.s32 v1, v2  }
0xe5: {  	[tilespmem:$0x1B000] =	vst v1;
	v1 =	vld [tilespmem:$0x184F0]  }
0xe6: {  	v2 =	vld.idx.msk [tilespmem:v3+s31+$0x0], $0xffff;
	_ =	sdelay $0x1  }
0xe7: {  	v3 =	vshra.s32 v22, $0x8;
	_ =	sdelay $0x1  }
0xe8: {  	v24 =	vld [tilespmem:$0x18100];
	v23 =	vand.u32 $0x7FFF, v1  }
0xe9: {  	v2 =	vadd.s32 v23, v2  }
0xea: {  	[tilespmem:$0x19080] =	vst v2  }
0xeb: {  	v2 =	vld.idx.msk [tilespmem:v3+s31+$0x0], $0xffff;
	_ =	sdelay $0x1  }
0xec: {  	v3 =	vand.u32 $0xFF, v24;
	_ =	sdelay $0x1  }
0xed: {  	v1 =	vshra.s32 v1, $0xF  }
0xee: {  	v1 =	vadd.s32 v1, v2  }
0xef: {  	[tilespmem:$0x1B080] =	vst v1;
	v1 =	vld [tilespmem:$0x18500]  }
0xf0: {  	v2 =	vld.idx.msk [tilespmem:v3+s31+$0x0], $0xffff;
	_ =	sdelay $0x1  }
0xf1: {  	v3 =	vshra.s32 v24, $0x8;
	_ =	sdelay $0x1  }
0xf2: {  	v26 =	vld [tilespmem:$0x18110];
	v25 =	vand.u32 $0x7FFF, v1  }
0xf3: {  	v2 =	vadd.s32 v25, v2  }
0xf4: {  	[tilespmem:$0x19100] =	vst v2  }
0xf5: {  	v2 =	vld.idx.msk [tilespmem:v3+s31+$0x0], $0xffff;
	_ =	sdelay $0x1  }
0xf6: {  	v3 =	vand.u32 $0xFF, v26;
	_ =	sdelay $0x1  }
0xf7: {  	v1 =	vshra.s32 v1, $0xF  }
0xf8: {  	v1 =	vadd.s32 v1, v2  }
0xf9: {  	[tilespmem:$0x1B100] =	vst v1;
	v1 =	vld [tilespmem:$0x18510]  }
0xfa: {  	v2 =	vld.idx.msk [tilespmem:v3+s31+$0x0], $0xffff;
	_ =	sdelay $0x1  }
0xfb: {  	v3 =	vshra.s32 v26, $0x8;
	_ =	sdelay $0x1  }
0xfc: {  	v28 =	vld [tilespmem:$0x18120];
	v27 =	vand.u32 $0x7FFF, v1  }
0xfd: {  	v2 =	vadd.s32 v27, v2  }
0xfe: {  	[tilespmem:$0x19180] =	vst v2  }
0xff: {  	v2 =	vld.idx.msk [tilespmem:v3+s31+$0x0], $0xffff;
	_ =	sdelay $0x1  }
0x100: {  	v3 =	vand.u32 $0xFF, v28;
	_ =	sdelay $0x1  }
0x101: {  	v1 =	vshra.s32 v1, $0xF  }
0x102: {  	v1 =	vadd.s32 v1, v2  }
0x103: {  	[tilespmem:$0x1B180] =	vst v1;
	v1 =	vld [tilespmem:$0x18520]  }
0x104: {  	v2 =	vld.idx.msk [tilespmem:v3+s31+$0x0], $0xffff;
	_ =	sdelay $0x1  }
0x105: {  	v3 =	vshra.s32 v28, $0x8;
	_ =	sdelay $0x1  }
0x106: {  	v30 =	vld [tilespmem:$0x18130];
	v29 =	vand.u32 $0x7FFF, v1  }
0x107: {  	v2 =	vadd.s32 v29, v2  }
0x108: {  	[tilespmem:$0x19200] =	vst v2  }
0x109: {  	v2 =	vld.idx.msk [tilespmem:v3+s31+$0x0], $0xffff;
	_ =	sdelay $0x1  }
0x10a: {  	v3 =	vand.u32 $0xFF, v30;
	_ =	sdelay $0x1  }
0x10b: {  	v1 =	vshra.s32 v1, $0xF  }
0x10c: {  	v1 =	vadd.s32 v1, v2  }
0x10d: {  	[tilespmem:$0x1B200] =	vst v1;
	v1 =	vld [tilespmem:$0x18530]  }
0x10e: {  	v2 =	vld.idx.msk [tilespmem:v3+s31+$0x0], $0xffff;
	_ =	sdelay $0x1  }
0x10f: {  	v3 =	vshra.s32 v30, $0x8;
	_ =	sdelay $0x1  }
0x110: {  	v32 =	vld [tilespmem:$0x18140];
	v31 =	vand.u32 $0x7FFF, v1  }
0x111: {  	v2 =	vadd.s32 v31, v2  }
0x112: {  	[tilespmem:$0x19280] =	vst v2  }
0x113: {  	v2 =	vld.idx.msk [tilespmem:v3+s31+$0x0], $0xffff;
	_ =	sdelay $0x1  }
0x114: {  	v3 =	vand.u32 $0xFF, v32;
	_ =	sdelay $0x1  }
0x115: {  	v1 =	vshra.s32 v1, $0xF  }
0x116: {  	v1 =	vadd.s32 v1, v2  }
0x117: {  	[tilespmem:$0x1B280] =	vst v1;
	v1 =	vld [tilespmem:$0x18540]  }
0x118: {  	v2 =	vld.idx.msk [tilespmem:v3+s31+$0x0], $0xffff;
	_ =	sdelay $0x1  }
0x119: {  	v3 =	vshra.s32 v32, $0x8;
	_ =	sdelay $0x1  }
0x11a: {  	v34 =	vld [tilespmem:$0x18150];
	v33 =	vand.u32 $0x7FFF, v1  }
0x11b: {  	v2 =	vadd.s32 v33, v2  }
0x11c: {  	[tilespmem:$0x19300] =	vst v2  }
0x11d: {  	v2 =	vld.idx.msk [tilespmem:v3+s31+$0x0], $0xffff;
	_ =	sdelay $0x1  }
0x11e: {  	v3 =	vand.u32 $0xFF, v34;
	_ =	sdelay $0x1  }
0x11f: {  	v1 =	vshra.s32 v1, $0xF  }
0x120: {  	v1 =	vadd.s32 v1, v2  }
0x121: {  	[tilespmem:$0x1B300] =	vst v1;
	v1 =	vld [tilespmem:$0x18550]  }
0x122: {  	v2 =	vld.idx.msk [tilespmem:v3+s31+$0x0], $0xffff;
	_ =	sdelay $0x1  }
0x123: {  	v3 =	vshra.s32 v34, $0x8;
	_ =	sdelay $0x1  }
0x124: {  	v36 =	vld [tilespmem:$0x18160];
	v35 =	vand.u32 $0x7FFF, v1  }
0x125: {  	v2 =	vadd.s32 v35, v2  }
0x126: {  	[tilespmem:$0x19380] =	vst v2  }
0x127: {  	v2 =	vld.idx.msk [tilespmem:v3+s31+$0x0], $0xffff;
	_ =	sdelay $0x1  }
0x128: {  	v3 =	vand.u32 $0xFF, v36;
	_ =	sdelay $0x1  }
0x129: {  	v1 =	vshra.s32 v1, $0xF  }
0x12a: {  	v1 =	vadd.s32 v1, v2  }
0x12b: {  	[tilespmem:$0x1B380] =	vst v1;
	v1 =	vld [tilespmem:$0x18560]  }
0x12c: {  	v2 =	vld.idx.msk [tilespmem:v3+s31+$0x0], $0xffff;
	_ =	sdelay $0x1  }
0x12d: {  	v3 =	vshra.s32 v36, $0x8;
	_ =	sdelay $0x1  }
0x12e: {  	v38 =	vld [tilespmem:$0x18170];
	v37 =	vand.u32 $0x7FFF, v1  }
0x12f: {  	v2 =	vadd.s32 v37, v2  }
0x130: {  	[tilespmem:$0x19400] =	vst v2  }
0x131: {  	v2 =	vld.idx.msk [tilespmem:v3+s31+$0x0], $0xffff;
	_ =	sdelay $0x1  }
0x132: {  	v3 =	vand.u32 $0xFF, v38;
	_ =	sdelay $0x1  }
0x133: {  	v1 =	vshra.s32 v1, $0xF  }
0x134: {  	v1 =	vadd.s32 v1, v2  }
0x135: {  	[tilespmem:$0x1B400] =	vst v1;
	v1 =	vld [tilespmem:$0x18570]  }
0x136: {  	v2 =	vld.idx.msk [tilespmem:v3+s31+$0x0], $0xffff;
	_ =	sdelay $0x1  }
0x137: {  	v3 =	vshra.s32 v38, $0x8;
	_ =	sdelay $0x1  }
0x138: {  	v40 =	vld [tilespmem:$0x18180];
	v39 =	vand.u32 $0x7FFF, v1  }
0x139: {  	v2 =	vadd.s32 v39, v2  }
0x13a: {  	[tilespmem:$0x19480] =	vst v2  }
0x13b: {  	v2 =	vld.idx.msk [tilespmem:v3+s31+$0x0], $0xffff;
	_ =	sdelay $0x1  }
0x13c: {  	v3 =	vand.u32 $0xFF, v40;
	_ =	sdelay $0x1  }
0x13d: {  	v1 =	vshra.s32 v1, $0xF  }
0x13e: {  	v1 =	vadd.s32 v1, v2  }
0x13f: {  	[tilespmem:$0x1B480] =	vst v1;
	v1 =	vld [tilespmem:$0x18580]  }
0x140: {  	v2 =	vld.idx.msk [tilespmem:v3+s31+$0x0], $0xffff;
	_ =	sdelay $0x1  }
0x141: {  	v3 =	vshra.s32 v40, $0x8;
	_ =	sdelay $0x1  }
0x142: {  	v42 =	vld [tilespmem:$0x18190];
	v41 =	vand.u32 $0x7FFF, v1  }
0x143: {  	v2 =	vadd.s32 v41, v2  }
0x144: {  	[tilespmem:$0x19500] =	vst v2  }
0x145: {  	v2 =	vld.idx.msk [tilespmem:v3+s31+$0x0], $0xffff;
	_ =	sdelay $0x1  }
0x146: {  	v3 =	vand.u32 $0xFF, v42;
	_ =	sdelay $0x1  }
0x147: {  	v1 =	vshra.s32 v1, $0xF  }
0x148: {  	v1 =	vadd.s32 v1, v2  }
0x149: {  	[tilespmem:$0x1B500] =	vst v1;
	v1 =	vld [tilespmem:$0x18590]  }
0x14a: {  	v2 =	vld.idx.msk [tilespmem:v3+s31+$0x0], $0xffff;
	_ =	sdelay $0x1  }
0x14b: {  	v3 =	vshra.s32 v42, $0x8;
	_ =	sdelay $0x1  }
0x14c: {  	v44 =	vld [tilespmem:$0x181A0];
	v43 =	vand.u32 $0x7FFF, v1  }
0x14d: {  	v2 =	vadd.s32 v43, v2  }
0x14e: {  	[tilespmem:$0x19580] =	vst v2  }
0x14f: {  	v2 =	vld.idx.msk [tilespmem:v3+s31+$0x0], $0xffff;
	_ =	sdelay $0x1  }
0x150: {  	v3 =	vand.u32 $0xFF, v44;
	_ =	sdelay $0x1  }
0x151: {  	v1 =	vshra.s32 v1, $0xF  }
0x152: {  	v1 =	vadd.s32 v1, v2  }
0x153: {  	[tilespmem:$0x1B580] =	vst v1;
	v1 =	vld [tilespmem:$0x185A0]  }
0x154: {  	v2 =	vld.idx.msk [tilespmem:v3+s31+$0x0], $0xffff;
	_ =	sdelay $0x1  }
0x155: {  	v3 =	vshra.s32 v44, $0x8;
	_ =	sdelay $0x1  }
0x156: {  	v46 =	vld [tilespmem:$0x181B0];
	v45 =	vand.u32 $0x7FFF, v1  }
0x157: {  	v2 =	vadd.s32 v45, v2  }
0x158: {  	[tilespmem:$0x19600] =	vst v2  }
0x159: {  	v2 =	vld.idx.msk [tilespmem:v3+s31+$0x0], $0xffff;
	_ =	sdelay $0x1  }
0x15a: {  	v3 =	vand.u32 $0xFF, v46;
	_ =	sdelay $0x1  }
0x15b: {  	v1 =	vshra.s32 v1, $0xF  }
0x15c: {  	v1 =	vadd.s32 v1, v2  }
0x15d: {  	[tilespmem:$0x1B600] =	vst v1;
	v1 =	vld [tilespmem:$0x185B0]  }
0x15e: {  	v2 =	vld.idx.msk [tilespmem:v3+s31+$0x0], $0xffff;
	_ =	sdelay $0x1  }
0x15f: {  	v3 =	vshra.s32 v46, $0x8;
	_ =	sdelay $0x1  }
0x160: {  	v48 =	vld [tilespmem:$0x181C0];
	v47 =	vand.u32 $0x7FFF, v1  }
0x161: {  	v2 =	vadd.s32 v47, v2  }
0x162: {  	[tilespmem:$0x19680] =	vst v2  }
0x163: {  	v2 =	vld.idx.msk [tilespmem:v3+s31+$0x0], $0xffff;
	_ =	sdelay $0x1  }
0x164: {  	v3 =	vand.u32 $0xFF, v48;
	_ =	sdelay $0x1  }
0x165: {  	v1 =	vshra.s32 v1, $0xF  }
0x166: {  	v1 =	vadd.s32 v1, v2  }
0x167: {  	[tilespmem:$0x1B680] =	vst v1;
	v1 =	vld [tilespmem:$0x185C0]  }
0x168: {  	v2 =	vld.idx.msk [tilespmem:v3+s31+$0x0], $0xffff;
	_ =	sdelay $0x1  }
0x169: {  	v3 =	vshra.s32 v48, $0x8;
	_ =	sdelay $0x1  }
0x16a: {  	v50 =	vld [tilespmem:$0x181D0];
	v49 =	vand.u32 $0x7FFF, v1  }
0x16b: {  	v2 =	vadd.s32 v49, v2  }
0x16c: {  	[tilespmem:$0x19700] =	vst v2  }
0x16d: {  	v2 =	vld.idx.msk [tilespmem:v3+s31+$0x0], $0xffff;
	_ =	sdelay $0x1  }
0x16e: {  	v3 =	vand.u32 $0xFF, v50;
	_ =	sdelay $0x1  }
0x16f: {  	v1 =	vshra.s32 v1, $0xF  }
0x170: {  	v1 =	vadd.s32 v1, v2  }
0x171: {  	[tilespmem:$0x1B700] =	vst v1;
	v1 =	vld [tilespmem:$0x185D0]  }
0x172: {  	v2 =	vld.idx.msk [tilespmem:v3+s31+$0x0], $0xffff;
	_ =	sdelay $0x1  }
0x173: {  	v3 =	vshra.s32 v50, $0x8;
	_ =	sdelay $0x1  }
0x174: {  	v52 =	vld [tilespmem:$0x181E0];
	v51 =	vand.u32 $0x7FFF, v1  }
0x175: {  	v2 =	vadd.s32 v51, v2  }
0x176: {  	[tilespmem:$0x19780] =	vst v2  }
0x177: {  	v2 =	vld.idx.msk [tilespmem:v3+s31+$0x0], $0xffff;
	_ =	sdelay $0x1  }
0x178: {  	v3 =	vand.u32 $0xFF, v52;
	_ =	sdelay $0x1  }
0x179: {  	v1 =	vshra.s32 v1, $0xF  }
0x17a: {  	v1 =	vadd.s32 v1, v2  }
0x17b: {  	[tilespmem:$0x1B780] =	vst v1;
	v1 =	vld [tilespmem:$0x185E0]  }
0x17c: {  	v2 =	vld.idx.msk [tilespmem:v3+s31+$0x0], $0xffff;
	_ =	sdelay $0x1  }
0x17d: {  	v3 =	vshra.s32 v52, $0x8;
	_ =	sdelay $0x1  }
0x17e: {  	v54 =	vld [tilespmem:$0x181F0];
	v53 =	vand.u32 $0x7FFF, v1  }
0x17f: {  	v2 =	vadd.s32 v53, v2  }
0x180: {  	[tilespmem:$0x19800] =	vst v2  }
0x181: {  	v2 =	vld.idx.msk [tilespmem:v3+s31+$0x0], $0xffff;
	_ =	sdelay $0x1  }
0x182: {  	v3 =	vand.u32 $0xFF, v54;
	_ =	sdelay $0x1  }
0x183: {  	v1 =	vshra.s32 v1, $0xF  }
0x184: {  	v1 =	vadd.s32 v1, v2  }
0x185: {  	[tilespmem:$0x1B800] =	vst v1;
	v1 =	vld [tilespmem:$0x185F0]  }
0x186: {  	v2 =	vld.idx.msk [tilespmem:v3+s31+$0x0], $0xffff;
	_ =	sdelay $0x1  }
0x187: {  	v3 =	vshra.s32 v54, $0x8;
	_ =	sdelay $0x1  }
0x188: {  	v56 =	vld [tilespmem:$0x18200];
	v55 =	vand.u32 $0x7FFF, v1  }
0x189: {  	v2 =	vadd.s32 v55, v2  }
0x18a: {  	[tilespmem:$0x19880] =	vst v2  }
0x18b: {  	v2 =	vld.idx.msk [tilespmem:v3+s31+$0x0], $0xffff;
	_ =	sdelay $0x1  }
0x18c: {  	v3 =	vand.u32 $0xFF, v56;
	_ =	sdelay $0x1  }
0x18d: {  	v1 =	vshra.s32 v1, $0xF  }
0x18e: {  	v1 =	vadd.s32 v1, v2  }
0x18f: {  	[tilespmem:$0x1B880] =	vst v1;
	v1 =	vld [tilespmem:$0x18600]  }
0x190: {  	v2 =	vld.idx.msk [tilespmem:v3+s31+$0x0], $0xffff;
	_ =	sdelay $0x1  }
0x191: {  	v3 =	vshra.s32 v56, $0x8;
	_ =	sdelay $0x1  }
0x192: {  	v58 =	vld [tilespmem:$0x18210];
	v57 =	vand.u32 $0x7FFF, v1  }
0x193: {  	v2 =	vadd.s32 v57, v2  }
0x194: {  	[tilespmem:$0x19900] =	vst v2  }
0x195: {  	v2 =	vld.idx.msk [tilespmem:v3+s31+$0x0], $0xffff;
	_ =	sdelay $0x1  }
0x196: {  	v3 =	vand.u32 $0xFF, v58;
	_ =	sdelay $0x1  }
0x197: {  	v1 =	vshra.s32 v1, $0xF  }
0x198: {  	v1 =	vadd.s32 v1, v2  }
0x199: {  	[tilespmem:$0x1B900] =	vst v1;
	v1 =	vld [tilespmem:$0x18610]  }
0x19a: {  	v2 =	vld.idx.msk [tilespmem:v3+s31+$0x0], $0xffff;
	_ =	sdelay $0x1  }
0x19b: {  	v3 =	vshra.s32 v58, $0x8;
	_ =	sdelay $0x1  }
0x19c: {  	v60 =	vld [tilespmem:$0x18220];
	v59 =	vand.u32 $0x7FFF, v1  }
0x19d: {  	v2 =	vadd.s32 v59, v2  }
0x19e: {  	[tilespmem:$0x19980] =	vst v2  }
0x19f: {  	v2 =	vld.idx.msk [tilespmem:v3+s31+$0x0], $0xffff;
	_ =	sdelay $0x1  }
0x1a0: {  	v3 =	vand.u32 $0xFF, v60;
	_ =	sdelay $0x1  }
0x1a1: {  	v1 =	vshra.s32 v1, $0xF  }
0x1a2: {  	v1 =	vadd.s32 v1, v2  }
0x1a3: {  	[tilespmem:$0x1B980] =	vst v1;
	v1 =	vld [tilespmem:$0x18620]  }
0x1a4: {  	v2 =	vld.idx.msk [tilespmem:v3+s31+$0x0], $0xffff;
	_ =	sdelay $0x1  }
0x1a5: {  	v3 =	vshra.s32 v60, $0x8;
	_ =	sdelay $0x1  }
0x1a6: {  	v62 =	vld [tilespmem:$0x18230];
	v61 =	vand.u32 $0x7FFF, v1  }
0x1a7: {  	v2 =	vadd.s32 v61, v2  }
0x1a8: {  	[tilespmem:$0x19A00] =	vst v2  }
0x1a9: {  	v2 =	vld.idx.msk [tilespmem:v3+s31+$0x0], $0xffff;
	_ =	sdelay $0x1  }
0x1aa: {  	v3 =	vand.u32 $0xFF, v62;
	_ =	sdelay $0x1  }
0x1ab: {  	v1 =	vshra.s32 v1, $0xF  }
0x1ac: {  	v1 =	vadd.s32 v1, v2  }
0x1ad: {  	[tilespmem:$0x1BA00] =	vst v1;
	v1 =	vld [tilespmem:$0x18630]  }
0x1ae: {  	v2 =	vld.idx.msk [tilespmem:v3+s31+$0x0], $0xffff;
	_ =	sdelay $0x1  }
0x1af: {  	v3 =	vshra.s32 v62, $0x8;
	_ =	sdelay $0x1  }
0x1b0: {  	v8 =	vld [tilespmem:$0x18240];
	v63 =	vand.u32 $0x7FFF, v1  }
0x1b1: {  	v2 =	vadd.s32 v63, v2  }
0x1b2: {  	[tilespmem:$0x19A80] =	vst v2  }
0x1b3: {  	v2 =	vld.idx.msk [tilespmem:v3+s31+$0x0], $0xffff;
	_ =	sdelay $0x1  }
0x1b4: {  	v3 =	vand.u32 $0xFF, v8;
	_ =	sdelay $0x1  }
0x1b5: {  	v1 =	vshra.s32 v1, $0xF  }
0x1b6: {  	v1 =	vadd.s32 v1, v2  }
0x1b7: {  	[tilespmem:$0x1BA80] =	vst v1;
	v1 =	vld [tilespmem:$0x18640]  }
0x1b8: {  	v2 =	vld.idx.msk [tilespmem:v3+s31+$0x0], $0xffff;
	_ =	sdelay $0x1  }
0x1b9: {  	v3 =	vshra.s32 v8, $0x8;
	_ =	sdelay $0x1  }
0x1ba: {  	v10 =	vld [tilespmem:$0x18250];
	v9 =	vand.u32 $0x7FFF, v1  }
0x1bb: {  	v2 =	vadd.s32 v9, v2  }
0x1bc: {  	[tilespmem:$0x19B00] =	vst v2  }
0x1bd: {  	v2 =	vld.idx.msk [tilespmem:v3+s31+$0x0], $0xffff;
	_ =	sdelay $0x1  }
0x1be: {  	v3 =	vand.u32 $0xFF, v10;
	_ =	sdelay $0x1  }
0x1bf: {  	v1 =	vshra.s32 v1, $0xF  }
0x1c0: {  	v1 =	vadd.s32 v1, v2  }
0x1c1: {  	[tilespmem:$0x1BB00] =	vst v1;
	v1 =	vld [tilespmem:$0x18650]  }
0x1c2: {  	v2 =	vld.idx.msk [tilespmem:v3+s31+$0x0], $0xffff;
	_ =	sdelay $0x1  }
0x1c3: {  	v3 =	vshra.s32 v10, $0x8;
	_ =	sdelay $0x1  }
0x1c4: {  	v12 =	vld [tilespmem:$0x18260];
	v11 =	vand.u32 $0x7FFF, v1  }
0x1c5: {  	v2 =	vadd.s32 v11, v2  }
0x1c6: {  	[tilespmem:$0x19B80] =	vst v2  }
0x1c7: {  	v2 =	vld.idx.msk [tilespmem:v3+s31+$0x0], $0xffff;
	_ =	sdelay $0x1  }
0x1c8: {  	v3 =	vand.u32 $0xFF, v12;
	_ =	sdelay $0x1  }
0x1c9: {  	v1 =	vshra.s32 v1, $0xF  }
0x1ca: {  	v1 =	vadd.s32 v1, v2  }
0x1cb: {  	[tilespmem:$0x1BB80] =	vst v1;
	v1 =	vld [tilespmem:$0x18660]  }
0x1cc: {  	v2 =	vld.idx.msk [tilespmem:v3+s31+$0x0], $0xffff;
	_ =	sdelay $0x1  }
0x1cd: {  	v3 =	vshra.s32 v12, $0x8;
	_ =	sdelay $0x1  }
0x1ce: {  	v14 =	vld [tilespmem:$0x18270];
	v13 =	vand.u32 $0x7FFF, v1  }
0x1cf: {  	v2 =	vadd.s32 v13, v2  }
0x1d0: {  	[tilespmem:$0x19C00] =	vst v2  }
0x1d1: {  	v2 =	vld.idx.msk [tilespmem:v3+s31+$0x0], $0xffff;
	_ =	sdelay $0x1  }
0x1d2: {  	v3 =	vand.u32 $0xFF, v14;
	_ =	sdelay $0x1  }
0x1d3: {  	v1 =	vshra.s32 v1, $0xF  }
0x1d4: {  	v1 =	vadd.s32 v1, v2  }
0x1d5: {  	[tilespmem:$0x1BC00] =	vst v1;
	v1 =	vld [tilespmem:$0x18670]  }
0x1d6: {  	v2 =	vld.idx.msk [tilespmem:v3+s31+$0x0], $0xffff;
	_ =	sdelay $0x1  }
0x1d7: {  	v3 =	vshra.s32 v14, $0x8;
	_ =	sdelay $0x1  }
0x1d8: {  	v16 =	vld [tilespmem:$0x18280];
	v15 =	vand.u32 $0x7FFF, v1  }
0x1d9: {  	v2 =	vadd.s32 v15, v2  }
0x1da: {  	[tilespmem:$0x19C80] =	vst v2  }
0x1db: {  	v2 =	vld.idx.msk [tilespmem:v3+s31+$0x0], $0xffff;
	_ =	sdelay $0x1  }
0x1dc: {  	v3 =	vand.u32 $0xFF, v16;
	_ =	sdelay $0x1  }
0x1dd: {  	v1 =	vshra.s32 v1, $0xF  }
0x1de: {  	v1 =	vadd.s32 v1, v2  }
0x1df: {  	[tilespmem:$0x1BC80] =	vst v1;
	v1 =	vld [tilespmem:$0x18680]  }
0x1e0: {  	v2 =	vld.idx.msk [tilespmem:v3+s31+$0x0], $0xffff;
	_ =	sdelay $0x1  }
0x1e1: {  	v3 =	vshra.s32 v16, $0x8;
	_ =	sdelay $0x1  }
0x1e2: {  	v18 =	vld [tilespmem:$0x18290];
	v17 =	vand.u32 $0x7FFF, v1  }
0x1e3: {  	v2 =	vadd.s32 v17, v2  }
0x1e4: {  	[tilespmem:$0x19D00] =	vst v2  }
0x1e5: {  	v2 =	vld.idx.msk [tilespmem:v3+s31+$0x0], $0xffff;
	_ =	sdelay $0x1  }
0x1e6: {  	v3 =	vand.u32 $0xFF, v18;
	_ =	sdelay $0x1  }
0x1e7: {  	v1 =	vshra.s32 v1, $0xF  }
0x1e8: {  	v1 =	vadd.s32 v1, v2  }
0x1e9: {  	[tilespmem:$0x1BD00] =	vst v1;
	v1 =	vld [tilespmem:$0x18690]  }
0x1ea: {  	v2 =	vld.idx.msk [tilespmem:v3+s31+$0x0], $0xffff;
	_ =	sdelay $0x1  }
0x1eb: {  	v3 =	vshra.s32 v18, $0x8;
	_ =	sdelay $0x1  }
0x1ec: {  	v20 =	vld [tilespmem:$0x182A0];
	v19 =	vand.u32 $0x7FFF, v1  }
0x1ed: {  	v2 =	vadd.s32 v19, v2  }
0x1ee: {  	[tilespmem:$0x19D80] =	vst v2  }
0x1ef: {  	v2 =	vld.idx.msk [tilespmem:v3+s31+$0x0], $0xffff;
	_ =	sdelay $0x1  }
0x1f0: {  	v3 =	vand.u32 $0xFF, v20;
	_ =	sdelay $0x1  }
0x1f1: {  	v1 =	vshra.s32 v1, $0xF  }
0x1f2: {  	v1 =	vadd.s32 v1, v2  }
0x1f3: {  	[tilespmem:$0x1BD80] =	vst v1;
	v1 =	vld [tilespmem:$0x186A0]  }
0x1f4: {  	v2 =	vld.idx.msk [tilespmem:v3+s31+$0x0], $0xffff;
	_ =	sdelay $0x1  }
0x1f5: {  	v3 =	vshra.s32 v20, $0x8;
	_ =	sdelay $0x1  }
0x1f6: {  	v22 =	vld [tilespmem:$0x182B0];
	v21 =	vand.u32 $0x7FFF, v1  }
0x1f7: {  	v2 =	vadd.s32 v21, v2  }
0x1f8: {  	[tilespmem:$0x19E00] =	vst v2  }
0x1f9: {  	v2 =	vld.idx.msk [tilespmem:v3+s31+$0x0], $0xffff;
	_ =	sdelay $0x1  }
0x1fa: {  	v3 =	vand.u32 $0xFF, v22;
	_ =	sdelay $0x1  }
0x1fb: {  	v1 =	vshra.s32 v1, $0xF  }
0x1fc: {  	v1 =	vadd.s32 v1, v2  }
0x1fd: {  	[tilespmem:$0x1BE00] =	vst v1;
	v1 =	vld [tilespmem:$0x186B0]  }
0x1fe: {  	v2 =	vld.idx.msk [tilespmem:v3+s31+$0x0], $0xffff;
	_ =	sdelay $0x1  }
0x1ff: {  	v3 =	vshra.s32 v22, $0x8;
	_ =	sdelay $0x1  }
0x200: {  	v24 =	vld [tilespmem:$0x182C0];
	v23 =	vand.u32 $0x7FFF, v1  }
0x201: {  	v2 =	vadd.s32 v23, v2  }
0x202: {  	[tilespmem:$0x19E80] =	vst v2  }
0x203: {  	v2 =	vld.idx.msk [tilespmem:v3+s31+$0x0], $0xffff;
	_ =	sdelay $0x1  }
0x204: {  	v3 =	vand.u32 $0xFF, v24;
	_ =	sdelay $0x1  }
0x205: {  	v1 =	vshra.s32 v1, $0xF  }
0x206: {  	v1 =	vadd.s32 v1, v2  }
0x207: {  	[tilespmem:$0x1BE80] =	vst v1;
	v1 =	vld [tilespmem:$0x186C0]  }
0x208: {  	v2 =	vld.idx.msk [tilespmem:v3+s31+$0x0], $0xffff;
	_ =	sdelay $0x1  }
0x209: {  	v3 =	vshra.s32 v24, $0x8;
	_ =	sdelay $0x1  }
0x20a: {  	v26 =	vld [tilespmem:$0x182D0];
	v25 =	vand.u32 $0x7FFF, v1  }
0x20b: {  	v2 =	vadd.s32 v25, v2  }
0x20c: {  	[tilespmem:$0x19F00] =	vst v2  }
0x20d: {  	v2 =	vld.idx.msk [tilespmem:v3+s31+$0x0], $0xffff;
	_ =	sdelay $0x1  }
0x20e: {  	v3 =	vand.u32 $0xFF, v26;
	_ =	sdelay $0x1  }
0x20f: {  	v1 =	vshra.s32 v1, $0xF  }
0x210: {  	v1 =	vadd.s32 v1, v2  }
0x211: {  	[tilespmem:$0x1BF00] =	vst v1;
	v1 =	vld [tilespmem:$0x186D0]  }
0x212: {  	v2 =	vld.idx.msk [tilespmem:v3+s31+$0x0], $0xffff;
	_ =	sdelay $0x1  }
0x213: {  	v3 =	vshra.s32 v26, $0x8;
	_ =	sdelay $0x1  }
0x214: {  	v28 =	vld [tilespmem:$0x182E0];
	v27 =	vand.u32 $0x7FFF, v1  }
0x215: {  	v2 =	vadd.s32 v27, v2  }
0x216: {  	[tilespmem:$0x19F80] =	vst v2  }
0x217: {  	v2 =	vld.idx.msk [tilespmem:v3+s31+$0x0], $0xffff;
	_ =	sdelay $0x1  }
0x218: {  	v3 =	vand.u32 $0xFF, v28;
	_ =	sdelay $0x1  }
0x219: {  	v1 =	vshra.s32 v1, $0xF  }
0x21a: {  	v1 =	vadd.s32 v1, v2  }
0x21b: {  	[tilespmem:$0x1BF80] =	vst v1;
	v1 =	vld [tilespmem:$0x186E0]  }
0x21c: {  	v2 =	vld.idx.msk [tilespmem:v3+s31+$0x0], $0xffff;
	_ =	sdelay $0x1  }
0x21d: {  	v3 =	vshra.s32 v28, $0x8;
	_ =	sdelay $0x1  }
0x21e: {  	v30 =	vld [tilespmem:$0x182F0];
	v29 =	vand.u32 $0x7FFF, v1  }
0x21f: {  	v2 =	vadd.s32 v29, v2  }
0x220: {  	[tilespmem:$0x1A000] =	vst v2  }
0x221: {  	v2 =	vld.idx.msk [tilespmem:v3+s31+$0x0], $0xffff;
	_ =	sdelay $0x1  }
0x222: {  	v3 =	vand.u32 $0xFF, v30;
	_ =	sdelay $0x1  }
0x223: {  	v1 =	vshra.s32 v1, $0xF  }
0x224: {  	v1 =	vadd.s32 v1, v2  }
0x225: {  	[tilespmem:$0x1C000] =	vst v1;
	v1 =	vld [tilespmem:$0x186F0]  }
0x226: {  	v2 =	vld.idx.msk [tilespmem:v3+s31+$0x0], $0xffff;
	_ =	sdelay $0x1  }
0x227: {  	v3 =	vshra.s32 v30, $0x8;
	_ =	sdelay $0x1  }
0x228: {  	v32 =	vld [tilespmem:$0x18300];
	v31 =	vand.u32 $0x7FFF, v1  }
0x229: {  	v2 =	vadd.s32 v31, v2  }
0x22a: {  	[tilespmem:$0x1A080] =	vst v2  }
0x22b: {  	v2 =	vld.idx.msk [tilespmem:v3+s31+$0x0], $0xffff;
	_ =	sdelay $0x1  }
0x22c: {  	v3 =	vand.u32 $0xFF, v32;
	_ =	sdelay $0x1  }
0x22d: {  	v1 =	vshra.s32 v1, $0xF  }
0x22e: {  	v1 =	vadd.s32 v1, v2  }
0x22f: {  	[tilespmem:$0x1C080] =	vst v1;
	v1 =	vld [tilespmem:$0x18700]  }
0x230: {  	v2 =	vld.idx.msk [tilespmem:v3+s31+$0x0], $0xffff;
	_ =	sdelay $0x1  }
0x231: {  	v3 =	vshra.s32 v32, $0x8;
	_ =	sdelay $0x1  }
0x232: {  	v34 =	vld [tilespmem:$0x18310];
	v33 =	vand.u32 $0x7FFF, v1  }
0x233: {  	v2 =	vadd.s32 v33, v2  }
0x234: {  	[tilespmem:$0x1A100] =	vst v2  }
0x235: {  	v2 =	vld.idx.msk [tilespmem:v3+s31+$0x0], $0xffff;
	_ =	sdelay $0x1  }
0x236: {  	v3 =	vand.u32 $0xFF, v34;
	_ =	sdelay $0x1  }
0x237: {  	v1 =	vshra.s32 v1, $0xF  }
0x238: {  	v1 =	vadd.s32 v1, v2  }
0x239: {  	[tilespmem:$0x1C100] =	vst v1;
	v1 =	vld [tilespmem:$0x18710]  }
0x23a: {  	v2 =	vld.idx.msk [tilespmem:v3+s31+$0x0], $0xffff;
	_ =	sdelay $0x1  }
0x23b: {  	v3 =	vshra.s32 v34, $0x8;
	_ =	sdelay $0x1  }
0x23c: {  	v36 =	vld [tilespmem:$0x18320];
	v35 =	vand.u32 $0x7FFF, v1  }
0x23d: {  	v2 =	vadd.s32 v35, v2  }
0x23e: {  	[tilespmem:$0x1A180] =	vst v2  }
0x23f: {  	v2 =	vld.idx.msk [tilespmem:v3+s31+$0x0], $0xffff;
	_ =	sdelay $0x1  }
0x240: {  	v3 =	vand.u32 $0xFF, v36;
	_ =	sdelay $0x1  }
0x241: {  	v1 =	vshra.s32 v1, $0xF  }
0x242: {  	v1 =	vadd.s32 v1, v2  }
0x243: {  	[tilespmem:$0x1C180] =	vst v1;
	v1 =	vld [tilespmem:$0x18720]  }
0x244: {  	v2 =	vld.idx.msk [tilespmem:v3+s31+$0x0], $0xffff;
	_ =	sdelay $0x1  }
0x245: {  	v3 =	vshra.s32 v36, $0x8;
	_ =	sdelay $0x1  }
0x246: {  	v38 =	vld [tilespmem:$0x18330];
	v37 =	vand.u32 $0x7FFF, v1  }
0x247: {  	v2 =	vadd.s32 v37, v2  }
0x248: {  	[tilespmem:$0x1A200] =	vst v2  }
0x249: {  	v2 =	vld.idx.msk [tilespmem:v3+s31+$0x0], $0xffff;
	_ =	sdelay $0x1  }
0x24a: {  	v3 =	vand.u32 $0xFF, v38;
	_ =	sdelay $0x1  }
0x24b: {  	v1 =	vshra.s32 v1, $0xF  }
0x24c: {  	v1 =	vadd.s32 v1, v2  }
0x24d: {  	[tilespmem:$0x1C200] =	vst v1;
	v1 =	vld [tilespmem:$0x18730]  }
0x24e: {  	v2 =	vld.idx.msk [tilespmem:v3+s31+$0x0], $0xffff;
	_ =	sdelay $0x1  }
0x24f: {  	v3 =	vshra.s32 v38, $0x8;
	_ =	sdelay $0x1  }
0x250: {  	v40 =	vld [tilespmem:$0x18340];
	v39 =	vand.u32 $0x7FFF, v1  }
0x251: {  	v2 =	vadd.s32 v39, v2  }
0x252: {  	[tilespmem:$0x1A280] =	vst v2  }
0x253: {  	v2 =	vld.idx.msk [tilespmem:v3+s31+$0x0], $0xffff;
	_ =	sdelay $0x1  }
0x254: {  	v3 =	vand.u32 $0xFF, v40;
	_ =	sdelay $0x1  }
0x255: {  	v1 =	vshra.s32 v1, $0xF  }
0x256: {  	v1 =	vadd.s32 v1, v2  }
0x257: {  	[tilespmem:$0x1C280] =	vst v1;
	v1 =	vld [tilespmem:$0x18740]  }
0x258: {  	v2 =	vld.idx.msk [tilespmem:v3+s31+$0x0], $0xffff;
	_ =	sdelay $0x1  }
0x259: {  	v3 =	vshra.s32 v40, $0x8;
	_ =	sdelay $0x1  }
0x25a: {  	v42 =	vld [tilespmem:$0x18350];
	v41 =	vand.u32 $0x7FFF, v1  }
0x25b: {  	v2 =	vadd.s32 v41, v2  }
0x25c: {  	[tilespmem:$0x1A300] =	vst v2  }
0x25d: {  	v2 =	vld.idx.msk [tilespmem:v3+s31+$0x0], $0xffff;
	_ =	sdelay $0x1  }
0x25e: {  	v3 =	vand.u32 $0xFF, v42;
	_ =	sdelay $0x1  }
0x25f: {  	v1 =	vshra.s32 v1, $0xF  }
0x260: {  	v1 =	vadd.s32 v1, v2  }
0x261: {  	[tilespmem:$0x1C300] =	vst v1;
	v1 =	vld [tilespmem:$0x18750]  }
0x262: {  	v2 =	vld.idx.msk [tilespmem:v3+s31+$0x0], $0xffff;
	_ =	sdelay $0x1  }
0x263: {  	v3 =	vshra.s32 v42, $0x8;
	_ =	sdelay $0x1  }
0x264: {  	v44 =	vld [tilespmem:$0x18360];
	v43 =	vand.u32 $0x7FFF, v1  }
0x265: {  	v2 =	vadd.s32 v43, v2  }
0x266: {  	[tilespmem:$0x1A380] =	vst v2  }
0x267: {  	v2 =	vld.idx.msk [tilespmem:v3+s31+$0x0], $0xffff;
	_ =	sdelay $0x1  }
0x268: {  	v3 =	vand.u32 $0xFF, v44;
	_ =	sdelay $0x1  }
0x269: {  	v1 =	vshra.s32 v1, $0xF  }
0x26a: {  	v1 =	vadd.s32 v1, v2  }
0x26b: {  	[tilespmem:$0x1C380] =	vst v1;
	v1 =	vld [tilespmem:$0x18760]  }
0x26c: {  	v2 =	vld.idx.msk [tilespmem:v3+s31+$0x0], $0xffff;
	_ =	sdelay $0x1  }
0x26d: {  	v3 =	vshra.s32 v44, $0x8;
	_ =	sdelay $0x1  }
0x26e: {  	v46 =	vld [tilespmem:$0x18370];
	v45 =	vand.u32 $0x7FFF, v1  }
0x26f: {  	v2 =	vadd.s32 v45, v2  }
0x270: {  	[tilespmem:$0x1A400] =	vst v2  }
0x271: {  	v2 =	vld.idx.msk [tilespmem:v3+s31+$0x0], $0xffff;
	_ =	sdelay $0x1  }
0x272: {  	v3 =	vand.u32 $0xFF, v46;
	_ =	sdelay $0x1  }
0x273: {  	v1 =	vshra.s32 v1, $0xF  }
0x274: {  	v1 =	vadd.s32 v1, v2  }
0x275: {  	[tilespmem:$0x1C400] =	vst v1;
	v1 =	vld [tilespmem:$0x18770]  }
0x276: {  	v2 =	vld.idx.msk [tilespmem:v3+s31+$0x0], $0xffff;
	_ =	sdelay $0x1  }
0x277: {  	v3 =	vshra.s32 v46, $0x8;
	_ =	sdelay $0x1  }
0x278: {  	v48 =	vld [tilespmem:$0x18380];
	v47 =	vand.u32 $0x7FFF, v1  }
0x279: {  	v2 =	vadd.s32 v47, v2  }
0x27a: {  	[tilespmem:$0x1A480] =	vst v2  }
0x27b: {  	v2 =	vld.idx.msk [tilespmem:v3+s31+$0x0], $0xffff;
	_ =	sdelay $0x1  }
0x27c: {  	v3 =	vand.u32 $0xFF, v48;
	_ =	sdelay $0x1  }
0x27d: {  	v1 =	vshra.s32 v1, $0xF  }
0x27e: {  	v1 =	vadd.s32 v1, v2  }
0x27f: {  	[tilespmem:$0x1C480] =	vst v1;
	v1 =	vld [tilespmem:$0x18780]  }
0x280: {  	v2 =	vld.idx.msk [tilespmem:v3+s31+$0x0], $0xffff;
	_ =	sdelay $0x1  }
0x281: {  	v3 =	vshra.s32 v48, $0x8;
	_ =	sdelay $0x1  }
0x282: {  	v50 =	vld [tilespmem:$0x18390];
	v49 =	vand.u32 $0x7FFF, v1  }
0x283: {  	v2 =	vadd.s32 v49, v2  }
0x284: {  	[tilespmem:$0x1A500] =	vst v2  }
0x285: {  	v2 =	vld.idx.msk [tilespmem:v3+s31+$0x0], $0xffff;
	_ =	sdelay $0x1  }
0x286: {  	v3 =	vand.u32 $0xFF, v50;
	_ =	sdelay $0x1  }
0x287: {  	v1 =	vshra.s32 v1, $0xF  }
0x288: {  	v1 =	vadd.s32 v1, v2  }
0x289: {  	[tilespmem:$0x1C500] =	vst v1;
	v1 =	vld [tilespmem:$0x18790]  }
0x28a: {  	v2 =	vld.idx.msk [tilespmem:v3+s31+$0x0], $0xffff;
	_ =	sdelay $0x1  }
0x28b: {  	v3 =	vshra.s32 v50, $0x8;
	_ =	sdelay $0x1  }
0x28c: {  	v52 =	vld [tilespmem:$0x183A0];
	v51 =	vand.u32 $0x7FFF, v1  }
0x28d: {  	v2 =	vadd.s32 v51, v2  }
0x28e: {  	[tilespmem:$0x1A580] =	vst v2  }
0x28f: {  	v2 =	vld.idx.msk [tilespmem:v3+s31+$0x0], $0xffff;
	_ =	sdelay $0x1  }
0x290: {  	v3 =	vand.u32 $0xFF, v52;
	_ =	sdelay $0x1  }
0x291: {  	v1 =	vshra.s32 v1, $0xF  }
0x292: {  	v1 =	vadd.s32 v1, v2  }
0x293: {  	[tilespmem:$0x1C580] =	vst v1;
	v1 =	vld [tilespmem:$0x187A0]  }
0x294: {  	v2 =	vld.idx.msk [tilespmem:v3+s31+$0x0], $0xffff;
	_ =	sdelay $0x1  }
0x295: {  	v3 =	vshra.s32 v52, $0x8;
	_ =	sdelay $0x1  }
0x296: {  	v54 =	vld [tilespmem:$0x183B0];
	v53 =	vand.u32 $0x7FFF, v1  }
0x297: {  	v2 =	vadd.s32 v53, v2  }
0x298: {  	[tilespmem:$0x1A600] =	vst v2  }
0x299: {  	v2 =	vld.idx.msk [tilespmem:v3+s31+$0x0], $0xffff;
	_ =	sdelay $0x1  }
0x29a: {  	v3 =	vand.u32 $0xFF, v54;
	_ =	sdelay $0x1  }
0x29b: {  	v1 =	vshra.s32 v1, $0xF  }
0x29c: {  	v1 =	vadd.s32 v1, v2  }
0x29d: {  	[tilespmem:$0x1C600] =	vst v1;
	v1 =	vld [tilespmem:$0x187B0]  }
0x29e: {  	v2 =	vld.idx.msk [tilespmem:v3+s31+$0x0], $0xffff;
	_ =	sdelay $0x1  }
0x29f: {  	v3 =	vshra.s32 v54, $0x8;
	_ =	sdelay $0x1  }
0x2a0: {  	v56 =	vld [tilespmem:$0x183C0];
	v55 =	vand.u32 $0x7FFF, v1  }
0x2a1: {  	v2 =	vadd.s32 v55, v2  }
0x2a2: {  	[tilespmem:$0x1A680] =	vst v2  }
0x2a3: {  	v2 =	vld.idx.msk [tilespmem:v3+s31+$0x0], $0xffff;
	_ =	sdelay $0x1  }
0x2a4: {  	v3 =	vand.u32 $0xFF, v56;
	_ =	sdelay $0x1  }
0x2a5: {  	v1 =	vshra.s32 v1, $0xF  }
0x2a6: {  	v1 =	vadd.s32 v1, v2  }
0x2a7: {  	[tilespmem:$0x1C680] =	vst v1;
	v1 =	vld [tilespmem:$0x187C0]  }
0x2a8: {  	v2 =	vld.idx.msk [tilespmem:v3+s31+$0x0], $0xffff;
	_ =	sdelay $0x1  }
0x2a9: {  	v3 =	vshra.s32 v56, $0x8;
	_ =	sdelay $0x1  }
0x2aa: {  	v58 =	vld [tilespmem:$0x183D0];
	v57 =	vand.u32 $0x7FFF, v1  }
0x2ab: {  	v2 =	vadd.s32 v57, v2  }
0x2ac: {  	[tilespmem:$0x1A700] =	vst v2  }
0x2ad: {  	v2 =	vld.idx.msk [tilespmem:v3+s31+$0x0], $0xffff;
	_ =	sdelay $0x1  }
0x2ae: {  	v3 =	vand.u32 $0xFF, v58;
	_ =	sdelay $0x1  }
0x2af: {  	v1 =	vshra.s32 v1, $0xF  }
0x2b0: {  	v1 =	vadd.s32 v1, v2  }
0x2b1: {  	[tilespmem:$0x1C700] =	vst v1;
	v1 =	vld [tilespmem:$0x187D0]  }
0x2b2: {  	v2 =	vld.idx.msk [tilespmem:v3+s31+$0x0], $0xffff;
	_ =	sdelay $0x1  }
0x2b3: {  	v3 =	vshra.s32 v58, $0x8;
	_ =	sdelay $0x1  }
0x2b4: {  	v60 =	vld [tilespmem:$0x183E0];
	v59 =	vand.u32 $0x7FFF, v1  }
0x2b5: {  	v2 =	vadd.s32 v59, v2  }
0x2b6: {  	[tilespmem:$0x1A780] =	vst v2  }
0x2b7: {  	v2 =	vld.idx.msk [tilespmem:v3+s31+$0x0], $0xffff;
	_ =	sdelay $0x1  }
0x2b8: {  	v3 =	vand.u32 $0xFF, v60;
	_ =	sdelay $0x1  }
0x2b9: {  	v1 =	vshra.s32 v1, $0xF  }
0x2ba: {  	v1 =	vadd.s32 v1, v2  }
0x2bb: {  	[tilespmem:$0x1C780] =	vst v1;
	v1 =	vld [tilespmem:$0x187E0]  }
0x2bc: {  	v2 =	vld.idx.msk [tilespmem:v3+s31+$0x0], $0xffff;
	_ =	sdelay $0x1  }
0x2bd: {  	v3 =	vshra.s32 v60, $0x8;
	_ =	sdelay $0x1  }
0x2be: {  	v62 =	vld [tilespmem:$0x183F0];
	v61 =	vand.u32 $0x7FFF, v1  }
0x2bf: {  	v2 =	vadd.s32 v61, v2  }
0x2c0: {  	[tilespmem:$0x1A800] =	vst v2  }
0x2c1: {  	v2 =	vld.idx.msk [tilespmem:v3+s31+$0x0], $0xffff;
	_ =	sdelay $0x1  }
0x2c2: {  	v3 =	vand.u32 $0xFF, v62;
	_ =	sdelay $0x1  }
0x2c3: {  	v1 =	vshra.s32 v1, $0xF  }
0x2c4: {  	v1 =	vadd.s32 v1, v2  }
0x2c5: {  	[tilespmem:$0x1C800] =	vst v1;
	v1 =	vld [tilespmem:$0x187F0]  }
0x2c6: {  	v2 =	vld.idx.msk [tilespmem:v3+s31+$0x0], $0xffff;
	_ =	sdelay $0x1  }
0x2c7: {  	v3 =	vshra.s32 v62, $0x8;
	_ =	sdelay $0x1  }
0x2c8: {  	v63 =	vand.u32 $0x7FFF, v1  }
0x2c9: {  	v2 =	vadd.s32 v63, v2  }
0x2ca: {  	[tilespmem:$0x1A880] =	vst v2  }
0x2cb: {  	v2 =	vld.idx.msk [tilespmem:v3+s31+$0x0], $0xffff;
	_ =	sdelay $0x3  }
0x2cc: {  	v1 =	vshra.s32 v1, $0xF  }
0x2cd: {  	v1 =	vadd.s32 v1, v2  }
0x2ce: {  	s17 =	simm.s32 $0x1A900;
	s18 =	simm.s32 $0x280;
	s20 =	simm.s32 $0x0;
	[tilespmem:$0x1C880] =	vst v1  }
.LBB2_2:
0x2cf: {  	p0 =	seq.s32 s20, $0x0  }
0x2d0: {  	s5 =	simm.s32 @!p0 $0x8  }
0x2d1: {  	_ =	swait.ge @!p0 [sflag:s5], $0x4000  }
0x2d2: {  	[sflag:s5] =	ssyncset.done @!p0 $0x0  }
0x2d3: {  	[sflag:s5] =	ssyncadd.s32 @!p0 $0xFFFFC000  }
0x2d4: {  	_ =	swait.ge @!p0 [sflag:s5], $0x4000  }
0x2d5: {  	s24 =	simm.s32 @!p0 $0x9;
	s30 =	rddreg [dreg:$0x5];
	[sflag:s5] =	ssyncset.done @!p0 $0x0  }
0x2d6: {  	[sflag:s5] =	ssyncadd.s32 @!p0 $0xFFFFC000;
	s5 =	sadd.s32 @!p0 s20, s30;
	s30 =	simm.s32 @!p0 $0x0  }
0x2d7: {  	[tilespmem:s30], [sflag:$0x2] =	stream.linear.gather @!p0 [hbm4b:s5+s30], $0x4000, $0x38;
	[tilespmem:$0x1C900] =	vst v63  }
0x2d8: {  	_ =	swait.ge @!p0 [sflag:s24], $0x4000  }
0x2d9: {  	[sflag:s24] =	ssyncset.done @!p0 $0x0  }
0x2da: {  	[sflag:s24] =	ssyncadd.s32 @!p0 $0xFFFFC000  }
0x2db: {  	_ =	swait.ge @!p0 [sflag:s24], $0x4000  }
0x2dc: {  	[sflag:s24] =	ssyncset.done @!p0 $0x0  }
0x2dd: {  	s25 =	simm.s32 @!p0 $0x4000;
	[sflag:s24] =	ssyncadd.s32 @!p0 $0xFFFFC000;
	s24 =	sadd.s32 @!p0 $0x800, s5  }
0x2de: {  	[tilespmem:s25], [sflag:$0x3] =	stream.linear.gather @!p0 [hbm4b:s24+s30], $0x4000, $0x38;
	[tilespmem:$0x1C900] =	vst v63  }
0x2df: {  	s24 =	simm.s32 @!p0 $0xA  }
0x2e0: {  	_ =	swait.ge @!p0 [sflag:s24], $0x4000  }
0x2e1: {  	[sflag:s24] =	ssyncset.done @!p0 $0x0  }
0x2e2: {  	[sflag:s24] =	ssyncadd.s32 @!p0 $0xFFFFC000  }
0x2e3: {  	_ =	swait.ge @!p0 [sflag:s24], $0x4000  }
0x2e4: {  	[sflag:s24] =	ssyncset.done @!p0 $0x0  }
0x2e5: {  	s25 =	simm.s32 @!p0 $0x8000;
	[sflag:s24] =	ssyncadd.s32 @!p0 $0xFFFFC000;
	s24 =	sadd.s32 @!p0 $0x1000, s5  }
0x2e6: {  	[tilespmem:s25], [sflag:$0x4] =	stream.linear.gather @!p0 [hbm4b:s24+s30], $0x4000, $0x38;
	[tilespmem:$0x1C900] =	vst v63  }
0x2e7: {  	s24 =	simm.s32 @!p0 $0xB  }
0x2e8: {  	_ =	swait.ge @!p0 [sflag:s24], $0x4000  }
0x2e9: {  	[sflag:s24] =	ssyncset.done @!p0 $0x0  }
0x2ea: {  	[sflag:s24] =	ssyncadd.s32 @!p0 $0xFFFFC000  }
0x2eb: {  	_ =	swait.ge @!p0 [sflag:s24], $0x4000  }
0x2ec: {  	[sflag:s24] =	ssyncset.done @!p0 $0x0  }
0x2ed: {  	s25 =	simm.s32 @!p0 $0xC000;
	[sflag:s24] =	ssyncadd.s32 @!p0 $0xFFFFC000;
	s24 =	sadd.s32 @!p0 $0x1800, s5  }
0x2ee: {  	[tilespmem:s25], [sflag:$0x5] =	stream.linear.gather @!p0 [hbm4b:s24+s30], $0x4000, $0x38;
	[tilespmem:$0x1C900] =	vst v63  }
0x2ef: {  	s24 =	simm.s32 @!p0 $0xC  }
0x2f0: {  	_ =	swait.ge @!p0 [sflag:s24], $0x4000  }
0x2f1: {  	[sflag:s24] =	ssyncset.done @!p0 $0x0  }
0x2f2: {  	[sflag:s24] =	ssyncadd.s32 @!p0 $0xFFFFC000  }
0x2f3: {  	_ =	swait.ge @!p0 [sflag:s24], $0x4000  }
0x2f4: {  	[sflag:s24] =	ssyncset.done @!p0 $0x0  }
0x2f5: {  	s25 =	simm.s32 @!p0 $0x10000;
	[sflag:s24] =	ssyncadd.s32 @!p0 $0xFFFFC000;
	s24 =	sadd.s32 @!p0 $0x2000, s5  }
0x2f6: {  	[tilespmem:s25], [sflag:$0x6] =	stream.linear.gather @!p0 [hbm4b:s24+s30], $0x4000, $0x38;
	[tilespmem:$0x1C900] =	vst v63  }
0x2f7: {  	s24 =	simm.s32 @!p0 $0xD  }
0x2f8: {  	_ =	swait.ge @!p0 [sflag:s24], $0x4000  }
0x2f9: {  	[sflag:s24] =	ssyncset.done @!p0 $0x0  }
0x2fa: {  	[sflag:s24] =	ssyncadd.s32 @!p0 $0xFFFFC000  }
0x2fb: {  	_ =	swait.ge @!p0 [sflag:s24], $0x4000  }
0x2fc: {  	[sflag:s24] =	ssyncset.done @!p0 $0x0  }
0x2fd: {  	s5 =	sadd.s32 @!p0 $0x2800, s5;
	[sflag:s24] =	ssyncadd.s32 @!p0 $0xFFFFC000;
	s24 =	simm.s32 @!p0 $0x14000  }
0x2fe: {  	[tilespmem:s24], [sflag:$0x7] =	stream.linear.gather @!p0 [hbm4b:s5+s30], $0x4000, $0x38;
	[tilespmem:$0x1C900] =	vst v63  }
0x2ff: {  	_ =	swait.ge [sflag:s0], $0x4000  }
0x300: {  	[sflag:s0] =	ssyncset.done $0x0  }
0x301: {  	[sflag:s0] =	ssyncadd.s32 $0xFFFFC000  }
0x302: {  	v1 =	vld [tilespmem:s17+$0xFFFFE000];
	_ =	sdelay $0x4  }
0x303: {  	v2 =	vshll.u32 v1, $0x3  }
0x304: {  	v1 =	vand.u32 $0x7, v1;
	v2 =	vand.u32 $0xFFFFFFC0, v2  }
0x305: {  	v4 =	vor.u32 v1, v2;
	v2 =	vand.u32 $0x7, v0;
	v1 =	vshrl.u32 v0, $0x3  }
0x306: {  	v3 =	vperm.xlane v4, v2;
	v1 =	vmul.u32 $0x8, v1;
	_ =	sdelay $0x1  }
0x307: {  	v5 =	vadd.s32 v1, v3;
	_ =	sdelay $0x4  }
0x308: {  	v3 =	vor.u32 $0x8, v0;
	[hbm4b:s3+s4] =	stream.indirect_vreg.scatter [tilespmem:s4], [sflag:$0x8], $0x80, v5, vm0, $0xb8;
	[tilespmem:$0x1C900] =	vst v63  }
0x309: {  	s30 =	simm.s32 $0x800;
	v4 =	vperm.xlane v4, v3  }
0x30a: {  	[hbm4b:s13+s4] =	stream.indirect_vreg.scatter [tilespmem:s30], [sflag:$0x8], $0x80, v5, vm0, $0xb8;
	[tilespmem:$0x1C900] =	vst v63  }
0x30b: {  	s7 =	simm.s32 $0x1000;
	v4 =	vadd.s32 v1, v4  }
0x30c: {  	[hbm4b:s14+s4] =	stream.indirect_vreg.scatter [tilespmem:s7], [sflag:$0x8], $0x80, v5, vm0, $0xb8;
	[tilespmem:$0x1C900] =	vst v63  }
0x30d: {  	s6 =	simm.s32 $0x1800  }
0x30e: {  	[hbm4b:s15+s4] =	stream.indirect_vreg.scatter [tilespmem:s6], [sflag:$0x8], $0x80, v5, vm0, $0xb8;
	[tilespmem:$0x1C900] =	vst v63  }
0x30f: {  	s29 =	simm.s32 $0x2000  }
0x310: {  	[hbm4b:s3+s4] =	stream.indirect_vreg.scatter [tilespmem:s29], [sflag:$0x8], $0x80, v4, vm0, $0xb8;
	[tilespmem:$0x1C900] =	vst v63  }
0x311: {  	s1 =	simm.s32 $0x2800  }
0x312: {  	[hbm4b:s13+s4] =	stream.indirect_vreg.scatter [tilespmem:s1], [sflag:$0x8], $0x80, v4, vm0, $0xb8;
	[tilespmem:$0x1C900] =	vst v63  }
0x313: {  	s2 =	simm.s32 $0x3000  }
0x314: {  	[hbm4b:s14+s4] =	stream.indirect_vreg.scatter [tilespmem:s2], [sflag:$0x8], $0x80, v4, vm0, $0xb8;
	[tilespmem:$0x1C900] =	vst v63  }
0x315: {  	s9 =	simm.s32 $0x3800  }
0x316: {  	[hbm4b:s15+s4] =	stream.indirect_vreg.scatter [tilespmem:s9], [sflag:$0x8], $0x80, v4, vm0, $0xb8;
	[tilespmem:$0x1C900] =	vst v63  }
0x317: {  	v4 =	vld [tilespmem:s17+$0x0];
	_ =	sdelay $0x4  }
0x318: {  	v5 =	vshll.u32 v4, $0x3  }
0x319: {  	v4 =	vand.u32 $0x7, v4;
	v5 =	vand.u32 $0xFFFFFFC0, v5  }
0x31a: {  	v4 =	vor.u32 v4, v5  }
0x31b: {  	v5 =	vperm.xlane v4, v2;
	_ =	sdelay $0x1  }
0x31c: {  	v5 =	vadd.s32 v1, v5;
	_ =	sdelay $0x4  }
0x31d: {  	[hbm4b:s3+s4] =	stream.indirect_vreg.scatter [tilespmem:s4], [sflag:$0x8], $0x80, v5, vm0, $0xb8;
	[tilespmem:$0x1C900] =	vst v63  }
0x31e: {  	v4 =	vperm.xlane v4, v3  }
0x31f: {  	[hbm4b:s13+s4] =	stream.indirect_vreg.scatter [tilespmem:s30], [sflag:$0x8], $0x80, v5, vm0, $0xb8;
	[tilespmem:$0x1C900] =	vst v63  }
0x320: {  	v4 =	vadd.s32 v1, v4  }
0x321: {  	[hbm4b:s14+s4] =	stream.indirect_vreg.scatter [tilespmem:s7], [sflag:$0x8], $0x80, v5, vm0, $0xb8;
	[tilespmem:$0x1C900] =	vst v63  }
0x322: {  	_ = 	snop  }
0x323: {  	[hbm4b:s15+s4] =	stream.indirect_vreg.scatter [tilespmem:s6], [sflag:$0x8], $0x80, v5, vm0, $0xb8;
	[tilespmem:$0x1C900] =	vst v63  }
0x324: {  	_ = 	snop  }
0x325: {  	[hbm4b:s3+s4] =	stream.indirect_vreg.scatter [tilespmem:s29], [sflag:$0x8], $0x80, v4, vm0, $0xb8;
	[tilespmem:$0x1C900] =	vst v63  }
0x326: {  	_ = 	snop  }
0x327: {  	[hbm4b:s13+s4] =	stream.indirect_vreg.scatter [tilespmem:s1], [sflag:$0x8], $0x80, v4, vm0, $0xb8;
	[tilespmem:$0x1C900] =	vst v63  }
0x328: {  	_ = 	snop  }
0x329: {  	[hbm4b:s14+s4] =	stream.indirect_vreg.scatter [tilespmem:s2], [sflag:$0x8], $0x80, v4, vm0, $0xb8;
	[tilespmem:$0x1C900] =	vst v63  }
0x32a: {  	_ = 	snop  }
0x32b: {  	[hbm4b:s15+s4] =	stream.indirect_vreg.scatter [tilespmem:s9], [sflag:$0x8], $0x80, v4, vm0, $0xb8;
	[tilespmem:$0x1C900] =	vst v63  }
0x32c: {  	_ =	swait.ge [sflag:s8], $0x4000  }
0x32d: {  	s5 =	sadd.s32 @!p0 $0xFFFFFE00, s18;
	[sflag:s8] =	ssyncset.done $0x0  }
0x32e: {  	s5 =	simm.s32 @p0 $0x80;
	[sflag:s8] =	ssyncadd.s32 $0xFFFFC000  }
0x32f: {  	v4 =	vld [tilespmem:s5+$0x18900];
	_ =	sdelay $0x4  }
0x330: {  	v5 =	vshll.u32 v4, $0x3  }
0x331: {  	v4 =	vand.u32 $0x7, v4;
	v5 =	vand.u32 $0xFFFFFFC0, v5  }
0x332: {  	v4 =	vor.u32 v4, v5  }
0x333: {  	v5 =	vperm.xlane v4, v2;
	_ =	sdelay $0x1  }
0x334: {  	v5 =	vadd.s32 v1, v5;
	_ =	sdelay $0x3  }
0x335: {  	s22 =	simm.s32 $0x4000  }
0x336: {  	[hbm4b:s3+s4] =	stream.indirect_vreg.scatter [tilespmem:s22], [sflag:$0x9], $0x80, v5, vm0, $0xb8;
	[tilespmem:$0x1C900] =	vst v63  }
0x337: {  	s29 =	simm.s32 $0x4800;
	v4 =	vperm.xlane v4, v3  }
0x338: {  	[hbm4b:s13+s4] =	stream.indirect_vreg.scatter [tilespmem:s29], [sflag:$0x9], $0x80, v5, vm0, $0xb8;
	[tilespmem:$0x1C900] =	vst v63  }
0x339: {  	s12 =	simm.s32 $0x5000;
	v4 =	vadd.s32 v1, v4  }
0x33a: {  	[hbm4b:s14+s4] =	stream.indirect_vreg.scatter [tilespmem:s12], [sflag:$0x9], $0x80, v5, vm0, $0xb8;
	[tilespmem:$0x1C900] =	vst v63  }
0x33b: {  	s6 =	simm.s32 $0x5800  }
0x33c: {  	[hbm4b:s15+s4] =	stream.indirect_vreg.scatter [tilespmem:s6], [sflag:$0x9], $0x80, v5, vm0, $0xb8;
	[tilespmem:$0x1C900] =	vst v63  }
0x33d: {  	s1 =	simm.s32 $0x6000  }
0x33e: {  	[hbm4b:s3+s4] =	stream.indirect_vreg.scatter [tilespmem:s1], [sflag:$0x9], $0x80, v4, vm0, $0xb8;
	[tilespmem:$0x1C900] =	vst v63  }
0x33f: {  	s28 =	simm.s32 $0x6800  }
0x340: {  	[hbm4b:s13+s4] =	stream.indirect_vreg.scatter [tilespmem:s28], [sflag:$0x9], $0x80, v4, vm0, $0xb8;
	[tilespmem:$0x1C900] =	vst v63  }
0x341: {  	s7 =	simm.s32 $0x7000  }
0x342: {  	[hbm4b:s14+s4] =	stream.indirect_vreg.scatter [tilespmem:s7], [sflag:$0x9], $0x80, v4, vm0, $0xb8;
	[tilespmem:$0x1C900] =	vst v63  }
0x343: {  	s2 =	simm.s32 $0x7800  }
0x344: {  	[hbm4b:s15+s4] =	stream.indirect_vreg.scatter [tilespmem:s2], [sflag:$0x9], $0x80, v4, vm0, $0xb8;
	[tilespmem:$0x1C900] =	vst v63  }
0x345: {  	v4 =	vld [tilespmem:s5+$0x1A900];
	_ =	sdelay $0x4  }
0x346: {  	v5 =	vshll.u32 v4, $0x3  }
0x347: {  	v4 =	vand.u32 $0x7, v4;
	v5 =	vand.u32 $0xFFFFFFC0, v5  }
0x348: {  	v4 =	vor.u32 v4, v5  }
0x349: {  	v5 =	vperm.xlane v4, v2;
	_ =	sdelay $0x1  }
0x34a: {  	v5 =	vadd.s32 v1, v5;
	_ =	sdelay $0x4  }
0x34b: {  	[hbm4b:s3+s4] =	stream.indirect_vreg.scatter [tilespmem:s22], [sflag:$0x9], $0x80, v5, vm0, $0xb8;
	[tilespmem:$0x1C900] =	vst v63  }
0x34c: {  	v4 =	vperm.xlane v4, v3  }
0x34d: {  	[hbm4b:s13+s4] =	stream.indirect_vreg.scatter [tilespmem:s29], [sflag:$0x9], $0x80, v5, vm0, $0xb8;
	[tilespmem:$0x1C900] =	vst v63  }
0x34e: {  	v4 =	vadd.s32 v1, v4  }
0x34f: {  	[hbm4b:s14+s4] =	stream.indirect_vreg.scatter [tilespmem:s12], [sflag:$0x9], $0x80, v5, vm0, $0xb8;
	[tilespmem:$0x1C900] =	vst v63  }
0x350: {  	_ = 	snop  }
0x351: {  	[hbm4b:s15+s4] =	stream.indirect_vreg.scatter [tilespmem:s6], [sflag:$0x9], $0x80, v5, vm0, $0xb8;
	[tilespmem:$0x1C900] =	vst v63  }
0x352: {  	_ = 	snop  }
0x353: {  	[hbm4b:s3+s4] =	stream.indirect_vreg.scatter [tilespmem:s1], [sflag:$0x9], $0x80, v4, vm0, $0xb8;
	[tilespmem:$0x1C900] =	vst v63  }
0x354: {  	_ = 	snop  }
0x355: {  	[hbm4b:s13+s4] =	stream.indirect_vreg.scatter [tilespmem:s28], [sflag:$0x9], $0x80, v4, vm0, $0xb8;
	[tilespmem:$0x1C900] =	vst v63  }
0x356: {  	_ = 	snop  }
0x357: {  	[hbm4b:s14+s4] =	stream.indirect_vreg.scatter [tilespmem:s7], [sflag:$0x9], $0x80, v4, vm0, $0xb8;
	[tilespmem:$0x1C900] =	vst v63  }
0x358: {  	_ = 	snop  }
0x359: {  	[hbm4b:s15+s4] =	stream.indirect_vreg.scatter [tilespmem:s2], [sflag:$0x9], $0x80, v4, vm0, $0xb8;
	[tilespmem:$0x1C900] =	vst v63  }
0x35a: {  	_ =	swait.ge [sflag:s19], $0x4000  }
0x35b: {  	s5 =	sadd.s32 @!p0 $0xFFFFFE80, s18;
	[sflag:s19] =	ssyncset.done $0x0  }
0x35c: {  	s5 =	simm.s32 @p0 $0x100;
	[sflag:s19] =	ssyncadd.s32 $0xFFFFC000  }
0x35d: {  	v4 =	vld [tilespmem:s5+$0x18900];
	_ =	sdelay $0x4  }
0x35e: {  	v5 =	vshll.u32 v4, $0x3  }
0x35f: {  	v4 =	vand.u32 $0x7, v4;
	v5 =	vand.u32 $0xFFFFFFC0, v5  }
0x360: {  	v4 =	vor.u32 v4, v5  }
0x361: {  	v5 =	vperm.xlane v4, v2;
	_ =	sdelay $0x1  }
0x362: {  	v5 =	vadd.s32 v1, v5;
	_ =	sdelay $0x3  }
0x363: {  	s22 =	simm.s32 $0x8000  }
0x364: {  	[hbm4b:s3+s4] =	stream.indirect_vreg.scatter [tilespmem:s22], [sflag:$0xA], $0x80, v5, vm0, $0xb8;
	[tilespmem:$0x1C900] =	vst v63  }
0x365: {  	s29 =	simm.s32 $0x8800;
	v4 =	vperm.xlane v4, v3  }
0x366: {  	[hbm4b:s13+s4] =	stream.indirect_vreg.scatter [tilespmem:s29], [sflag:$0xA], $0x80, v5, vm0, $0xb8;
	[tilespmem:$0x1C900] =	vst v63  }
0x367: {  	s28 =	simm.s32 $0x9000;
	v4 =	vadd.s32 v1, v4  }
0x368: {  	[hbm4b:s14+s4] =	stream.indirect_vreg.scatter [tilespmem:s28], [sflag:$0xA], $0x80, v5, vm0, $0xb8;
	[tilespmem:$0x1C900] =	vst v63  }
0x369: {  	s12 =	simm.s32 $0x9800  }
0x36a: {  	[hbm4b:s15+s4] =	stream.indirect_vreg.scatter [tilespmem:s12], [sflag:$0xA], $0x80, v5, vm0, $0xb8;
	[tilespmem:$0x1C900] =	vst v63  }
0x36b: {  	s7 =	simm.s32 $0xA000  }
0x36c: {  	[hbm4b:s3+s4] =	stream.indirect_vreg.scatter [tilespmem:s7], [sflag:$0xA], $0x80, v4, vm0, $0xb8;
	[tilespmem:$0x1C900] =	vst v63  }
0x36d: {  	s6 =	simm.s32 $0xA800  }
0x36e: {  	[hbm4b:s13+s4] =	stream.indirect_vreg.scatter [tilespmem:s6], [sflag:$0xA], $0x80, v4, vm0, $0xb8;
	[tilespmem:$0x1C900] =	vst v63  }
0x36f: {  	s2 =	simm.s32 $0xB000  }
0x370: {  	[hbm4b:s14+s4] =	stream.indirect_vreg.scatter [tilespmem:s2], [sflag:$0xA], $0x80, v4, vm0, $0xb8;
	[tilespmem:$0x1C900] =	vst v63  }
0x371: {  	s1 =	simm.s32 $0xB800  }
0x372: {  	[hbm4b:s15+s4] =	stream.indirect_vreg.scatter [tilespmem:s1], [sflag:$0xA], $0x80, v4, vm0, $0xb8;
	[tilespmem:$0x1C900] =	vst v63  }
0x373: {  	v4 =	vld [tilespmem:s5+$0x1A900];
	_ =	sdelay $0x4  }
0x374: {  	v5 =	vshll.u32 v4, $0x3  }
0x375: {  	v4 =	vand.u32 $0x7, v4;
	v5 =	vand.u32 $0xFFFFFFC0, v5  }
0x376: {  	v4 =	vor.u32 v4, v5  }
0x377: {  	v5 =	vperm.xlane v4, v2;
	_ =	sdelay $0x1  }
0x378: {  	v5 =	vadd.s32 v1, v5;
	_ =	sdelay $0x4  }
0x379: {  	[hbm4b:s3+s4] =	stream.indirect_vreg.scatter [tilespmem:s22], [sflag:$0xA], $0x80, v5, vm0, $0xb8;
	[tilespmem:$0x1C900] =	vst v63  }
0x37a: {  	v4 =	vperm.xlane v4, v3  }
0x37b: {  	[hbm4b:s13+s4] =	stream.indirect_vreg.scatter [tilespmem:s29], [sflag:$0xA], $0x80, v5, vm0, $0xb8;
	[tilespmem:$0x1C900] =	vst v63  }
0x37c: {  	v4 =	vadd.s32 v1, v4  }
0x37d: {  	[hbm4b:s14+s4] =	stream.indirect_vreg.scatter [tilespmem:s28], [sflag:$0xA], $0x80, v5, vm0, $0xb8;
	[tilespmem:$0x1C900] =	vst v63  }
0x37e: {  	_ = 	snop  }
0x37f: {  	[hbm4b:s15+s4] =	stream.indirect_vreg.scatter [tilespmem:s12], [sflag:$0xA], $0x80, v5, vm0, $0xb8;
	[tilespmem:$0x1C900] =	vst v63  }
0x380: {  	_ = 	snop  }
0x381: {  	[hbm4b:s3+s4] =	stream.indirect_vreg.scatter [tilespmem:s7], [sflag:$0xA], $0x80, v4, vm0, $0xb8;
	[tilespmem:$0x1C900] =	vst v63  }
0x382: {  	_ = 	snop  }
0x383: {  	[hbm4b:s13+s4] =	stream.indirect_vreg.scatter [tilespmem:s6], [sflag:$0xA], $0x80, v4, vm0, $0xb8;
	[tilespmem:$0x1C900] =	vst v63  }
0x384: {  	_ = 	snop  }
0x385: {  	[hbm4b:s14+s4] =	stream.indirect_vreg.scatter [tilespmem:s2], [sflag:$0xA], $0x80, v4, vm0, $0xb8;
	[tilespmem:$0x1C900] =	vst v63  }
0x386: {  	_ = 	snop  }
0x387: {  	[hbm4b:s15+s4] =	stream.indirect_vreg.scatter [tilespmem:s1], [sflag:$0xA], $0x80, v4, vm0, $0xb8;
	[tilespmem:$0x1C900] =	vst v63  }
0x388: {  	_ =	swait.ge [sflag:s26], $0x4000  }
0x389: {  	s5 =	sadd.s32 @!p0 $0xFFFFFF00, s18;
	[sflag:s26] =	ssyncset.done $0x0  }
0x38a: {  	s5 =	simm.s32 @p0 $0x180;
	[sflag:s26] =	ssyncadd.s32 $0xFFFFC000  }
0x38b: {  	v4 =	vld [tilespmem:s5+$0x18900];
	_ =	sdelay $0x4  }
0x38c: {  	v5 =	vshll.u32 v4, $0x3  }
0x38d: {  	v4 =	vand.u32 $0x7, v4;
	v5 =	vand.u32 $0xFFFFFFC0, v5  }
0x38e: {  	v4 =	vor.u32 v4, v5  }
0x38f: {  	v5 =	vperm.xlane v4, v2;
	_ =	sdelay $0x1  }
0x390: {  	v5 =	vadd.s32 v1, v5;
	_ =	sdelay $0x3  }
0x391: {  	s22 =	simm.s32 $0xC000  }
0x392: {  	[hbm4b:s3+s4] =	stream.indirect_vreg.scatter [tilespmem:s22], [sflag:$0xB], $0x80, v5, vm0, $0xb8;
	[tilespmem:$0x1C900] =	vst v63  }
0x393: {  	s12 =	simm.s32 $0xC800;
	v4 =	vperm.xlane v4, v3  }
0x394: {  	[hbm4b:s13+s4] =	stream.indirect_vreg.scatter [tilespmem:s12], [sflag:$0xB], $0x80, v5, vm0, $0xb8;
	[tilespmem:$0x1C900] =	vst v63  }
0x395: {  	s1 =	simm.s32 $0xD000;
	v4 =	vadd.s32 v1, v4  }
0x396: {  	[hbm4b:s14+s4] =	stream.indirect_vreg.scatter [tilespmem:s1], [sflag:$0xB], $0x80, v5, vm0, $0xb8;
	[tilespmem:$0x1C900] =	vst v63  }
0x397: {  	s2 =	simm.s32 $0xD800  }
0x398: {  	[hbm4b:s15+s4] =	stream.indirect_vreg.scatter [tilespmem:s2], [sflag:$0xB], $0x80, v5, vm0, $0xb8;
	[tilespmem:$0x1C900] =	vst v63  }
0x399: {  	s28 =	simm.s32 $0xE000  }
0x39a: {  	[hbm4b:s3+s4] =	stream.indirect_vreg.scatter [tilespmem:s28], [sflag:$0xB], $0x80, v4, vm0, $0xb8;
	[tilespmem:$0x1C900] =	vst v63  }
0x39b: {  	s29 =	simm.s32 $0xE800  }
0x39c: {  	[hbm4b:s13+s4] =	stream.indirect_vreg.scatter [tilespmem:s29], [sflag:$0xB], $0x80, v4, vm0, $0xb8;
	[tilespmem:$0x1C900] =	vst v63  }
0x39d: {  	s6 =	simm.s32 $0xF000  }
0x39e: {  	[hbm4b:s14+s4] =	stream.indirect_vreg.scatter [tilespmem:s6], [sflag:$0xB], $0x80, v4, vm0, $0xb8;
	[tilespmem:$0x1C900] =	vst v63  }
0x39f: {  	s7 =	simm.s32 $0xF800  }
0x3a0: {  	[hbm4b:s15+s4] =	stream.indirect_vreg.scatter [tilespmem:s7], [sflag:$0xB], $0x80, v4, vm0, $0xb8;
	[tilespmem:$0x1C900] =	vst v63  }
0x3a1: {  	v4 =	vld [tilespmem:s5+$0x1A900];
	_ =	sdelay $0x4  }
0x3a2: {  	v5 =	vshll.u32 v4, $0x3  }
0x3a3: {  	v4 =	vand.u32 $0x7, v4;
	v5 =	vand.u32 $0xFFFFFFC0, v5  }
0x3a4: {  	v4 =	vor.u32 v4, v5  }
0x3a5: {  	v5 =	vperm.xlane v4, v2;
	_ =	sdelay $0x1  }
0x3a6: {  	v5 =	vadd.s32 v1, v5;
	_ =	sdelay $0x4  }
0x3a7: {  	[hbm4b:s3+s4] =	stream.indirect_vreg.scatter [tilespmem:s22], [sflag:$0xB], $0x80, v5, vm0, $0xb8;
	[tilespmem:$0x1C900] =	vst v63  }
0x3a8: {  	v4 =	vperm.xlane v4, v3  }
0x3a9: {  	[hbm4b:s13+s4] =	stream.indirect_vreg.scatter [tilespmem:s12], [sflag:$0xB], $0x80, v5, vm0, $0xb8;
	[tilespmem:$0x1C900] =	vst v63  }
0x3aa: {  	v4 =	vadd.s32 v1, v4  }
0x3ab: {  	[hbm4b:s14+s4] =	stream.indirect_vreg.scatter [tilespmem:s1], [sflag:$0xB], $0x80, v5, vm0, $0xb8;
	[tilespmem:$0x1C900] =	vst v63  }
0x3ac: {  	_ = 	snop  }
0x3ad: {  	[hbm4b:s15+s4] =	stream.indirect_vreg.scatter [tilespmem:s2], [sflag:$0xB], $0x80, v5, vm0, $0xb8;
	[tilespmem:$0x1C900] =	vst v63  }
0x3ae: {  	_ = 	snop  }
0x3af: {  	[hbm4b:s3+s4] =	stream.indirect_vreg.scatter [tilespmem:s28], [sflag:$0xB], $0x80, v4, vm0, $0xb8;
	[tilespmem:$0x1C900] =	vst v63  }
0x3b0: {  	_ = 	snop  }
0x3b1: {  	[hbm4b:s13+s4] =	stream.indirect_vreg.scatter [tilespmem:s29], [sflag:$0xB], $0x80, v4, vm0, $0xb8;
	[tilespmem:$0x1C900] =	vst v63  }
0x3b2: {  	_ = 	snop  }
0x3b3: {  	[hbm4b:s14+s4] =	stream.indirect_vreg.scatter [tilespmem:s6], [sflag:$0xB], $0x80, v4, vm0, $0xb8;
	[tilespmem:$0x1C900] =	vst v63  }
0x3b4: {  	s2 =	simm.s32 $0x6  }
0x3b5: {  	[hbm4b:s15+s4] =	stream.indirect_vreg.scatter [tilespmem:s7], [sflag:$0xB], $0x80, v4, vm0, $0xb8;
	[tilespmem:$0x1C900] =	vst v63  }
0x3b6: {  	_ =	swait.ge [sflag:s2], $0x4000  }
0x3b7: {  	s5 =	sadd.s32 @!p0 $0xFFFFFF80, s18;
	[sflag:s2] =	ssyncset.done $0x0  }
0x3b8: {  	s5 =	simm.s32 @p0 $0x200;
	[sflag:s2] =	ssyncadd.s32 $0xFFFFC000  }
0x3b9: {  	v4 =	vld [tilespmem:s5+$0x18900];
	_ =	sdelay $0x4  }
0x3ba: {  	v5 =	vshll.u32 v4, $0x3  }
0x3bb: {  	v4 =	vand.u32 $0x7, v4;
	v5 =	vand.u32 $0xFFFFFFC0, v5  }
0x3bc: {  	v4 =	vor.u32 v4, v5  }
0x3bd: {  	v5 =	vperm.xlane v4, v2;
	_ =	sdelay $0x1  }
0x3be: {  	v5 =	vadd.s32 v1, v5;
	_ =	sdelay $0x3  }
0x3bf: {  	s24 =	simm.s32 $0x10000  }
0x3c0: {  	[hbm4b:s3+s4] =	stream.indirect_vreg.scatter [tilespmem:s24], [sflag:$0xC], $0x80, v5, vm0, $0xb8;
	[tilespmem:$0x1C900] =	vst v63  }
0x3c1: {  	s22 =	simm.s32 $0x10800;
	v4 =	vperm.xlane v4, v3  }
0x3c2: {  	[hbm4b:s13+s4] =	stream.indirect_vreg.scatter [tilespmem:s22], [sflag:$0xC], $0x80, v5, vm0, $0xb8;
	[tilespmem:$0x1C900] =	vst v63  }
0x3c3: {  	s11 =	simm.s32 $0x11000;
	v4 =	vadd.s32 v1, v4  }
0x3c4: {  	[hbm4b:s14+s4] =	stream.indirect_vreg.scatter [tilespmem:s11], [sflag:$0xC], $0x80, v5, vm0, $0xb8;
	[tilespmem:$0x1C900] =	vst v63  }
0x3c5: {  	s12 =	simm.s32 $0x11800  }
0x3c6: {  	[hbm4b:s15+s4] =	stream.indirect_vreg.scatter [tilespmem:s12], [sflag:$0xC], $0x80, v5, vm0, $0xb8;
	[tilespmem:$0x1C900] =	vst v63  }
0x3c7: {  	s21 =	simm.s32 $0x12000  }
0x3c8: {  	[hbm4b:s3+s4] =	stream.indirect_vreg.scatter [tilespmem:s21], [sflag:$0xC], $0x80, v4, vm0, $0xb8;
	[tilespmem:$0x1C900] =	vst v63  }
0x3c9: {  	s28 =	simm.s32 $0x12800  }
0x3ca: {  	[hbm4b:s13+s4] =	stream.indirect_vreg.scatter [tilespmem:s28], [sflag:$0xC], $0x80, v4, vm0, $0xb8;
	[tilespmem:$0x1C900] =	vst v63  }
0x3cb: {  	s10 =	simm.s32 $0x13000  }
0x3cc: {  	[hbm4b:s14+s4] =	stream.indirect_vreg.scatter [tilespmem:s10], [sflag:$0xC], $0x80, v4, vm0, $0xb8;
	[tilespmem:$0x1C900] =	vst v63  }
0x3cd: {  	s23 =	simm.s32 $0x13800  }
0x3ce: {  	[hbm4b:s15+s4] =	stream.indirect_vreg.scatter [tilespmem:s23], [sflag:$0xC], $0x80, v4, vm0, $0xb8;
	[tilespmem:$0x1C900] =	vst v63  }
0x3cf: {  	v4 =	vld [tilespmem:s5+$0x1A900];
	_ =	sdelay $0x4  }
0x3d0: {  	v5 =	vshll.u32 v4, $0x3  }
0x3d1: {  	v4 =	vand.u32 $0x7, v4;
	v5 =	vand.u32 $0xFFFFFFC0, v5  }
0x3d2: {  	v4 =	vor.u32 v4, v5  }
0x3d3: {  	v5 =	vperm.xlane v4, v2;
	_ =	sdelay $0x1  }
0x3d4: {  	v5 =	vadd.s32 v1, v5;
	_ =	sdelay $0x4  }
0x3d5: {  	[hbm4b:s3+s4] =	stream.indirect_vreg.scatter [tilespmem:s24], [sflag:$0xC], $0x80, v5, vm0, $0xb8;
	[tilespmem:$0x1C900] =	vst v63  }
0x3d6: {  	v4 =	vperm.xlane v4, v3  }
0x3d7: {  	[hbm4b:s13+s4] =	stream.indirect_vreg.scatter [tilespmem:s22], [sflag:$0xC], $0x80, v5, vm0, $0xb8;
	[tilespmem:$0x1C900] =	vst v63  }
0x3d8: {  	s29 =	simm.s32 $0x11000;
	v4 =	vadd.s32 v1, v4  }
0x3d9: {  	[hbm4b:s14+s4] =	stream.indirect_vreg.scatter [tilespmem:s29], [sflag:$0xC], $0x80, v5, vm0, $0xb8;
	[tilespmem:$0x1C900] =	vst v63  }
0x3da: {  	_ = 	snop  }
0x3db: {  	[hbm4b:s15+s4] =	stream.indirect_vreg.scatter [tilespmem:s12], [sflag:$0xC], $0x80, v5, vm0, $0xb8;
	[tilespmem:$0x1C900] =	vst v63  }
0x3dc: {  	s2 =	simm.s32 $0x12000  }
0x3dd: {  	[hbm4b:s3+s4] =	stream.indirect_vreg.scatter [tilespmem:s2], [sflag:$0xC], $0x80, v4, vm0, $0xb8;
	[tilespmem:$0x1C900] =	vst v63  }
0x3de: {  	_ = 	snop  }
0x3df: {  	[hbm4b:s13+s4] =	stream.indirect_vreg.scatter [tilespmem:s28], [sflag:$0xC], $0x80, v4, vm0, $0xb8;
	[tilespmem:$0x1C900] =	vst v63  }
0x3e0: {  	s1 =	simm.s32 $0x13000  }
0x3e1: {  	[hbm4b:s14+s4] =	stream.indirect_vreg.scatter [tilespmem:s1], [sflag:$0xC], $0x80, v4, vm0, $0xb8;
	[tilespmem:$0x1C900] =	vst v63  }
0x3e2: {  	s12 =	simm.s32 $0x13800  }
0x3e3: {  	[hbm4b:s15+s4] =	stream.indirect_vreg.scatter [tilespmem:s12], [sflag:$0xC], $0x80, v4, vm0, $0xb8;
	[tilespmem:$0x1C900] =	vst v63  }
0x3e4: {  	_ =	swait.ge [sflag:s16], $0x4000  }
0x3e5: {  	s5 =	smov.u32 s18;
	[sflag:s16] =	ssyncset.done $0x0  }
0x3e6: {  	s5 =	simm.s32 @p0 $0x280;
	[sflag:s16] =	ssyncadd.s32 $0xFFFFC000  }
0x3e7: {  	v4 =	vld [tilespmem:s5+$0x18900];
	_ =	sdelay $0x4  }
0x3e8: {  	v5 =	vshll.u32 v4, $0x3  }
0x3e9: {  	v4 =	vand.u32 $0x7, v4;
	v5 =	vand.u32 $0xFFFFFFC0, v5  }
0x3ea: {  	v4 =	vor.u32 v4, v5  }
0x3eb: {  	v5 =	vperm.xlane v4, v2;
	_ =	sdelay $0x1  }
0x3ec: {  	v5 =	vadd.s32 v1, v5;
	_ =	sdelay $0x3  }
0x3ed: {  	s25 =	simm.s32 $0x14000  }
0x3ee: {  	[hbm4b:s3+s4] =	stream.indirect_vreg.scatter [tilespmem:s25], [sflag:$0xD], $0x80, v5, vm0, $0xb8;
	[tilespmem:$0x1C900] =	vst v63  }
0x3ef: {  	s7 =	simm.s32 $0x14800;
	v4 =	vperm.xlane v4, v3  }
0x3f0: {  	[hbm4b:s13+s4] =	stream.indirect_vreg.scatter [tilespmem:s7], [sflag:$0xD], $0x80, v5, vm0, $0xb8;
	[tilespmem:$0x1C900] =	vst v63  }
0x3f1: {  	s11 =	simm.s32 $0x15000;
	v4 =	vadd.s32 v1, v4  }
0x3f2: {  	[hbm4b:s14+s4] =	stream.indirect_vreg.scatter [tilespmem:s11], [sflag:$0xD], $0x80, v5, vm0, $0xb8;
	[tilespmem:$0x1C900] =	vst v63  }
0x3f3: {  	s6 =	simm.s32 $0x15800  }
0x3f4: {  	[hbm4b:s15+s4] =	stream.indirect_vreg.scatter [tilespmem:s6], [sflag:$0xD], $0x80, v5, vm0, $0xb8;
	[tilespmem:$0x1C900] =	vst v63  }
0x3f5: {  	s22 =	simm.s32 $0x16000  }
0x3f6: {  	[hbm4b:s3+s4] =	stream.indirect_vreg.scatter [tilespmem:s22], [sflag:$0xD], $0x80, v4, vm0, $0xb8;
	[tilespmem:$0x1C900] =	vst v63  }
0x3f7: {  	s23 =	simm.s32 $0x16800  }
0x3f8: {  	[hbm4b:s13+s4] =	stream.indirect_vreg.scatter [tilespmem:s23], [sflag:$0xD], $0x80, v4, vm0, $0xb8;
	[tilespmem:$0x1C900] =	vst v63  }
0x3f9: {  	s9 =	simm.s32 $0x17000  }
0x3fa: {  	[hbm4b:s14+s4] =	stream.indirect_vreg.scatter [tilespmem:s9], [sflag:$0xD], $0x80, v4, vm0, $0xb8;
	[tilespmem:$0x1C900] =	vst v63  }
0x3fb: {  	s28 =	simm.s32 $0x17800  }
0x3fc: {  	[hbm4b:s15+s4] =	stream.indirect_vreg.scatter [tilespmem:s28], [sflag:$0xD], $0x80, v4, vm0, $0xb8;
	[tilespmem:$0x1C900] =	vst v63  }
0x3fd: {  	v4 =	vld [tilespmem:s5+$0x1A900];
	_ =	sdelay $0x4  }
0x3fe: {  	v5 =	vshll.u32 v4, $0x3  }
0x3ff: {  	v4 =	vand.u32 $0x7, v4;
	v5 =	vand.u32 $0xFFFFFFC0, v5  }
0x400: {  	v4 =	vor.u32 v4, v5  }
0x401: {  	v5 =	vperm.xlane v4, v2;
	_ =	sdelay $0x1  }
0x402: {  	v5 =	vadd.s32 v1, v5;
	_ =	sdelay $0x4  }
0x403: {  	[hbm4b:s3+s4] =	stream.indirect_vreg.scatter [tilespmem:s25], [sflag:$0xD], $0x80, v5, vm0, $0xb8;
	[tilespmem:$0x1C900] =	vst v63  }
0x404: {  	v4 =	vperm.xlane v4, v3  }
0x405: {  	[hbm4b:s13+s4] =	stream.indirect_vreg.scatter [tilespmem:s7], [sflag:$0xD], $0x80, v5, vm0, $0xb8;
	[tilespmem:$0x1C900] =	vst v63  }
0x406: {  	v4 =	vadd.s32 v1, v4  }
0x407: {  	[hbm4b:s14+s4] =	stream.indirect_vreg.scatter [tilespmem:s11], [sflag:$0xD], $0x80, v5, vm0, $0xb8;
	[tilespmem:$0x1C900] =	vst v63  }
0x408: {  	_ = 	snop  }
0x409: {  	[hbm4b:s15+s4] =	stream.indirect_vreg.scatter [tilespmem:s6], [sflag:$0xD], $0x80, v5, vm0, $0xb8;
	[tilespmem:$0x1C900] =	vst v63  }
0x40a: {  	s20 =	sadd.s32 $0x3000, s20  }
0x40b: {  	[hbm4b:s3+s4] =	stream.indirect_vreg.scatter [tilespmem:s22], [sflag:$0xD], $0x80, v4, vm0, $0xb8;
	[tilespmem:$0x1C900] =	vst v63  }
0x40c: {  	p0 =	sne.s32 s20, $0x1E000  }
0x40d: {  	[hbm4b:s13+s4] =	stream.indirect_vreg.scatter [tilespmem:s23], [sflag:$0xD], $0x80, v4, vm0, $0xb8;
	[tilespmem:$0x1C900] =	vst v63  }
.Ltmp0:
0x40e: {  	_ = 	snop;
	(pc) =	sbr.rel @p0 .LBB2_2-.Ltmp0, $4  }
0x40f: {  	s29 =	simm.s32 $0x17000  }
0x410: {  	[hbm4b:s14+s4] =	stream.indirect_vreg.scatter [tilespmem:s29], [sflag:$0xD], $0x80, v4, vm0, $0xb8;
	[tilespmem:$0x1C900] =	vst v63  }
0x411: {  	s17 =	sadd.s32 $0x300, s17;
	s18 =	sadd.s32 $0x300, s18  }
0x412: {  	[hbm4b:s15+s4] =	stream.indirect_vreg.scatter [tilespmem:s28], [sflag:$0xD], $0x80, v4, vm0, $0xb8;
	[tilespmem:$0x1C900] =	vst v63  }
0x413: {  	s9 =	simm.s32 $0x8  }
0x414: {  	_ =	swait.ge [sflag:s9], $0x4000  }
0x415: {  	[sflag:s9] =	ssyncset.done $0x0  }
0x416: {  	[sflag:s9] =	ssyncadd.s32 $0xFFFFC000  }
0x417: {  	_ =	swait.ge [sflag:s9], $0x4000  }
0x418: {  	[sflag:s9] =	ssyncset.done $0x0  }
0x419: {  	s10 =	simm.s32 $0x9;
	s5 =	rddreg [dreg:$0xe];
	[sflag:s9] =	ssyncadd.s32 $0xFFFFC000  }
0x41a: {  	[tilespmem:s4], [sflag:$0x2] =	stream.linear.gather [hbm4b:s5+s4], $0x4000, $0x38;
	[tilespmem:$0x1C900] =	vst v63  }
0x41b: {  	_ =	swait.ge [sflag:s10], $0x4000  }
0x41c: {  	[sflag:s10] =	ssyncset.done $0x0  }
0x41d: {  	[sflag:s10] =	ssyncadd.s32 $0xFFFFC000  }
0x41e: {  	_ =	swait.ge [sflag:s10], $0x4000  }
0x41f: {  	s17 =	simm.s32 $0x4000;
	[sflag:s10] =	ssyncset.done $0x0  }
0x420: {  	s11 =	simm.s32 $0xA;
	s22 =	rddreg [dreg:$0xf];
	[sflag:s10] =	ssyncadd.s32 $0xFFFFC000  }
0x421: {  	[tilespmem:s17], [sflag:$0x3] =	stream.linear.gather [hbm4b:s22+s4], $0x4000, $0x38;
	[tilespmem:$0x1C900] =	vst v63  }
0x422: {  	_ =	swait.ge [sflag:s11], $0x4000  }
0x423: {  	[sflag:s11] =	ssyncset.done $0x0  }
0x424: {  	[sflag:s11] =	ssyncadd.s32 $0xFFFFC000  }
0x425: {  	_ =	swait.ge [sflag:s11], $0x4000  }
0x426: {  	s18 =	simm.s32 $0x8000;
	[sflag:s11] =	ssyncset.done $0x0  }
0x427: {  	s21 =	simm.s32 $0xB;
	s23 =	rddreg [dreg:$0x10];
	[sflag:s11] =	ssyncadd.s32 $0xFFFFC000  }
0x428: {  	[tilespmem:s18], [sflag:$0x4] =	stream.linear.gather [hbm4b:s23+s4], $0x4000, $0x38;
	[tilespmem:$0x1C900] =	vst v63  }
0x429: {  	_ =	swait.ge [sflag:s21], $0x4000  }
0x42a: {  	[sflag:s21] =	ssyncset.done $0x0  }
0x42b: {  	[sflag:s21] =	ssyncadd.s32 $0xFFFFC000  }
0x42c: {  	_ =	swait.ge [sflag:s21], $0x4000  }
0x42d: {  	[sflag:s21] =	ssyncset.done $0x0  }
0x42e: {  	s20 =	simm.s32 $0xC000;
	s28 =	rddreg [dreg:$0x11];
	[sflag:s21] =	ssyncadd.s32 $0xFFFFC000  }
0x42f: {  	[tilespmem:s20], [sflag:$0x5] =	stream.linear.gather [hbm4b:s28+s4], $0x4000, $0x38;
	[tilespmem:$0x1C900] =	vst v63  }
0x430: {  	_ =	swait.ge [sflag:s0], $0x4000  }
0x431: {  	[sflag:s0] =	ssyncset.done $0x0  }
0x432: {  	[sflag:s0] =	ssyncadd.s32 $0xFFFFC000  }
0x433: {  	v4 =	vld [tilespmem:$0x1A700];
	_ =	sdelay $0x4  }
0x434: {  	v5 =	vshll.u32 v4, $0x3  }
0x435: {  	v4 =	vand.u32 $0x7, v4;
	v5 =	vand.u32 $0xFFFFFFC0, v5  }
0x436: {  	v4 =	vor.u32 v4, v5  }
0x437: {  	v5 =	vperm.xlane v4, v2;
	_ =	sdelay $0x1  }
0x438: {  	v5 =	vadd.s32 v1, v5;
	_ =	sdelay $0x4  }
0x439: {  	[hbm4b:s3+s4] =	stream.indirect_vreg.scatter [tilespmem:s4], [sflag:$0x8], $0x80, v5, vm0, $0xb8;
	[tilespmem:$0x1C900] =	vst v63  }
0x43a: {  	v4 =	vperm.xlane v4, v3  }
0x43b: {  	[hbm4b:s13+s4] =	stream.indirect_vreg.scatter [tilespmem:s30], [sflag:$0x8], $0x80, v5, vm0, $0xb8;
	[tilespmem:$0x1C900] =	vst v63  }
0x43c: {  	s7 =	simm.s32 $0x1000;
	v4 =	vadd.s32 v1, v4  }
0x43d: {  	[hbm4b:s14+s4] =	stream.indirect_vreg.scatter [tilespmem:s7], [sflag:$0x8], $0x80, v5, vm0, $0xb8;
	[tilespmem:$0x1C900] =	vst v63  }
0x43e: {  	s6 =	simm.s32 $0x1800  }
0x43f: {  	[hbm4b:s15+s4] =	stream.indirect_vreg.scatter [tilespmem:s6], [sflag:$0x8], $0x80, v5, vm0, $0xb8;
	[tilespmem:$0x1C900] =	vst v63  }
0x440: {  	s29 =	simm.s32 $0x2000  }
0x441: {  	[hbm4b:s3+s4] =	stream.indirect_vreg.scatter [tilespmem:s29], [sflag:$0x8], $0x80, v4, vm0, $0xb8;
	[tilespmem:$0x1C900] =	vst v63  }
0x442: {  	s1 =	simm.s32 $0x2800  }
0x443: {  	[hbm4b:s13+s4] =	stream.indirect_vreg.scatter [tilespmem:s1], [sflag:$0x8], $0x80, v4, vm0, $0xb8;
	[tilespmem:$0x1C900] =	vst v63  }
0x444: {  	s2 =	simm.s32 $0x3000  }
0x445: {  	[hbm4b:s14+s4] =	stream.indirect_vreg.scatter [tilespmem:s2], [sflag:$0x8], $0x80, v4, vm0, $0xb8;
	[tilespmem:$0x1C900] =	vst v63  }
0x446: {  	s12 =	simm.s32 $0x3800  }
0x447: {  	[hbm4b:s15+s4] =	stream.indirect_vreg.scatter [tilespmem:s12], [sflag:$0x8], $0x80, v4, vm0, $0xb8;
	[tilespmem:$0x1C900] =	vst v63  }
0x448: {  	v4 =	vld [tilespmem:$0x1C700];
	_ =	sdelay $0x4  }
0x449: {  	v54 =	vshll.u32 v4, $0x3  }
0x44a: {  	v4 =	vand.u32 $0x7, v4;
	v5 =	vand.u32 $0xFFFFFFC0, v54  }
0x44b: {  	v4 =	vor.u32 v4, v5  }
0x44c: {  	v5 =	vperm.xlane v4, v2;
	_ =	sdelay $0x1  }
0x44d: {  	v5 =	vadd.s32 v1, v5;
	_ =	sdelay $0x4  }
0x44e: {  	[hbm4b:s3+s4] =	stream.indirect_vreg.scatter [tilespmem:s4], [sflag:$0x8], $0x80, v5, vm0, $0xb8;
	[tilespmem:$0x1C900] =	vst v63  }
0x44f: {  	v4 =	vperm.xlane v4, v3  }
0x450: {  	[hbm4b:s13+s4] =	stream.indirect_vreg.scatter [tilespmem:s30], [sflag:$0x8], $0x80, v5, vm0, $0xb8;
	[tilespmem:$0x1C900] =	vst v63  }
0x451: {  	v4 =	vadd.s32 v1, v4  }
0x452: {  	[hbm4b:s14+s4] =	stream.indirect_vreg.scatter [tilespmem:s7], [sflag:$0x8], $0x80, v5, vm0, $0xb8;
	[tilespmem:$0x1C900] =	vst v63  }
0x453: {  	_ = 	snop  }
0x454: {  	[hbm4b:s15+s4] =	stream.indirect_vreg.scatter [tilespmem:s6], [sflag:$0x8], $0x80, v5, vm0, $0xb8;
	[tilespmem:$0x1C900] =	vst v63  }
0x455: {  	_ = 	snop  }
0x456: {  	[hbm4b:s3+s4] =	stream.indirect_vreg.scatter [tilespmem:s29], [sflag:$0x8], $0x80, v4, vm0, $0xb8;
	[tilespmem:$0x1C900] =	vst v63  }
0x457: {  	_ = 	snop  }
0x458: {  	[hbm4b:s13+s4] =	stream.indirect_vreg.scatter [tilespmem:s1], [sflag:$0x8], $0x80, v4, vm0, $0xb8;
	[tilespmem:$0x1C900] =	vst v63  }
0x459: {  	_ = 	snop  }
0x45a: {  	[hbm4b:s14+s4] =	stream.indirect_vreg.scatter [tilespmem:s2], [sflag:$0x8], $0x80, v4, vm0, $0xb8;
	[tilespmem:$0x1C900] =	vst v63  }
0x45b: {  	_ = 	snop  }
0x45c: {  	[hbm4b:s15+s4] =	stream.indirect_vreg.scatter [tilespmem:s12], [sflag:$0x8], $0x80, v4, vm0, $0xb8;
	[tilespmem:$0x1C900] =	vst v63  }
0x45d: {  	_ =	swait.ge [sflag:s8], $0x4000  }
0x45e: {  	[sflag:s8] =	ssyncset.done $0x0  }
0x45f: {  	[sflag:s8] =	ssyncadd.s32 $0xFFFFC000  }
0x460: {  	v55 =	vld [tilespmem:$0x1A780];
	_ =	sdelay $0x4  }
0x461: {  	v56 =	vshll.u32 v55, $0x3  }
0x462: {  	v4 =	vand.u32 $0x7, v55;
	v5 =	vand.u32 $0xFFFFFFC0, v56  }
0x463: {  	v4 =	vor.u32 v4, v5  }
0x464: {  	v5 =	vperm.xlane v4, v2;
	_ =	sdelay $0x1  }
0x465: {  	v5 =	vadd.s32 v1, v5;
	_ =	sdelay $0x4  }
0x466: {  	[hbm4b:s3+s4] =	stream.indirect_vreg.scatter [tilespmem:s17], [sflag:$0x9], $0x80, v5, vm0, $0xb8;
	[tilespmem:$0x1C900] =	vst v63  }
0x467: {  	s23 =	simm.s32 $0x4800;
	v4 =	vperm.xlane v4, v3  }
0x468: {  	[hbm4b:s13+s4] =	stream.indirect_vreg.scatter [tilespmem:s23], [sflag:$0x9], $0x80, v5, vm0, $0xb8;
	[tilespmem:$0x1C900] =	vst v63  }
0x469: {  	s6 =	simm.s32 $0x5000;
	v4 =	vadd.s32 v1, v4  }
0x46a: {  	[hbm4b:s14+s4] =	stream.indirect_vreg.scatter [tilespmem:s6], [sflag:$0x9], $0x80, v5, vm0, $0xb8;
	[tilespmem:$0x1C900] =	vst v63  }
0x46b: {  	s7 =	simm.s32 $0x5800  }
0x46c: {  	[hbm4b:s15+s4] =	stream.indirect_vreg.scatter [tilespmem:s7], [sflag:$0x9], $0x80, v5, vm0, $0xb8;
	[tilespmem:$0x1C900] =	vst v63  }
0x46d: {  	s28 =	simm.s32 $0x6000  }
0x46e: {  	[hbm4b:s3+s4] =	stream.indirect_vreg.scatter [tilespmem:s28], [sflag:$0x9], $0x80, v4, vm0, $0xb8;
	[tilespmem:$0x1C900] =	vst v63  }
0x46f: {  	s22 =	simm.s32 $0x6800  }
0x470: {  	[hbm4b:s13+s4] =	stream.indirect_vreg.scatter [tilespmem:s22], [sflag:$0x9], $0x80, v4, vm0, $0xb8;
	[tilespmem:$0x1C900] =	vst v63  }
0x471: {  	s29 =	simm.s32 $0x7000  }
0x472: {  	[hbm4b:s14+s4] =	stream.indirect_vreg.scatter [tilespmem:s29], [sflag:$0x9], $0x80, v4, vm0, $0xb8;
	[tilespmem:$0x1C900] =	vst v63  }
0x473: {  	s30 =	simm.s32 $0x7800  }
0x474: {  	[hbm4b:s15+s4] =	stream.indirect_vreg.scatter [tilespmem:s30], [sflag:$0x9], $0x80, v4, vm0, $0xb8;
	[tilespmem:$0x1C900] =	vst v63  }
0x475: {  	v4 =	vld [tilespmem:$0x1C780];
	_ =	sdelay $0x4  }
0x476: {  	v57 =	vshll.u32 v4, $0x3  }
0x477: {  	v4 =	vand.u32 $0x7, v4;
	v5 =	vand.u32 $0xFFFFFFC0, v57  }
0x478: {  	v4 =	vor.u32 v4, v5  }
0x479: {  	v5 =	vperm.xlane v4, v2;
	_ =	sdelay $0x1  }
0x47a: {  	v5 =	vadd.s32 v1, v5;
	_ =	sdelay $0x4  }
0x47b: {  	[hbm4b:s3+s4] =	stream.indirect_vreg.scatter [tilespmem:s17], [sflag:$0x9], $0x80, v5, vm0, $0xb8;
	[tilespmem:$0x1C900] =	vst v63  }
0x47c: {  	v4 =	vperm.xlane v4, v3  }
0x47d: {  	[hbm4b:s13+s4] =	stream.indirect_vreg.scatter [tilespmem:s23], [sflag:$0x9], $0x80, v5, vm0, $0xb8;
	[tilespmem:$0x1C900] =	vst v63  }
0x47e: {  	v4 =	vadd.s32 v1, v4  }
0x47f: {  	[hbm4b:s14+s4] =	stream.indirect_vreg.scatter [tilespmem:s6], [sflag:$0x9], $0x80, v5, vm0, $0xb8;
	[tilespmem:$0x1C900] =	vst v63  }
0x480: {  	_ = 	snop  }
0x481: {  	[hbm4b:s15+s4] =	stream.indirect_vreg.scatter [tilespmem:s7], [sflag:$0x9], $0x80, v5, vm0, $0xb8;
	[tilespmem:$0x1C900] =	vst v63  }
0x482: {  	_ = 	snop  }
0x483: {  	[hbm4b:s3+s4] =	stream.indirect_vreg.scatter [tilespmem:s28], [sflag:$0x9], $0x80, v4, vm0, $0xb8;
	[tilespmem:$0x1C900] =	vst v63  }
0x484: {  	_ = 	snop  }
0x485: {  	[hbm4b:s13+s4] =	stream.indirect_vreg.scatter [tilespmem:s22], [sflag:$0x9], $0x80, v4, vm0, $0xb8;
	[tilespmem:$0x1C900] =	vst v63  }
0x486: {  	_ = 	snop  }
0x487: {  	[hbm4b:s14+s4] =	stream.indirect_vreg.scatter [tilespmem:s29], [sflag:$0x9], $0x80, v4, vm0, $0xb8;
	[tilespmem:$0x1C900] =	vst v63  }
0x488: {  	_ = 	snop  }
0x489: {  	[hbm4b:s15+s4] =	stream.indirect_vreg.scatter [tilespmem:s30], [sflag:$0x9], $0x80, v4, vm0, $0xb8;
	[tilespmem:$0x1C900] =	vst v63  }
0x48a: {  	_ =	swait.ge [sflag:s19], $0x4000  }
0x48b: {  	[sflag:s19] =	ssyncset.done $0x0  }
0x48c: {  	[sflag:s19] =	ssyncadd.s32 $0xFFFFC000  }
0x48d: {  	v58 =	vld [tilespmem:$0x1A800];
	_ =	sdelay $0x4  }
0x48e: {  	v59 =	vshll.u32 v58, $0x3  }
0x48f: {  	v4 =	vand.u32 $0x7, v58;
	v5 =	vand.u32 $0xFFFFFFC0, v59  }
0x490: {  	v4 =	vor.u32 v4, v5  }
0x491: {  	v5 =	vperm.xlane v4, v2;
	_ =	sdelay $0x1  }
0x492: {  	v5 =	vadd.s32 v1, v5;
	_ =	sdelay $0x4  }
0x493: {  	[hbm4b:s3+s4] =	stream.indirect_vreg.scatter [tilespmem:s18], [sflag:$0xA], $0x80, v5, vm0, $0xb8;
	[tilespmem:$0x1C900] =	vst v63  }
0x494: {  	s22 =	simm.s32 $0x8800;
	v4 =	vperm.xlane v4, v3  }
0x495: {  	[hbm4b:s13+s4] =	stream.indirect_vreg.scatter [tilespmem:s22], [sflag:$0xA], $0x80, v5, vm0, $0xb8;
	[tilespmem:$0x1C900] =	vst v63  }
0x496: {  	s5 =	simm.s32 $0x9000;
	v4 =	vadd.s32 v1, v4  }
0x497: {  	[hbm4b:s14+s4] =	stream.indirect_vreg.scatter [tilespmem:s5], [sflag:$0xA], $0x80, v5, vm0, $0xb8;
	[tilespmem:$0x1C900] =	vst v63  }
0x498: {  	s6 =	simm.s32 $0x9800  }
0x499: {  	[hbm4b:s15+s4] =	stream.indirect_vreg.scatter [tilespmem:s6], [sflag:$0xA], $0x80, v5, vm0, $0xb8;
	[tilespmem:$0x1C900] =	vst v63  }
0x49a: {  	s7 =	simm.s32 $0xA000  }
0x49b: {  	[hbm4b:s3+s4] =	stream.indirect_vreg.scatter [tilespmem:s7], [sflag:$0xA], $0x80, v4, vm0, $0xb8;
	[tilespmem:$0x1C900] =	vst v63  }
0x49c: {  	s28 =	simm.s32 $0xA800  }
0x49d: {  	[hbm4b:s13+s4] =	stream.indirect_vreg.scatter [tilespmem:s28], [sflag:$0xA], $0x80, v4, vm0, $0xb8;
	[tilespmem:$0x1C900] =	vst v63  }
0x49e: {  	s29 =	simm.s32 $0xB000  }
0x49f: {  	[hbm4b:s14+s4] =	stream.indirect_vreg.scatter [tilespmem:s29], [sflag:$0xA], $0x80, v4, vm0, $0xb8;
	[tilespmem:$0x1C900] =	vst v63  }
0x4a0: {  	s30 =	simm.s32 $0xB800  }
0x4a1: {  	[hbm4b:s15+s4] =	stream.indirect_vreg.scatter [tilespmem:s30], [sflag:$0xA], $0x80, v4, vm0, $0xb8;
	[tilespmem:$0x1C900] =	vst v63  }
0x4a2: {  	v4 =	vld [tilespmem:$0x1C800];
	_ =	sdelay $0x4  }
0x4a3: {  	v60 =	vshll.u32 v4, $0x3  }
0x4a4: {  	v4 =	vand.u32 $0x7, v4;
	v5 =	vand.u32 $0xFFFFFFC0, v60  }
0x4a5: {  	v4 =	vor.u32 v4, v5  }
0x4a6: {  	v5 =	vperm.xlane v4, v2;
	_ =	sdelay $0x1  }
0x4a7: {  	v5 =	vadd.s32 v1, v5;
	_ =	sdelay $0x4  }
0x4a8: {  	[hbm4b:s3+s4] =	stream.indirect_vreg.scatter [tilespmem:s18], [sflag:$0xA], $0x80, v5, vm0, $0xb8;
	[tilespmem:$0x1C900] =	vst v63  }
0x4a9: {  	v4 =	vperm.xlane v4, v3  }
0x4aa: {  	[hbm4b:s13+s4] =	stream.indirect_vreg.scatter [tilespmem:s22], [sflag:$0xA], $0x80, v5, vm0, $0xb8;
	[tilespmem:$0x1C900] =	vst v63  }
0x4ab: {  	v4 =	vadd.s32 v1, v4  }
0x4ac: {  	[hbm4b:s14+s4] =	stream.indirect_vreg.scatter [tilespmem:s5], [sflag:$0xA], $0x80, v5, vm0, $0xb8;
	[tilespmem:$0x1C900] =	vst v63  }
0x4ad: {  	_ = 	snop  }
0x4ae: {  	[hbm4b:s15+s4] =	stream.indirect_vreg.scatter [tilespmem:s6], [sflag:$0xA], $0x80, v5, vm0, $0xb8;
	[tilespmem:$0x1C900] =	vst v63  }
0x4af: {  	_ = 	snop  }
0x4b0: {  	[hbm4b:s3+s4] =	stream.indirect_vreg.scatter [tilespmem:s7], [sflag:$0xA], $0x80, v4, vm0, $0xb8;
	[tilespmem:$0x1C900] =	vst v63  }
0x4b1: {  	_ = 	snop  }
0x4b2: {  	[hbm4b:s13+s4] =	stream.indirect_vreg.scatter [tilespmem:s28], [sflag:$0xA], $0x80, v4, vm0, $0xb8;
	[tilespmem:$0x1C900] =	vst v63  }
0x4b3: {  	_ = 	snop  }
0x4b4: {  	[hbm4b:s14+s4] =	stream.indirect_vreg.scatter [tilespmem:s29], [sflag:$0xA], $0x80, v4, vm0, $0xb8;
	[tilespmem:$0x1C900] =	vst v63  }
0x4b5: {  	_ = 	snop  }
0x4b6: {  	[hbm4b:s15+s4] =	stream.indirect_vreg.scatter [tilespmem:s30], [sflag:$0xA], $0x80, v4, vm0, $0xb8;
	[tilespmem:$0x1C900] =	vst v63  }
0x4b7: {  	_ =	swait.ge [sflag:s26], $0x4000  }
0x4b8: {  	[sflag:s26] =	ssyncset.done $0x0  }
0x4b9: {  	[sflag:s26] =	ssyncadd.s32 $0xFFFFC000  }
0x4ba: {  	v61 =	vld [tilespmem:$0x1A880];
	_ =	sdelay $0x4  }
0x4bb: {  	v62 =	vshll.u32 v61, $0x3  }
0x4bc: {  	v4 =	vand.u32 $0x7, v61;
	v5 =	vand.u32 $0xFFFFFFC0, v62  }
0x4bd: {  	v4 =	vor.u32 v4, v5  }
0x4be: {  	v5 =	vperm.xlane v4, v2;
	_ =	sdelay $0x1  }
0x4bf: {  	v5 =	vadd.s32 v1, v5;
	_ =	sdelay $0x4  }
0x4c0: {  	[hbm4b:s3+s4] =	stream.indirect_vreg.scatter [tilespmem:s20], [sflag:$0xB], $0x80, v5, vm0, $0xb8;
	[tilespmem:$0x1C900] =	vst v63  }
0x4c1: {  	s23 =	simm.s32 $0xC800;
	v4 =	vperm.xlane v4, v3  }
0x4c2: {  	[hbm4b:s13+s4] =	stream.indirect_vreg.scatter [tilespmem:s23], [sflag:$0xB], $0x80, v5, vm0, $0xb8;
	[tilespmem:$0x1C900] =	vst v63  }
0x4c3: {  	s5 =	simm.s32 $0xD000;
	v4 =	vadd.s32 v1, v4  }
0x4c4: {  	[hbm4b:s14+s4] =	stream.indirect_vreg.scatter [tilespmem:s5], [sflag:$0xB], $0x80, v5, vm0, $0xb8;
	[tilespmem:$0x1C900] =	vst v63  }
0x4c5: {  	s7 =	simm.s32 $0xD800  }
0x4c6: {  	[hbm4b:s15+s4] =	stream.indirect_vreg.scatter [tilespmem:s7], [sflag:$0xB], $0x80, v5, vm0, $0xb8;
	[tilespmem:$0x1C900] =	vst v63  }
0x4c7: {  	s17 =	simm.s32 $0xE000  }
0x4c8: {  	[hbm4b:s3+s4] =	stream.indirect_vreg.scatter [tilespmem:s17], [sflag:$0xB], $0x80, v4, vm0, $0xb8;
	[tilespmem:$0x1C900] =	vst v63  }
0x4c9: {  	s28 =	simm.s32 $0xE800  }
0x4ca: {  	[hbm4b:s13+s4] =	stream.indirect_vreg.scatter [tilespmem:s28], [sflag:$0xB], $0x80, v4, vm0, $0xb8;
	[tilespmem:$0x1C900] =	vst v63  }
0x4cb: {  	s29 =	simm.s32 $0xF000  }
0x4cc: {  	[hbm4b:s14+s4] =	stream.indirect_vreg.scatter [tilespmem:s29], [sflag:$0xB], $0x80, v4, vm0, $0xb8;
	[tilespmem:$0x1C900] =	vst v63  }
0x4cd: {  	s30 =	simm.s32 $0xF800  }
0x4ce: {  	[hbm4b:s15+s4] =	stream.indirect_vreg.scatter [tilespmem:s30], [sflag:$0xB], $0x80, v4, vm0, $0xb8;
	[tilespmem:$0x1C900] =	vst v63  }
0x4cf: {  	v4 =	vld [tilespmem:$0x1C880];
	_ =	sdelay $0x4  }
0x4d0: {  	v63 =	vshll.u32 v4, $0x3  }
0x4d1: {  	v4 =	vand.u32 $0x7, v4;
	v5 =	vand.u32 $0xFFFFFFC0, v63  }
0x4d2: {  	v4 =	vor.u32 v4, v5  }
0x4d3: {  	v2 =	vperm.xlane v4, v2;
	_ =	sdelay $0x1  }
0x4d4: {  	v2 =	vadd.s32 v1, v2;
	_ =	sdelay $0x4  }
0x4d5: {  	[hbm4b:s3+s4] =	stream.indirect_vreg.scatter [tilespmem:s20], [sflag:$0xB], $0x80, v2, vm0, $0xb8;
	[tilespmem:$0x1C900] =	vst v63  }
0x4d6: {  	v3 =	vperm.xlane v4, v3  }
0x4d7: {  	[hbm4b:s13+s4] =	stream.indirect_vreg.scatter [tilespmem:s23], [sflag:$0xB], $0x80, v2, vm0, $0xb8;
	[tilespmem:$0x1C900] =	vst v63  }
0x4d8: {  	v1 =	vadd.s32 v1, v3  }
0x4d9: {  	[hbm4b:s14+s4] =	stream.indirect_vreg.scatter [tilespmem:s5], [sflag:$0xB], $0x80, v2, vm0, $0xb8;
	[tilespmem:$0x1C900] =	vst v63  }
0x4da: {  	_ = 	snop  }
0x4db: {  	[hbm4b:s15+s4] =	stream.indirect_vreg.scatter [tilespmem:s7], [sflag:$0xB], $0x80, v2, vm0, $0xb8;
	[tilespmem:$0x1C900] =	vst v63  }
0x4dc: {  	_ = 	snop  }
0x4dd: {  	[hbm4b:s3+s4] =	stream.indirect_vreg.scatter [tilespmem:s17], [sflag:$0xB], $0x80, v1, vm0, $0xb8;
	[tilespmem:$0x1C900] =	vst v63  }
0x4de: {  	_ = 	snop  }
0x4df: {  	[hbm4b:s13+s4] =	stream.indirect_vreg.scatter [tilespmem:s28], [sflag:$0xB], $0x80, v1, vm0, $0xb8;
	[tilespmem:$0x1C900] =	vst v63  }
0x4e0: {  	_ = 	snop  }
0x4e1: {  	[hbm4b:s14+s4] =	stream.indirect_vreg.scatter [tilespmem:s29], [sflag:$0xB], $0x80, v1, vm0, $0xb8;
	[tilespmem:$0x1C900] =	vst v63  }
0x4e2: {  	_ = 	snop  }
0x4e3: {  	[hbm4b:s15+s4] =	stream.indirect_vreg.scatter [tilespmem:s30], [sflag:$0xB], $0x80, v1, vm0, $0xb8;
	[tilespmem:$0x1C900] =	vst v63  }
0x4e4: {  	_ =	swait.ge [sflag:s9], $0x4000  }
0x4e5: {  	[sflag:s9] =	ssyncset.done $0x0  }
0x4e6: {  	[sflag:s9] =	ssyncadd.s32 $0xFFFFC000  }
0x4e7: {  	_ =	swait.ge [sflag:s9], $0x4000  }
0x4e8: {  	[sflag:s9] =	ssyncset.done $0x0  }
0x4e9: {  	[sflag:s9] =	ssyncadd.s32 $0xFFFFC000  }
0x4ea: {  	_ =	swait.ge [sflag:s10], $0x4000  }
0x4eb: {  	[sflag:s10] =	ssyncset.done $0x0  }
0x4ec: {  	[sflag:s10] =	ssyncadd.s32 $0xFFFFC000  }
0x4ed: {  	_ =	swait.ge [sflag:s10], $0x4000  }
0x4ee: {  	[sflag:s10] =	ssyncset.done $0x0  }
0x4ef: {  	[sflag:s10] =	ssyncadd.s32 $0xFFFFC000  }
0x4f0: {  	_ =	swait.ge [sflag:s11], $0x4000  }
0x4f1: {  	[sflag:s11] =	ssyncset.done $0x0  }
0x4f2: {  	[sflag:s11] =	ssyncadd.s32 $0xFFFFC000  }
0x4f3: {  	_ =	swait.ge [sflag:s11], $0x4000  }
0x4f4: {  	[sflag:s11] =	ssyncset.done $0x0  }
0x4f5: {  	[sflag:s11] =	ssyncadd.s32 $0xFFFFC000  }
0x4f6: {  	_ =	swait.ge [sflag:s21], $0x4000  }
0x4f7: {  	[sflag:s21] =	ssyncset.done $0x0  }
0x4f8: {  	[sflag:s21] =	ssyncadd.s32 $0xFFFFC000  }
0x4f9: {  	_ =	swait.ge [sflag:s21], $0x4000  }
0x4fa: {  	[sflag:s21] =	ssyncset.done $0x0  }
0x4fb: {  	s23 =	simm.s32 $0xC;
	[sflag:s21] =	ssyncadd.s32 $0xFFFFC000  }
0x4fc: {  	_ =	swait.ge [sflag:s23], $0x4000  }
0x4fd: {  	[sflag:s23] =	ssyncset.done $0x0  }
0x4fe: {  	[sflag:s23] =	ssyncadd.s32 $0xFFFFC000  }
0x4ff: {  	_ =	swait.ge [sflag:s23], $0x4000  }
0x500: {  	[sflag:s23] =	ssyncset.done $0x0  }
0x501: {  	s28 =	simm.s32 $0xD;
	[sflag:s23] =	ssyncadd.s32 $0xFFFFC000  }
0x502: {  	_ =	swait.ge [sflag:s28], $0x4000  }
0x503: {  	[sflag:s28] =	ssyncset.done $0x0  }
0x504: {  	[sflag:s28] =	ssyncadd.s32 $0xFFFFC000  }
0x505: {  	_ =	swait.ge [sflag:s28], $0x4000  }
0x506: {  	s29 =	rddreg [dreg:$0x13]  }
0x507: {  	s30 =	rddreg [dreg:$0x12];
	s9 =	sadd.s32 $0x1, s29  }
0x508: {  	p0 =	sne.s32 s9, s30  }
.Ltmp1:
0x509: {  	_ = 	snop;
	(pc) =	sbr.rel @p0 .LBB2_1-.Ltmp1, $3  }
0x50a: {  	_ =	sdelay $0x1  }
0x50b: {  	s1 =	simm.s32 $0x4000;
	[sflag:s28] =	ssyncset.done $0x0  }
0x50c: {  	s2 =	simm.s32 $0x8000;
	s6 =	simm.s32 $0xC000;
	[sflag:s28] =	ssyncadd.s32 $0xFFFFC000  }
0x50d: {  	_ =	sfence.sel $0x180000  }
0x50e: {  	[bflag:$0x0] =	sbarrier.arrive $0xFFFF  }
0x50f: {  	_ =	strace $0x90000047  }
0x510: {  	s0 =	stileid.u32;
	[bflag:$0x2] =	sbarrier.arrive $0xFFFF  }
0x511: {  	p0 =	sne.s32 s0, $0x0;
	s0 =	rddreg [dreg:$0x4]  }
0x512: {  	s0 =	sadd.s32 @!p0 $0x100000, s0  }
0x513: {  	[sflag:s0] =	ssyncadd.tile.s32 @!p0 $0x1;
	_ =	shalt  }
.Lfunc_end2:
_tile_overlayer_lowered:
.L_overlay_start_2:
0x514: {  	(tag) =	ssettag $0x2  }
0x515: {  	s0 =	rddreg [dreg:$0x0];
	s2 =	stileid.u32  }
0x516: {  	s1 =	rddreg [dreg:$0x1];
	p0 =	sne.s32 s2, $0x0  }
0x517: {  	s3 =	rddreg [dreg:$0x2];
	[bflag:$0x3] =	sbarrier.arrive $0xFFFF;
	s2 =	simm.s32 @!p0 $0x1C0E  }
0x518: {  	[timem:s3], [sflag:s2] =	dma.local @!p0 [hbm:s0], s1  }
0x519: {  	s0 =	simm.s32 @!p0 $0xE  }
0x51a: {  	_ =	swait.ge @!p0 [sflag:s0], s1  }
0x51b: {  	s1 =	ssub.s32 @!p0 $0x0, s1;
	[sflag:s0] =	ssyncset.done @!p0 $0x0  }
0x51c: {  	[sflag:s0] =	ssyncadd.s32 @!p0 s1  }
0x51d: {  	[bflag:$0x3] =	sbarrier.arrive $0xFFFF  }
0x51e: {  	_ =	shalt  }

</sc_bundles>
